<compile_context>
chip_gen: v7x
topology: tpu7x:2x2x1
jax: 0.10.2.dev20260603
libtpu: 0.0.44.dev20260713+nightly
codegen_flags: <defaults>
</compile_context>

<pallas_src>
import functools

import jax
import jax.numpy as jnp
from jax import lax
from jax.experimental import pallas as pl
from jax.experimental.pallas import tpu as pltpu
from jax.experimental.pallas import tpu_sc as plsc

NC = 2
NS = 16
L = 16
NW = NC * NS
CHUNK = 128


def kernel(users, movies, U, M, U_bias, M_bias):
    B = users.shape[0]
    F = U.shape[1]
    b_per_w = B // NW
    n_chunks = b_per_w // CHUNK
    groups_per_chunk = CHUNK // L

    U, M = lax.optimization_barrier((U, M))
    ubT = U_bias.T
    mbT = M_bias.T

    mesh = plsc.VectorSubcoreMesh(core_axis_name="c", subcore_axis_name="s")

    @functools.partial(
        pl.kernel,
        out_type=jax.ShapeDtypeStruct((B,), jnp.float32),
        mesh=mesh,
        compiler_params=pltpu.CompilerParams(needs_layout_passes=False),
        scratch_types=[
            pltpu.VMEM((b_per_w,), jnp.int32),
            pltpu.VMEM((b_per_w,), jnp.int32),
            pltpu.VMEM((b_per_w,), jnp.float32),
            pltpu.VMEM((b_per_w,), jnp.float32),
            pltpu.VMEM((CHUNK, 64), jnp.float32),
            pltpu.VMEM((CHUNK, 64), jnp.float32),
            pltpu.VMEM((CHUNK, 64), jnp.float32),
            pltpu.VMEM((CHUNK, 64), jnp.float32),
            pltpu.VMEM((b_per_w,), jnp.float32),
            pltpu.SemaphoreType.DMA,
            pltpu.SemaphoreType.DMA,
            pltpu.SemaphoreType.DMA,
        ],
    )
    def embed_dot_sc(users_h, movies_h, U_h, M_h, ub_h, mb_h, out_h,
                     uidx_v, midx_v, ubias_v, mbias_v,
                     ur0, ur1, mr0, mr1, out_v, semA, semB, semC):
        wid = lax.axis_index("s") * NC + lax.axis_index("c")
        base = wid * b_per_w

        pltpu.sync_copy(users_h.at[pl.ds(base, b_per_w)], uidx_v)
        pltpu.sync_copy(movies_h.at[pl.ds(base, b_per_w)], midx_v)

        cb1 = pltpu.async_copy(ub_h.at[0].at[uidx_v], ubias_v, semC)
        cb2 = pltpu.async_copy(mb_h.at[0].at[midx_v], mbias_v, semC)

        bufs = [(ur0, mr0, semA), (ur1, mr1, semB)]
        lane = lax.iota(jnp.int32, L)

        def start(c):
            ubuf, mbuf, sem = bufs[c % 2]

            def body(g, carry):
                uvec = uidx_v[pl.ds(c * CHUNK + g * L, L)]
                mvec = midx_v[pl.ds(c * CHUNK + g * L, L)]
                for j in range(L):
                    r_u = uvec[j]
                    r_m = mvec[j]
                    i = g * L + j
                    pltpu.async_copy(U_h.at[pl.ds(r_u, 1)],
                                     ubuf.at[pl.ds(i, 1)], sem)
                    pltpu.async_copy(M_h.at[pl.ds(r_m, 1)],
                                     mbuf.at[pl.ds(i, 1)], sem)
                return carry

            lax.fori_loop(0, CHUNK // L, body, 0)

        def drain(c):
            ubuf, mbuf, sem = bufs[c % 2]
            pltpu.make_async_copy(U_h.at[pl.ds(0, CHUNK)], ubuf, sem).wait()
            pltpu.make_async_copy(U_h.at[pl.ds(0, CHUNK)], mbuf, sem).wait()

        def compute(c):
            ubuf, mbuf, _ = bufs[c % 2]

            def group(g, carry):
                rows_l = lane + g * L
                rows_g = rows_l + c * CHUNK

                def f_body(f, acc):
                    k = (lane + f) & (F - 1)
                    uc = plsc.load_gather(ubuf, [rows_l, k])
                    mc = plsc.load_gather(mbuf, [rows_l, k])
                    return acc + uc * mc

                acc = lax.fori_loop(0, F, f_body,
                                    jnp.zeros((L,), jnp.float32))
                x = (acc + plsc.load_gather(ubias_v, [rows_g])
                     + plsc.load_gather(mbias_v, [rows_g]))
                s = 1.0 / (1.0 + jnp.exp(-x))
                plsc.store_scatter(out_v, [rows_g], s * 6.0 - 0.5)
                return carry

            lax.fori_loop(0, groups_per_chunk, group, 0)

        start(0)
        for c in range(n_chunks):
            if c + 1 < n_chunks:
                start(c + 1)
            drain(c)
            if c == 0:
                cb1.wait()
                cb2.wait()
            compute(c)

        pltpu.sync_copy(out_v, out_h.at[pl.ds(base, b_per_w)])

    return embed_dot_sc(users, movies, U, M, ubT, mbT)

# --- scband reference (transcript-rebuilt; emitter-appended) ---
"""Pipeline reference for scband-embed-dot-10539849745016 (READ-ONLY COPY).

The authoritative reference and input builder live on the scoring server;
editing this copy changes nothing except your own understanding.
"""

import jax, jax.numpy as jnp
import numpy as np

N_USERS = 1000000
N_MOVIES = 100000
N_FACTORS = 64
BATCH = 16384


def setup_inputs(seed: int = 0) -> dict:
    key = jax.random.key(seed)
    k1, k2, k3, k4, k5, k6 = jax.random.split(key, 6)
    users = jax.random.randint(k1, (BATCH,), 0, N_USERS, dtype=jnp.int64 if jax.config.jax_enable_x64 else jnp.int32)
    movies = jax.random.randint(k2, (BATCH,), 0, N_MOVIES, dtype=jnp.int64 if jax.config.jax_enable_x64 else jnp.int32)
    U = jax.random.normal(k3, (N_USERS, N_FACTORS), dtype=jnp.float32)
    M = jax.random.normal(k4, (N_MOVIES, N_FACTORS), dtype=jnp.float32)
    U_bias = jax.random.normal(k5, (N_USERS, 1), dtype=jnp.float32)
    M_bias = jax.random.normal(k6, (N_MOVIES, 1), dtype=jnp.float32)
    return {"users": users, "movies": movies, "U": U, "M": M, "U_bias": U_bias, "M_bias": M_bias}


def reference(users, movies, U, M, U_bias, M_bias):
    y_lo, y_hi = 0.0, 5.0
    u_emb = jnp.take(U, users, axis=0)            # [B, F]
    m_emb = jnp.take(M, movies, axis=0)           # [B, F]
    x = jnp.sum(u_emb * m_emb, axis=1)            # [B]
    ub = jnp.squeeze(jnp.take(U_bias, users, axis=0))   # [B]
    mb = jnp.squeeze(jnp.take(M_bias, movies, axis=0))  # [B]
    x = x + ub + mb
    out = jnp.squeeze(jax.nn.sigmoid(x) * (y_hi - y_lo + 1.0) + y_lo - 0.5)
    return out

if __name__ == "__main__":
    import jax
    _d = setup_inputs()
    print(jax.jit(kernel)(*tuple(_d.values())))

</pallas_src>

<mosaic_0001>
#map = affine_map<(d0, d1) -> (0)>
#map1 = affine_map<(d0, d1) -> (0, 0)>
module attributes {stable_mosaic.version = 14 : i64} {
  func.func @embed_dot_sc(%arg0: i32, %arg1: i32, %arg2: memref<16384xi32, #tpu.memory_space<hbm>>, %arg3: memref<16384xi32, #tpu.memory_space<hbm>>, %arg4: memref<1000000x64xf32, #tpu.memory_space<hbm>>, %arg5: memref<100000x64xf32, #tpu.memory_space<hbm>>, %arg6: memref<1x1000000xf32, #tpu.memory_space<hbm>>, %arg7: memref<1x100000xf32, #tpu.memory_space<hbm>>, %arg8: memref<16384xf32, #tpu.memory_space<hbm>>, %arg9: memref<512xi32, #tpu.memory_space<vmem>>, %arg10: memref<512xi32, #tpu.memory_space<vmem>>, %arg11: memref<512xf32, #tpu.memory_space<vmem>>, %arg12: memref<512xf32, #tpu.memory_space<vmem>>, %arg13: memref<128x64xf32, #tpu.memory_space<vmem>>, %arg14: memref<128x64xf32, #tpu.memory_space<vmem>>, %arg15: memref<128x64xf32, #tpu.memory_space<vmem>>, %arg16: memref<128x64xf32, #tpu.memory_space<vmem>>, %arg17: memref<512xf32, #tpu.memory_space<vmem>>, %arg18: memref<!tpu.dma_semaphore, #tpu.memory_space<semaphore_mem>>, %arg19: memref<!tpu.dma_semaphore, #tpu.memory_space<semaphore_mem>>, %arg20: memref<!tpu.dma_semaphore, #tpu.memory_space<semaphore_mem>>) attributes {dimension_semantics = [#tpu.dimension_semantics<core_parallel>, #tpu.dimension_semantics<subcore_parallel>], iteration_bounds = array<i64: 2, 16>, scalar_prefetch = 0 : i64, scratch_operands = 12 : i64, tpu.core_type = #tpu.core_type<sc_vector_subcore>, window_params = [{transform_indices = #map}, {transform_indices = #map}, {transform_indices = #map1}, {transform_indices = #map1}, {transform_indices = #map1}, {transform_indices = #map1}, {transform_indices = #map}]} {
    %mul3A = arith.constant 2 : i32
    %mul3A_0 = arith.muli %arg1, %mul3A : i32
    %add3A = arith.addi %mul3A_0, %arg0 : i32
    %mul3A_1 = arith.constant 512 : i32
    %mul3A_2 = arith.muli %add3A, %mul3A_1 : i32
    "tpu.region"() ({
      %run_scoped3A = tpu.sem_alloc : memref<!tpu.dma_semaphore, #tpu.memory_space<semaphore_mem>>
      %dma_start3A_120 = tpu.memref_slice %arg2[%mul3A_2] : memref<16384xi32, #tpu.memory_space<hbm>> -> memref<512xi32, #tpu.memory_space<hbm>>
      %dma_start3A_121 = tpu.memref_slice %arg2[%mul3A_2] : memref<16384xi32, #tpu.memory_space<hbm>> -> memref<512xi32, #tpu.memory_space<hbm>>
      tpu.enqueue_dma source(%dma_start3A_121 : memref<512xi32, #tpu.memory_space<hbm>>) target(%arg9 : memref<512xi32, #tpu.memory_space<vmem>>) target_semaphore(%run_scoped3A : memref<!tpu.dma_semaphore, #tpu.memory_space<semaphore_mem>>)
      %dma_wait3A_122 = tpu.memref_slice %arg2[%mul3A_2] : memref<16384xi32, #tpu.memory_space<hbm>> -> memref<512xi32, #tpu.memory_space<hbm>>
      %dma_wait3A_123 = tpu.memref_slice %arg2[%mul3A_2] : memref<16384xi32, #tpu.memory_space<hbm>> -> memref<512xi32, #tpu.memory_space<hbm>>
      tpu.wait_dma2 semaphore(%run_scoped3A : memref<!tpu.dma_semaphore, #tpu.memory_space<semaphore_mem>>) src(%dma_wait3A_123 : memref<512xi32, #tpu.memory_space<hbm>>) dst(%arg9 : memref<512xi32, #tpu.memory_space<vmem>>)
      tpu.yield
    }) : () -> ()
    "tpu.region"() ({
      %run_scoped3A = tpu.sem_alloc : memref<!tpu.dma_semaphore, #tpu.memory_space<semaphore_mem>>
      %dma_start3A_120 = tpu.memref_slice %arg3[%mul3A_2] : memref<16384xi32, #tpu.memory_space<hbm>> -> memref<512xi32, #tpu.memory_space<hbm>>
      %dma_start3A_121 = tpu.memref_slice %arg3[%mul3A_2] : memref<16384xi32, #tpu.memory_space<hbm>> -> memref<512xi32, #tpu.memory_space<hbm>>
      tpu.enqueue_dma source(%dma_start3A_121 : memref<512xi32, #tpu.memory_space<hbm>>) target(%arg10 : memref<512xi32, #tpu.memory_space<vmem>>) target_semaphore(%run_scoped3A : memref<!tpu.dma_semaphore, #tpu.memory_space<semaphore_mem>>)
      %dma_wait3A_122 = tpu.memref_slice %arg3[%mul3A_2] : memref<16384xi32, #tpu.memory_space<hbm>> -> memref<512xi32, #tpu.memory_space<hbm>>
      %dma_wait3A_123 = tpu.memref_slice %arg3[%mul3A_2] : memref<16384xi32, #tpu.memory_space<hbm>> -> memref<512xi32, #tpu.memory_space<hbm>>
      tpu.wait_dma2 semaphore(%run_scoped3A : memref<!tpu.dma_semaphore, #tpu.memory_space<semaphore_mem>>) src(%dma_wait3A_123 : memref<512xi32, #tpu.memory_space<hbm>>) dst(%arg10 : memref<512xi32, #tpu.memory_space<vmem>>)
      tpu.yield
    }) : () -> ()
    %dma_start3A = arith.constant 0 : i32
    %dma_start3A_3 = arith.constant 0 : i32
    %dma_start3A_4 = tpu.memref_slice %arg6[%dma_start3A, %dma_start3A_3] : memref<1x1000000xf32, #tpu.memory_space<hbm>> -> memref<1x1000000xf32, #tpu.memory_space<hbm>>
    %dma_start3A_5 = tpu.memref_squeeze %dma_start3A_4 : memref<1x1000000xf32, #tpu.memory_space<hbm>> -> memref<1000000xf32, #tpu.memory_space<hbm>>
    %dma_start3A_6 = arith.constant 0 : i32
    %dma_start3A_7 = tpu.memref_slice %dma_start3A_5[%dma_start3A_6] : memref<1000000xf32, #tpu.memory_space<hbm>> -> memref<1000000xf32, #tpu.memory_space<hbm>>
    tpu.enqueue_indirect_dma source(%dma_start3A_7 : memref<1000000xf32, #tpu.memory_space<hbm>>) target(%arg11 : memref<512xf32, #tpu.memory_space<vmem>>) offsets(%arg9 : memref<512xi32, #tpu.memory_space<vmem>>) semaphore(%arg20 : memref<!tpu.dma_semaphore, #tpu.memory_space<semaphore_mem>>)
    %dma_start3A_8 = arith.constant 0 : i32
    %dma_start3A_9 = arith.constant 0 : i32
    %dma_start3A_10 = tpu.memref_slice %arg7[%dma_start3A_8, %dma_start3A_9] : memref<1x100000xf32, #tpu.memory_space<hbm>> -> memref<1x100000xf32, #tpu.memory_space<hbm>>
    %dma_start3A_11 = tpu.memref_squeeze %dma_start3A_10 : memref<1x100000xf32, #tpu.memory_space<hbm>> -> memref<100000xf32, #tpu.memory_space<hbm>>
    %dma_start3A_12 = arith.constant 0 : i32
    %dma_start3A_13 = tpu.memref_slice %dma_start3A_11[%dma_start3A_12] : memref<100000xf32, #tpu.memory_space<hbm>> -> memref<100000xf32, #tpu.memory_space<hbm>>
    tpu.enqueue_indirect_dma source(%dma_start3A_13 : memref<100000xf32, #tpu.memory_space<hbm>>) target(%arg12 : memref<512xf32, #tpu.memory_space<vmem>>) offsets(%arg10 : memref<512xi32, #tpu.memory_space<vmem>>) semaphore(%arg20 : memref<!tpu.dma_semaphore, #tpu.memory_space<semaphore_mem>>)
    %iota3A = tpu.iota {dimensions = array<i32: 0>} : vector<16xi32>
    %scan3A = arith.constant 0 : i32
    %scan3A_14 = arith.constant 0 : i32
    %scan3A_15 = arith.constant 8 : i32
    %scan3A_16 = arith.addi %scan3A_14, %scan3A_15 : i32
    %scan3A_17 = arith.constant 1 : i32
    scf.for %scan3A_120 = %scan3A_14 to %scan3A_16 step %scan3A_17  : i32 {
      %mul3A_121 = arith.constant 16 : i32
      %mul3A_122 = arith.muli %scan3A_120, %mul3A_121 : i32
      %add3A_123 = arith.constant 0 : i32
      %add3A_124 = arith.addi %add3A_123, %mul3A_122 : i32
      %get3A = arith.index_cast %add3A_124 : i32 to index
      %get3A_125 = tpu.vector_load %arg9[%get3A] {strides = array<i32>} : memref<512xi32, #tpu.memory_space<vmem>>, vector<16xi32>,
      %mul3A_126 = arith.constant 16 : i32
      %mul3A_127 = arith.muli %scan3A_120, %mul3A_126 : i32
      %add3A_128 = arith.constant 0 : i32
      %add3A_129 = arith.addi %add3A_128, %mul3A_127 : i32
      %get3A_130 = arith.index_cast %add3A_129 : i32 to index
      %get3A_131 = tpu.vector_load %arg10[%get3A_130] {strides = array<i32>} : memref<512xi32, #tpu.memory_space<vmem>>, vector<16xi32>,
      %slice3A = vector.extract_strided_slice %get3A_125 {offsets = [0], sizes = [1], strides = [1]} : vector<16xi32> to vector<1xi32>
      %squeeze3A = vector.extract %slice3A[0] : i32 from vector<1xi32>
      %slice3A_132 = vector.extract_strided_slice %get3A_131 {offsets = [0], sizes = [1], strides = [1]} : vector<16xi32> to vector<1xi32>
      %squeeze3A_133 = vector.extract %slice3A_132[0] : i32 from vector<1xi32>
      %mul3A_134 = arith.constant 16 : i32
      %mul3A_135 = arith.muli %scan3A_120, %mul3A_134 : i32
      %add3A_136 = arith.constant 0 : i32
      %add3A_137 = arith.addi %mul3A_135, %add3A_136 : i32
      %dma_start3A_138 = arith.constant 0 : i32
      %dma_start3A_139 = tpu.memref_slice %arg13[%add3A_137, %dma_start3A_138] : memref<128x64xf32, #tpu.memory_space<vmem>> -> memref<1x64xf32, #tpu.memory_space<vmem>>
      %dma_start3A_140 = arith.constant 0 : i32
      %dma_start3A_141 = tpu.memref_slice %arg4[%squeeze3A, %dma_start3A_140] : memref<1000000x64xf32, #tpu.memory_space<hbm>> -> memref<1x64xf32, #tpu.memory_space<hbm>>
      %dma_start3A_142 = arith.constant 0 : i32
      %dma_start3A_143 = tpu.memref_slice %arg13[%add3A_137, %dma_start3A_142] : memref<128x64xf32, #tpu.memory_space<vmem>> -> memref<1x64xf32, #tpu.memory_space<vmem>>
      %dma_start3A_144 = arith.constant 0 : i32
      %dma_start3A_145 = tpu.memref_slice %arg4[%squeeze3A, %dma_start3A_144] : memref<1000000x64xf32, #tpu.memory_space<hbm>> -> memref<1x64xf32, #tpu.memory_space<hbm>>
      tpu.enqueue_dma source(%dma_start3A_145 : memref<1x64xf32, #tpu.memory_space<hbm>>) target(%dma_start3A_143 : memref<1x64xf32, #tpu.memory_space<vmem>>) target_semaphore(%arg18 : memref<!tpu.dma_semaphore, #tpu.memory_space<semaphore_mem>>)
      %dma_start3A_146 = arith.constant 0 : i32
      %dma_start3A_147 = tpu.memref_slice %arg15[%add3A_137, %dma_start3A_146] : memref<128x64xf32, #tpu.memory_space<vmem>> -> memref<1x64xf32, #tpu.memory_space<vmem>>
      %dma_start3A_148 = arith.constant 0 : i32
      %dma_start3A_149 = tpu.memref_slice %arg5[%squeeze3A_133, %dma_start3A_148] : memref<100000x64xf32, #tpu.memory_space<hbm>> -> memref<1x64xf32, #tpu.memory_space<hbm>>
      %dma_start3A_150 = arith.constant 0 : i32
      %dma_start3A_151 = tpu.memref_slice %arg15[%add3A_137, %dma_start3A_150] : memref<128x64xf32, #tpu.memory_space<vmem>> -> memref<1x64xf32, #tpu.memory_space<vmem>>
      %dma_start3A_152 = arith.constant 0 : i32
      %dma_start3A_153 = tpu.memref_slice %arg5[%squeeze3A_133, %dma_start3A_152] : memref<100000x64xf32, #tpu.memory_space<hbm>> -> memref<1x64xf32, #tpu.memory_space<hbm>>
      tpu.enqueue_dma source(%dma_start3A_153 : memref<1x64xf32, #tpu.memory_space<hbm>>) target(%dma_start3A_151 : memref<1x64xf32, #tpu.memory_space<vmem>>) target_semaphore(%arg18 : memref<!tpu.dma_semaphore, #tpu.memory_space<semaphore_mem>>)
      %slice3A_154 = vector.extract_strided_slice %get3A_125 {offsets = [1], sizes = [1], strides = [1]} : vector<16xi32> to vector<1xi32>
      %squeeze3A_155 = vector.extract %slice3A_154[0] : i32 from vector<1xi32>
      %slice3A_156 = vector.extract_strided_slice %get3A_131 {offsets = [1], sizes = [1], strides = [1]} : vector<16xi32> to vector<1xi32>
      %squeeze3A_157 = vector.extract %slice3A_156[0] : i32 from vector<1xi32>
      %mul3A_158 = arith.constant 16 : i32
      %mul3A_159 = arith.muli %scan3A_120, %mul3A_158 : i32
      %add3A_160 = arith.constant 1 : i32
      %add3A_161 = arith.addi %mul3A_159, %add3A_160 : i32
      %dma_start3A_162 = arith.constant 0 : i32
      %dma_start3A_163 = tpu.memref_slice %arg13[%add3A_161, %dma_start3A_162] : memref<128x64xf32, #tpu.memory_space<vmem>> -> memref<1x64xf32, #tpu.memory_space<vmem>>
      %dma_start3A_164 = arith.constant 0 : i32
      %dma_start3A_165 = tpu.memref_slice %arg4[%squeeze3A_155, %dma_start3A_164] : memref<1000000x64xf32, #tpu.memory_space<hbm>> -> memref<1x64xf32, #tpu.memory_space<hbm>>
      %dma_start3A_166 = arith.constant 0 : i32
      %dma_start3A_167 = tpu.memref_slice %arg13[%add3A_161, %dma_start3A_166] : memref<128x64xf32, #tpu.memory_space<vmem>> -> memref<1x64xf32, #tpu.memory_space<vmem>>
      %dma_start3A_168 = arith.constant 0 : i32
      %dma_start3A_169 = tpu.memref_slice %arg4[%squeeze3A_155, %dma_start3A_168] : memref<1000000x64xf32, #tpu.memory_space<hbm>> -> memref<1x64xf32, #tpu.memory_space<hbm>>
      tpu.enqueue_dma source(%dma_start3A_169 : memref<1x64xf32, #tpu.memory_space<hbm>>) target(%dma_start3A_167 : memref<1x64xf32, #tpu.memory_space<vmem>>) target_semaphore(%arg18 : memref<!tpu.dma_semaphore, #tpu.memory_space<semaphore_mem>>)
      %dma_start3A_170 = arith.constant 0 : i32
      %dma_start3A_171 = tpu.memref_slice %arg15[%add3A_161, %dma_start3A_170] : memref<128x64xf32, #tpu.memory_space<vmem>> -> memref<1x64xf32, #tpu.memory_space<vmem>>
      %dma_start3A_172 = arith.constant 0 : i32
      %dma_start3A_173 = tpu.memref_slice %arg5[%squeeze3A_157, %dma_start3A_172] : memref<100000x64xf32, #tpu.memory_space<hbm>> -> memref<1x64xf32, #tpu.memory_space<hbm>>
      %dma_start3A_174 = arith.constant 0 : i32
      %dma_start3A_175 = tpu.memref_slice %arg15[%add3A_161, %dma_start3A_174] : memref<128x64xf32, #tpu.memory_space<vmem>> -> memref<1x64xf32, #tpu.memory_space<vmem>>
      %dma_start3A_176 = arith.constant 0 : i32
      %dma_start3A_177 = tpu.memref_slice %arg5[%squeeze3A_157, %dma_start3A_176] : memref<100000x64xf32, #tpu.memory_space<hbm>> -> memref<1x64xf32, #tpu.memory_space<hbm>>
      tpu.enqueue_dma source(%dma_start3A_177 : memref<1x64xf32, #tpu.memory_space<hbm>>) target(%dma_start3A_175 : memref<1x64xf32, #tpu.memory_space<vmem>>) target_semaphore(%arg18 : memref<!tpu.dma_semaphore, #tpu.memory_space<semaphore_mem>>)
      %slice3A_178 = vector.extract_strided_slice %get3A_125 {offsets = [2], sizes = [1], strides = [1]} : vector<16xi32> to vector<1xi32>
      %squeeze3A_179 = vector.extract %slice3A_178[0] : i32 from vector<1xi32>
      %slice3A_180 = vector.extract_strided_slice %get3A_131 {offsets = [2], sizes = [1], strides = [1]} : vector<16xi32> to vector<1xi32>
      %squeeze3A_181 = vector.extract %slice3A_180[0] : i32 from vector<1xi32>
      %mul3A_182 = arith.constant 16 : i32
      %mul3A_183 = arith.muli %scan3A_120, %mul3A_182 : i32
      %add3A_184 = arith.constant 2 : i32
      %add3A_185 = arith.addi %mul3A_183, %add3A_184 : i32
      %dma_start3A_186 = arith.constant 0 : i32
      %dma_start3A_187 = tpu.memref_slice %arg13[%add3A_185, %dma_start3A_186] : memref<128x64xf32, #tpu.memory_space<vmem>> -> memref<1x64xf32, #tpu.memory_space<vmem>>
      %dma_start3A_188 = arith.constant 0 : i32
      %dma_start3A_189 = tpu.memref_slice %arg4[%squeeze3A_179, %dma_start3A_188] : memref<1000000x64xf32, #tpu.memory_space<hbm>> -> memref<1x64xf32, #tpu.memory_space<hbm>>
      %dma_start3A_190 = arith.constant 0 : i32
      %dma_start3A_191 = tpu.memref_slice %arg13[%add3A_185, %dma_start3A_190] : memref<128x64xf32, #tpu.memory_space<vmem>> -> memref<1x64xf32, #tpu.memory_space<vmem>>
      %dma_start3A_192 = arith.constant 0 : i32
      %dma_start3A_193 = tpu.memref_slice %arg4[%squeeze3A_179, %dma_start3A_192] : memref<1000000x64xf32, #tpu.memory_space<hbm>> -> memref<1x64xf32, #tpu.memory_space<hbm>>
      tpu.enqueue_dma source(%dma_start3A_193 : memref<1x64xf32, #tpu.memory_space<hbm>>) target(%dma_start3A_191 : memref<1x64xf32, #tpu.memory_space<vmem>>) target_semaphore(%arg18 : memref<!tpu.dma_semaphore, #tpu.memory_space<semaphore_mem>>)
      %dma_start3A_194 = arith.constant 0 : i32
      %dma_start3A_195 = tpu.memref_slice %arg15[%add3A_185, %dma_start3A_194] : memref<128x64xf32, #tpu.memory_space<vmem>> -> memref<1x64xf32, #tpu.memory_space<vmem>>
      %dma_start3A_196 = arith.constant 0 : i32
      %dma_start3A_197 = tpu.memref_slice %arg5[%squeeze3A_181, %dma_start3A_196] : memref<100000x64xf32, #tpu.memory_space<hbm>> -> memref<1x64xf32, #tpu.memory_space<hbm>>
      %dma_start3A_198 = arith.constant 0 : i32
      %dma_start3A_199 = tpu.memref_slice %arg15[%add3A_185, %dma_start3A_198] : memref<128x64xf32, #tpu.memory_space<vmem>> -> memref<1x64xf32, #tpu.memory_space<vmem>>
      %dma_start3A_200 = arith.constant 0 : i32
      %dma_start3A_201 = tpu.memref_slice %arg5[%squeeze3A_181, %dma_start3A_200] : memref<100000x64xf32, #tpu.memory_space<hbm>> -> memref<1x64xf32, #tpu.memory_space<hbm>>
      tpu.enqueue_dma source(%dma_start3A_201 : memref<1x64xf32, #tpu.memory_space<hbm>>) target(%dma_start3A_199 : memref<1x64xf32, #tpu.memory_space<vmem>>) target_semaphore(%arg18 : memref<!tpu.dma_semaphore, #tpu.memory_space<semaphore_mem>>)
      %slice3A_202 = vector.extract_strided_slice %get3A_125 {offsets = [3], sizes = [1], strides = [1]} : vector<16xi32> to vector<1xi32>
      %squeeze3A_203 = vector.extract %slice3A_202[0] : i32 from vector<1xi32>
      %slice3A_204 = vector.extract_strided_slice %get3A_131 {offsets = [3], sizes = [1], strides = [1]} : vector<16xi32> to vector<1xi32>
      %squeeze3A_205 = vector.extract %slice3A_204[0] : i32 from vector<1xi32>
      %mul3A_206 = arith.constant 16 : i32
      %mul3A_207 = arith.muli %scan3A_120, %mul3A_206 : i32
      %add3A_208 = arith.constant 3 : i32
      %add3A_209 = arith.addi %mul3A_207, %add3A_208 : i32
      %dma_start3A_210 = arith.constant 0 : i32
      %dma_start3A_211 = tpu.memref_slice %arg13[%add3A_209, %dma_start3A_210] : memref<128x64xf32, #tpu.memory_space<vmem>> -> memref<1x64xf32, #tpu.memory_space<vmem>>
      %dma_start3A_212 = arith.constant 0 : i32
      %dma_start3A_213 = tpu.memref_slice %arg4[%squeeze3A_203, %dma_start3A_212] : memref<1000000x64xf32, #tpu.memory_space<hbm>> -> memref<1x64xf32, #tpu.memory_space<hbm>>
      %dma_start3A_214 = arith.constant 0 : i32
      %dma_start3A_215 = tpu.memref_slice %arg13[%add3A_209, %dma_start3A_214] : memref<128x64xf32, #tpu.memory_space<vmem>> -> memref<1x64xf32, #tpu.memory_space<vmem>>
      %dma_start3A_216 = arith.constant 0 : i32
      %dma_start3A_217 = tpu.memref_slice %arg4[%squeeze3A_203, %dma_start3A_216] : memref<1000000x64xf32, #tpu.memory_space<hbm>> -> memref<1x64xf32, #tpu.memory_space<hbm>>
      tpu.enqueue_dma source(%dma_start3A_217 : memref<1x64xf32, #tpu.memory_space<hbm>>) target(%dma_start3A_215 : memref<1x64xf32, #tpu.memory_space<vmem>>) target_semaphore(%arg18 : memref<!tpu.dma_semaphore, #tpu.memory_space<semaphore_mem>>)
      %dma_start3A_218 = arith.constant 0 : i32
      %dma_start3A_219 = tpu.memref_slice %arg15[%add3A_209, %dma_start3A_218] : memref<128x64xf32, #tpu.memory_space<vmem>> -> memref<1x64xf32, #tpu.memory_space<vmem>>
      %dma_start3A_220 = arith.constant 0 : i32
      %dma_start3A_221 = tpu.memref_slice %arg5[%squeeze3A_205, %dma_start3A_220] : memref<100000x64xf32, #tpu.memory_space<hbm>> -> memref<1x64xf32, #tpu.memory_space<hbm>>
      %dma_start3A_222 = arith.constant 0 : i32
      %dma_start3A_223 = tpu.memref_slice %arg15[%add3A_209, %dma_start3A_222] : memref<128x64xf32, #tpu.memory_space<vmem>> -> memref<1x64xf32, #tpu.memory_space<vmem>>
      %dma_start3A_224 = arith.constant 0 : i32
      %dma_start3A_225 = tpu.memref_slice %arg5[%squeeze3A_205, %dma_start3A_224] : memref<100000x64xf32, #tpu.memory_space<hbm>> -> memref<1x64xf32, #tpu.memory_space<hbm>>
      tpu.enqueue_dma source(%dma_start3A_225 : memref<1x64xf32, #tpu.memory_space<hbm>>) target(%dma_start3A_223 : memref<1x64xf32, #tpu.memory_space<vmem>>) target_semaphore(%arg18 : memref<!tpu.dma_semaphore, #tpu.memory_space<semaphore_mem>>)
      %slice3A_226 = vector.extract_strided_slice %get3A_125 {offsets = [4], sizes = [1], strides = [1]} : vector<16xi32> to vector<1xi32>
      %squeeze3A_227 = vector.extract %slice3A_226[0] : i32 from vector<1xi32>
      %slice3A_228 = vector.extract_strided_slice %get3A_131 {offsets = [4], sizes = [1], strides = [1]} : vector<16xi32> to vector<1xi32>
      %squeeze3A_229 = vector.extract %slice3A_228[0] : i32 from vector<1xi32>
      %mul3A_230 = arith.constant 16 : i32
      %mul3A_231 = arith.muli %scan3A_120, %mul3A_230 : i32
      %add3A_232 = arith.constant 4 : i32
      %add3A_233 = arith.addi %mul3A_231, %add3A_232 : i32
      %dma_start3A_234 = arith.constant 0 : i32
      %dma_start3A_235 = tpu.memref_slice %arg13[%add3A_233, %dma_start3A_234] : memref<128x64xf32, #tpu.memory_space<vmem>> -> memref<1x64xf32, #tpu.memory_space<vmem>>
      %dma_start3A_236 = arith.constant 0 : i32
      %dma_start3A_237 = tpu.memref_slice %arg4[%squeeze3A_227, %dma_start3A_236] : memref<1000000x64xf32, #tpu.memory_space<hbm>> -> memref<1x64xf32, #tpu.memory_space<hbm>>
      %dma_start3A_238 = arith.constant 0 : i32
      %dma_start3A_239 = tpu.memref_slice %arg13[%add3A_233, %dma_start3A_238] : memref<128x64xf32, #tpu.memory_space<vmem>> -> memref<1x64xf32, #tpu.memory_space<vmem>>
      %dma_start3A_240 = arith.constant 0 : i32
      %dma_start3A_241 = tpu.memref_slice %arg4[%squeeze3A_227, %dma_start3A_240] : memref<1000000x64xf32, #tpu.memory_space<hbm>> -> memref<1x64xf32, #tpu.memory_space<hbm>>
      tpu.enqueue_dma source(%dma_start3A_241 : memref<1x64xf32, #tpu.memory_space<hbm>>) target(%dma_start3A_239 : memref<1x64xf32, #tpu.memory_space<vmem>>) target_semaphore(%arg18 : memref<!tpu.dma_semaphore, #tpu.memory_space<semaphore_mem>>)
      %dma_start3A_242 = arith.constant 0 : i32
      %dma_start3A_243 = tpu.memref_slice %arg15[%add3A_233, %dma_start3A_242] : memref<128x64xf32, #tpu.memory_space<vmem>> -> memref<1x64xf32, #tpu.memory_space<vmem>>
      %dma_start3A_244 = arith.constant 0 : i32
      %dma_start3A_245 = tpu.memref_slice %arg5[%squeeze3A_229, %dma_start3A_244] : memref<100000x64xf32, #tpu.memory_space<hbm>> -> memref<1x64xf32, #tpu.memory_space<hbm>>
      %dma_start3A_246 = arith.constant 0 : i32
      %dma_start3A_247 = tpu.memref_slice %arg15[%add3A_233, %dma_start3A_246] : memref<128x64xf32, #tpu.memory_space<vmem>> -> memref<1x64xf32, #tpu.memory_space<vmem>>
      %dma_start3A_248 = arith.constant 0 : i32
      %dma_start3A_249 = tpu.memref_slice %arg5[%squeeze3A_229, %dma_start3A_248] : memref<100000x64xf32, #tpu.memory_space<hbm>> -> memref<1x64xf32, #tpu.memory_space<hbm>>
      tpu.enqueue_dma source(%dma_start3A_249 : memref<1x64xf32, #tpu.memory_space<hbm>>) target(%dma_start3A_247 : memref<1x64xf32, #tpu.memory_space<vmem>>) target_semaphore(%arg18 : memref<!tpu.dma_semaphore, #tpu.memory_space<semaphore_mem>>)
      %slice3A_250 = vector.extract_strided_slice %get3A_125 {offsets = [5], sizes = [1], strides = [1]} : vector<16xi32> to vector<1xi32>
      %squeeze3A_251 = vector.extract %slice3A_250[0] : i32 from vector<1xi32>
      %slice3A_252 = vector.extract_strided_slice %get3A_131 {offsets = [5], sizes = [1], strides = [1]} : vector<16xi32> to vector<1xi32>
      %squeeze3A_253 = vector.extract %slice3A_252[0] : i32 from vector<1xi32>
      %mul3A_254 = arith.constant 16 : i32
      %mul3A_255 = arith.muli %scan3A_120, %mul3A_254 : i32
      %add3A_256 = arith.constant 5 : i32
      %add3A_257 = arith.addi %mul3A_255, %add3A_256 : i32
      %dma_start3A_258 = arith.constant 0 : i32
      %dma_start3A_259 = tpu.memref_slice %arg13[%add3A_257, %dma_start3A_258] : memref<128x64xf32, #tpu.memory_space<vmem>> -> memref<1x64xf32, #tpu.memory_space<vmem>>
      %dma_start3A_260 = arith.constant 0 : i32
      %dma_start3A_261 = tpu.memref_slice %arg4[%squeeze3A_251, %dma_start3A_260] : memref<1000000x64xf32, #tpu.memory_space<hbm>> -> memref<1x64xf32, #tpu.memory_space<hbm>>
      %dma_start3A_262 = arith.constant 0 : i32
      %dma_start3A_263 = tpu.memref_slice %arg13[%add3A_257, %dma_start3A_262] : memref<128x64xf32, #tpu.memory_space<vmem>> -> memref<1x64xf32, #tpu.memory_space<vmem>>
      %dma_start3A_264 = arith.constant 0 : i32
      %dma_start3A_265 = tpu.memref_slice %arg4[%squeeze3A_251, %dma_start3A_264] : memref<1000000x64xf32, #tpu.memory_space<hbm>> -> memref<1x64xf32, #tpu.memory_space<hbm>>
      tpu.enqueue_dma source(%dma_start3A_265 : memref<1x64xf32, #tpu.memory_space<hbm>>) target(%dma_start3A_263 : memref<1x64xf32, #tpu.memory_space<vmem>>) target_semaphore(%arg18 : memref<!tpu.dma_semaphore, #tpu.memory_space<semaphore_mem>>)
      %dma_start3A_266 = arith.constant 0 : i32
      %dma_start3A_267 = tpu.memref_slice %arg15[%add3A_257, %dma_start3A_266] : memref<128x64xf32, #tpu.memory_space<vmem>> -> memref<1x64xf32, #tpu.memory_space<vmem>>
      %dma_start3A_268 = arith.constant 0 : i32
      %dma_start3A_269 = tpu.memref_slice %arg5[%squeeze3A_253, %dma_start3A_268] : memref<100000x64xf32, #tpu.memory_space<hbm>> -> memref<1x64xf32, #tpu.memory_space<hbm>>
      %dma_start3A_270 = arith.constant 0 : i32
      %dma_start3A_271 = tpu.memref_slice %arg15[%add3A_257, %dma_start3A_270] : memref<128x64xf32, #tpu.memory_space<vmem>> -> memref<1x64xf32, #tpu.memory_space<vmem>>
      %dma_start3A_272 = arith.constant 0 : i32
      %dma_start3A_273 = tpu.memref_slice %arg5[%squeeze3A_253, %dma_start3A_272] : memref<100000x64xf32, #tpu.memory_space<hbm>> -> memref<1x64xf32, #tpu.memory_space<hbm>>
      tpu.enqueue_dma source(%dma_start3A_273 : memref<1x64xf32, #tpu.memory_space<hbm>>) target(%dma_start3A_271 : memref<1x64xf32, #tpu.memory_space<vmem>>) target_semaphore(%arg18 : memref<!tpu.dma_semaphore, #tpu.memory_space<semaphore_mem>>)
      %slice3A_274 = vector.extract_strided_slice %get3A_125 {offsets = [6], sizes = [1], strides = [1]} : vector<16xi32> to vector<1xi32>
      %squeeze3A_275 = vector.extract %slice3A_274[0] : i32 from vector<1xi32>
      %slice3A_276 = vector.extract_strided_slice %get3A_131 {offsets = [6], sizes = [1], strides = [1]} : vector<16xi32> to vector<1xi32>
      %squeeze3A_277 = vector.extract %slice3A_276[0] : i32 from vector<1xi32>
      %mul3A_278 = arith.constant 16 : i32
      %mul3A_279 = arith.muli %scan3A_120, %mul3A_278 : i32
      %add3A_280 = arith.constant 6 : i32
      %add3A_281 = arith.addi %mul3A_279, %add3A_280 : i32
      %dma_start3A_282 = arith.constant 0 : i32
      %dma_start3A_283 = tpu.memref_slice %arg13[%add3A_281, %dma_start3A_282] : memref<128x64xf32, #tpu.memory_space<vmem>> -> memref<1x64xf32, #tpu.memory_space<vmem>>
      %dma_start3A_284 = arith.constant 0 : i32
      %dma_start3A_285 = tpu.memref_slice %arg4[%squeeze3A_275, %dma_start3A_284] : memref<1000000x64xf32, #tpu.memory_space<hbm>> -> memref<1x64xf32, #tpu.memory_space<hbm>>
      %dma_start3A_286 = arith.constant 0 : i32
      %dma_start3A_287 = tpu.memref_slice %arg13[%add3A_281, %dma_start3A_286] : memref<128x64xf32, #tpu.memory_space<vmem>> -> memref<1x64xf32, #tpu.memory_space<vmem>>
      %dma_start3A_288 = arith.constant 0 : i32
      %dma_start3A_289 = tpu.memref_slice %arg4[%squeeze3A_275, %dma_start3A_288] : memref<1000000x64xf32, #tpu.memory_space<hbm>> -> memref<1x64xf32, #tpu.memory_space<hbm>>
      tpu.enqueue_dma source(%dma_start3A_289 : memref<1x64xf32, #tpu.memory_space<hbm>>) target(%dma_start3A_287 : memref<1x64xf32, #tpu.memory_space<vmem>>) target_semaphore(%arg18 : memref<!tpu.dma_semaphore, #tpu.memory_space<semaphore_mem>>)
      %dma_start3A_290 = arith.constant 0 : i32
      %dma_start3A_291 = tpu.memref_slice %arg15[%add3A_281, %dma_start3A_290] : memref<128x64xf32, #tpu.memory_space<vmem>> -> memref<1x64xf32, #tpu.memory_space<vmem>>
      %dma_start3A_292 = arith.constant 0 : i32
      %dma_start3A_293 = tpu.memref_slice %arg5[%squeeze3A_277, %dma_start3A_292] : memref<100000x64xf32, #tpu.memory_space<hbm>> -> memref<1x64xf32, #tpu.memory_space<hbm>>
      %dma_start3A_294 = arith.constant 0 : i32
      %dma_start3A_295 = tpu.memref_slice %arg15[%add3A_281, %dma_start3A_294] : memref<128x64xf32, #tpu.memory_space<vmem>> -> memref<1x64xf32, #tpu.memory_space<vmem>>
      %dma_start3A_296 = arith.constant 0 : i32
      %dma_start3A_297 = tpu.memref_slice %arg5[%squeeze3A_277, %dma_start3A_296] : memref<100000x64xf32, #tpu.memory_space<hbm>> -> memref<1x64xf32, #tpu.memory_space<hbm>>
      tpu.enqueue_dma source(%dma_start3A_297 : memref<1x64xf32, #tpu.memory_space<hbm>>) target(%dma_start3A_295 : memref<1x64xf32, #tpu.memory_space<vmem>>) target_semaphore(%arg18 : memref<!tpu.dma_semaphore, #tpu.memory_space<semaphore_mem>>)
      %slice3A_298 = vector.extract_strided_slice %get3A_125 {offsets = [7], sizes = [1], strides = [1]} : vector<16xi32> to vector<1xi32>
      %squeeze3A_299 = vector.extract %slice3A_298[0] : i32 from vector<1xi32>
      %slice3A_300 = vector.extract_strided_slice %get3A_131 {offsets = [7], sizes = [1], strides = [1]} : vector<16xi32> to vector<1xi32>
      %squeeze3A_301 = vector.extract %slice3A_300[0] : i32 from vector<1xi32>
      %mul3A_302 = arith.constant 16 : i32
      %mul3A_303 = arith.muli %scan3A_120, %mul3A_302 : i32
      %add3A_304 = arith.constant 7 : i32
      %add3A_305 = arith.addi %mul3A_303, %add3A_304 : i32
      %dma_start3A_306 = arith.constant 0 : i32
      %dma_start3A_307 = tpu.memref_slice %arg13[%add3A_305, %dma_start3A_306] : memref<128x64xf32, #tpu.memory_space<vmem>> -> memref<1x64xf32, #tpu.memory_space<vmem>>
      %dma_start3A_308 = arith.constant 0 : i32
      %dma_start3A_309 = tpu.memref_slice %arg4[%squeeze3A_299, %dma_start3A_308] : memref<1000000x64xf32, #tpu.memory_space<hbm>> -> memref<1x64xf32, #tpu.memory_space<hbm>>
      %dma_start3A_310 = arith.constant 0 : i32
      %dma_start3A_311 = tpu.memref_slice %arg13[%add3A_305, %dma_start3A_310] : memref<128x64xf32, #tpu.memory_space<vmem>> -> memref<1x64xf32, #tpu.memory_space<vmem>>
      %dma_start3A_312 = arith.constant 0 : i32
      %dma_start3A_313 = tpu.memref_slice %arg4[%squeeze3A_299, %dma_start3A_312] : memref<1000000x64xf32, #tpu.memory_space<hbm>> -> memref<1x64xf32, #tpu.memory_space<hbm>>
      tpu.enqueue_dma source(%dma_start3A_313 : memref<1x64xf32, #tpu.memory_space<hbm>>) target(%dma_start3A_311 : memref<1x64xf32, #tpu.memory_space<vmem>>) target_semaphore(%arg18 : memref<!tpu.dma_semaphore, #tpu.memory_space<semaphore_mem>>)
      %dma_start3A_314 = arith.constant 0 : i32
      %dma_start3A_315 = tpu.memref_slice %arg15[%add3A_305, %dma_start3A_314] : memref<128x64xf32, #tpu.memory_space<vmem>> -> memref<1x64xf32, #tpu.memory_space<vmem>>
      %dma_start3A_316 = arith.constant 0 : i32
      %dma_start3A_317 = tpu.memref_slice %arg5[%squeeze3A_301, %dma_start3A_316] : memref<100000x64xf32, #tpu.memory_space<hbm>> -> memref<1x64xf32, #tpu.memory_space<hbm>>
      %dma_start3A_318 = arith.constant 0 : i32
      %dma_start3A_319 = tpu.memref_slice %arg15[%add3A_305, %dma_start3A_318] : memref<128x64xf32, #tpu.memory_space<vmem>> -> memref<1x64xf32, #tpu.memory_space<vmem>>
      %dma_start3A_320 = arith.constant 0 : i32
      %dma_start3A_321 = tpu.memref_slice %arg5[%squeeze3A_301, %dma_start3A_320] : memref<100000x64xf32, #tpu.memory_space<hbm>> -> memref<1x64xf32, #tpu.memory_space<hbm>>
      tpu.enqueue_dma source(%dma_start3A_321 : memref<1x64xf32, #tpu.memory_space<hbm>>) target(%dma_start3A_319 : memref<1x64xf32, #tpu.memory_space<vmem>>) target_semaphore(%arg18 : memref<!tpu.dma_semaphore, #tpu.memory_space<semaphore_mem>>)
      %slice3A_322 = vector.extract_strided_slice %get3A_125 {offsets = [8], sizes = [1], strides = [1]} : vector<16xi32> to vector<1xi32>
      %squeeze3A_323 = vector.extract %slice3A_322[0] : i32 from vector<1xi32>
      %slice3A_324 = vector.extract_strided_slice %get3A_131 {offsets = [8], sizes = [1], strides = [1]} : vector<16xi32> to vector<1xi32>
      %squeeze3A_325 = vector.extract %slice3A_324[0] : i32 from vector<1xi32>
      %mul3A_326 = arith.constant 16 : i32
      %mul3A_327 = arith.muli %scan3A_120, %mul3A_326 : i32
      %add3A_328 = arith.constant 8 : i32
      %add3A_329 = arith.addi %mul3A_327, %add3A_328 : i32
      %dma_start3A_330 = arith.constant 0 : i32
      %dma_start3A_331 = tpu.memref_slice %arg13[%add3A_329, %dma_start3A_330] : memref<128x64xf32, #tpu.memory_space<vmem>> -> memref<1x64xf32, #tpu.memory_space<vmem>>
      %dma_start3A_332 = arith.constant 0 : i32
      %dma_start3A_333 = tpu.memref_slice %arg4[%squeeze3A_323, %dma_start3A_332] : memref<1000000x64xf32, #tpu.memory_space<hbm>> -> memref<1x64xf32, #tpu.memory_space<hbm>>
      %dma_start3A_334 = arith.constant 0 : i32
      %dma_start3A_335 = tpu.memref_slice %arg13[%add3A_329, %dma_start3A_334] : memref<128x64xf32, #tpu.memory_space<vmem>> -> memref<1x64xf32, #tpu.memory_space<vmem>>
      %dma_start3A_336 = arith.constant 0 : i32
      %dma_start3A_337 = tpu.memref_slice %arg4[%squeeze3A_323, %dma_start3A_336] : memref<1000000x64xf32, #tpu.memory_space<hbm>> -> memref<1x64xf32, #tpu.memory_space<hbm>>
      tpu.enqueue_dma source(%dma_start3A_337 : memref<1x64xf32, #tpu.memory_space<hbm>>) target(%dma_start3A_335 : memref<1x64xf32, #tpu.memory_space<vmem>>) target_semaphore(%arg18 : memref<!tpu.dma_semaphore, #tpu.memory_space<semaphore_mem>>)
      %dma_start3A_338 = arith.constant 0 : i32
      %dma_start3A_339 = tpu.memref_slice %arg15[%add3A_329, %dma_start3A_338] : memref<128x64xf32, #tpu.memory_space<vmem>> -> memref<1x64xf32, #tpu.memory_space<vmem>>
      %dma_start3A_340 = arith.constant 0 : i32
      %dma_start3A_341 = tpu.memref_slice %arg5[%squeeze3A_325, %dma_start3A_340] : memref<100000x64xf32, #tpu.memory_space<hbm>> -> memref<1x64xf32, #tpu.memory_space<hbm>>
      %dma_start3A_342 = arith.constant 0 : i32
      %dma_start3A_343 = tpu.memref_slice %arg15[%add3A_329, %dma_start3A_342] : memref<128x64xf32, #tpu.memory_space<vmem>> -> memref<1x64xf32, #tpu.memory_space<vmem>>
      %dma_start3A_344 = arith.constant 0 : i32
      %dma_start3A_345 = tpu.memref_slice %arg5[%squeeze3A_325, %dma_start3A_344] : memref<100000x64xf32, #tpu.memory_space<hbm>> -> memref<1x64xf32, #tpu.memory_space<hbm>>
      tpu.enqueue_dma source(%dma_start3A_345 : memref<1x64xf32, #tpu.memory_space<hbm>>) target(%dma_start3A_343 : memref<1x64xf32, #tpu.memory_space<vmem>>) target_semaphore(%arg18 : memref<!tpu.dma_semaphore, #tpu.memory_space<semaphore_mem>>)
      %slice3A_346 = vector.extract_strided_slice %get3A_125 {offsets = [9], sizes = [1], strides = [1]} : vector<16xi32> to vector<1xi32>
      %squeeze3A_347 = vector.extract %slice3A_346[0] : i32 from vector<1xi32>
      %slice3A_348 = vector.extract_strided_slice %get3A_131 {offsets = [9], sizes = [1], strides = [1]} : vector<16xi32> to vector<1xi32>
      %squeeze3A_349 = vector.extract %slice3A_348[0] : i32 from vector<1xi32>
      %mul3A_350 = arith.constant 16 : i32
      %mul3A_351 = arith.muli %scan3A_120, %mul3A_350 : i32
      %add3A_352 = arith.constant 9 : i32
      %add3A_353 = arith.addi %mul3A_351, %add3A_352 : i32
      %dma_start3A_354 = arith.constant 0 : i32
      %dma_start3A_355 = tpu.memref_slice %arg13[%add3A_353, %dma_start3A_354] : memref<128x64xf32, #tpu.memory_space<vmem>> -> memref<1x64xf32, #tpu.memory_space<vmem>>
      %dma_start3A_356 = arith.constant 0 : i32
      %dma_start3A_357 = tpu.memref_slice %arg4[%squeeze3A_347, %dma_start3A_356] : memref<1000000x64xf32, #tpu.memory_space<hbm>> -> memref<1x64xf32, #tpu.memory_space<hbm>>
      %dma_start3A_358 = arith.constant 0 : i32
      %dma_start3A_359 = tpu.memref_slice %arg13[%add3A_353, %dma_start3A_358] : memref<128x64xf32, #tpu.memory_space<vmem>> -> memref<1x64xf32, #tpu.memory_space<vmem>>
      %dma_start3A_360 = arith.constant 0 : i32
      %dma_start3A_361 = tpu.memref_slice %arg4[%squeeze3A_347, %dma_start3A_360] : memref<1000000x64xf32, #tpu.memory_space<hbm>> -> memref<1x64xf32, #tpu.memory_space<hbm>>
      tpu.enqueue_dma source(%dma_start3A_361 : memref<1x64xf32, #tpu.memory_space<hbm>>) target(%dma_start3A_359 : memref<1x64xf32, #tpu.memory_space<vmem>>) target_semaphore(%arg18 : memref<!tpu.dma_semaphore, #tpu.memory_space<semaphore_mem>>)
      %dma_start3A_362 = arith.constant 0 : i32
      %dma_start3A_363 = tpu.memref_slice %arg15[%add3A_353, %dma_start3A_362] : memref<128x64xf32, #tpu.memory_space<vmem>> -> memref<1x64xf32, #tpu.memory_space<vmem>>
      %dma_start3A_364 = arith.constant 0 : i32
      %dma_start3A_365 = tpu.memref_slice %arg5[%squeeze3A_349, %dma_start3A_364] : memref<100000x64xf32, #tpu.memory_space<hbm>> -> memref<1x64xf32, #tpu.memory_space<hbm>>
      %dma_start3A_366 = arith.constant 0 : i32
      %dma_start3A_367 = tpu.memref_slice %arg15[%add3A_353, %dma_start3A_366] : memref<128x64xf32, #tpu.memory_space<vmem>> -> memref<1x64xf32, #tpu.memory_space<vmem>>
      %dma_start3A_368 = arith.constant 0 : i32
      %dma_start3A_369 = tpu.memref_slice %arg5[%squeeze3A_349, %dma_start3A_368] : memref<100000x64xf32, #tpu.memory_space<hbm>> -> memref<1x64xf32, #tpu.memory_space<hbm>>
      tpu.enqueue_dma source(%dma_start3A_369 : memref<1x64xf32, #tpu.memory_space<hbm>>) target(%dma_start3A_367 : memref<1x64xf32, #tpu.memory_space<vmem>>) target_semaphore(%arg18 : memref<!tpu.dma_semaphore, #tpu.memory_space<semaphore_mem>>)
      %slice3A_370 = vector.extract_strided_slice %get3A_125 {offsets = [10], sizes = [1], strides = [1]} : vector<16xi32> to vector<1xi32>
      %squeeze3A_371 = vector.extract %slice3A_370[0] : i32 from vector<1xi32>
      %slice3A_372 = vector.extract_strided_slice %get3A_131 {offsets = [10], sizes = [1], strides = [1]} : vector<16xi32> to vector<1xi32>
      %squeeze3A_373 = vector.extract %slice3A_372[0] : i32 from vector<1xi32>
      %mul3A_374 = arith.constant 16 : i32
      %mul3A_375 = arith.muli %scan3A_120, %mul3A_374 : i32
      %add3A_376 = arith.constant 10 : i32
      %add3A_377 = arith.addi %mul3A_375, %add3A_376 : i32
      %dma_start3A_378 = arith.constant 0 : i32
      %dma_start3A_379 = tpu.memref_slice %arg13[%add3A_377, %dma_start3A_378] : memref<128x64xf32, #tpu.memory_space<vmem>> -> memref<1x64xf32, #tpu.memory_space<vmem>>
      %dma_start3A_380 = arith.constant 0 : i32
      %dma_start3A_381 = tpu.memref_slice %arg4[%squeeze3A_371, %dma_start3A_380] : memref<1000000x64xf32, #tpu.memory_space<hbm>> -> memref<1x64xf32, #tpu.memory_space<hbm>>
      %dma_start3A_382 = arith.constant 0 : i32
      %dma_start3A_383 = tpu.memref_slice %arg13[%add3A_377, %dma_start3A_382] : memref<128x64xf32, #tpu.memory_space<vmem>> -> memref<1x64xf32, #tpu.memory_space<vmem>>
      %dma_start3A_384 = arith.constant 0 : i32
      %dma_start3A_385 = tpu.memref_slice %arg4[%squeeze3A_371, %dma_start3A_384] : memref<1000000x64xf32, #tpu.memory_space<hbm>> -> memref<1x64xf32, #tpu.memory_space<hbm>>
      tpu.enqueue_dma source(%dma_start3A_385 : memref<1x64xf32, #tpu.memory_space<hbm>>) target(%dma_start3A_383 : memref<1x64xf32, #tpu.memory_space<vmem>>) target_semaphore(%arg18 : memref<!tpu.dma_semaphore, #tpu.memory_space<semaphore_mem>>)
      %dma_start3A_386 = arith.constant 0 : i32
      %dma_start3A_387 = tpu.memref_slice %arg15[%add3A_377, %dma_start3A_386] : memref<128x64xf32, #tpu.memory_space<vmem>> -> memref<1x64xf32, #tpu.memory_space<vmem>>
      %dma_start3A_388 = arith.constant 0 : i32
      %dma_start3A_389 = tpu.memref_slice %arg5[%squeeze3A_373, %dma_start3A_388] : memref<100000x64xf32, #tpu.memory_space<hbm>> -> memref<1x64xf32, #tpu.memory_space<hbm>>
      %dma_start3A_390 = arith.constant 0 : i32
      %dma_start3A_391 = tpu.memref_slice %arg15[%add3A_377, %dma_start3A_390] : memref<128x64xf32, #tpu.memory_space<vmem>> -> memref<1x64xf32, #tpu.memory_space<vmem>>
      %dma_start3A_392 = arith.constant 0 : i32
      %dma_start3A_393 = tpu.memref_slice %arg5[%squeeze3A_373, %dma_start3A_392] : memref<100000x64xf32, #tpu.memory_space<hbm>> -> memref<1x64xf32, #tpu.memory_space<hbm>>
      tpu.enqueue_dma source(%dma_start3A_393 : memref<1x64xf32, #tpu.memory_space<hbm>>) target(%dma_start3A_391 : memref<1x64xf32, #tpu.memory_space<vmem>>) target_semaphore(%arg18 : memref<!tpu.dma_semaphore, #tpu.memory_space<semaphore_mem>>)
      %slice3A_394 = vector.extract_strided_slice %get3A_125 {offsets = [11], sizes = [1], strides = [1]} : vector<16xi32> to vector<1xi32>
      %squeeze3A_395 = vector.extract %slice3A_394[0] : i32 from vector<1xi32>
      %slice3A_396 = vector.extract_strided_slice %get3A_131 {offsets = [11], sizes = [1], strides = [1]} : vector<16xi32> to vector<1xi32>
      %squeeze3A_397 = vector.extract %slice3A_396[0] : i32 from vector<1xi32>
      %mul3A_398 = arith.constant 16 : i32
      %mul3A_399 = arith.muli %scan3A_120, %mul3A_398 : i32
      %add3A_400 = arith.constant 11 : i32
      %add3A_401 = arith.addi %mul3A_399, %add3A_400 : i32
      %dma_start3A_402 = arith.constant 0 : i32
      %dma_start3A_403 = tpu.memref_slice %arg13[%add3A_401, %dma_start3A_402] : memref<128x64xf32, #tpu.memory_space<vmem>> -> memref<1x64xf32, #tpu.memory_space<vmem>>
      %dma_start3A_404 = arith.constant 0 : i32
      %dma_start3A_405 = tpu.memref_slice %arg4[%squeeze3A_395, %dma_start3A_404] : memref<1000000x64xf32, #tpu.memory_space<hbm>> -> memref<1x64xf32, #tpu.memory_space<hbm>>
      %dma_start3A_406 = arith.constant 0 : i32
      %dma_start3A_407 = tpu.memref_slice %arg13[%add3A_401, %dma_start3A_406] : memref<128x64xf32, #tpu.memory_space<vmem>> -> memref<1x64xf32, #tpu.memory_space<vmem>>
      %dma_start3A_408 = arith.constant 0 : i32
      %dma_start3A_409 = tpu.memref_slice %arg4[%squeeze3A_395, %dma_start3A_408] : memref<1000000x64xf32, #tpu.memory_space<hbm>> -> memref<1x64xf32, #tpu.memory_space<hbm>>
      tpu.enqueue_dma source(%dma_start3A_409 : memref<1x64xf32, #tpu.memory_space<hbm>>) target(%dma_start3A_407 : memref<1x64xf32, #tpu.memory_space<vmem>>) target_semaphore(%arg18 : memref<!tpu.dma_semaphore, #tpu.memory_space<semaphore_mem>>)
      %dma_start3A_410 = arith.constant 0 : i32
      %dma_start3A_411 = tpu.memref_slice %arg15[%add3A_401, %dma_start3A_410] : memref<128x64xf32, #tpu.memory_space<vmem>> -> memref<1x64xf32, #tpu.memory_space<vmem>>
      %dma_start3A_412 = arith.constant 0 : i32
      %dma_start3A_413 = tpu.memref_slice %arg5[%squeeze3A_397, %dma_start3A_412] : memref<100000x64xf32, #tpu.memory_space<hbm>> -> memref<1x64xf32, #tpu.memory_space<hbm>>
      %dma_start3A_414 = arith.constant 0 : i32
      %dma_start3A_415 = tpu.memref_slice %arg15[%add3A_401, %dma_start3A_414] : memref<128x64xf32, #tpu.memory_space<vmem>> -> memref<1x64xf32, #tpu.memory_space<vmem>>
      %dma_start3A_416 = arith.constant 0 : i32
      %dma_start3A_417 = tpu.memref_slice %arg5[%squeeze3A_397, %dma_start3A_416] : memref<100000x64xf32, #tpu.memory_space<hbm>> -> memref<1x64xf32, #tpu.memory_space<hbm>>
      tpu.enqueue_dma source(%dma_start3A_417 : memref<1x64xf32, #tpu.memory_space<hbm>>) target(%dma_start3A_415 : memref<1x64xf32, #tpu.memory_space<vmem>>) target_semaphore(%arg18 : memref<!tpu.dma_semaphore, #tpu.memory_space<semaphore_mem>>)
      %slice3A_418 = vector.extract_strided_slice %get3A_125 {offsets = [12], sizes = [1], strides = [1]} : vector<16xi32> to vector<1xi32>
      %squeeze3A_419 = vector.extract %slice3A_418[0] : i32 from vector<1xi32>
      %slice3A_420 = vector.extract_strided_slice %get3A_131 {offsets = [12], sizes = [1], strides = [1]} : vector<16xi32> to vector<1xi32>
      %squeeze3A_421 = vector.extract %slice3A_420[0] : i32 from vector<1xi32>
      %mul3A_422 = arith.constant 16 : i32
      %mul3A_423 = arith.muli %scan3A_120, %mul3A_422 : i32
      %add3A_424 = arith.constant 12 : i32
      %add3A_425 = arith.addi %mul3A_423, %add3A_424 : i32
      %dma_start3A_426 = arith.constant 0 : i32
      %dma_start3A_427 = tpu.memref_slice %arg13[%add3A_425, %dma_start3A_426] : memref<128x64xf32, #tpu.memory_space<vmem>> -> memref<1x64xf32, #tpu.memory_space<vmem>>
      %dma_start3A_428 = arith.constant 0 : i32
      %dma_start3A_429 = tpu.memref_slice %arg4[%squeeze3A_419, %dma_start3A_428] : memref<1000000x64xf32, #tpu.memory_space<hbm>> -> memref<1x64xf32, #tpu.memory_space<hbm>>
      %dma_start3A_430 = arith.constant 0 : i32
      %dma_start3A_431 = tpu.memref_slice %arg13[%add3A_425, %dma_start3A_430] : memref<128x64xf32, #tpu.memory_space<vmem>> -> memref<1x64xf32, #tpu.memory_space<vmem>>
      %dma_start3A_432 = arith.constant 0 : i32
      %dma_start3A_433 = tpu.memref_slice %arg4[%squeeze3A_419, %dma_start3A_432] : memref<1000000x64xf32, #tpu.memory_space<hbm>> -> memref<1x64xf32, #tpu.memory_space<hbm>>
      tpu.enqueue_dma source(%dma_start3A_433 : memref<1x64xf32, #tpu.memory_space<hbm>>) target(%dma_start3A_431 : memref<1x64xf32, #tpu.memory_space<vmem>>) target_semaphore(%arg18 : memref<!tpu.dma_semaphore, #tpu.memory_space<semaphore_mem>>)
      %dma_start3A_434 = arith.constant 0 : i32
      %dma_start3A_435 = tpu.memref_slice %arg15[%add3A_425, %dma_start3A_434] : memref<128x64xf32, #tpu.memory_space<vmem>> -> memref<1x64xf32, #tpu.memory_space<vmem>>
      %dma_start3A_436 = arith.constant 0 : i32
      %dma_start3A_437 = tpu.memref_slice %arg5[%squeeze3A_421, %dma_start3A_436] : memref<100000x64xf32, #tpu.memory_space<hbm>> -> memref<1x64xf32, #tpu.memory_space<hbm>>
      %dma_start3A_438 = arith.constant 0 : i32
      %dma_start3A_439 = tpu.memref_slice %arg15[%add3A_425, %dma_start3A_438] : memref<128x64xf32, #tpu.memory_space<vmem>> -> memref<1x64xf32, #tpu.memory_space<vmem>>
      %dma_start3A_440 = arith.constant 0 : i32
      %dma_start3A_441 = tpu.memref_slice %arg5[%squeeze3A_421, %dma_start3A_440] : memref<100000x64xf32, #tpu.memory_space<hbm>> -> memref<1x64xf32, #tpu.memory_space<hbm>>
      tpu.enqueue_dma source(%dma_start3A_441 : memref<1x64xf32, #tpu.memory_space<hbm>>) target(%dma_start3A_439 : memref<1x64xf32, #tpu.memory_space<vmem>>) target_semaphore(%arg18 : memref<!tpu.dma_semaphore, #tpu.memory_space<semaphore_mem>>)
      %slice3A_442 = vector.extract_strided_slice %get3A_125 {offsets = [13], sizes = [1], strides = [1]} : vector<16xi32> to vector<1xi32>
      %squeeze3A_443 = vector.extract %slice3A_442[0] : i32 from vector<1xi32>
      %slice3A_444 = vector.extract_strided_slice %get3A_131 {offsets = [13], sizes = [1], strides = [1]} : vector<16xi32> to vector<1xi32>
      %squeeze3A_445 = vector.extract %slice3A_444[0] : i32 from vector<1xi32>
      %mul3A_446 = arith.constant 16 : i32
      %mul3A_447 = arith.muli %scan3A_120, %mul3A_446 : i32
      %add3A_448 = arith.constant 13 : i32
      %add3A_449 = arith.addi %mul3A_447, %add3A_448 : i32
      %dma_start3A_450 = arith.constant 0 : i32
      %dma_start3A_451 = tpu.memref_slice %arg13[%add3A_449, %dma_start3A_450] : memref<128x64xf32, #tpu.memory_space<vmem>> -> memref<1x64xf32, #tpu.memory_space<vmem>>
      %dma_start3A_452 = arith.constant 0 : i32
      %dma_start3A_453 = tpu.memref_slice %arg4[%squeeze3A_443, %dma_start3A_452] : memref<1000000x64xf32, #tpu.memory_space<hbm>> -> memref<1x64xf32, #tpu.memory_space<hbm>>
      %dma_start3A_454 = arith.constant 0 : i32
      %dma_start3A_455 = tpu.memref_slice %arg13[%add3A_449, %dma_start3A_454] : memref<128x64xf32, #tpu.memory_space<vmem>> -> memref<1x64xf32, #tpu.memory_space<vmem>>
      %dma_start3A_456 = arith.constant 0 : i32
      %dma_start3A_457 = tpu.memref_slice %arg4[%squeeze3A_443, %dma_start3A_456] : memref<1000000x64xf32, #tpu.memory_space<hbm>> -> memref<1x64xf32, #tpu.memory_space<hbm>>
      tpu.enqueue_dma source(%dma_start3A_457 : memref<1x64xf32, #tpu.memory_space<hbm>>) target(%dma_start3A_455 : memref<1x64xf32, #tpu.memory_space<vmem>>) target_semaphore(%arg18 : memref<!tpu.dma_semaphore, #tpu.memory_space<semaphore_mem>>)
      %dma_start3A_458 = arith.constant 0 : i32
      %dma_start3A_459 = tpu.memref_slice %arg15[%add3A_449, %dma_start3A_458] : memref<128x64xf32, #tpu.memory_space<vmem>> -> memref<1x64xf32, #tpu.memory_space<vmem>>
      %dma_start3A_460 = arith.constant 0 : i32
      %dma_start3A_461 = tpu.memref_slice %arg5[%squeeze3A_445, %dma_start3A_460] : memref<100000x64xf32, #tpu.memory_space<hbm>> -> memref<1x64xf32, #tpu.memory_space<hbm>>
      %dma_start3A_462 = arith.constant 0 : i32
      %dma_start3A_463 = tpu.memref_slice %arg15[%add3A_449, %dma_start3A_462] : memref<128x64xf32, #tpu.memory_space<vmem>> -> memref<1x64xf32, #tpu.memory_space<vmem>>
      %dma_start3A_464 = arith.constant 0 : i32
      %dma_start3A_465 = tpu.memref_slice %arg5[%squeeze3A_445, %dma_start3A_464] : memref<100000x64xf32, #tpu.memory_space<hbm>> -> memref<1x64xf32, #tpu.memory_space<hbm>>
      tpu.enqueue_dma source(%dma_start3A_465 : memref<1x64xf32, #tpu.memory_space<hbm>>) target(%dma_start3A_463 : memref<1x64xf32, #tpu.memory_space<vmem>>) target_semaphore(%arg18 : memref<!tpu.dma_semaphore, #tpu.memory_space<semaphore_mem>>)
      %slice3A_466 = vector.extract_strided_slice %get3A_125 {offsets = [14], sizes = [1], strides = [1]} : vector<16xi32> to vector<1xi32>
      %squeeze3A_467 = vector.extract %slice3A_466[0] : i32 from vector<1xi32>
      %slice3A_468 = vector.extract_strided_slice %get3A_131 {offsets = [14], sizes = [1], strides = [1]} : vector<16xi32> to vector<1xi32>
      %squeeze3A_469 = vector.extract %slice3A_468[0] : i32 from vector<1xi32>
      %mul3A_470 = arith.constant 16 : i32
      %mul3A_471 = arith.muli %scan3A_120, %mul3A_470 : i32
      %add3A_472 = arith.constant 14 : i32
      %add3A_473 = arith.addi %mul3A_471, %add3A_472 : i32
      %dma_start3A_474 = arith.constant 0 : i32
      %dma_start3A_475 = tpu.memref_slice %arg13[%add3A_473, %dma_start3A_474] : memref<128x64xf32, #tpu.memory_space<vmem>> -> memref<1x64xf32, #tpu.memory_space<vmem>>
      %dma_start3A_476 = arith.constant 0 : i32
      %dma_start3A_477 = tpu.memref_slice %arg4[%squeeze3A_467, %dma_start3A_476] : memref<1000000x64xf32, #tpu.memory_space<hbm>> -> memref<1x64xf32, #tpu.memory_space<hbm>>
      %dma_start3A_478 = arith.constant 0 : i32
      %dma_start3A_479 = tpu.memref_slice %arg13[%add3A_473, %dma_start3A_478] : memref<128x64xf32, #tpu.memory_space<vmem>> -> memref<1x64xf32, #tpu.memory_space<vmem>>
      %dma_start3A_480 = arith.constant 0 : i32
      %dma_start3A_481 = tpu.memref_slice %arg4[%squeeze3A_467, %dma_start3A_480] : memref<1000000x64xf32, #tpu.memory_space<hbm>> -> memref<1x64xf32, #tpu.memory_space<hbm>>
      tpu.enqueue_dma source(%dma_start3A_481 : memref<1x64xf32, #tpu.memory_space<hbm>>) target(%dma_start3A_479 : memref<1x64xf32, #tpu.memory_space<vmem>>) target_semaphore(%arg18 : memref<!tpu.dma_semaphore, #tpu.memory_space<semaphore_mem>>)
      %dma_start3A_482 = arith.constant 0 : i32
      %dma_start3A_483 = tpu.memref_slice %arg15[%add3A_473, %dma_start3A_482] : memref<128x64xf32, #tpu.memory_space<vmem>> -> memref<1x64xf32, #tpu.memory_space<vmem>>
      %dma_start3A_484 = arith.constant 0 : i32
      %dma_start3A_485 = tpu.memref_slice %arg5[%squeeze3A_469, %dma_start3A_484] : memref<100000x64xf32, #tpu.memory_space<hbm>> -> memref<1x64xf32, #tpu.memory_space<hbm>>
      %dma_start3A_486 = arith.constant 0 : i32
      %dma_start3A_487 = tpu.memref_slice %arg15[%add3A_473, %dma_start3A_486] : memref<128x64xf32, #tpu.memory_space<vmem>> -> memref<1x64xf32, #tpu.memory_space<vmem>>
      %dma_start3A_488 = arith.constant 0 : i32
      %dma_start3A_489 = tpu.memref_slice %arg5[%squeeze3A_469, %dma_start3A_488] : memref<100000x64xf32, #tpu.memory_space<hbm>> -> memref<1x64xf32, #tpu.memory_space<hbm>>
      tpu.enqueue_dma source(%dma_start3A_489 : memref<1x64xf32, #tpu.memory_space<hbm>>) target(%dma_start3A_487 : memref<1x64xf32, #tpu.memory_space<vmem>>) target_semaphore(%arg18 : memref<!tpu.dma_semaphore, #tpu.memory_space<semaphore_mem>>)
      %slice3A_490 = vector.extract_strided_slice %get3A_125 {offsets = [15], sizes = [1], strides = [1]} : vector<16xi32> to vector<1xi32>
      %squeeze3A_491 = vector.extract %slice3A_490[0] : i32 from vector<1xi32>
      %slice3A_492 = vector.extract_strided_slice %get3A_131 {offsets = [15], sizes = [1], strides = [1]} : vector<16xi32> to vector<1xi32>
      %squeeze3A_493 = vector.extract %slice3A_492[0] : i32 from vector<1xi32>
      %mul3A_494 = arith.constant 16 : i32
      %mul3A_495 = arith.muli %scan3A_120, %mul3A_494 : i32
      %add3A_496 = arith.constant 15 : i32
      %add3A_497 = arith.addi %mul3A_495, %add3A_496 : i32
      %dma_start3A_498 = arith.constant 0 : i32
      %dma_start3A_499 = tpu.memref_slice %arg13[%add3A_497, %dma_start3A_498] : memref<128x64xf32, #tpu.memory_space<vmem>> -> memref<1x64xf32, #tpu.memory_space<vmem>>
      %dma_start3A_500 = arith.constant 0 : i32
      %dma_start3A_501 = tpu.memref_slice %arg4[%squeeze3A_491, %dma_start3A_500] : memref<1000000x64xf32, #tpu.memory_space<hbm>> -> memref<1x64xf32, #tpu.memory_space<hbm>>
      %dma_start3A_502 = arith.constant 0 : i32
      %dma_start3A_503 = tpu.memref_slice %arg13[%add3A_497, %dma_start3A_502] : memref<128x64xf32, #tpu.memory_space<vmem>> -> memref<1x64xf32, #tpu.memory_space<vmem>>
      %dma_start3A_504 = arith.constant 0 : i32
      %dma_start3A_505 = tpu.memref_slice %arg4[%squeeze3A_491, %dma_start3A_504] : memref<1000000x64xf32, #tpu.memory_space<hbm>> -> memref<1x64xf32, #tpu.memory_space<hbm>>
      tpu.enqueue_dma source(%dma_start3A_505 : memref<1x64xf32, #tpu.memory_space<hbm>>) target(%dma_start3A_503 : memref<1x64xf32, #tpu.memory_space<vmem>>) target_semaphore(%arg18 : memref<!tpu.dma_semaphore, #tpu.memory_space<semaphore_mem>>)
      %dma_start3A_506 = arith.constant 0 : i32
      %dma_start3A_507 = tpu.memref_slice %arg15[%add3A_497, %dma_start3A_506] : memref<128x64xf32, #tpu.memory_space<vmem>> -> memref<1x64xf32, #tpu.memory_space<vmem>>
      %dma_start3A_508 = arith.constant 0 : i32
      %dma_start3A_509 = tpu.memref_slice %arg5[%squeeze3A_493, %dma_start3A_508] : memref<100000x64xf32, #tpu.memory_space<hbm>> -> memref<1x64xf32, #tpu.memory_space<hbm>>
      %dma_start3A_510 = arith.constant 0 : i32
      %dma_start3A_511 = tpu.memref_slice %arg15[%add3A_497, %dma_start3A_510] : memref<128x64xf32, #tpu.memory_space<vmem>> -> memref<1x64xf32, #tpu.memory_space<vmem>>
      %dma_start3A_512 = arith.constant 0 : i32
      %dma_start3A_513 = tpu.memref_slice %arg5[%squeeze3A_493, %dma_start3A_512] : memref<100000x64xf32, #tpu.memory_space<hbm>> -> memref<1x64xf32, #tpu.memory_space<hbm>>
      tpu.enqueue_dma source(%dma_start3A_513 : memref<1x64xf32, #tpu.memory_space<hbm>>) target(%dma_start3A_511 : memref<1x64xf32, #tpu.memory_space<vmem>>) target_semaphore(%arg18 : memref<!tpu.dma_semaphore, #tpu.memory_space<semaphore_mem>>)
    }
    %scan3A_18 = arith.constant 8 : i32
    %scan3A_19 = arith.constant 0 : i32
    %scan3A_20 = arith.constant 0 : i32
    %scan3A_21 = arith.constant 8 : i32
    %scan3A_22 = arith.addi %scan3A_20, %scan3A_21 : i32
    %scan3A_23 = arith.constant 1 : i32
    scf.for %scan3A_120 = %scan3A_20 to %scan3A_22 step %scan3A_23  : i32 {
      %mul3A_121 = arith.constant 16 : i32
      %mul3A_122 = arith.muli %scan3A_120, %mul3A_121 : i32
      %add3A_123 = arith.constant 128 : i32
      %add3A_124 = arith.addi %add3A_123, %mul3A_122 : i32
      %get3A = arith.index_cast %add3A_124 : i32 to index
      %get3A_125 = tpu.vector_load %arg9[%get3A] {strides = array<i32>} : memref<512xi32, #tpu.memory_space<vmem>>, vector<16xi32>,
      %mul3A_126 = arith.constant 16 : i32
      %mul3A_127 = arith.muli %scan3A_120, %mul3A_126 : i32
      %add3A_128 = arith.constant 128 : i32
      %add3A_129 = arith.addi %add3A_128, %mul3A_127 : i32
      %get3A_130 = arith.index_cast %add3A_129 : i32 to index
      %get3A_131 = tpu.vector_load %arg10[%get3A_130] {strides = array<i32>} : memref<512xi32, #tpu.memory_space<vmem>>, vector<16xi32>,
      %slice3A = vector.extract_strided_slice %get3A_125 {offsets = [0], sizes = [1], strides = [1]} : vector<16xi32> to vector<1xi32>
      %squeeze3A = vector.extract %slice3A[0] : i32 from vector<1xi32>
      %slice3A_132 = vector.extract_strided_slice %get3A_131 {offsets = [0], sizes = [1], strides = [1]} : vector<16xi32> to vector<1xi32>
      %squeeze3A_133 = vector.extract %slice3A_132[0] : i32 from vector<1xi32>
      %mul3A_134 = arith.constant 16 : i32
      %mul3A_135 = arith.muli %scan3A_120, %mul3A_134 : i32
      %add3A_136 = arith.constant 0 : i32
      %add3A_137 = arith.addi %mul3A_135, %add3A_136 : i32
      %dma_start3A_138 = arith.constant 0 : i32
      %dma_start3A_139 = tpu.memref_slice %arg14[%add3A_137, %dma_start3A_138] : memref<128x64xf32, #tpu.memory_space<vmem>> -> memref<1x64xf32, #tpu.memory_space<vmem>>
      %dma_start3A_140 = arith.constant 0 : i32
      %dma_start3A_141 = tpu.memref_slice %arg4[%squeeze3A, %dma_start3A_140] : memref<1000000x64xf32, #tpu.memory_space<hbm>> -> memref<1x64xf32, #tpu.memory_space<hbm>>
      %dma_start3A_142 = arith.constant 0 : i32
      %dma_start3A_143 = tpu.memref_slice %arg14[%add3A_137, %dma_start3A_142] : memref<128x64xf32, #tpu.memory_space<vmem>> -> memref<1x64xf32, #tpu.memory_space<vmem>>
      %dma_start3A_144 = arith.constant 0 : i32
      %dma_start3A_145 = tpu.memref_slice %arg4[%squeeze3A, %dma_start3A_144] : memref<1000000x64xf32, #tpu.memory_space<hbm>> -> memref<1x64xf32, #tpu.memory_space<hbm>>
      tpu.enqueue_dma source(%dma_start3A_145 : memref<1x64xf32, #tpu.memory_space<hbm>>) target(%dma_start3A_143 : memref<1x64xf32, #tpu.memory_space<vmem>>) target_semaphore(%arg19 : memref<!tpu.dma_semaphore, #tpu.memory_space<semaphore_mem>>)
      %dma_start3A_146 = arith.constant 0 : i32
      %dma_start3A_147 = tpu.memref_slice %arg16[%add3A_137, %dma_start3A_146] : memref<128x64xf32, #tpu.memory_space<vmem>> -> memref<1x64xf32, #tpu.memory_space<vmem>>
      %dma_start3A_148 = arith.constant 0 : i32
      %dma_start3A_149 = tpu.memref_slice %arg5[%squeeze3A_133, %dma_start3A_148] : memref<100000x64xf32, #tpu.memory_space<hbm>> -> memref<1x64xf32, #tpu.memory_space<hbm>>
      %dma_start3A_150 = arith.constant 0 : i32
      %dma_start3A_151 = tpu.memref_slice %arg16[%add3A_137, %dma_start3A_150] : memref<128x64xf32, #tpu.memory_space<vmem>> -> memref<1x64xf32, #tpu.memory_space<vmem>>
      %dma_start3A_152 = arith.constant 0 : i32
      %dma_start3A_153 = tpu.memref_slice %arg5[%squeeze3A_133, %dma_start3A_152] : memref<100000x64xf32, #tpu.memory_space<hbm>> -> memref<1x64xf32, #tpu.memory_space<hbm>>
      tpu.enqueue_dma source(%dma_start3A_153 : memref<1x64xf32, #tpu.memory_space<hbm>>) target(%dma_start3A_151 : memref<1x64xf32, #tpu.memory_space<vmem>>) target_semaphore(%arg19 : memref<!tpu.dma_semaphore, #tpu.memory_space<semaphore_mem>>)
      %slice3A_154 = vector.extract_strided_slice %get3A_125 {offsets = [1], sizes = [1], strides = [1]} : vector<16xi32> to vector<1xi32>
      %squeeze3A_155 = vector.extract %slice3A_154[0] : i32 from vector<1xi32>
      %slice3A_156 = vector.extract_strided_slice %get3A_131 {offsets = [1], sizes = [1], strides = [1]} : vector<16xi32> to vector<1xi32>
      %squeeze3A_157 = vector.extract %slice3A_156[0] : i32 from vector<1xi32>
      %mul3A_158 = arith.constant 16 : i32
      %mul3A_159 = arith.muli %scan3A_120, %mul3A_158 : i32
      %add3A_160 = arith.constant 1 : i32
      %add3A_161 = arith.addi %mul3A_159, %add3A_160 : i32
      %dma_start3A_162 = arith.constant 0 : i32
      %dma_start3A_163 = tpu.memref_slice %arg14[%add3A_161, %dma_start3A_162] : memref<128x64xf32, #tpu.memory_space<vmem>> -> memref<1x64xf32, #tpu.memory_space<vmem>>
      %dma_start3A_164 = arith.constant 0 : i32
      %dma_start3A_165 = tpu.memref_slice %arg4[%squeeze3A_155, %dma_start3A_164] : memref<1000000x64xf32, #tpu.memory_space<hbm>> -> memref<1x64xf32, #tpu.memory_space<hbm>>
      %dma_start3A_166 = arith.constant 0 : i32
      %dma_start3A_167 = tpu.memref_slice %arg14[%add3A_161, %dma_start3A_166] : memref<128x64xf32, #tpu.memory_space<vmem>> -> memref<1x64xf32, #tpu.memory_space<vmem>>
      %dma_start3A_168 = arith.constant 0 : i32
      %dma_start3A_169 = tpu.memref_slice %arg4[%squeeze3A_155, %dma_start3A_168] : memref<1000000x64xf32, #tpu.memory_space<hbm>> -> memref<1x64xf32, #tpu.memory_space<hbm>>
      tpu.enqueue_dma source(%dma_start3A_169 : memref<1x64xf32, #tpu.memory_space<hbm>>) target(%dma_start3A_167 : memref<1x64xf32, #tpu.memory_space<vmem>>) target_semaphore(%arg19 : memref<!tpu.dma_semaphore, #tpu.memory_space<semaphore_mem>>)
      %dma_start3A_170 = arith.constant 0 : i32
      %dma_start3A_171 = tpu.memref_slice %arg16[%add3A_161, %dma_start3A_170] : memref<128x64xf32, #tpu.memory_space<vmem>> -> memref<1x64xf32, #tpu.memory_space<vmem>>
      %dma_start3A_172 = arith.constant 0 : i32
      %dma_start3A_173 = tpu.memref_slice %arg5[%squeeze3A_157, %dma_start3A_172] : memref<100000x64xf32, #tpu.memory_space<hbm>> -> memref<1x64xf32, #tpu.memory_space<hbm>>
      %dma_start3A_174 = arith.constant 0 : i32
      %dma_start3A_175 = tpu.memref_slice %arg16[%add3A_161, %dma_start3A_174] : memref<128x64xf32, #tpu.memory_space<vmem>> -> memref<1x64xf32, #tpu.memory_space<vmem>>
      %dma_start3A_176 = arith.constant 0 : i32
      %dma_start3A_177 = tpu.memref_slice %arg5[%squeeze3A_157, %dma_start3A_176] : memref<100000x64xf32, #tpu.memory_space<hbm>> -> memref<1x64xf32, #tpu.memory_space<hbm>>
      tpu.enqueue_dma source(%dma_start3A_177 : memref<1x64xf32, #tpu.memory_space<hbm>>) target(%dma_start3A_175 : memref<1x64xf32, #tpu.memory_space<vmem>>) target_semaphore(%arg19 : memref<!tpu.dma_semaphore, #tpu.memory_space<semaphore_mem>>)
      %slice3A_178 = vector.extract_strided_slice %get3A_125 {offsets = [2], sizes = [1], strides = [1]} : vector<16xi32> to vector<1xi32>
      %squeeze3A_179 = vector.extract %slice3A_178[0] : i32 from vector<1xi32>
      %slice3A_180 = vector.extract_strided_slice %get3A_131 {offsets = [2], sizes = [1], strides = [1]} : vector<16xi32> to vector<1xi32>
      %squeeze3A_181 = vector.extract %slice3A_180[0] : i32 from vector<1xi32>
      %mul3A_182 = arith.constant 16 : i32
      %mul3A_183 = arith.muli %scan3A_120, %mul3A_182 : i32
      %add3A_184 = arith.constant 2 : i32
      %add3A_185 = arith.addi %mul3A_183, %add3A_184 : i32
      %dma_start3A_186 = arith.constant 0 : i32
      %dma_start3A_187 = tpu.memref_slice %arg14[%add3A_185, %dma_start3A_186] : memref<128x64xf32, #tpu.memory_space<vmem>> -> memref<1x64xf32, #tpu.memory_space<vmem>>
      %dma_start3A_188 = arith.constant 0 : i32
      %dma_start3A_189 = tpu.memref_slice %arg4[%squeeze3A_179, %dma_start3A_188] : memref<1000000x64xf32, #tpu.memory_space<hbm>> -> memref<1x64xf32, #tpu.memory_space<hbm>>
      %dma_start3A_190 = arith.constant 0 : i32
      %dma_start3A_191 = tpu.memref_slice %arg14[%add3A_185, %dma_start3A_190] : memref<128x64xf32, #tpu.memory_space<vmem>> -> memref<1x64xf32, #tpu.memory_space<vmem>>
      %dma_start3A_192 = arith.constant 0 : i32
      %dma_start3A_193 = tpu.memref_slice %arg4[%squeeze3A_179, %dma_start3A_192] : memref<1000000x64xf32, #tpu.memory_space<hbm>> -> memref<1x64xf32, #tpu.memory_space<hbm>>
      tpu.enqueue_dma source(%dma_start3A_193 : memref<1x64xf32, #tpu.memory_space<hbm>>) target(%dma_start3A_191 : memref<1x64xf32, #tpu.memory_space<vmem>>) target_semaphore(%arg19 : memref<!tpu.dma_semaphore, #tpu.memory_space<semaphore_mem>>)
      %dma_start3A_194 = arith.constant 0 : i32
      %dma_start3A_195 = tpu.memref_slice %arg16[%add3A_185, %dma_start3A_194] : memref<128x64xf32, #tpu.memory_space<vmem>> -> memref<1x64xf32, #tpu.memory_space<vmem>>
      %dma_start3A_196 = arith.constant 0 : i32
      %dma_start3A_197 = tpu.memref_slice %arg5[%squeeze3A_181, %dma_start3A_196] : memref<100000x64xf32, #tpu.memory_space<hbm>> -> memref<1x64xf32, #tpu.memory_space<hbm>>
      %dma_start3A_198 = arith.constant 0 : i32
      %dma_start3A_199 = tpu.memref_slice %arg16[%add3A_185, %dma_start3A_198] : memref<128x64xf32, #tpu.memory_space<vmem>> -> memref<1x64xf32, #tpu.memory_space<vmem>>
      %dma_start3A_200 = arith.constant 0 : i32
      %dma_start3A_201 = tpu.memref_slice %arg5[%squeeze3A_181, %dma_start3A_200] : memref<100000x64xf32, #tpu.memory_space<hbm>> -> memref<1x64xf32, #tpu.memory_space<hbm>>
      tpu.enqueue_dma source(%dma_start3A_201 : memref<1x64xf32, #tpu.memory_space<hbm>>) target(%dma_start3A_199 : memref<1x64xf32, #tpu.memory_space<vmem>>) target_semaphore(%arg19 : memref<!tpu.dma_semaphore, #tpu.memory_space<semaphore_mem>>)
      %slice3A_202 = vector.extract_strided_slice %get3A_125 {offsets = [3], sizes = [1], strides = [1]} : vector<16xi32> to vector<1xi32>
      %squeeze3A_203 = vector.extract %slice3A_202[0] : i32 from vector<1xi32>
      %slice3A_204 = vector.extract_strided_slice %get3A_131 {offsets = [3], sizes = [1], strides = [1]} : vector<16xi32> to vector<1xi32>
      %squeeze3A_205 = vector.extract %slice3A_204[0] : i32 from vector<1xi32>
      %mul3A_206 = arith.constant 16 : i32
      %mul3A_207 = arith.muli %scan3A_120, %mul3A_206 : i32
      %add3A_208 = arith.constant 3 : i32
      %add3A_209 = arith.addi %mul3A_207, %add3A_208 : i32
      %dma_start3A_210 = arith.constant 0 : i32
      %dma_start3A_211 = tpu.memref_slice %arg14[%add3A_209, %dma_start3A_210] : memref<128x64xf32, #tpu.memory_space<vmem>> -> memref<1x64xf32, #tpu.memory_space<vmem>>
      %dma_start3A_212 = arith.constant 0 : i32
      %dma_start3A_213 = tpu.memref_slice %arg4[%squeeze3A_203, %dma_start3A_212] : memref<1000000x64xf32, #tpu.memory_space<hbm>> -> memref<1x64xf32, #tpu.memory_space<hbm>>
      %dma_start3A_214 = arith.constant 0 : i32
      %dma_start3A_215 = tpu.memref_slice %arg14[%add3A_209, %dma_start3A_214] : memref<128x64xf32, #tpu.memory_space<vmem>> -> memref<1x64xf32, #tpu.memory_space<vmem>>
      %dma_start3A_216 = arith.constant 0 : i32
      %dma_start3A_217 = tpu.memref_slice %arg4[%squeeze3A_203, %dma_start3A_216] : memref<1000000x64xf32, #tpu.memory_space<hbm>> -> memref<1x64xf32, #tpu.memory_space<hbm>>
      tpu.enqueue_dma source(%dma_start3A_217 : memref<1x64xf32, #tpu.memory_space<hbm>>) target(%dma_start3A_215 : memref<1x64xf32, #tpu.memory_space<vmem>>) target_semaphore(%arg19 : memref<!tpu.dma_semaphore, #tpu.memory_space<semaphore_mem>>)
      %dma_start3A_218 = arith.constant 0 : i32
      %dma_start3A_219 = tpu.memref_slice %arg16[%add3A_209, %dma_start3A_218] : memref<128x64xf32, #tpu.memory_space<vmem>> -> memref<1x64xf32, #tpu.memory_space<vmem>>
      %dma_start3A_220 = arith.constant 0 : i32
      %dma_start3A_221 = tpu.memref_slice %arg5[%squeeze3A_205, %dma_start3A_220] : memref<100000x64xf32, #tpu.memory_space<hbm>> -> memref<1x64xf32, #tpu.memory_space<hbm>>
      %dma_start3A_222 = arith.constant 0 : i32
      %dma_start3A_223 = tpu.memref_slice %arg16[%add3A_209, %dma_start3A_222] : memref<128x64xf32, #tpu.memory_space<vmem>> -> memref<1x64xf32, #tpu.memory_space<vmem>>
      %dma_start3A_224 = arith.constant 0 : i32
      %dma_start3A_225 = tpu.memref_slice %arg5[%squeeze3A_205, %dma_start3A_224] : memref<100000x64xf32, #tpu.memory_space<hbm>> -> memref<1x64xf32, #tpu.memory_space<hbm>>
      tpu.enqueue_dma source(%dma_start3A_225 : memref<1x64xf32, #tpu.memory_space<hbm>>) target(%dma_start3A_223 : memref<1x64xf32, #tpu.memory_space<vmem>>) target_semaphore(%arg19 : memref<!tpu.dma_semaphore, #tpu.memory_space<semaphore_mem>>)
      %slice3A_226 = vector.extract_strided_slice %get3A_125 {offsets = [4], sizes = [1], strides = [1]} : vector<16xi32> to vector<1xi32>
      %squeeze3A_227 = vector.extract %slice3A_226[0] : i32 from vector<1xi32>
      %slice3A_228 = vector.extract_strided_slice %get3A_131 {offsets = [4], sizes = [1], strides = [1]} : vector<16xi32> to vector<1xi32>
      %squeeze3A_229 = vector.extract %slice3A_228[0] : i32 from vector<1xi32>
      %mul3A_230 = arith.constant 16 : i32
      %mul3A_231 = arith.muli %scan3A_120, %mul3A_230 : i32
      %add3A_232 = arith.constant 4 : i32
      %add3A_233 = arith.addi %mul3A_231, %add3A_232 : i32
      %dma_start3A_234 = arith.constant 0 : i32
      %dma_start3A_235 = tpu.memref_slice %arg14[%add3A_233, %dma_start3A_234] : memref<128x64xf32, #tpu.memory_space<vmem>> -> memref<1x64xf32, #tpu.memory_space<vmem>>
      %dma_start3A_236 = arith.constant 0 : i32
      %dma_start3A_237 = tpu.memref_slice %arg4[%squeeze3A_227, %dma_start3A_236] : memref<1000000x64xf32, #tpu.memory_space<hbm>> -> memref<1x64xf32, #tpu.memory_space<hbm>>
      %dma_start3A_238 = arith.constant 0 : i32
      %dma_start3A_239 = tpu.memref_slice %arg14[%add3A_233, %dma_start3A_238] : memref<128x64xf32, #tpu.memory_space<vmem>> -> memref<1x64xf32, #tpu.memory_space<vmem>>
      %dma_start3A_240 = arith.constant 0 : i32
      %dma_start3A_241 = tpu.memref_slice %arg4[%squeeze3A_227, %dma_start3A_240] : memref<1000000x64xf32, #tpu.memory_space<hbm>> -> memref<1x64xf32, #tpu.memory_space<hbm>>
      tpu.enqueue_dma source(%dma_start3A_241 : memref<1x64xf32, #tpu.memory_space<hbm>>) target(%dma_start3A_239 : memref<1x64xf32, #tpu.memory_space<vmem>>) target_semaphore(%arg19 : memref<!tpu.dma_semaphore, #tpu.memory_space<semaphore_mem>>)
      %dma_start3A_242 = arith.constant 0 : i32
      %dma_start3A_243 = tpu.memref_slice %arg16[%add3A_233, %dma_start3A_242] : memref<128x64xf32, #tpu.memory_space<vmem>> -> memref<1x64xf32, #tpu.memory_space<vmem>>
      %dma_start3A_244 = arith.constant 0 : i32
      %dma_start3A_245 = tpu.memref_slice %arg5[%squeeze3A_229, %dma_start3A_244] : memref<100000x64xf32, #tpu.memory_space<hbm>> -> memref<1x64xf32, #tpu.memory_space<hbm>>
      %dma_start3A_246 = arith.constant 0 : i32
      %dma_start3A_247 = tpu.memref_slice %arg16[%add3A_233, %dma_start3A_246] : memref<128x64xf32, #tpu.memory_space<vmem>> -> memref<1x64xf32, #tpu.memory_space<vmem>>
      %dma_start3A_248 = arith.constant 0 : i32
      %dma_start3A_249 = tpu.memref_slice %arg5[%squeeze3A_229, %dma_start3A_248] : memref<100000x64xf32, #tpu.memory_space<hbm>> -> memref<1x64xf32, #tpu.memory_space<hbm>>
      tpu.enqueue_dma source(%dma_start3A_249 : memref<1x64xf32, #tpu.memory_space<hbm>>) target(%dma_start3A_247 : memref<1x64xf32, #tpu.memory_space<vmem>>) target_semaphore(%arg19 : memref<!tpu.dma_semaphore, #tpu.memory_space<semaphore_mem>>)
      %slice3A_250 = vector.extract_strided_slice %get3A_125 {offsets = [5], sizes = [1], strides = [1]} : vector<16xi32> to vector<1xi32>
      %squeeze3A_251 = vector.extract %slice3A_250[0] : i32 from vector<1xi32>
      %slice3A_252 = vector.extract_strided_slice %get3A_131 {offsets = [5], sizes = [1], strides = [1]} : vector<16xi32> to vector<1xi32>
      %squeeze3A_253 = vector.extract %slice3A_252[0] : i32 from vector<1xi32>
      %mul3A_254 = arith.constant 16 : i32
      %mul3A_255 = arith.muli %scan3A_120, %mul3A_254 : i32
      %add3A_256 = arith.constant 5 : i32
      %add3A_257 = arith.addi %mul3A_255, %add3A_256 : i32
      %dma_start3A_258 = arith.constant 0 : i32
      %dma_start3A_259 = tpu.memref_slice %arg14[%add3A_257, %dma_start3A_258] : memref<128x64xf32, #tpu.memory_space<vmem>> -> memref<1x64xf32, #tpu.memory_space<vmem>>
      %dma_start3A_260 = arith.constant 0 : i32
      %dma_start3A_261 = tpu.memref_slice %arg4[%squeeze3A_251, %dma_start3A_260] : memref<1000000x64xf32, #tpu.memory_space<hbm>> -> memref<1x64xf32, #tpu.memory_space<hbm>>
      %dma_start3A_262 = arith.constant 0 : i32
      %dma_start3A_263 = tpu.memref_slice %arg14[%add3A_257, %dma_start3A_262] : memref<128x64xf32, #tpu.memory_space<vmem>> -> memref<1x64xf32, #tpu.memory_space<vmem>>
      %dma_start3A_264 = arith.constant 0 : i32
      %dma_start3A_265 = tpu.memref_slice %arg4[%squeeze3A_251, %dma_start3A_264] : memref<1000000x64xf32, #tpu.memory_space<hbm>> -> memref<1x64xf32, #tpu.memory_space<hbm>>
      tpu.enqueue_dma source(%dma_start3A_265 : memref<1x64xf32, #tpu.memory_space<hbm>>) target(%dma_start3A_263 : memref<1x64xf32, #tpu.memory_space<vmem>>) target_semaphore(%arg19 : memref<!tpu.dma_semaphore, #tpu.memory_space<semaphore_mem>>)
      %dma_start3A_266 = arith.constant 0 : i32
      %dma_start3A_267 = tpu.memref_slice %arg16[%add3A_257, %dma_start3A_266] : memref<128x64xf32, #tpu.memory_space<vmem>> -> memref<1x64xf32, #tpu.memory_space<vmem>>
      %dma_start3A_268 = arith.constant 0 : i32
      %dma_start3A_269 = tpu.memref_slice %arg5[%squeeze3A_253, %dma_start3A_268] : memref<100000x64xf32, #tpu.memory_space<hbm>> -> memref<1x64xf32, #tpu.memory_space<hbm>>
      %dma_start3A_270 = arith.constant 0 : i32
      %dma_start3A_271 = tpu.memref_slice %arg16[%add3A_257, %dma_start3A_270] : memref<128x64xf32, #tpu.memory_space<vmem>> -> memref<1x64xf32, #tpu.memory_space<vmem>>
      %dma_start3A_272 = arith.constant 0 : i32
      %dma_start3A_273 = tpu.memref_slice %arg5[%squeeze3A_253, %dma_start3A_272] : memref<100000x64xf32, #tpu.memory_space<hbm>> -> memref<1x64xf32, #tpu.memory_space<hbm>>
      tpu.enqueue_dma source(%dma_start3A_273 : memref<1x64xf32, #tpu.memory_space<hbm>>) target(%dma_start3A_271 : memref<1x64xf32, #tpu.memory_space<vmem>>) target_semaphore(%arg19 : memref<!tpu.dma_semaphore, #tpu.memory_space<semaphore_mem>>)
      %slice3A_274 = vector.extract_strided_slice %get3A_125 {offsets = [6], sizes = [1], strides = [1]} : vector<16xi32> to vector<1xi32>
      %squeeze3A_275 = vector.extract %slice3A_274[0] : i32 from vector<1xi32>
      %slice3A_276 = vector.extract_strided_slice %get3A_131 {offsets = [6], sizes = [1], strides = [1]} : vector<16xi32> to vector<1xi32>
      %squeeze3A_277 = vector.extract %slice3A_276[0] : i32 from vector<1xi32>
      %mul3A_278 = arith.constant 16 : i32
      %mul3A_279 = arith.muli %scan3A_120, %mul3A_278 : i32
      %add3A_280 = arith.constant 6 : i32
      %add3A_281 = arith.addi %mul3A_279, %add3A_280 : i32
      %dma_start3A_282 = arith.constant 0 : i32
      %dma_start3A_283 = tpu.memref_slice %arg14[%add3A_281, %dma_start3A_282] : memref<128x64xf32, #tpu.memory_space<vmem>> -> memref<1x64xf32, #tpu.memory_space<vmem>>
      %dma_start3A_284 = arith.constant 0 : i32
      %dma_start3A_285 = tpu.memref_slice %arg4[%squeeze3A_275, %dma_start3A_284] : memref<1000000x64xf32, #tpu.memory_space<hbm>> -> memref<1x64xf32, #tpu.memory_space<hbm>>
      %dma_start3A_286 = arith.constant 0 : i32
      %dma_start3A_287 = tpu.memref_slice %arg14[%add3A_281, %dma_start3A_286] : memref<128x64xf32, #tpu.memory_space<vmem>> -> memref<1x64xf32, #tpu.memory_space<vmem>>
      %dma_start3A_288 = arith.constant 0 : i32
      %dma_start3A_289 = tpu.memref_slice %arg4[%squeeze3A_275, %dma_start3A_288] : memref<1000000x64xf32, #tpu.memory_space<hbm>> -> memref<1x64xf32, #tpu.memory_space<hbm>>
      tpu.enqueue_dma source(%dma_start3A_289 : memref<1x64xf32, #tpu.memory_space<hbm>>) target(%dma_start3A_287 : memref<1x64xf32, #tpu.memory_space<vmem>>) target_semaphore(%arg19 : memref<!tpu.dma_semaphore, #tpu.memory_space<semaphore_mem>>)
      %dma_start3A_290 = arith.constant 0 : i32
      %dma_start3A_291 = tpu.memref_slice %arg16[%add3A_281, %dma_start3A_290] : memref<128x64xf32, #tpu.memory_space<vmem>> -> memref<1x64xf32, #tpu.memory_space<vmem>>
      %dma_start3A_292 = arith.constant 0 : i32
      %dma_start3A_293 = tpu.memref_slice %arg5[%squeeze3A_277, %dma_start3A_292] : memref<100000x64xf32, #tpu.memory_space<hbm>> -> memref<1x64xf32, #tpu.memory_space<hbm>>
      %dma_start3A_294 = arith.constant 0 : i32
      %dma_start3A_295 = tpu.memref_slice %arg16[%add3A_281, %dma_start3A_294] : memref<128x64xf32, #tpu.memory_space<vmem>> -> memref<1x64xf32, #tpu.memory_space<vmem>>
      %dma_start3A_296 = arith.constant 0 : i32
      %dma_start3A_297 = tpu.memref_slice %arg5[%squeeze3A_277, %dma_start3A_296] : memref<100000x64xf32, #tpu.memory_space<hbm>> -> memref<1x64xf32, #tpu.memory_space<hbm>>
      tpu.enqueue_dma source(%dma_start3A_297 : memref<1x64xf32, #tpu.memory_space<hbm>>) target(%dma_start3A_295 : memref<1x64xf32, #tpu.memory_space<vmem>>) target_semaphore(%arg19 : memref<!tpu.dma_semaphore, #tpu.memory_space<semaphore_mem>>)
      %slice3A_298 = vector.extract_strided_slice %get3A_125 {offsets = [7], sizes = [1], strides = [1]} : vector<16xi32> to vector<1xi32>
      %squeeze3A_299 = vector.extract %slice3A_298[0] : i32 from vector<1xi32>
      %slice3A_300 = vector.extract_strided_slice %get3A_131 {offsets = [7], sizes = [1], strides = [1]} : vector<16xi32> to vector<1xi32>
      %squeeze3A_301 = vector.extract %slice3A_300[0] : i32 from vector<1xi32>
      %mul3A_302 = arith.constant 16 : i32
      %mul3A_303 = arith.muli %scan3A_120, %mul3A_302 : i32
      %add3A_304 = arith.constant 7 : i32
      %add3A_305 = arith.addi %mul3A_303, %add3A_304 : i32
      %dma_start3A_306 = arith.constant 0 : i32
      %dma_start3A_307 = tpu.memref_slice %arg14[%add3A_305, %dma_start3A_306] : memref<128x64xf32, #tpu.memory_space<vmem>> -> memref<1x64xf32, #tpu.memory_space<vmem>>
      %dma_start3A_308 = arith.constant 0 : i32
      %dma_start3A_309 = tpu.memref_slice %arg4[%squeeze3A_299, %dma_start3A_308] : memref<1000000x64xf32, #tpu.memory_space<hbm>> -> memref<1x64xf32, #tpu.memory_space<hbm>>
      %dma_start3A_310 = arith.constant 0 : i32
      %dma_start3A_311 = tpu.memref_slice %arg14[%add3A_305, %dma_start3A_310] : memref<128x64xf32, #tpu.memory_space<vmem>> -> memref<1x64xf32, #tpu.memory_space<vmem>>
      %dma_start3A_312 = arith.constant 0 : i32
      %dma_start3A_313 = tpu.memref_slice %arg4[%squeeze3A_299, %dma_start3A_312] : memref<1000000x64xf32, #tpu.memory_space<hbm>> -> memref<1x64xf32, #tpu.memory_space<hbm>>
      tpu.enqueue_dma source(%dma_start3A_313 : memref<1x64xf32, #tpu.memory_space<hbm>>) target(%dma_start3A_311 : memref<1x64xf32, #tpu.memory_space<vmem>>) target_semaphore(%arg19 : memref<!tpu.dma_semaphore, #tpu.memory_space<semaphore_mem>>)
      %dma_start3A_314 = arith.constant 0 : i32
      %dma_start3A_315 = tpu.memref_slice %arg16[%add3A_305, %dma_start3A_314] : memref<128x64xf32, #tpu.memory_space<vmem>> -> memref<1x64xf32, #tpu.memory_space<vmem>>
      %dma_start3A_316 = arith.constant 0 : i32
      %dma_start3A_317 = tpu.memref_slice %arg5[%squeeze3A_301, %dma_start3A_316] : memref<100000x64xf32, #tpu.memory_space<hbm>> -> memref<1x64xf32, #tpu.memory_space<hbm>>
      %dma_start3A_318 = arith.constant 0 : i32
      %dma_start3A_319 = tpu.memref_slice %arg16[%add3A_305, %dma_start3A_318] : memref<128x64xf32, #tpu.memory_space<vmem>> -> memref<1x64xf32, #tpu.memory_space<vmem>>
      %dma_start3A_320 = arith.constant 0 : i32
      %dma_start3A_321 = tpu.memref_slice %arg5[%squeeze3A_301, %dma_start3A_320] : memref<100000x64xf32, #tpu.memory_space<hbm>> -> memref<1x64xf32, #tpu.memory_space<hbm>>
      tpu.enqueue_dma source(%dma_start3A_321 : memref<1x64xf32, #tpu.memory_space<hbm>>) target(%dma_start3A_319 : memref<1x64xf32, #tpu.memory_space<vmem>>) target_semaphore(%arg19 : memref<!tpu.dma_semaphore, #tpu.memory_space<semaphore_mem>>)
      %slice3A_322 = vector.extract_strided_slice %get3A_125 {offsets = [8], sizes = [1], strides = [1]} : vector<16xi32> to vector<1xi32>
      %squeeze3A_323 = vector.extract %slice3A_322[0] : i32 from vector<1xi32>
      %slice3A_324 = vector.extract_strided_slice %get3A_131 {offsets = [8], sizes = [1], strides = [1]} : vector<16xi32> to vector<1xi32>
      %squeeze3A_325 = vector.extract %slice3A_324[0] : i32 from vector<1xi32>
      %mul3A_326 = arith.constant 16 : i32
      %mul3A_327 = arith.muli %scan3A_120, %mul3A_326 : i32
      %add3A_328 = arith.constant 8 : i32
      %add3A_329 = arith.addi %mul3A_327, %add3A_328 : i32
      %dma_start3A_330 = arith.constant 0 : i32
      %dma_start3A_331 = tpu.memref_slice %arg14[%add3A_329, %dma_start3A_330] : memref<128x64xf32, #tpu.memory_space<vmem>> -> memref<1x64xf32, #tpu.memory_space<vmem>>
      %dma_start3A_332 = arith.constant 0 : i32
      %dma_start3A_333 = tpu.memref_slice %arg4[%squeeze3A_323, %dma_start3A_332] : memref<1000000x64xf32, #tpu.memory_space<hbm>> -> memref<1x64xf32, #tpu.memory_space<hbm>>
      %dma_start3A_334 = arith.constant 0 : i32
      %dma_start3A_335 = tpu.memref_slice %arg14[%add3A_329, %dma_start3A_334] : memref<128x64xf32, #tpu.memory_space<vmem>> -> memref<1x64xf32, #tpu.memory_space<vmem>>
      %dma_start3A_336 = arith.constant 0 : i32
      %dma_start3A_337 = tpu.memref_slice %arg4[%squeeze3A_323, %dma_start3A_336] : memref<1000000x64xf32, #tpu.memory_space<hbm>> -> memref<1x64xf32, #tpu.memory_space<hbm>>
      tpu.enqueue_dma source(%dma_start3A_337 : memref<1x64xf32, #tpu.memory_space<hbm>>) target(%dma_start3A_335 : memref<1x64xf32, #tpu.memory_space<vmem>>) target_semaphore(%arg19 : memref<!tpu.dma_semaphore, #tpu.memory_space<semaphore_mem>>)
      %dma_start3A_338 = arith.constant 0 : i32
      %dma_start3A_339 = tpu.memref_slice %arg16[%add3A_329, %dma_start3A_338] : memref<128x64xf32, #tpu.memory_space<vmem>> -> memref<1x64xf32, #tpu.memory_space<vmem>>
      %dma_start3A_340 = arith.constant 0 : i32
      %dma_start3A_341 = tpu.memref_slice %arg5[%squeeze3A_325, %dma_start3A_340] : memref<100000x64xf32, #tpu.memory_space<hbm>> -> memref<1x64xf32, #tpu.memory_space<hbm>>
      %dma_start3A_342 = arith.constant 0 : i32
      %dma_start3A_343 = tpu.memref_slice %arg16[%add3A_329, %dma_start3A_342] : memref<128x64xf32, #tpu.memory_space<vmem>> -> memref<1x64xf32, #tpu.memory_space<vmem>>
      %dma_start3A_344 = arith.constant 0 : i32
      %dma_start3A_345 = tpu.memref_slice %arg5[%squeeze3A_325, %dma_start3A_344] : memref<100000x64xf32, #tpu.memory_space<hbm>> -> memref<1x64xf32, #tpu.memory_space<hbm>>
      tpu.enqueue_dma source(%dma_start3A_345 : memref<1x64xf32, #tpu.memory_space<hbm>>) target(%dma_start3A_343 : memref<1x64xf32, #tpu.memory_space<vmem>>) target_semaphore(%arg19 : memref<!tpu.dma_semaphore, #tpu.memory_space<semaphore_mem>>)
      %slice3A_346 = vector.extract_strided_slice %get3A_125 {offsets = [9], sizes = [1], strides = [1]} : vector<16xi32> to vector<1xi32>
      %squeeze3A_347 = vector.extract %slice3A_346[0] : i32 from vector<1xi32>
      %slice3A_348 = vector.extract_strided_slice %get3A_131 {offsets = [9], sizes = [1], strides = [1]} : vector<16xi32> to vector<1xi32>
      %squeeze3A_349 = vector.extract %slice3A_348[0] : i32 from vector<1xi32>
      %mul3A_350 = arith.constant 16 : i32
      %mul3A_351 = arith.muli %scan3A_120, %mul3A_350 : i32
      %add3A_352 = arith.constant 9 : i32
      %add3A_353 = arith.addi %mul3A_351, %add3A_352 : i32
      %dma_start3A_354 = arith.constant 0 : i32
      %dma_start3A_355 = tpu.memref_slice %arg14[%add3A_353, %dma_start3A_354] : memref<128x64xf32, #tpu.memory_space<vmem>> -> memref<1x64xf32, #tpu.memory_space<vmem>>
      %dma_start3A_356 = arith.constant 0 : i32
      %dma_start3A_357 = tpu.memref_slice %arg4[%squeeze3A_347, %dma_start3A_356] : memref<1000000x64xf32, #tpu.memory_space<hbm>> -> memref<1x64xf32, #tpu.memory_space<hbm>>
      %dma_start3A_358 = arith.constant 0 : i32
      %dma_start3A_359 = tpu.memref_slice %arg14[%add3A_353, %dma_start3A_358] : memref<128x64xf32, #tpu.memory_space<vmem>> -> memref<1x64xf32, #tpu.memory_space<vmem>>
      %dma_start3A_360 = arith.constant 0 : i32
      %dma_start3A_361 = tpu.memref_slice %arg4[%squeeze3A_347, %dma_start3A_360] : memref<1000000x64xf32, #tpu.memory_space<hbm>> -> memref<1x64xf32, #tpu.memory_space<hbm>>
      tpu.enqueue_dma source(%dma_start3A_361 : memref<1x64xf32, #tpu.memory_space<hbm>>) target(%dma_start3A_359 : memref<1x64xf32, #tpu.memory_space<vmem>>) target_semaphore(%arg19 : memref<!tpu.dma_semaphore, #tpu.memory_space<semaphore_mem>>)
      %dma_start3A_362 = arith.constant 0 : i32
      %dma_start3A_363 = tpu.memref_slice %arg16[%add3A_353, %dma_start3A_362] : memref<128x64xf32, #tpu.memory_space<vmem>> -> memref<1x64xf32, #tpu.memory_space<vmem>>
      %dma_start3A_364 = arith.constant 0 : i32
      %dma_start3A_365 = tpu.memref_slice %arg5[%squeeze3A_349, %dma_start3A_364] : memref<100000x64xf32, #tpu.memory_space<hbm>> -> memref<1x64xf32, #tpu.memory_space<hbm>>
      %dma_start3A_366 = arith.constant 0 : i32
      %dma_start3A_367 = tpu.memref_slice %arg16[%add3A_353, %dma_start3A_366] : memref<128x64xf32, #tpu.memory_space<vmem>> -> memref<1x64xf32, #tpu.memory_space<vmem>>
      %dma_start3A_368 = arith.constant 0 : i32
      %dma_start3A_369 = tpu.memref_slice %arg5[%squeeze3A_349, %dma_start3A_368] : memref<100000x64xf32, #tpu.memory_space<hbm>> -> memref<1x64xf32, #tpu.memory_space<hbm>>
      tpu.enqueue_dma source(%dma_start3A_369 : memref<1x64xf32, #tpu.memory_space<hbm>>) target(%dma_start3A_367 : memref<1x64xf32, #tpu.memory_space<vmem>>) target_semaphore(%arg19 : memref<!tpu.dma_semaphore, #tpu.memory_space<semaphore_mem>>)
      %slice3A_370 = vector.extract_strided_slice %get3A_125 {offsets = [10], sizes = [1], strides = [1]} : vector<16xi32> to vector<1xi32>
      %squeeze3A_371 = vector.extract %slice3A_370[0] : i32 from vector<1xi32>
      %slice3A_372 = vector.extract_strided_slice %get3A_131 {offsets = [10], sizes = [1], strides = [1]} : vector<16xi32> to vector<1xi32>
      %squeeze3A_373 = vector.extract %slice3A_372[0] : i32 from vector<1xi32>
      %mul3A_374 = arith.constant 16 : i32
      %mul3A_375 = arith.muli %scan3A_120, %mul3A_374 : i32
      %add3A_376 = arith.constant 10 : i32
      %add3A_377 = arith.addi %mul3A_375, %add3A_376 : i32
      %dma_start3A_378 = arith.constant 0 : i32
      %dma_start3A_379 = tpu.memref_slice %arg14[%add3A_377, %dma_start3A_378] : memref<128x64xf32, #tpu.memory_space<vmem>> -> memref<1x64xf32, #tpu.memory_space<vmem>>
      %dma_start3A_380 = arith.constant 0 : i32
      %dma_start3A_381 = tpu.memref_slice %arg4[%squeeze3A_371, %dma_start3A_380] : memref<1000000x64xf32, #tpu.memory_space<hbm>> -> memref<1x64xf32, #tpu.memory_space<hbm>>
      %dma_start3A_382 = arith.constant 0 : i32
      %dma_start3A_383 = tpu.memref_slice %arg14[%add3A_377, %dma_start3A_382] : memref<128x64xf32, #tpu.memory_space<vmem>> -> memref<1x64xf32, #tpu.memory_space<vmem>>
      %dma_start3A_384 = arith.constant 0 : i32
      %dma_start3A_385 = tpu.memref_slice %arg4[%squeeze3A_371, %dma_start3A_384] : memref<1000000x64xf32, #tpu.memory_space<hbm>> -> memref<1x64xf32, #tpu.memory_space<hbm>>
      tpu.enqueue_dma source(%dma_start3A_385 : memref<1x64xf32, #tpu.memory_space<hbm>>) target(%dma_start3A_383 : memref<1x64xf32, #tpu.memory_space<vmem>>) target_semaphore(%arg19 : memref<!tpu.dma_semaphore, #tpu.memory_space<semaphore_mem>>)
      %dma_start3A_386 = arith.constant 0 : i32
      %dma_start3A_387 = tpu.memref_slice %arg16[%add3A_377, %dma_start3A_386] : memref<128x64xf32, #tpu.memory_space<vmem>> -> memref<1x64xf32, #tpu.memory_space<vmem>>
      %dma_start3A_388 = arith.constant 0 : i32
      %dma_start3A_389 = tpu.memref_slice %arg5[%squeeze3A_373, %dma_start3A_388] : memref<100000x64xf32, #tpu.memory_space<hbm>> -> memref<1x64xf32, #tpu.memory_space<hbm>>
      %dma_start3A_390 = arith.constant 0 : i32
      %dma_start3A_391 = tpu.memref_slice %arg16[%add3A_377, %dma_start3A_390] : memref<128x64xf32, #tpu.memory_space<vmem>> -> memref<1x64xf32, #tpu.memory_space<vmem>>
      %dma_start3A_392 = arith.constant 0 : i32
      %dma_start3A_393 = tpu.memref_slice %arg5[%squeeze3A_373, %dma_start3A_392] : memref<100000x64xf32, #tpu.memory_space<hbm>> -> memref<1x64xf32, #tpu.memory_space<hbm>>
      tpu.enqueue_dma source(%dma_start3A_393 : memref<1x64xf32, #tpu.memory_space<hbm>>) target(%dma_start3A_391 : memref<1x64xf32, #tpu.memory_space<vmem>>) target_semaphore(%arg19 : memref<!tpu.dma_semaphore, #tpu.memory_space<semaphore_mem>>)
      %slice3A_394 = vector.extract_strided_slice %get3A_125 {offsets = [11], sizes = [1], strides = [1]} : vector<16xi32> to vector<1xi32>
      %squeeze3A_395 = vector.extract %slice3A_394[0] : i32 from vector<1xi32>
      %slice3A_396 = vector.extract_strided_slice %get3A_131 {offsets = [11], sizes = [1], strides = [1]} : vector<16xi32> to vector<1xi32>
      %squeeze3A_397 = vector.extract %slice3A_396[0] : i32 from vector<1xi32>
      %mul3A_398 = arith.constant 16 : i32
      %mul3A_399 = arith.muli %scan3A_120, %mul3A_398 : i32
      %add3A_400 = arith.constant 11 : i32
      %add3A_401 = arith.addi %mul3A_399, %add3A_400 : i32
      %dma_start3A_402 = arith.constant 0 : i32
      %dma_start3A_403 = tpu.memref_slice %arg14[%add3A_401, %dma_start3A_402] : memref<128x64xf32, #tpu.memory_space<vmem>> -> memref<1x64xf32, #tpu.memory_space<vmem>>
      %dma_start3A_404 = arith.constant 0 : i32
      %dma_start3A_405 = tpu.memref_slice %arg4[%squeeze3A_395, %dma_start3A_404] : memref<1000000x64xf32, #tpu.memory_space<hbm>> -> memref<1x64xf32, #tpu.memory_space<hbm>>
      %dma_start3A_406 = arith.constant 0 : i32
      %dma_start3A_407 = tpu.memref_slice %arg14[%add3A_401, %dma_start3A_406] : memref<128x64xf32, #tpu.memory_space<vmem>> -> memref<1x64xf32, #tpu.memory_space<vmem>>
      %dma_start3A_408 = arith.constant 0 : i32
      %dma_start3A_409 = tpu.memref_slice %arg4[%squeeze3A_395, %dma_start3A_408] : memref<1000000x64xf32, #tpu.memory_space<hbm>> -> memref<1x64xf32, #tpu.memory_space<hbm>>
      tpu.enqueue_dma source(%dma_start3A_409 : memref<1x64xf32, #tpu.memory_space<hbm>>) target(%dma_start3A_407 : memref<1x64xf32, #tpu.memory_space<vmem>>) target_semaphore(%arg19 : memref<!tpu.dma_semaphore, #tpu.memory_space<semaphore_mem>>)
      %dma_start3A_410 = arith.constant 0 : i32
      %dma_start3A_411 = tpu.memref_slice %arg16[%add3A_401, %dma_start3A_410] : memref<128x64xf32, #tpu.memory_space<vmem>> -> memref<1x64xf32, #tpu.memory_space<vmem>>
      %dma_start3A_412 = arith.constant 0 : i32
      %dma_start3A_413 = tpu.memref_slice %arg5[%squeeze3A_397, %dma_start3A_412] : memref<100000x64xf32, #tpu.memory_space<hbm>> -> memref<1x64xf32, #tpu.memory_space<hbm>>
      %dma_start3A_414 = arith.constant 0 : i32
      %dma_start3A_415 = tpu.memref_slice %arg16[%add3A_401, %dma_start3A_414] : memref<128x64xf32, #tpu.memory_space<vmem>> -> memref<1x64xf32, #tpu.memory_space<vmem>>
      %dma_start3A_416 = arith.constant 0 : i32
      %dma_start3A_417 = tpu.memref_slice %arg5[%squeeze3A_397, %dma_start3A_416] : memref<100000x64xf32, #tpu.memory_space<hbm>> -> memref<1x64xf32, #tpu.memory_space<hbm>>
      tpu.enqueue_dma source(%dma_start3A_417 : memref<1x64xf32, #tpu.memory_space<hbm>>) target(%dma_start3A_415 : memref<1x64xf32, #tpu.memory_space<vmem>>) target_semaphore(%arg19 : memref<!tpu.dma_semaphore, #tpu.memory_space<semaphore_mem>>)
      %slice3A_418 = vector.extract_strided_slice %get3A_125 {offsets = [12], sizes = [1], strides = [1]} : vector<16xi32> to vector<1xi32>
      %squeeze3A_419 = vector.extract %slice3A_418[0] : i32 from vector<1xi32>
      %slice3A_420 = vector.extract_strided_slice %get3A_131 {offsets = [12], sizes = [1], strides = [1]} : vector<16xi32> to vector<1xi32>
      %squeeze3A_421 = vector.extract %slice3A_420[0] : i32 from vector<1xi32>
      %mul3A_422 = arith.constant 16 : i32
      %mul3A_423 = arith.muli %scan3A_120, %mul3A_422 : i32
      %add3A_424 = arith.constant 12 : i32
      %add3A_425 = arith.addi %mul3A_423, %add3A_424 : i32
      %dma_start3A_426 = arith.constant 0 : i32
      %dma_start3A_427 = tpu.memref_slice %arg14[%add3A_425, %dma_start3A_426] : memref<128x64xf32, #tpu.memory_space<vmem>> -> memref<1x64xf32, #tpu.memory_space<vmem>>
      %dma_start3A_428 = arith.constant 0 : i32
      %dma_start3A_429 = tpu.memref_slice %arg4[%squeeze3A_419, %dma_start3A_428] : memref<1000000x64xf32, #tpu.memory_space<hbm>> -> memref<1x64xf32, #tpu.memory_space<hbm>>
      %dma_start3A_430 = arith.constant 0 : i32
      %dma_start3A_431 = tpu.memref_slice %arg14[%add3A_425, %dma_start3A_430] : memref<128x64xf32, #tpu.memory_space<vmem>> -> memref<1x64xf32, #tpu.memory_space<vmem>>
      %dma_start3A_432 = arith.constant 0 : i32
      %dma_start3A_433 = tpu.memref_slice %arg4[%squeeze3A_419, %dma_start3A_432] : memref<1000000x64xf32, #tpu.memory_space<hbm>> -> memref<1x64xf32, #tpu.memory_space<hbm>>
      tpu.enqueue_dma source(%dma_start3A_433 : memref<1x64xf32, #tpu.memory_space<hbm>>) target(%dma_start3A_431 : memref<1x64xf32, #tpu.memory_space<vmem>>) target_semaphore(%arg19 : memref<!tpu.dma_semaphore, #tpu.memory_space<semaphore_mem>>)
      %dma_start3A_434 = arith.constant 0 : i32
      %dma_start3A_435 = tpu.memref_slice %arg16[%add3A_425, %dma_start3A_434] : memref<128x64xf32, #tpu.memory_space<vmem>> -> memref<1x64xf32, #tpu.memory_space<vmem>>
      %dma_start3A_436 = arith.constant 0 : i32
      %dma_start3A_437 = tpu.memref_slice %arg5[%squeeze3A_421, %dma_start3A_436] : memref<100000x64xf32, #tpu.memory_space<hbm>> -> memref<1x64xf32, #tpu.memory_space<hbm>>
      %dma_start3A_438 = arith.constant 0 : i32
      %dma_start3A_439 = tpu.memref_slice %arg16[%add3A_425, %dma_start3A_438] : memref<128x64xf32, #tpu.memory_space<vmem>> -> memref<1x64xf32, #tpu.memory_space<vmem>>
      %dma_start3A_440 = arith.constant 0 : i32
      %dma_start3A_441 = tpu.memref_slice %arg5[%squeeze3A_421, %dma_start3A_440] : memref<100000x64xf32, #tpu.memory_space<hbm>> -> memref<1x64xf32, #tpu.memory_space<hbm>>
      tpu.enqueue_dma source(%dma_start3A_441 : memref<1x64xf32, #tpu.memory_space<hbm>>) target(%dma_start3A_439 : memref<1x64xf32, #tpu.memory_space<vmem>>) target_semaphore(%arg19 : memref<!tpu.dma_semaphore, #tpu.memory_space<semaphore_mem>>)
      %slice3A_442 = vector.extract_strided_slice %get3A_125 {offsets = [13], sizes = [1], strides = [1]} : vector<16xi32> to vector<1xi32>
      %squeeze3A_443 = vector.extract %slice3A_442[0] : i32 from vector<1xi32>
      %slice3A_444 = vector.extract_strided_slice %get3A_131 {offsets = [13], sizes = [1], strides = [1]} : vector<16xi32> to vector<1xi32>
      %squeeze3A_445 = vector.extract %slice3A_444[0] : i32 from vector<1xi32>
      %mul3A_446 = arith.constant 16 : i32
      %mul3A_447 = arith.muli %scan3A_120, %mul3A_446 : i32
      %add3A_448 = arith.constant 13 : i32
      %add3A_449 = arith.addi %mul3A_447, %add3A_448 : i32
      %dma_start3A_450 = arith.constant 0 : i32
      %dma_start3A_451 = tpu.memref_slice %arg14[%add3A_449, %dma_start3A_450] : memref<128x64xf32, #tpu.memory_space<vmem>> -> memref<1x64xf32, #tpu.memory_space<vmem>>
      %dma_start3A_452 = arith.constant 0 : i32
      %dma_start3A_453 = tpu.memref_slice %arg4[%squeeze3A_443, %dma_start3A_452] : memref<1000000x64xf32, #tpu.memory_space<hbm>> -> memref<1x64xf32, #tpu.memory_space<hbm>>
      %dma_start3A_454 = arith.constant 0 : i32
      %dma_start3A_455 = tpu.memref_slice %arg14[%add3A_449, %dma_start3A_454] : memref<128x64xf32, #tpu.memory_space<vmem>> -> memref<1x64xf32, #tpu.memory_space<vmem>>
      %dma_start3A_456 = arith.constant 0 : i32
      %dma_start3A_457 = tpu.memref_slice %arg4[%squeeze3A_443, %dma_start3A_456] : memref<1000000x64xf32, #tpu.memory_space<hbm>> -> memref<1x64xf32, #tpu.memory_space<hbm>>
      tpu.enqueue_dma source(%dma_start3A_457 : memref<1x64xf32, #tpu.memory_space<hbm>>) target(%dma_start3A_455 : memref<1x64xf32, #tpu.memory_space<vmem>>) target_semaphore(%arg19 : memref<!tpu.dma_semaphore, #tpu.memory_space<semaphore_mem>>)
      %dma_start3A_458 = arith.constant 0 : i32
      %dma_start3A_459 = tpu.memref_slice %arg16[%add3A_449, %dma_start3A_458] : memref<128x64xf32, #tpu.memory_space<vmem>> -> memref<1x64xf32, #tpu.memory_space<vmem>>
      %dma_start3A_460 = arith.constant 0 : i32
      %dma_start3A_461 = tpu.memref_slice %arg5[%squeeze3A_445, %dma_start3A_460] : memref<100000x64xf32, #tpu.memory_space<hbm>> -> memref<1x64xf32, #tpu.memory_space<hbm>>
      %dma_start3A_462 = arith.constant 0 : i32
      %dma_start3A_463 = tpu.memref_slice %arg16[%add3A_449, %dma_start3A_462] : memref<128x64xf32, #tpu.memory_space<vmem>> -> memref<1x64xf32, #tpu.memory_space<vmem>>
      %dma_start3A_464 = arith.constant 0 : i32
      %dma_start3A_465 = tpu.memref_slice %arg5[%squeeze3A_445, %dma_start3A_464] : memref<100000x64xf32, #tpu.memory_space<hbm>> -> memref<1x64xf32, #tpu.memory_space<hbm>>
      tpu.enqueue_dma source(%dma_start3A_465 : memref<1x64xf32, #tpu.memory_space<hbm>>) target(%dma_start3A_463 : memref<1x64xf32, #tpu.memory_space<vmem>>) target_semaphore(%arg19 : memref<!tpu.dma_semaphore, #tpu.memory_space<semaphore_mem>>)
      %slice3A_466 = vector.extract_strided_slice %get3A_125 {offsets = [14], sizes = [1], strides = [1]} : vector<16xi32> to vector<1xi32>
      %squeeze3A_467 = vector.extract %slice3A_466[0] : i32 from vector<1xi32>
      %slice3A_468 = vector.extract_strided_slice %get3A_131 {offsets = [14], sizes = [1], strides = [1]} : vector<16xi32> to vector<1xi32>
      %squeeze3A_469 = vector.extract %slice3A_468[0] : i32 from vector<1xi32>
      %mul3A_470 = arith.constant 16 : i32
      %mul3A_471 = arith.muli %scan3A_120, %mul3A_470 : i32
      %add3A_472 = arith.constant 14 : i32
      %add3A_473 = arith.addi %mul3A_471, %add3A_472 : i32
      %dma_start3A_474 = arith.constant 0 : i32
      %dma_start3A_475 = tpu.memref_slice %arg14[%add3A_473, %dma_start3A_474] : memref<128x64xf32, #tpu.memory_space<vmem>> -> memref<1x64xf32, #tpu.memory_space<vmem>>
      %dma_start3A_476 = arith.constant 0 : i32
      %dma_start3A_477 = tpu.memref_slice %arg4[%squeeze3A_467, %dma_start3A_476] : memref<1000000x64xf32, #tpu.memory_space<hbm>> -> memref<1x64xf32, #tpu.memory_space<hbm>>
      %dma_start3A_478 = arith.constant 0 : i32
      %dma_start3A_479 = tpu.memref_slice %arg14[%add3A_473, %dma_start3A_478] : memref<128x64xf32, #tpu.memory_space<vmem>> -> memref<1x64xf32, #tpu.memory_space<vmem>>
      %dma_start3A_480 = arith.constant 0 : i32
      %dma_start3A_481 = tpu.memref_slice %arg4[%squeeze3A_467, %dma_start3A_480] : memref<1000000x64xf32, #tpu.memory_space<hbm>> -> memref<1x64xf32, #tpu.memory_space<hbm>>
      tpu.enqueue_dma source(%dma_start3A_481 : memref<1x64xf32, #tpu.memory_space<hbm>>) target(%dma_start3A_479 : memref<1x64xf32, #tpu.memory_space<vmem>>) target_semaphore(%arg19 : memref<!tpu.dma_semaphore, #tpu.memory_space<semaphore_mem>>)
      %dma_start3A_482 = arith.constant 0 : i32
      %dma_start3A_483 = tpu.memref_slice %arg16[%add3A_473, %dma_start3A_482] : memref<128x64xf32, #tpu.memory_space<vmem>> -> memref<1x64xf32, #tpu.memory_space<vmem>>
      %dma_start3A_484 = arith.constant 0 : i32
      %dma_start3A_485 = tpu.memref_slice %arg5[%squeeze3A_469, %dma_start3A_484] : memref<100000x64xf32, #tpu.memory_space<hbm>> -> memref<1x64xf32, #tpu.memory_space<hbm>>
      %dma_start3A_486 = arith.constant 0 : i32
      %dma_start3A_487 = tpu.memref_slice %arg16[%add3A_473, %dma_start3A_486] : memref<128x64xf32, #tpu.memory_space<vmem>> -> memref<1x64xf32, #tpu.memory_space<vmem>>
      %dma_start3A_488 = arith.constant 0 : i32
      %dma_start3A_489 = tpu.memref_slice %arg5[%squeeze3A_469, %dma_start3A_488] : memref<100000x64xf32, #tpu.memory_space<hbm>> -> memref<1x64xf32, #tpu.memory_space<hbm>>
      tpu.enqueue_dma source(%dma_start3A_489 : memref<1x64xf32, #tpu.memory_space<hbm>>) target(%dma_start3A_487 : memref<1x64xf32, #tpu.memory_space<vmem>>) target_semaphore(%arg19 : memref<!tpu.dma_semaphore, #tpu.memory_space<semaphore_mem>>)
      %slice3A_490 = vector.extract_strided_slice %get3A_125 {offsets = [15], sizes = [1], strides = [1]} : vector<16xi32> to vector<1xi32>
      %squeeze3A_491 = vector.extract %slice3A_490[0] : i32 from vector<1xi32>
      %slice3A_492 = vector.extract_strided_slice %get3A_131 {offsets = [15], sizes = [1], strides = [1]} : vector<16xi32> to vector<1xi32>
      %squeeze3A_493 = vector.extract %slice3A_492[0] : i32 from vector<1xi32>
      %mul3A_494 = arith.constant 16 : i32
      %mul3A_495 = arith.muli %scan3A_120, %mul3A_494 : i32
      %add3A_496 = arith.constant 15 : i32
      %add3A_497 = arith.addi %mul3A_495, %add3A_496 : i32
      %dma_start3A_498 = arith.constant 0 : i32
      %dma_start3A_499 = tpu.memref_slice %arg14[%add3A_497, %dma_start3A_498] : memref<128x64xf32, #tpu.memory_space<vmem>> -> memref<1x64xf32, #tpu.memory_space<vmem>>
      %dma_start3A_500 = arith.constant 0 : i32
      %dma_start3A_501 = tpu.memref_slice %arg4[%squeeze3A_491, %dma_start3A_500] : memref<1000000x64xf32, #tpu.memory_space<hbm>> -> memref<1x64xf32, #tpu.memory_space<hbm>>
      %dma_start3A_502 = arith.constant 0 : i32
      %dma_start3A_503 = tpu.memref_slice %arg14[%add3A_497, %dma_start3A_502] : memref<128x64xf32, #tpu.memory_space<vmem>> -> memref<1x64xf32, #tpu.memory_space<vmem>>
      %dma_start3A_504 = arith.constant 0 : i32
      %dma_start3A_505 = tpu.memref_slice %arg4[%squeeze3A_491, %dma_start3A_504] : memref<1000000x64xf32, #tpu.memory_space<hbm>> -> memref<1x64xf32, #tpu.memory_space<hbm>>
      tpu.enqueue_dma source(%dma_start3A_505 : memref<1x64xf32, #tpu.memory_space<hbm>>) target(%dma_start3A_503 : memref<1x64xf32, #tpu.memory_space<vmem>>) target_semaphore(%arg19 : memref<!tpu.dma_semaphore, #tpu.memory_space<semaphore_mem>>)
      %dma_start3A_506 = arith.constant 0 : i32
      %dma_start3A_507 = tpu.memref_slice %arg16[%add3A_497, %dma_start3A_506] : memref<128x64xf32, #tpu.memory_space<vmem>> -> memref<1x64xf32, #tpu.memory_space<vmem>>
      %dma_start3A_508 = arith.constant 0 : i32
      %dma_start3A_509 = tpu.memref_slice %arg5[%squeeze3A_493, %dma_start3A_508] : memref<100000x64xf32, #tpu.memory_space<hbm>> -> memref<1x64xf32, #tpu.memory_space<hbm>>
      %dma_start3A_510 = arith.constant 0 : i32
      %dma_start3A_511 = tpu.memref_slice %arg16[%add3A_497, %dma_start3A_510] : memref<128x64xf32, #tpu.memory_space<vmem>> -> memref<1x64xf32, #tpu.memory_space<vmem>>
      %dma_start3A_512 = arith.constant 0 : i32
      %dma_start3A_513 = tpu.memref_slice %arg5[%squeeze3A_493, %dma_start3A_512] : memref<100000x64xf32, #tpu.memory_space<hbm>> -> memref<1x64xf32, #tpu.memory_space<hbm>>
      tpu.enqueue_dma source(%dma_start3A_513 : memref<1x64xf32, #tpu.memory_space<hbm>>) target(%dma_start3A_511 : memref<1x64xf32, #tpu.memory_space<vmem>>) target_semaphore(%arg19 : memref<!tpu.dma_semaphore, #tpu.memory_space<semaphore_mem>>)
    }
    %scan3A_24 = arith.constant 8 : i32
    %dma_wait3A = arith.constant 0 : i32
    %dma_wait3A_25 = arith.constant 0 : i32
    %dma_wait3A_26 = tpu.memref_slice %arg4[%dma_wait3A, %dma_wait3A_25] : memref<1000000x64xf32, #tpu.memory_space<hbm>> -> memref<128x64xf32, #tpu.memory_space<hbm>>
    %dma_wait3A_27 = arith.constant 0 : i32
    %dma_wait3A_28 = arith.constant 0 : i32
    %dma_wait3A_29 = tpu.memref_slice %arg4[%dma_wait3A_27, %dma_wait3A_28] : memref<1000000x64xf32, #tpu.memory_space<hbm>> -> memref<128x64xf32, #tpu.memory_space<hbm>>
    tpu.wait_dma2 semaphore(%arg18 : memref<!tpu.dma_semaphore, #tpu.memory_space<semaphore_mem>>) src(%dma_wait3A_29 : memref<128x64xf32, #tpu.memory_space<hbm>>) dst(%arg13 : memref<128x64xf32, #tpu.memory_space<vmem>>)
    %dma_wait3A_30 = arith.constant 0 : i32
    %dma_wait3A_31 = arith.constant 0 : i32
    %dma_wait3A_32 = tpu.memref_slice %arg4[%dma_wait3A_30, %dma_wait3A_31] : memref<1000000x64xf32, #tpu.memory_space<hbm>> -> memref<128x64xf32, #tpu.memory_space<hbm>>
    %dma_wait3A_33 = arith.constant 0 : i32
    %dma_wait3A_34 = arith.constant 0 : i32
    %dma_wait3A_35 = tpu.memref_slice %arg4[%dma_wait3A_33, %dma_wait3A_34] : memref<1000000x64xf32, #tpu.memory_space<hbm>> -> memref<128x64xf32, #tpu.memory_space<hbm>>
    tpu.wait_dma2 semaphore(%arg18 : memref<!tpu.dma_semaphore, #tpu.memory_space<semaphore_mem>>) src(%dma_wait3A_35 : memref<128x64xf32, #tpu.memory_space<hbm>>) dst(%arg15 : memref<128x64xf32, #tpu.memory_space<vmem>>)
    %dma_wait3A_36 = arith.constant 0 : i32
    %dma_wait3A_37 = arith.constant 0 : i32
    %dma_wait3A_38 = tpu.memref_slice %arg6[%dma_wait3A_36, %dma_wait3A_37] : memref<1x1000000xf32, #tpu.memory_space<hbm>> -> memref<1x1000000xf32, #tpu.memory_space<hbm>>
    %dma_wait3A_39 = tpu.memref_squeeze %dma_wait3A_38 : memref<1x1000000xf32, #tpu.memory_space<hbm>> -> memref<1000000xf32, #tpu.memory_space<hbm>>
    %dma_wait3A_40 = arith.constant 0 : i32
    %dma_wait3A_41 = tpu.memref_slice %dma_wait3A_39[%dma_wait3A_40] : memref<1000000xf32, #tpu.memory_space<hbm>> -> memref<1000000xf32, #tpu.memory_space<hbm>>
    tpu.wait_indirect_dma semaphore(%arg20 : memref<!tpu.dma_semaphore, #tpu.memory_space<semaphore_mem>>) src(%dma_wait3A_41 : memref<1000000xf32, #tpu.memory_space<hbm>>) dst(%arg11 : memref<512xf32, #tpu.memory_space<vmem>>)
    %dma_wait3A_42 = arith.constant 0 : i32
    %dma_wait3A_43 = arith.constant 0 : i32
    %dma_wait3A_44 = tpu.memref_slice %arg7[%dma_wait3A_42, %dma_wait3A_43] : memref<1x100000xf32, #tpu.memory_space<hbm>> -> memref<1x100000xf32, #tpu.memory_space<hbm>>
    %dma_wait3A_45 = tpu.memref_squeeze %dma_wait3A_44 : memref<1x100000xf32, #tpu.memory_space<hbm>> -> memref<100000xf32, #tpu.memory_space<hbm>>
    %dma_wait3A_46 = arith.constant 0 : i32
    %dma_wait3A_47 = tpu.memref_slice %dma_wait3A_45[%dma_wait3A_46] : memref<100000xf32, #tpu.memory_space<hbm>> -> memref<100000xf32, #tpu.memory_space<hbm>>
    tpu.wait_indirect_dma semaphore(%arg20 : memref<!tpu.dma_semaphore, #tpu.memory_space<semaphore_mem>>) src(%dma_wait3A_47 : memref<100000xf32, #tpu.memory_space<hbm>>) dst(%arg12 : memref<512xf32, #tpu.memory_space<vmem>>)
    %scan3A_48 = arith.constant 0 : i32
    %scan3A_49 = arith.constant 0 : i32
    %scan3A_50 = arith.constant 8 : i32
    %scan3A_51 = arith.addi %scan3A_49, %scan3A_50 : i32
    %scan3A_52 = arith.constant 1 : i32
    scf.for %scan3A_120 = %scan3A_49 to %scan3A_51 step %scan3A_52  : i32 {
      %mul3A_121 = arith.constant 16 : i32
      %mul3A_122 = arith.muli %scan3A_120, %mul3A_121 : i32
      %add3A_123 = vector.broadcast %mul3A_122 : i32 to vector<16xi32>
      %add3A_124 = arith.addi %iota3A, %add3A_123 : vector<16xi32>
      %add3A_125 = arith.constant 0 : i32
      %add3A_126 = vector.broadcast %add3A_125 : i32 to vector<16xi32>
      %add3A_127 = arith.addi %add3A_124, %add3A_126 : vector<16xi32>
      %broadcast_in_dim3A = arith.constant 0.000000e+00 : f32
      %broadcast_in_dim3A_128 = vector.broadcast %broadcast_in_dim3A : f32 to vector<16xf32>
      %scan3A_129 = arith.constant 0 : i32
      %scan3A_130 = arith.constant 64 : i32
      %scan3A_131 = arith.addi %scan3A_129, %scan3A_130 : i32
      %scan3A_132 = arith.constant 1 : i32
      %scan3A_133 = scf.for %scan3A_150 = %scan3A_129 to %scan3A_131 step %scan3A_132 iter_args(%scan3A_151 = %broadcast_in_dim3A_128) -> (vector<16xf32>)  : i32 {
        %add3A_152 = vector.broadcast %scan3A_150 : i32 to vector<16xi32>
        %add3A_153 = arith.addi %iota3A, %add3A_152 : vector<16xi32>
        %and3A = arith.constant 63 : i32
        %and3A_154 = vector.broadcast %and3A : i32 to vector<16xi32>
        %and3A_155 = arith.andi %add3A_153, %and3A_154 : vector<16xi32>
        %gather3A_156 = tpu.vector_load_idx %arg13[%add3A_124, %and3A_155] : memref<128x64xf32, #tpu.memory_space<vmem>>[vector<16xi32>, vector<16xi32>], vector<16xf32>,
        %gather3A_157 = tpu.vector_load_idx %arg15[%add3A_124, %and3A_155] : memref<128x64xf32, #tpu.memory_space<vmem>>[vector<16xi32>, vector<16xi32>], vector<16xf32>,
        %mul3A_158 = arith.mulf %gather3A_156, %gather3A_157 : vector<16xf32>
        %add3A_159 = arith.addf %scan3A_151, %mul3A_158 : vector<16xf32>
        scf.yield %add3A_159 : vector<16xf32>
      }
      %scan3A_134 = arith.constant 64 : i32
      %gather3A = tpu.vector_load_idx %arg11[%add3A_127] : memref<512xf32, #tpu.memory_space<vmem>>[vector<16xi32>], vector<16xf32>,
      %add3A_135 = arith.addf %scan3A_133, %gather3A : vector<16xf32>
      %gather3A_136 = tpu.vector_load_idx %arg12[%add3A_127] : memref<512xf32, #tpu.memory_space<vmem>>[vector<16xi32>], vector<16xf32>,
      %add3A_137 = arith.addf %add3A_135, %gather3A_136 : vector<16xf32>
      %neg3A = arith.constant 0.000000e+00 : f32
      %neg3A_138 = vector.broadcast %neg3A : f32 to vector<16xf32>
      %neg3A_139 = arith.subf %neg3A_138, %add3A_137 : vector<16xf32>
      %exp3A = math.exp %neg3A_139 : vector<16xf32>
      %add3A_140 = arith.constant 1.000000e+00 : f32
      %add3A_141 = vector.broadcast %add3A_140 : f32 to vector<16xf32>
      %add3A_142 = arith.addf %add3A_141, %exp3A : vector<16xf32>
      %div3A = arith.constant 1.000000e+00 : f32
      %div3A_143 = vector.broadcast %div3A : f32 to vector<16xf32>
      %div3A_144 = arith.divf %div3A_143, %add3A_142 : vector<16xf32>
      %mul3A_145 = arith.constant 6.000000e+00 : f32
      %mul3A_146 = vector.broadcast %mul3A_145 : f32 to vector<16xf32>
      %mul3A_147 = arith.mulf %div3A_144, %mul3A_146 : vector<16xf32>
      %sub3A = arith.constant 5.000000e-01 : f32
      %sub3A_148 = vector.broadcast %sub3A : f32 to vector<16xf32>
      %sub3A_149 = arith.subf %mul3A_147, %sub3A_148 : vector<16xf32>
      tpu.vector_store_idx %arg17[%add3A_127], %sub3A_149 : memref<512xf32, #tpu.memory_space<vmem>>[vector<16xi32>], vector<16xf32>,
    }
    %scan3A_53 = arith.constant 8 : i32
    %scan3A_54 = arith.constant 0 : i32
    %scan3A_55 = arith.constant 0 : i32
    %scan3A_56 = arith.constant 8 : i32
    %scan3A_57 = arith.addi %scan3A_55, %scan3A_56 : i32
    %scan3A_58 = arith.constant 1 : i32
    scf.for %scan3A_120 = %scan3A_55 to %scan3A_57 step %scan3A_58  : i32 {
      %mul3A_121 = arith.constant 16 : i32
      %mul3A_122 = arith.muli %scan3A_120, %mul3A_121 : i32
      %add3A_123 = arith.constant 256 : i32
      %add3A_124 = arith.addi %add3A_123, %mul3A_122 : i32
      %get3A = arith.index_cast %add3A_124 : i32 to index
      %get3A_125 = tpu.vector_load %arg9[%get3A] {strides = array<i32>} : memref<512xi32, #tpu.memory_space<vmem>>, vector<16xi32>,
      %mul3A_126 = arith.constant 16 : i32
      %mul3A_127 = arith.muli %scan3A_120, %mul3A_126 : i32
      %add3A_128 = arith.constant 256 : i32
      %add3A_129 = arith.addi %add3A_128, %mul3A_127 : i32
      %get3A_130 = arith.index_cast %add3A_129 : i32 to index
      %get3A_131 = tpu.vector_load %arg10[%get3A_130] {strides = array<i32>} : memref<512xi32, #tpu.memory_space<vmem>>, vector<16xi32>,
      %slice3A = vector.extract_strided_slice %get3A_125 {offsets = [0], sizes = [1], strides = [1]} : vector<16xi32> to vector<1xi32>
      %squeeze3A = vector.extract %slice3A[0] : i32 from vector<1xi32>
      %slice3A_132 = vector.extract_strided_slice %get3A_131 {offsets = [0], sizes = [1], strides = [1]} : vector<16xi32> to vector<1xi32>
      %squeeze3A_133 = vector.extract %slice3A_132[0] : i32 from vector<1xi32>
      %mul3A_134 = arith.constant 16 : i32
      %mul3A_135 = arith.muli %scan3A_120, %mul3A_134 : i32
      %add3A_136 = arith.constant 0 : i32
      %add3A_137 = arith.addi %mul3A_135, %add3A_136 : i32
      %dma_start3A_138 = arith.constant 0 : i32
      %dma_start3A_139 = tpu.memref_slice %arg13[%add3A_137, %dma_start3A_138] : memref<128x64xf32, #tpu.memory_space<vmem>> -> memref<1x64xf32, #tpu.memory_space<vmem>>
      %dma_start3A_140 = arith.constant 0 : i32
      %dma_start3A_141 = tpu.memref_slice %arg4[%squeeze3A, %dma_start3A_140] : memref<1000000x64xf32, #tpu.memory_space<hbm>> -> memref<1x64xf32, #tpu.memory_space<hbm>>
      %dma_start3A_142 = arith.constant 0 : i32
      %dma_start3A_143 = tpu.memref_slice %arg13[%add3A_137, %dma_start3A_142] : memref<128x64xf32, #tpu.memory_space<vmem>> -> memref<1x64xf32, #tpu.memory_space<vmem>>
      %dma_start3A_144 = arith.constant 0 : i32
      %dma_start3A_145 = tpu.memref_slice %arg4[%squeeze3A, %dma_start3A_144] : memref<1000000x64xf32, #tpu.memory_space<hbm>> -> memref<1x64xf32, #tpu.memory_space<hbm>>
      tpu.enqueue_dma source(%dma_start3A_145 : memref<1x64xf32, #tpu.memory_space<hbm>>) target(%dma_start3A_143 : memref<1x64xf32, #tpu.memory_space<vmem>>) target_semaphore(%arg18 : memref<!tpu.dma_semaphore, #tpu.memory_space<semaphore_mem>>)
      %dma_start3A_146 = arith.constant 0 : i32
      %dma_start3A_147 = tpu.memref_slice %arg15[%add3A_137, %dma_start3A_146] : memref<128x64xf32, #tpu.memory_space<vmem>> -> memref<1x64xf32, #tpu.memory_space<vmem>>
      %dma_start3A_148 = arith.constant 0 : i32
      %dma_start3A_149 = tpu.memref_slice %arg5[%squeeze3A_133, %dma_start3A_148] : memref<100000x64xf32, #tpu.memory_space<hbm>> -> memref<1x64xf32, #tpu.memory_space<hbm>>
      %dma_start3A_150 = arith.constant 0 : i32
      %dma_start3A_151 = tpu.memref_slice %arg15[%add3A_137, %dma_start3A_150] : memref<128x64xf32, #tpu.memory_space<vmem>> -> memref<1x64xf32, #tpu.memory_space<vmem>>
      %dma_start3A_152 = arith.constant 0 : i32
      %dma_start3A_153 = tpu.memref_slice %arg5[%squeeze3A_133, %dma_start3A_152] : memref<100000x64xf32, #tpu.memory_space<hbm>> -> memref<1x64xf32, #tpu.memory_space<hbm>>
      tpu.enqueue_dma source(%dma_start3A_153 : memref<1x64xf32, #tpu.memory_space<hbm>>) target(%dma_start3A_151 : memref<1x64xf32, #tpu.memory_space<vmem>>) target_semaphore(%arg18 : memref<!tpu.dma_semaphore, #tpu.memory_space<semaphore_mem>>)
      %slice3A_154 = vector.extract_strided_slice %get3A_125 {offsets = [1], sizes = [1], strides = [1]} : vector<16xi32> to vector<1xi32>
      %squeeze3A_155 = vector.extract %slice3A_154[0] : i32 from vector<1xi32>
      %slice3A_156 = vector.extract_strided_slice %get3A_131 {offsets = [1], sizes = [1], strides = [1]} : vector<16xi32> to vector<1xi32>
      %squeeze3A_157 = vector.extract %slice3A_156[0] : i32 from vector<1xi32>
      %mul3A_158 = arith.constant 16 : i32
      %mul3A_159 = arith.muli %scan3A_120, %mul3A_158 : i32
      %add3A_160 = arith.constant 1 : i32
      %add3A_161 = arith.addi %mul3A_159, %add3A_160 : i32
      %dma_start3A_162 = arith.constant 0 : i32
      %dma_start3A_163 = tpu.memref_slice %arg13[%add3A_161, %dma_start3A_162] : memref<128x64xf32, #tpu.memory_space<vmem>> -> memref<1x64xf32, #tpu.memory_space<vmem>>
      %dma_start3A_164 = arith.constant 0 : i32
      %dma_start3A_165 = tpu.memref_slice %arg4[%squeeze3A_155, %dma_start3A_164] : memref<1000000x64xf32, #tpu.memory_space<hbm>> -> memref<1x64xf32, #tpu.memory_space<hbm>>
      %dma_start3A_166 = arith.constant 0 : i32
      %dma_start3A_167 = tpu.memref_slice %arg13[%add3A_161, %dma_start3A_166] : memref<128x64xf32, #tpu.memory_space<vmem>> -> memref<1x64xf32, #tpu.memory_space<vmem>>
      %dma_start3A_168 = arith.constant 0 : i32
      %dma_start3A_169 = tpu.memref_slice %arg4[%squeeze3A_155, %dma_start3A_168] : memref<1000000x64xf32, #tpu.memory_space<hbm>> -> memref<1x64xf32, #tpu.memory_space<hbm>>
      tpu.enqueue_dma source(%dma_start3A_169 : memref<1x64xf32, #tpu.memory_space<hbm>>) target(%dma_start3A_167 : memref<1x64xf32, #tpu.memory_space<vmem>>) target_semaphore(%arg18 : memref<!tpu.dma_semaphore, #tpu.memory_space<semaphore_mem>>)
      %dma_start3A_170 = arith.constant 0 : i32
      %dma_start3A_171 = tpu.memref_slice %arg15[%add3A_161, %dma_start3A_170] : memref<128x64xf32, #tpu.memory_space<vmem>> -> memref<1x64xf32, #tpu.memory_space<vmem>>
      %dma_start3A_172 = arith.constant 0 : i32
      %dma_start3A_173 = tpu.memref_slice %arg5[%squeeze3A_157, %dma_start3A_172] : memref<100000x64xf32, #tpu.memory_space<hbm>> -> memref<1x64xf32, #tpu.memory_space<hbm>>
      %dma_start3A_174 = arith.constant 0 : i32
      %dma_start3A_175 = tpu.memref_slice %arg15[%add3A_161, %dma_start3A_174] : memref<128x64xf32, #tpu.memory_space<vmem>> -> memref<1x64xf32, #tpu.memory_space<vmem>>
      %dma_start3A_176 = arith.constant 0 : i32
      %dma_start3A_177 = tpu.memref_slice %arg5[%squeeze3A_157, %dma_start3A_176] : memref<100000x64xf32, #tpu.memory_space<hbm>> -> memref<1x64xf32, #tpu.memory_space<hbm>>
      tpu.enqueue_dma source(%dma_start3A_177 : memref<1x64xf32, #tpu.memory_space<hbm>>) target(%dma_start3A_175 : memref<1x64xf32, #tpu.memory_space<vmem>>) target_semaphore(%arg18 : memref<!tpu.dma_semaphore, #tpu.memory_space<semaphore_mem>>)
      %slice3A_178 = vector.extract_strided_slice %get3A_125 {offsets = [2], sizes = [1], strides = [1]} : vector<16xi32> to vector<1xi32>
      %squeeze3A_179 = vector.extract %slice3A_178[0] : i32 from vector<1xi32>
      %slice3A_180 = vector.extract_strided_slice %get3A_131 {offsets = [2], sizes = [1], strides = [1]} : vector<16xi32> to vector<1xi32>
      %squeeze3A_181 = vector.extract %slice3A_180[0] : i32 from vector<1xi32>
      %mul3A_182 = arith.constant 16 : i32
      %mul3A_183 = arith.muli %scan3A_120, %mul3A_182 : i32
      %add3A_184 = arith.constant 2 : i32
      %add3A_185 = arith.addi %mul3A_183, %add3A_184 : i32
      %dma_start3A_186 = arith.constant 0 : i32
      %dma_start3A_187 = tpu.memref_slice %arg13[%add3A_185, %dma_start3A_186] : memref<128x64xf32, #tpu.memory_space<vmem>> -> memref<1x64xf32, #tpu.memory_space<vmem>>
      %dma_start3A_188 = arith.constant 0 : i32
      %dma_start3A_189 = tpu.memref_slice %arg4[%squeeze3A_179, %dma_start3A_188] : memref<1000000x64xf32, #tpu.memory_space<hbm>> -> memref<1x64xf32, #tpu.memory_space<hbm>>
      %dma_start3A_190 = arith.constant 0 : i32
      %dma_start3A_191 = tpu.memref_slice %arg13[%add3A_185, %dma_start3A_190] : memref<128x64xf32, #tpu.memory_space<vmem>> -> memref<1x64xf32, #tpu.memory_space<vmem>>
      %dma_start3A_192 = arith.constant 0 : i32
      %dma_start3A_193 = tpu.memref_slice %arg4[%squeeze3A_179, %dma_start3A_192] : memref<1000000x64xf32, #tpu.memory_space<hbm>> -> memref<1x64xf32, #tpu.memory_space<hbm>>
      tpu.enqueue_dma source(%dma_start3A_193 : memref<1x64xf32, #tpu.memory_space<hbm>>) target(%dma_start3A_191 : memref<1x64xf32, #tpu.memory_space<vmem>>) target_semaphore(%arg18 : memref<!tpu.dma_semaphore, #tpu.memory_space<semaphore_mem>>)
      %dma_start3A_194 = arith.constant 0 : i32
      %dma_start3A_195 = tpu.memref_slice %arg15[%add3A_185, %dma_start3A_194] : memref<128x64xf32, #tpu.memory_space<vmem>> -> memref<1x64xf32, #tpu.memory_space<vmem>>
      %dma_start3A_196 = arith.constant 0 : i32
      %dma_start3A_197 = tpu.memref_slice %arg5[%squeeze3A_181, %dma_start3A_196] : memref<100000x64xf32, #tpu.memory_space<hbm>> -> memref<1x64xf32, #tpu.memory_space<hbm>>
      %dma_start3A_198 = arith.constant 0 : i32
      %dma_start3A_199 = tpu.memref_slice %arg15[%add3A_185, %dma_start3A_198] : memref<128x64xf32, #tpu.memory_space<vmem>> -> memref<1x64xf32, #tpu.memory_space<vmem>>
      %dma_start3A_200 = arith.constant 0 : i32
      %dma_start3A_201 = tpu.memref_slice %arg5[%squeeze3A_181, %dma_start3A_200] : memref<100000x64xf32, #tpu.memory_space<hbm>> -> memref<1x64xf32, #tpu.memory_space<hbm>>
      tpu.enqueue_dma source(%dma_start3A_201 : memref<1x64xf32, #tpu.memory_space<hbm>>) target(%dma_start3A_199 : memref<1x64xf32, #tpu.memory_space<vmem>>) target_semaphore(%arg18 : memref<!tpu.dma_semaphore, #tpu.memory_space<semaphore_mem>>)
      %slice3A_202 = vector.extract_strided_slice %get3A_125 {offsets = [3], sizes = [1], strides = [1]} : vector<16xi32> to vector<1xi32>
      %squeeze3A_203 = vector.extract %slice3A_202[0] : i32 from vector<1xi32>
      %slice3A_204 = vector.extract_strided_slice %get3A_131 {offsets = [3], sizes = [1], strides = [1]} : vector<16xi32> to vector<1xi32>
      %squeeze3A_205 = vector.extract %slice3A_204[0] : i32 from vector<1xi32>
      %mul3A_206 = arith.constant 16 : i32
      %mul3A_207 = arith.muli %scan3A_120, %mul3A_206 : i32
      %add3A_208 = arith.constant 3 : i32
      %add3A_209 = arith.addi %mul3A_207, %add3A_208 : i32
      %dma_start3A_210 = arith.constant 0 : i32
      %dma_start3A_211 = tpu.memref_slice %arg13[%add3A_209, %dma_start3A_210] : memref<128x64xf32, #tpu.memory_space<vmem>> -> memref<1x64xf32, #tpu.memory_space<vmem>>
      %dma_start3A_212 = arith.constant 0 : i32
      %dma_start3A_213 = tpu.memref_slice %arg4[%squeeze3A_203, %dma_start3A_212] : memref<1000000x64xf32, #tpu.memory_space<hbm>> -> memref<1x64xf32, #tpu.memory_space<hbm>>
      %dma_start3A_214 = arith.constant 0 : i32
      %dma_start3A_215 = tpu.memref_slice %arg13[%add3A_209, %dma_start3A_214] : memref<128x64xf32, #tpu.memory_space<vmem>> -> memref<1x64xf32, #tpu.memory_space<vmem>>
      %dma_start3A_216 = arith.constant 0 : i32
      %dma_start3A_217 = tpu.memref_slice %arg4[%squeeze3A_203, %dma_start3A_216] : memref<1000000x64xf32, #tpu.memory_space<hbm>> -> memref<1x64xf32, #tpu.memory_space<hbm>>
      tpu.enqueue_dma source(%dma_start3A_217 : memref<1x64xf32, #tpu.memory_space<hbm>>) target(%dma_start3A_215 : memref<1x64xf32, #tpu.memory_space<vmem>>) target_semaphore(%arg18 : memref<!tpu.dma_semaphore, #tpu.memory_space<semaphore_mem>>)
      %dma_start3A_218 = arith.constant 0 : i32
      %dma_start3A_219 = tpu.memref_slice %arg15[%add3A_209, %dma_start3A_218] : memref<128x64xf32, #tpu.memory_space<vmem>> -> memref<1x64xf32, #tpu.memory_space<vmem>>
      %dma_start3A_220 = arith.constant 0 : i32
      %dma_start3A_221 = tpu.memref_slice %arg5[%squeeze3A_205, %dma_start3A_220] : memref<100000x64xf32, #tpu.memory_space<hbm>> -> memref<1x64xf32, #tpu.memory_space<hbm>>
      %dma_start3A_222 = arith.constant 0 : i32
      %dma_start3A_223 = tpu.memref_slice %arg15[%add3A_209, %dma_start3A_222] : memref<128x64xf32, #tpu.memory_space<vmem>> -> memref<1x64xf32, #tpu.memory_space<vmem>>
      %dma_start3A_224 = arith.constant 0 : i32
      %dma_start3A_225 = tpu.memref_slice %arg5[%squeeze3A_205, %dma_start3A_224] : memref<100000x64xf32, #tpu.memory_space<hbm>> -> memref<1x64xf32, #tpu.memory_space<hbm>>
      tpu.enqueue_dma source(%dma_start3A_225 : memref<1x64xf32, #tpu.memory_space<hbm>>) target(%dma_start3A_223 : memref<1x64xf32, #tpu.memory_space<vmem>>) target_semaphore(%arg18 : memref<!tpu.dma_semaphore, #tpu.memory_space<semaphore_mem>>)
      %slice3A_226 = vector.extract_strided_slice %get3A_125 {offsets = [4], sizes = [1], strides = [1]} : vector<16xi32> to vector<1xi32>
      %squeeze3A_227 = vector.extract %slice3A_226[0] : i32 from vector<1xi32>
      %slice3A_228 = vector.extract_strided_slice %get3A_131 {offsets = [4], sizes = [1], strides = [1]} : vector<16xi32> to vector<1xi32>
      %squeeze3A_229 = vector.extract %slice3A_228[0] : i32 from vector<1xi32>
      %mul3A_230 = arith.constant 16 : i32
      %mul3A_231 = arith.muli %scan3A_120, %mul3A_230 : i32
      %add3A_232 = arith.constant 4 : i32
      %add3A_233 = arith.addi %mul3A_231, %add3A_232 : i32
      %dma_start3A_234 = arith.constant 0 : i32
      %dma_start3A_235 = tpu.memref_slice %arg13[%add3A_233, %dma_start3A_234] : memref<128x64xf32, #tpu.memory_space<vmem>> -> memref<1x64xf32, #tpu.memory_space<vmem>>
      %dma_start3A_236 = arith.constant 0 : i32
      %dma_start3A_237 = tpu.memref_slice %arg4[%squeeze3A_227, %dma_start3A_236] : memref<1000000x64xf32, #tpu.memory_space<hbm>> -> memref<1x64xf32, #tpu.memory_space<hbm>>
      %dma_start3A_238 = arith.constant 0 : i32
      %dma_start3A_239 = tpu.memref_slice %arg13[%add3A_233, %dma_start3A_238] : memref<128x64xf32, #tpu.memory_space<vmem>> -> memref<1x64xf32, #tpu.memory_space<vmem>>
      %dma_start3A_240 = arith.constant 0 : i32
      %dma_start3A_241 = tpu.memref_slice %arg4[%squeeze3A_227, %dma_start3A_240] : memref<1000000x64xf32, #tpu.memory_space<hbm>> -> memref<1x64xf32, #tpu.memory_space<hbm>>
      tpu.enqueue_dma source(%dma_start3A_241 : memref<1x64xf32, #tpu.memory_space<hbm>>) target(%dma_start3A_239 : memref<1x64xf32, #tpu.memory_space<vmem>>) target_semaphore(%arg18 : memref<!tpu.dma_semaphore, #tpu.memory_space<semaphore_mem>>)
      %dma_start3A_242 = arith.constant 0 : i32
      %dma_start3A_243 = tpu.memref_slice %arg15[%add3A_233, %dma_start3A_242] : memref<128x64xf32, #tpu.memory_space<vmem>> -> memref<1x64xf32, #tpu.memory_space<vmem>>
      %dma_start3A_244 = arith.constant 0 : i32
      %dma_start3A_245 = tpu.memref_slice %arg5[%squeeze3A_229, %dma_start3A_244] : memref<100000x64xf32, #tpu.memory_space<hbm>> -> memref<1x64xf32, #tpu.memory_space<hbm>>
      %dma_start3A_246 = arith.constant 0 : i32
      %dma_start3A_247 = tpu.memref_slice %arg15[%add3A_233, %dma_start3A_246] : memref<128x64xf32, #tpu.memory_space<vmem>> -> memref<1x64xf32, #tpu.memory_space<vmem>>
      %dma_start3A_248 = arith.constant 0 : i32
      %dma_start3A_249 = tpu.memref_slice %arg5[%squeeze3A_229, %dma_start3A_248] : memref<100000x64xf32, #tpu.memory_space<hbm>> -> memref<1x64xf32, #tpu.memory_space<hbm>>
      tpu.enqueue_dma source(%dma_start3A_249 : memref<1x64xf32, #tpu.memory_space<hbm>>) target(%dma_start3A_247 : memref<1x64xf32, #tpu.memory_space<vmem>>) target_semaphore(%arg18 : memref<!tpu.dma_semaphore, #tpu.memory_space<semaphore_mem>>)
      %slice3A_250 = vector.extract_strided_slice %get3A_125 {offsets = [5], sizes = [1], strides = [1]} : vector<16xi32> to vector<1xi32>
      %squeeze3A_251 = vector.extract %slice3A_250[0] : i32 from vector<1xi32>
      %slice3A_252 = vector.extract_strided_slice %get3A_131 {offsets = [5], sizes = [1], strides = [1]} : vector<16xi32> to vector<1xi32>
      %squeeze3A_253 = vector.extract %slice3A_252[0] : i32 from vector<1xi32>
      %mul3A_254 = arith.constant 16 : i32
      %mul3A_255 = arith.muli %scan3A_120, %mul3A_254 : i32
      %add3A_256 = arith.constant 5 : i32
      %add3A_257 = arith.addi %mul3A_255, %add3A_256 : i32
      %dma_start3A_258 = arith.constant 0 : i32
      %dma_start3A_259 = tpu.memref_slice %arg13[%add3A_257, %dma_start3A_258] : memref<128x64xf32, #tpu.memory_space<vmem>> -> memref<1x64xf32, #tpu.memory_space<vmem>>
      %dma_start3A_260 = arith.constant 0 : i32
      %dma_start3A_261 = tpu.memref_slice %arg4[%squeeze3A_251, %dma_start3A_260] : memref<1000000x64xf32, #tpu.memory_space<hbm>> -> memref<1x64xf32, #tpu.memory_space<hbm>>
      %dma_start3A_262 = arith.constant 0 : i32
      %dma_start3A_263 = tpu.memref_slice %arg13[%add3A_257, %dma_start3A_262] : memref<128x64xf32, #tpu.memory_space<vmem>> -> memref<1x64xf32, #tpu.memory_space<vmem>>
      %dma_start3A_264 = arith.constant 0 : i32
      %dma_start3A_265 = tpu.memref_slice %arg4[%squeeze3A_251, %dma_start3A_264] : memref<1000000x64xf32, #tpu.memory_space<hbm>> -> memref<1x64xf32, #tpu.memory_space<hbm>>
      tpu.enqueue_dma source(%dma_start3A_265 : memref<1x64xf32, #tpu.memory_space<hbm>>) target(%dma_start3A_263 : memref<1x64xf32, #tpu.memory_space<vmem>>) target_semaphore(%arg18 : memref<!tpu.dma_semaphore, #tpu.memory_space<semaphore_mem>>)
      %dma_start3A_266 = arith.constant 0 : i32
      %dma_start3A_267 = tpu.memref_slice %arg15[%add3A_257, %dma_start3A_266] : memref<128x64xf32, #tpu.memory_space<vmem>> -> memref<1x64xf32, #tpu.memory_space<vmem>>
      %dma_start3A_268 = arith.constant 0 : i32
      %dma_start3A_269 = tpu.memref_slice %arg5[%squeeze3A_253, %dma_start3A_268] : memref<100000x64xf32, #tpu.memory_space<hbm>> -> memref<1x64xf32, #tpu.memory_space<hbm>>
      %dma_start3A_270 = arith.constant 0 : i32
      %dma_start3A_271 = tpu.memref_slice %arg15[%add3A_257, %dma_start3A_270] : memref<128x64xf32, #tpu.memory_space<vmem>> -> memref<1x64xf32, #tpu.memory_space<vmem>>
      %dma_start3A_272 = arith.constant 0 : i32
      %dma_start3A_273 = tpu.memref_slice %arg5[%squeeze3A_253, %dma_start3A_272] : memref<100000x64xf32, #tpu.memory_space<hbm>> -> memref<1x64xf32, #tpu.memory_space<hbm>>
      tpu.enqueue_dma source(%dma_start3A_273 : memref<1x64xf32, #tpu.memory_space<hbm>>) target(%dma_start3A_271 : memref<1x64xf32, #tpu.memory_space<vmem>>) target_semaphore(%arg18 : memref<!tpu.dma_semaphore, #tpu.memory_space<semaphore_mem>>)
      %slice3A_274 = vector.extract_strided_slice %get3A_125 {offsets = [6], sizes = [1], strides = [1]} : vector<16xi32> to vector<1xi32>
      %squeeze3A_275 = vector.extract %slice3A_274[0] : i32 from vector<1xi32>
      %slice3A_276 = vector.extract_strided_slice %get3A_131 {offsets = [6], sizes = [1], strides = [1]} : vector<16xi32> to vector<1xi32>
      %squeeze3A_277 = vector.extract %slice3A_276[0] : i32 from vector<1xi32>
      %mul3A_278 = arith.constant 16 : i32
      %mul3A_279 = arith.muli %scan3A_120, %mul3A_278 : i32
      %add3A_280 = arith.constant 6 : i32
      %add3A_281 = arith.addi %mul3A_279, %add3A_280 : i32
      %dma_start3A_282 = arith.constant 0 : i32
      %dma_start3A_283 = tpu.memref_slice %arg13[%add3A_281, %dma_start3A_282] : memref<128x64xf32, #tpu.memory_space<vmem>> -> memref<1x64xf32, #tpu.memory_space<vmem>>
      %dma_start3A_284 = arith.constant 0 : i32
      %dma_start3A_285 = tpu.memref_slice %arg4[%squeeze3A_275, %dma_start3A_284] : memref<1000000x64xf32, #tpu.memory_space<hbm>> -> memref<1x64xf32, #tpu.memory_space<hbm>>
      %dma_start3A_286 = arith.constant 0 : i32
      %dma_start3A_287 = tpu.memref_slice %arg13[%add3A_281, %dma_start3A_286] : memref<128x64xf32, #tpu.memory_space<vmem>> -> memref<1x64xf32, #tpu.memory_space<vmem>>
      %dma_start3A_288 = arith.constant 0 : i32
      %dma_start3A_289 = tpu.memref_slice %arg4[%squeeze3A_275, %dma_start3A_288] : memref<1000000x64xf32, #tpu.memory_space<hbm>> -> memref<1x64xf32, #tpu.memory_space<hbm>>
      tpu.enqueue_dma source(%dma_start3A_289 : memref<1x64xf32, #tpu.memory_space<hbm>>) target(%dma_start3A_287 : memref<1x64xf32, #tpu.memory_space<vmem>>) target_semaphore(%arg18 : memref<!tpu.dma_semaphore, #tpu.memory_space<semaphore_mem>>)
      %dma_start3A_290 = arith.constant 0 : i32
      %dma_start3A_291 = tpu.memref_slice %arg15[%add3A_281, %dma_start3A_290] : memref<128x64xf32, #tpu.memory_space<vmem>> -> memref<1x64xf32, #tpu.memory_space<vmem>>
      %dma_start3A_292 = arith.constant 0 : i32
      %dma_start3A_293 = tpu.memref_slice %arg5[%squeeze3A_277, %dma_start3A_292] : memref<100000x64xf32, #tpu.memory_space<hbm>> -> memref<1x64xf32, #tpu.memory_space<hbm>>
      %dma_start3A_294 = arith.constant 0 : i32
      %dma_start3A_295 = tpu.memref_slice %arg15[%add3A_281, %dma_start3A_294] : memref<128x64xf32, #tpu.memory_space<vmem>> -> memref<1x64xf32, #tpu.memory_space<vmem>>
      %dma_start3A_296 = arith.constant 0 : i32
      %dma_start3A_297 = tpu.memref_slice %arg5[%squeeze3A_277, %dma_start3A_296] : memref<100000x64xf32, #tpu.memory_space<hbm>> -> memref<1x64xf32, #tpu.memory_space<hbm>>
      tpu.enqueue_dma source(%dma_start3A_297 : memref<1x64xf32, #tpu.memory_space<hbm>>) target(%dma_start3A_295 : memref<1x64xf32, #tpu.memory_space<vmem>>) target_semaphore(%arg18 : memref<!tpu.dma_semaphore, #tpu.memory_space<semaphore_mem>>)
      %slice3A_298 = vector.extract_strided_slice %get3A_125 {offsets = [7], sizes = [1], strides = [1]} : vector<16xi32> to vector<1xi32>
      %squeeze3A_299 = vector.extract %slice3A_298[0] : i32 from vector<1xi32>
      %slice3A_300 = vector.extract_strided_slice %get3A_131 {offsets = [7], sizes = [1], strides = [1]} : vector<16xi32> to vector<1xi32>
      %squeeze3A_301 = vector.extract %slice3A_300[0] : i32 from vector<1xi32>
      %mul3A_302 = arith.constant 16 : i32
      %mul3A_303 = arith.muli %scan3A_120, %mul3A_302 : i32
      %add3A_304 = arith.constant 7 : i32
      %add3A_305 = arith.addi %mul3A_303, %add3A_304 : i32
      %dma_start3A_306 = arith.constant 0 : i32
      %dma_start3A_307 = tpu.memref_slice %arg13[%add3A_305, %dma_start3A_306] : memref<128x64xf32, #tpu.memory_space<vmem>> -> memref<1x64xf32, #tpu.memory_space<vmem>>
      %dma_start3A_308 = arith.constant 0 : i32
      %dma_start3A_309 = tpu.memref_slice %arg4[%squeeze3A_299, %dma_start3A_308] : memref<1000000x64xf32, #tpu.memory_space<hbm>> -> memref<1x64xf32, #tpu.memory_space<hbm>>
      %dma_start3A_310 = arith.constant 0 : i32
      %dma_start3A_311 = tpu.memref_slice %arg13[%add3A_305, %dma_start3A_310] : memref<128x64xf32, #tpu.memory_space<vmem>> -> memref<1x64xf32, #tpu.memory_space<vmem>>
      %dma_start3A_312 = arith.constant 0 : i32
      %dma_start3A_313 = tpu.memref_slice %arg4[%squeeze3A_299, %dma_start3A_312] : memref<1000000x64xf32, #tpu.memory_space<hbm>> -> memref<1x64xf32, #tpu.memory_space<hbm>>
      tpu.enqueue_dma source(%dma_start3A_313 : memref<1x64xf32, #tpu.memory_space<hbm>>) target(%dma_start3A_311 : memref<1x64xf32, #tpu.memory_space<vmem>>) target_semaphore(%arg18 : memref<!tpu.dma_semaphore, #tpu.memory_space<semaphore_mem>>)
      %dma_start3A_314 = arith.constant 0 : i32
      %dma_start3A_315 = tpu.memref_slice %arg15[%add3A_305, %dma_start3A_314] : memref<128x64xf32, #tpu.memory_space<vmem>> -> memref<1x64xf32, #tpu.memory_space<vmem>>
      %dma_start3A_316 = arith.constant 0 : i32
      %dma_start3A_317 = tpu.memref_slice %arg5[%squeeze3A_301, %dma_start3A_316] : memref<100000x64xf32, #tpu.memory_space<hbm>> -> memref<1x64xf32, #tpu.memory_space<hbm>>
      %dma_start3A_318 = arith.constant 0 : i32
      %dma_start3A_319 = tpu.memref_slice %arg15[%add3A_305, %dma_start3A_318] : memref<128x64xf32, #tpu.memory_space<vmem>> -> memref<1x64xf32, #tpu.memory_space<vmem>>
      %dma_start3A_320 = arith.constant 0 : i32
      %dma_start3A_321 = tpu.memref_slice %arg5[%squeeze3A_301, %dma_start3A_320] : memref<100000x64xf32, #tpu.memory_space<hbm>> -> memref<1x64xf32, #tpu.memory_space<hbm>>
      tpu.enqueue_dma source(%dma_start3A_321 : memref<1x64xf32, #tpu.memory_space<hbm>>) target(%dma_start3A_319 : memref<1x64xf32, #tpu.memory_space<vmem>>) target_semaphore(%arg18 : memref<!tpu.dma_semaphore, #tpu.memory_space<semaphore_mem>>)
      %slice3A_322 = vector.extract_strided_slice %get3A_125 {offsets = [8], sizes = [1], strides = [1]} : vector<16xi32> to vector<1xi32>
      %squeeze3A_323 = vector.extract %slice3A_322[0] : i32 from vector<1xi32>
      %slice3A_324 = vector.extract_strided_slice %get3A_131 {offsets = [8], sizes = [1], strides = [1]} : vector<16xi32> to vector<1xi32>
      %squeeze3A_325 = vector.extract %slice3A_324[0] : i32 from vector<1xi32>
      %mul3A_326 = arith.constant 16 : i32
      %mul3A_327 = arith.muli %scan3A_120, %mul3A_326 : i32
      %add3A_328 = arith.constant 8 : i32
      %add3A_329 = arith.addi %mul3A_327, %add3A_328 : i32
      %dma_start3A_330 = arith.constant 0 : i32
      %dma_start3A_331 = tpu.memref_slice %arg13[%add3A_329, %dma_start3A_330] : memref<128x64xf32, #tpu.memory_space<vmem>> -> memref<1x64xf32, #tpu.memory_space<vmem>>
      %dma_start3A_332 = arith.constant 0 : i32
      %dma_start3A_333 = tpu.memref_slice %arg4[%squeeze3A_323, %dma_start3A_332] : memref<1000000x64xf32, #tpu.memory_space<hbm>> -> memref<1x64xf32, #tpu.memory_space<hbm>>
      %dma_start3A_334 = arith.constant 0 : i32
      %dma_start3A_335 = tpu.memref_slice %arg13[%add3A_329, %dma_start3A_334] : memref<128x64xf32, #tpu.memory_space<vmem>> -> memref<1x64xf32, #tpu.memory_space<vmem>>
      %dma_start3A_336 = arith.constant 0 : i32
      %dma_start3A_337 = tpu.memref_slice %arg4[%squeeze3A_323, %dma_start3A_336] : memref<1000000x64xf32, #tpu.memory_space<hbm>> -> memref<1x64xf32, #tpu.memory_space<hbm>>
      tpu.enqueue_dma source(%dma_start3A_337 : memref<1x64xf32, #tpu.memory_space<hbm>>) target(%dma_start3A_335 : memref<1x64xf32, #tpu.memory_space<vmem>>) target_semaphore(%arg18 : memref<!tpu.dma_semaphore, #tpu.memory_space<semaphore_mem>>)
      %dma_start3A_338 = arith.constant 0 : i32
      %dma_start3A_339 = tpu.memref_slice %arg15[%add3A_329, %dma_start3A_338] : memref<128x64xf32, #tpu.memory_space<vmem>> -> memref<1x64xf32, #tpu.memory_space<vmem>>
      %dma_start3A_340 = arith.constant 0 : i32
      %dma_start3A_341 = tpu.memref_slice %arg5[%squeeze3A_325, %dma_start3A_340] : memref<100000x64xf32, #tpu.memory_space<hbm>> -> memref<1x64xf32, #tpu.memory_space<hbm>>
      %dma_start3A_342 = arith.constant 0 : i32
      %dma_start3A_343 = tpu.memref_slice %arg15[%add3A_329, %dma_start3A_342] : memref<128x64xf32, #tpu.memory_space<vmem>> -> memref<1x64xf32, #tpu.memory_space<vmem>>
      %dma_start3A_344 = arith.constant 0 : i32
      %dma_start3A_345 = tpu.memref_slice %arg5[%squeeze3A_325, %dma_start3A_344] : memref<100000x64xf32, #tpu.memory_space<hbm>> -> memref<1x64xf32, #tpu.memory_space<hbm>>
      tpu.enqueue_dma source(%dma_start3A_345 : memref<1x64xf32, #tpu.memory_space<hbm>>) target(%dma_start3A_343 : memref<1x64xf32, #tpu.memory_space<vmem>>) target_semaphore(%arg18 : memref<!tpu.dma_semaphore, #tpu.memory_space<semaphore_mem>>)
      %slice3A_346 = vector.extract_strided_slice %get3A_125 {offsets = [9], sizes = [1], strides = [1]} : vector<16xi32> to vector<1xi32>
      %squeeze3A_347 = vector.extract %slice3A_346[0] : i32 from vector<1xi32>
      %slice3A_348 = vector.extract_strided_slice %get3A_131 {offsets = [9], sizes = [1], strides = [1]} : vector<16xi32> to vector<1xi32>
      %squeeze3A_349 = vector.extract %slice3A_348[0] : i32 from vector<1xi32>
      %mul3A_350 = arith.constant 16 : i32
      %mul3A_351 = arith.muli %scan3A_120, %mul3A_350 : i32
      %add3A_352 = arith.constant 9 : i32
      %add3A_353 = arith.addi %mul3A_351, %add3A_352 : i32
      %dma_start3A_354 = arith.constant 0 : i32
      %dma_start3A_355 = tpu.memref_slice %arg13[%add3A_353, %dma_start3A_354] : memref<128x64xf32, #tpu.memory_space<vmem>> -> memref<1x64xf32, #tpu.memory_space<vmem>>
      %dma_start3A_356 = arith.constant 0 : i32
      %dma_start3A_357 = tpu.memref_slice %arg4[%squeeze3A_347, %dma_start3A_356] : memref<1000000x64xf32, #tpu.memory_space<hbm>> -> memref<1x64xf32, #tpu.memory_space<hbm>>
      %dma_start3A_358 = arith.constant 0 : i32
      %dma_start3A_359 = tpu.memref_slice %arg13[%add3A_353, %dma_start3A_358] : memref<128x64xf32, #tpu.memory_space<vmem>> -> memref<1x64xf32, #tpu.memory_space<vmem>>
      %dma_start3A_360 = arith.constant 0 : i32
      %dma_start3A_361 = tpu.memref_slice %arg4[%squeeze3A_347, %dma_start3A_360] : memref<1000000x64xf32, #tpu.memory_space<hbm>> -> memref<1x64xf32, #tpu.memory_space<hbm>>
      tpu.enqueue_dma source(%dma_start3A_361 : memref<1x64xf32, #tpu.memory_space<hbm>>) target(%dma_start3A_359 : memref<1x64xf32, #tpu.memory_space<vmem>>) target_semaphore(%arg18 : memref<!tpu.dma_semaphore, #tpu.memory_space<semaphore_mem>>)
      %dma_start3A_362 = arith.constant 0 : i32
      %dma_start3A_363 = tpu.memref_slice %arg15[%add3A_353, %dma_start3A_362] : memref<128x64xf32, #tpu.memory_space<vmem>> -> memref<1x64xf32, #tpu.memory_space<vmem>>
      %dma_start3A_364 = arith.constant 0 : i32
      %dma_start3A_365 = tpu.memref_slice %arg5[%squeeze3A_349, %dma_start3A_364] : memref<100000x64xf32, #tpu.memory_space<hbm>> -> memref<1x64xf32, #tpu.memory_space<hbm>>
      %dma_start3A_366 = arith.constant 0 : i32
      %dma_start3A_367 = tpu.memref_slice %arg15[%add3A_353, %dma_start3A_366] : memref<128x64xf32, #tpu.memory_space<vmem>> -> memref<1x64xf32, #tpu.memory_space<vmem>>
      %dma_start3A_368 = arith.constant 0 : i32
      %dma_start3A_369 = tpu.memref_slice %arg5[%squeeze3A_349, %dma_start3A_368] : memref<100000x64xf32, #tpu.memory_space<hbm>> -> memref<1x64xf32, #tpu.memory_space<hbm>>
      tpu.enqueue_dma source(%dma_start3A_369 : memref<1x64xf32, #tpu.memory_space<hbm>>) target(%dma_start3A_367 : memref<1x64xf32, #tpu.memory_space<vmem>>) target_semaphore(%arg18 : memref<!tpu.dma_semaphore, #tpu.memory_space<semaphore_mem>>)
      %slice3A_370 = vector.extract_strided_slice %get3A_125 {offsets = [10], sizes = [1], strides = [1]} : vector<16xi32> to vector<1xi32>
      %squeeze3A_371 = vector.extract %slice3A_370[0] : i32 from vector<1xi32>
      %slice3A_372 = vector.extract_strided_slice %get3A_131 {offsets = [10], sizes = [1], strides = [1]} : vector<16xi32> to vector<1xi32>
      %squeeze3A_373 = vector.extract %slice3A_372[0] : i32 from vector<1xi32>
      %mul3A_374 = arith.constant 16 : i32
      %mul3A_375 = arith.muli %scan3A_120, %mul3A_374 : i32
      %add3A_376 = arith.constant 10 : i32
      %add3A_377 = arith.addi %mul3A_375, %add3A_376 : i32
      %dma_start3A_378 = arith.constant 0 : i32
      %dma_start3A_379 = tpu.memref_slice %arg13[%add3A_377, %dma_start3A_378] : memref<128x64xf32, #tpu.memory_space<vmem>> -> memref<1x64xf32, #tpu.memory_space<vmem>>
      %dma_start3A_380 = arith.constant 0 : i32
      %dma_start3A_381 = tpu.memref_slice %arg4[%squeeze3A_371, %dma_start3A_380] : memref<1000000x64xf32, #tpu.memory_space<hbm>> -> memref<1x64xf32, #tpu.memory_space<hbm>>
      %dma_start3A_382 = arith.constant 0 : i32
      %dma_start3A_383 = tpu.memref_slice %arg13[%add3A_377, %dma_start3A_382] : memref<128x64xf32, #tpu.memory_space<vmem>> -> memref<1x64xf32, #tpu.memory_space<vmem>>
      %dma_start3A_384 = arith.constant 0 : i32
      %dma_start3A_385 = tpu.memref_slice %arg4[%squeeze3A_371, %dma_start3A_384] : memref<1000000x64xf32, #tpu.memory_space<hbm>> -> memref<1x64xf32, #tpu.memory_space<hbm>>
      tpu.enqueue_dma source(%dma_start3A_385 : memref<1x64xf32, #tpu.memory_space<hbm>>) target(%dma_start3A_383 : memref<1x64xf32, #tpu.memory_space<vmem>>) target_semaphore(%arg18 : memref<!tpu.dma_semaphore, #tpu.memory_space<semaphore_mem>>)
      %dma_start3A_386 = arith.constant 0 : i32
      %dma_start3A_387 = tpu.memref_slice %arg15[%add3A_377, %dma_start3A_386] : memref<128x64xf32, #tpu.memory_space<vmem>> -> memref<1x64xf32, #tpu.memory_space<vmem>>
      %dma_start3A_388 = arith.constant 0 : i32
      %dma_start3A_389 = tpu.memref_slice %arg5[%squeeze3A_373, %dma_start3A_388] : memref<100000x64xf32, #tpu.memory_space<hbm>> -> memref<1x64xf32, #tpu.memory_space<hbm>>
      %dma_start3A_390 = arith.constant 0 : i32
      %dma_start3A_391 = tpu.memref_slice %arg15[%add3A_377, %dma_start3A_390] : memref<128x64xf32, #tpu.memory_space<vmem>> -> memref<1x64xf32, #tpu.memory_space<vmem>>
      %dma_start3A_392 = arith.constant 0 : i32
      %dma_start3A_393 = tpu.memref_slice %arg5[%squeeze3A_373, %dma_start3A_392] : memref<100000x64xf32, #tpu.memory_space<hbm>> -> memref<1x64xf32, #tpu.memory_space<hbm>>
      tpu.enqueue_dma source(%dma_start3A_393 : memref<1x64xf32, #tpu.memory_space<hbm>>) target(%dma_start3A_391 : memref<1x64xf32, #tpu.memory_space<vmem>>) target_semaphore(%arg18 : memref<!tpu.dma_semaphore, #tpu.memory_space<semaphore_mem>>)
      %slice3A_394 = vector.extract_strided_slice %get3A_125 {offsets = [11], sizes = [1], strides = [1]} : vector<16xi32> to vector<1xi32>
      %squeeze3A_395 = vector.extract %slice3A_394[0] : i32 from vector<1xi32>
      %slice3A_396 = vector.extract_strided_slice %get3A_131 {offsets = [11], sizes = [1], strides = [1]} : vector<16xi32> to vector<1xi32>
      %squeeze3A_397 = vector.extract %slice3A_396[0] : i32 from vector<1xi32>
      %mul3A_398 = arith.constant 16 : i32
      %mul3A_399 = arith.muli %scan3A_120, %mul3A_398 : i32
      %add3A_400 = arith.constant 11 : i32
      %add3A_401 = arith.addi %mul3A_399, %add3A_400 : i32
      %dma_start3A_402 = arith.constant 0 : i32
      %dma_start3A_403 = tpu.memref_slice %arg13[%add3A_401, %dma_start3A_402] : memref<128x64xf32, #tpu.memory_space<vmem>> -> memref<1x64xf32, #tpu.memory_space<vmem>>
      %dma_start3A_404 = arith.constant 0 : i32
      %dma_start3A_405 = tpu.memref_slice %arg4[%squeeze3A_395, %dma_start3A_404] : memref<1000000x64xf32, #tpu.memory_space<hbm>> -> memref<1x64xf32, #tpu.memory_space<hbm>>
      %dma_start3A_406 = arith.constant 0 : i32
      %dma_start3A_407 = tpu.memref_slice %arg13[%add3A_401, %dma_start3A_406] : memref<128x64xf32, #tpu.memory_space<vmem>> -> memref<1x64xf32, #tpu.memory_space<vmem>>
      %dma_start3A_408 = arith.constant 0 : i32
      %dma_start3A_409 = tpu.memref_slice %arg4[%squeeze3A_395, %dma_start3A_408] : memref<1000000x64xf32, #tpu.memory_space<hbm>> -> memref<1x64xf32, #tpu.memory_space<hbm>>
      tpu.enqueue_dma source(%dma_start3A_409 : memref<1x64xf32, #tpu.memory_space<hbm>>) target(%dma_start3A_407 : memref<1x64xf32, #tpu.memory_space<vmem>>) target_semaphore(%arg18 : memref<!tpu.dma_semaphore, #tpu.memory_space<semaphore_mem>>)
      %dma_start3A_410 = arith.constant 0 : i32
      %dma_start3A_411 = tpu.memref_slice %arg15[%add3A_401, %dma_start3A_410] : memref<128x64xf32, #tpu.memory_space<vmem>> -> memref<1x64xf32, #tpu.memory_space<vmem>>
      %dma_start3A_412 = arith.constant 0 : i32
      %dma_start3A_413 = tpu.memref_slice %arg5[%squeeze3A_397, %dma_start3A_412] : memref<100000x64xf32, #tpu.memory_space<hbm>> -> memref<1x64xf32, #tpu.memory_space<hbm>>
      %dma_start3A_414 = arith.constant 0 : i32
      %dma_start3A_415 = tpu.memref_slice %arg15[%add3A_401, %dma_start3A_414] : memref<128x64xf32, #tpu.memory_space<vmem>> -> memref<1x64xf32, #tpu.memory_space<vmem>>
      %dma_start3A_416 = arith.constant 0 : i32
      %dma_start3A_417 = tpu.memref_slice %arg5[%squeeze3A_397, %dma_start3A_416] : memref<100000x64xf32, #tpu.memory_space<hbm>> -> memref<1x64xf32, #tpu.memory_space<hbm>>
      tpu.enqueue_dma source(%dma_start3A_417 : memref<1x64xf32, #tpu.memory_space<hbm>>) target(%dma_start3A_415 : memref<1x64xf32, #tpu.memory_space<vmem>>) target_semaphore(%arg18 : memref<!tpu.dma_semaphore, #tpu.memory_space<semaphore_mem>>)
      %slice3A_418 = vector.extract_strided_slice %get3A_125 {offsets = [12], sizes = [1], strides = [1]} : vector<16xi32> to vector<1xi32>
      %squeeze3A_419 = vector.extract %slice3A_418[0] : i32 from vector<1xi32>
      %slice3A_420 = vector.extract_strided_slice %get3A_131 {offsets = [12], sizes = [1], strides = [1]} : vector<16xi32> to vector<1xi32>
      %squeeze3A_421 = vector.extract %slice3A_420[0] : i32 from vector<1xi32>
      %mul3A_422 = arith.constant 16 : i32
      %mul3A_423 = arith.muli %scan3A_120, %mul3A_422 : i32
      %add3A_424 = arith.constant 12 : i32
      %add3A_425 = arith.addi %mul3A_423, %add3A_424 : i32
      %dma_start3A_426 = arith.constant 0 : i32
      %dma_start3A_427 = tpu.memref_slice %arg13[%add3A_425, %dma_start3A_426] : memref<128x64xf32, #tpu.memory_space<vmem>> -> memref<1x64xf32, #tpu.memory_space<vmem>>
      %dma_start3A_428 = arith.constant 0 : i32
      %dma_start3A_429 = tpu.memref_slice %arg4[%squeeze3A_419, %dma_start3A_428] : memref<1000000x64xf32, #tpu.memory_space<hbm>> -> memref<1x64xf32, #tpu.memory_space<hbm>>
      %dma_start3A_430 = arith.constant 0 : i32
      %dma_start3A_431 = tpu.memref_slice %arg13[%add3A_425, %dma_start3A_430] : memref<128x64xf32, #tpu.memory_space<vmem>> -> memref<1x64xf32, #tpu.memory_space<vmem>>
      %dma_start3A_432 = arith.constant 0 : i32
      %dma_start3A_433 = tpu.memref_slice %arg4[%squeeze3A_419, %dma_start3A_432] : memref<1000000x64xf32, #tpu.memory_space<hbm>> -> memref<1x64xf32, #tpu.memory_space<hbm>>
      tpu.enqueue_dma source(%dma_start3A_433 : memref<1x64xf32, #tpu.memory_space<hbm>>) target(%dma_start3A_431 : memref<1x64xf32, #tpu.memory_space<vmem>>) target_semaphore(%arg18 : memref<!tpu.dma_semaphore, #tpu.memory_space<semaphore_mem>>)
      %dma_start3A_434 = arith.constant 0 : i32
      %dma_start3A_435 = tpu.memref_slice %arg15[%add3A_425, %dma_start3A_434] : memref<128x64xf32, #tpu.memory_space<vmem>> -> memref<1x64xf32, #tpu.memory_space<vmem>>
      %dma_start3A_436 = arith.constant 0 : i32
      %dma_start3A_437 = tpu.memref_slice %arg5[%squeeze3A_421, %dma_start3A_436] : memref<100000x64xf32, #tpu.memory_space<hbm>> -> memref<1x64xf32, #tpu.memory_space<hbm>>
      %dma_start3A_438 = arith.constant 0 : i32
      %dma_start3A_439 = tpu.memref_slice %arg15[%add3A_425, %dma_start3A_438] : memref<128x64xf32, #tpu.memory_space<vmem>> -> memref<1x64xf32, #tpu.memory_space<vmem>>
      %dma_start3A_440 = arith.constant 0 : i32
      %dma_start3A_441 = tpu.memref_slice %arg5[%squeeze3A_421, %dma_start3A_440] : memref<100000x64xf32, #tpu.memory_space<hbm>> -> memref<1x64xf32, #tpu.memory_space<hbm>>
      tpu.enqueue_dma source(%dma_start3A_441 : memref<1x64xf32, #tpu.memory_space<hbm>>) target(%dma_start3A_439 : memref<1x64xf32, #tpu.memory_space<vmem>>) target_semaphore(%arg18 : memref<!tpu.dma_semaphore, #tpu.memory_space<semaphore_mem>>)
      %slice3A_442 = vector.extract_strided_slice %get3A_125 {offsets = [13], sizes = [1], strides = [1]} : vector<16xi32> to vector<1xi32>
      %squeeze3A_443 = vector.extract %slice3A_442[0] : i32 from vector<1xi32>
      %slice3A_444 = vector.extract_strided_slice %get3A_131 {offsets = [13], sizes = [1], strides = [1]} : vector<16xi32> to vector<1xi32>
      %squeeze3A_445 = vector.extract %slice3A_444[0] : i32 from vector<1xi32>
      %mul3A_446 = arith.constant 16 : i32
      %mul3A_447 = arith.muli %scan3A_120, %mul3A_446 : i32
      %add3A_448 = arith.constant 13 : i32
      %add3A_449 = arith.addi %mul3A_447, %add3A_448 : i32
      %dma_start3A_450 = arith.constant 0 : i32
      %dma_start3A_451 = tpu.memref_slice %arg13[%add3A_449, %dma_start3A_450] : memref<128x64xf32, #tpu.memory_space<vmem>> -> memref<1x64xf32, #tpu.memory_space<vmem>>
      %dma_start3A_452 = arith.constant 0 : i32
      %dma_start3A_453 = tpu.memref_slice %arg4[%squeeze3A_443, %dma_start3A_452] : memref<1000000x64xf32, #tpu.memory_space<hbm>> -> memref<1x64xf32, #tpu.memory_space<hbm>>
      %dma_start3A_454 = arith.constant 0 : i32
      %dma_start3A_455 = tpu.memref_slice %arg13[%add3A_449, %dma_start3A_454] : memref<128x64xf32, #tpu.memory_space<vmem>> -> memref<1x64xf32, #tpu.memory_space<vmem>>
      %dma_start3A_456 = arith.constant 0 : i32
      %dma_start3A_457 = tpu.memref_slice %arg4[%squeeze3A_443, %dma_start3A_456] : memref<1000000x64xf32, #tpu.memory_space<hbm>> -> memref<1x64xf32, #tpu.memory_space<hbm>>
      tpu.enqueue_dma source(%dma_start3A_457 : memref<1x64xf32, #tpu.memory_space<hbm>>) target(%dma_start3A_455 : memref<1x64xf32, #tpu.memory_space<vmem>>) target_semaphore(%arg18 : memref<!tpu.dma_semaphore, #tpu.memory_space<semaphore_mem>>)
      %dma_start3A_458 = arith.constant 0 : i32
      %dma_start3A_459 = tpu.memref_slice %arg15[%add3A_449, %dma_start3A_458] : memref<128x64xf32, #tpu.memory_space<vmem>> -> memref<1x64xf32, #tpu.memory_space<vmem>>
      %dma_start3A_460 = arith.constant 0 : i32
      %dma_start3A_461 = tpu.memref_slice %arg5[%squeeze3A_445, %dma_start3A_460] : memref<100000x64xf32, #tpu.memory_space<hbm>> -> memref<1x64xf32, #tpu.memory_space<hbm>>
      %dma_start3A_462 = arith.constant 0 : i32
      %dma_start3A_463 = tpu.memref_slice %arg15[%add3A_449, %dma_start3A_462] : memref<128x64xf32, #tpu.memory_space<vmem>> -> memref<1x64xf32, #tpu.memory_space<vmem>>
      %dma_start3A_464 = arith.constant 0 : i32
      %dma_start3A_465 = tpu.memref_slice %arg5[%squeeze3A_445, %dma_start3A_464] : memref<100000x64xf32, #tpu.memory_space<hbm>> -> memref<1x64xf32, #tpu.memory_space<hbm>>
      tpu.enqueue_dma source(%dma_start3A_465 : memref<1x64xf32, #tpu.memory_space<hbm>>) target(%dma_start3A_463 : memref<1x64xf32, #tpu.memory_space<vmem>>) target_semaphore(%arg18 : memref<!tpu.dma_semaphore, #tpu.memory_space<semaphore_mem>>)
      %slice3A_466 = vector.extract_strided_slice %get3A_125 {offsets = [14], sizes = [1], strides = [1]} : vector<16xi32> to vector<1xi32>
      %squeeze3A_467 = vector.extract %slice3A_466[0] : i32 from vector<1xi32>
      %slice3A_468 = vector.extract_strided_slice %get3A_131 {offsets = [14], sizes = [1], strides = [1]} : vector<16xi32> to vector<1xi32>
      %squeeze3A_469 = vector.extract %slice3A_468[0] : i32 from vector<1xi32>
      %mul3A_470 = arith.constant 16 : i32
      %mul3A_471 = arith.muli %scan3A_120, %mul3A_470 : i32
      %add3A_472 = arith.constant 14 : i32
      %add3A_473 = arith.addi %mul3A_471, %add3A_472 : i32
      %dma_start3A_474 = arith.constant 0 : i32
      %dma_start3A_475 = tpu.memref_slice %arg13[%add3A_473, %dma_start3A_474] : memref<128x64xf32, #tpu.memory_space<vmem>> -> memref<1x64xf32, #tpu.memory_space<vmem>>
      %dma_start3A_476 = arith.constant 0 : i32
      %dma_start3A_477 = tpu.memref_slice %arg4[%squeeze3A_467, %dma_start3A_476] : memref<1000000x64xf32, #tpu.memory_space<hbm>> -> memref<1x64xf32, #tpu.memory_space<hbm>>
      %dma_start3A_478 = arith.constant 0 : i32
      %dma_start3A_479 = tpu.memref_slice %arg13[%add3A_473, %dma_start3A_478] : memref<128x64xf32, #tpu.memory_space<vmem>> -> memref<1x64xf32, #tpu.memory_space<vmem>>
      %dma_start3A_480 = arith.constant 0 : i32
      %dma_start3A_481 = tpu.memref_slice %arg4[%squeeze3A_467, %dma_start3A_480] : memref<1000000x64xf32, #tpu.memory_space<hbm>> -> memref<1x64xf32, #tpu.memory_space<hbm>>
      tpu.enqueue_dma source(%dma_start3A_481 : memref<1x64xf32, #tpu.memory_space<hbm>>) target(%dma_start3A_479 : memref<1x64xf32, #tpu.memory_space<vmem>>) target_semaphore(%arg18 : memref<!tpu.dma_semaphore, #tpu.memory_space<semaphore_mem>>)
      %dma_start3A_482 = arith.constant 0 : i32
      %dma_start3A_483 = tpu.memref_slice %arg15[%add3A_473, %dma_start3A_482] : memref<128x64xf32, #tpu.memory_space<vmem>> -> memref<1x64xf32, #tpu.memory_space<vmem>>
      %dma_start3A_484 = arith.constant 0 : i32
      %dma_start3A_485 = tpu.memref_slice %arg5[%squeeze3A_469, %dma_start3A_484] : memref<100000x64xf32, #tpu.memory_space<hbm>> -> memref<1x64xf32, #tpu.memory_space<hbm>>
      %dma_start3A_486 = arith.constant 0 : i32
      %dma_start3A_487 = tpu.memref_slice %arg15[%add3A_473, %dma_start3A_486] : memref<128x64xf32, #tpu.memory_space<vmem>> -> memref<1x64xf32, #tpu.memory_space<vmem>>
      %dma_start3A_488 = arith.constant 0 : i32
      %dma_start3A_489 = tpu.memref_slice %arg5[%squeeze3A_469, %dma_start3A_488] : memref<100000x64xf32, #tpu.memory_space<hbm>> -> memref<1x64xf32, #tpu.memory_space<hbm>>
      tpu.enqueue_dma source(%dma_start3A_489 : memref<1x64xf32, #tpu.memory_space<hbm>>) target(%dma_start3A_487 : memref<1x64xf32, #tpu.memory_space<vmem>>) target_semaphore(%arg18 : memref<!tpu.dma_semaphore, #tpu.memory_space<semaphore_mem>>)
      %slice3A_490 = vector.extract_strided_slice %get3A_125 {offsets = [15], sizes = [1], strides = [1]} : vector<16xi32> to vector<1xi32>
      %squeeze3A_491 = vector.extract %slice3A_490[0] : i32 from vector<1xi32>
      %slice3A_492 = vector.extract_strided_slice %get3A_131 {offsets = [15], sizes = [1], strides = [1]} : vector<16xi32> to vector<1xi32>
      %squeeze3A_493 = vector.extract %slice3A_492[0] : i32 from vector<1xi32>
      %mul3A_494 = arith.constant 16 : i32
      %mul3A_495 = arith.muli %scan3A_120, %mul3A_494 : i32
      %add3A_496 = arith.constant 15 : i32
      %add3A_497 = arith.addi %mul3A_495, %add3A_496 : i32
      %dma_start3A_498 = arith.constant 0 : i32
      %dma_start3A_499 = tpu.memref_slice %arg13[%add3A_497, %dma_start3A_498] : memref<128x64xf32, #tpu.memory_space<vmem>> -> memref<1x64xf32, #tpu.memory_space<vmem>>
      %dma_start3A_500 = arith.constant 0 : i32
      %dma_start3A_501 = tpu.memref_slice %arg4[%squeeze3A_491, %dma_start3A_500] : memref<1000000x64xf32, #tpu.memory_space<hbm>> -> memref<1x64xf32, #tpu.memory_space<hbm>>
      %dma_start3A_502 = arith.constant 0 : i32
      %dma_start3A_503 = tpu.memref_slice %arg13[%add3A_497, %dma_start3A_502] : memref<128x64xf32, #tpu.memory_space<vmem>> -> memref<1x64xf32, #tpu.memory_space<vmem>>
      %dma_start3A_504 = arith.constant 0 : i32
      %dma_start3A_505 = tpu.memref_slice %arg4[%squeeze3A_491, %dma_start3A_504] : memref<1000000x64xf32, #tpu.memory_space<hbm>> -> memref<1x64xf32, #tpu.memory_space<hbm>>
      tpu.enqueue_dma source(%dma_start3A_505 : memref<1x64xf32, #tpu.memory_space<hbm>>) target(%dma_start3A_503 : memref<1x64xf32, #tpu.memory_space<vmem>>) target_semaphore(%arg18 : memref<!tpu.dma_semaphore, #tpu.memory_space<semaphore_mem>>)
      %dma_start3A_506 = arith.constant 0 : i32
      %dma_start3A_507 = tpu.memref_slice %arg15[%add3A_497, %dma_start3A_506] : memref<128x64xf32, #tpu.memory_space<vmem>> -> memref<1x64xf32, #tpu.memory_space<vmem>>
      %dma_start3A_508 = arith.constant 0 : i32
      %dma_start3A_509 = tpu.memref_slice %arg5[%squeeze3A_493, %dma_start3A_508] : memref<100000x64xf32, #tpu.memory_space<hbm>> -> memref<1x64xf32, #tpu.memory_space<hbm>>
      %dma_start3A_510 = arith.constant 0 : i32
      %dma_start3A_511 = tpu.memref_slice %arg15[%add3A_497, %dma_start3A_510] : memref<128x64xf32, #tpu.memory_space<vmem>> -> memref<1x64xf32, #tpu.memory_space<vmem>>
      %dma_start3A_512 = arith.constant 0 : i32
      %dma_start3A_513 = tpu.memref_slice %arg5[%squeeze3A_493, %dma_start3A_512] : memref<100000x64xf32, #tpu.memory_space<hbm>> -> memref<1x64xf32, #tpu.memory_space<hbm>>
      tpu.enqueue_dma source(%dma_start3A_513 : memref<1x64xf32, #tpu.memory_space<hbm>>) target(%dma_start3A_511 : memref<1x64xf32, #tpu.memory_space<vmem>>) target_semaphore(%arg18 : memref<!tpu.dma_semaphore, #tpu.memory_space<semaphore_mem>>)
    }
    %scan3A_59 = arith.constant 8 : i32
    %dma_wait3A_60 = arith.constant 0 : i32
    %dma_wait3A_61 = arith.constant 0 : i32
    %dma_wait3A_62 = tpu.memref_slice %arg4[%dma_wait3A_60, %dma_wait3A_61] : memref<1000000x64xf32, #tpu.memory_space<hbm>> -> memref<128x64xf32, #tpu.memory_space<hbm>>
    %dma_wait3A_63 = arith.constant 0 : i32
    %dma_wait3A_64 = arith.constant 0 : i32
    %dma_wait3A_65 = tpu.memref_slice %arg4[%dma_wait3A_63, %dma_wait3A_64] : memref<1000000x64xf32, #tpu.memory_space<hbm>> -> memref<128x64xf32, #tpu.memory_space<hbm>>
    tpu.wait_dma2 semaphore(%arg19 : memref<!tpu.dma_semaphore, #tpu.memory_space<semaphore_mem>>) src(%dma_wait3A_65 : memref<128x64xf32, #tpu.memory_space<hbm>>) dst(%arg14 : memref<128x64xf32, #tpu.memory_space<vmem>>)
    %dma_wait3A_66 = arith.constant 0 : i32
    %dma_wait3A_67 = arith.constant 0 : i32
    %dma_wait3A_68 = tpu.memref_slice %arg4[%dma_wait3A_66, %dma_wait3A_67] : memref<1000000x64xf32, #tpu.memory_space<hbm>> -> memref<128x64xf32, #tpu.memory_space<hbm>>
    %dma_wait3A_69 = arith.constant 0 : i32
    %dma_wait3A_70 = arith.constant 0 : i32
    %dma_wait3A_71 = tpu.memref_slice %arg4[%dma_wait3A_69, %dma_wait3A_70] : memref<1000000x64xf32, #tpu.memory_space<hbm>> -> memref<128x64xf32, #tpu.memory_space<hbm>>
    tpu.wait_dma2 semaphore(%arg19 : memref<!tpu.dma_semaphore, #tpu.memory_space<semaphore_mem>>) src(%dma_wait3A_71 : memref<128x64xf32, #tpu.memory_space<hbm>>) dst(%arg16 : memref<128x64xf32, #tpu.memory_space<vmem>>)
    %scan3A_72 = arith.constant 0 : i32
    %scan3A_73 = arith.constant 0 : i32
    %scan3A_74 = arith.constant 8 : i32
    %scan3A_75 = arith.addi %scan3A_73, %scan3A_74 : i32
    %scan3A_76 = arith.constant 1 : i32
    scf.for %scan3A_120 = %scan3A_73 to %scan3A_75 step %scan3A_76  : i32 {
      %mul3A_121 = arith.constant 16 : i32
      %mul3A_122 = arith.muli %scan3A_120, %mul3A_121 : i32
      %add3A_123 = vector.broadcast %mul3A_122 : i32 to vector<16xi32>
      %add3A_124 = arith.addi %iota3A, %add3A_123 : vector<16xi32>
      %add3A_125 = arith.constant 128 : i32
      %add3A_126 = vector.broadcast %add3A_125 : i32 to vector<16xi32>
      %add3A_127 = arith.addi %add3A_124, %add3A_126 : vector<16xi32>
      %broadcast_in_dim3A = arith.constant 0.000000e+00 : f32
      %broadcast_in_dim3A_128 = vector.broadcast %broadcast_in_dim3A : f32 to vector<16xf32>
      %scan3A_129 = arith.constant 0 : i32
      %scan3A_130 = arith.constant 64 : i32
      %scan3A_131 = arith.addi %scan3A_129, %scan3A_130 : i32
      %scan3A_132 = arith.constant 1 : i32
      %scan3A_133 = scf.for %scan3A_150 = %scan3A_129 to %scan3A_131 step %scan3A_132 iter_args(%scan3A_151 = %broadcast_in_dim3A_128) -> (vector<16xf32>)  : i32 {
        %add3A_152 = vector.broadcast %scan3A_150 : i32 to vector<16xi32>
        %add3A_153 = arith.addi %iota3A, %add3A_152 : vector<16xi32>
        %and3A = arith.constant 63 : i32
        %and3A_154 = vector.broadcast %and3A : i32 to vector<16xi32>
        %and3A_155 = arith.andi %add3A_153, %and3A_154 : vector<16xi32>
        %gather3A_156 = tpu.vector_load_idx %arg14[%add3A_124, %and3A_155] : memref<128x64xf32, #tpu.memory_space<vmem>>[vector<16xi32>, vector<16xi32>], vector<16xf32>,
        %gather3A_157 = tpu.vector_load_idx %arg16[%add3A_124, %and3A_155] : memref<128x64xf32, #tpu.memory_space<vmem>>[vector<16xi32>, vector<16xi32>], vector<16xf32>,
        %mul3A_158 = arith.mulf %gather3A_156, %gather3A_157 : vector<16xf32>
        %add3A_159 = arith.addf %scan3A_151, %mul3A_158 : vector<16xf32>
        scf.yield %add3A_159 : vector<16xf32>
      }
      %scan3A_134 = arith.constant 64 : i32
      %gather3A = tpu.vector_load_idx %arg11[%add3A_127] : memref<512xf32, #tpu.memory_space<vmem>>[vector<16xi32>], vector<16xf32>,
      %add3A_135 = arith.addf %scan3A_133, %gather3A : vector<16xf32>
      %gather3A_136 = tpu.vector_load_idx %arg12[%add3A_127] : memref<512xf32, #tpu.memory_space<vmem>>[vector<16xi32>], vector<16xf32>,
      %add3A_137 = arith.addf %add3A_135, %gather3A_136 : vector<16xf32>
      %neg3A = arith.constant 0.000000e+00 : f32
      %neg3A_138 = vector.broadcast %neg3A : f32 to vector<16xf32>
      %neg3A_139 = arith.subf %neg3A_138, %add3A_137 : vector<16xf32>
      %exp3A = math.exp %neg3A_139 : vector<16xf32>
      %add3A_140 = arith.constant 1.000000e+00 : f32
      %add3A_141 = vector.broadcast %add3A_140 : f32 to vector<16xf32>
      %add3A_142 = arith.addf %add3A_141, %exp3A : vector<16xf32>
      %div3A = arith.constant 1.000000e+00 : f32
      %div3A_143 = vector.broadcast %div3A : f32 to vector<16xf32>
      %div3A_144 = arith.divf %div3A_143, %add3A_142 : vector<16xf32>
      %mul3A_145 = arith.constant 6.000000e+00 : f32
      %mul3A_146 = vector.broadcast %mul3A_145 : f32 to vector<16xf32>
      %mul3A_147 = arith.mulf %div3A_144, %mul3A_146 : vector<16xf32>
      %sub3A = arith.constant 5.000000e-01 : f32
      %sub3A_148 = vector.broadcast %sub3A : f32 to vector<16xf32>
      %sub3A_149 = arith.subf %mul3A_147, %sub3A_148 : vector<16xf32>
      tpu.vector_store_idx %arg17[%add3A_127], %sub3A_149 : memref<512xf32, #tpu.memory_space<vmem>>[vector<16xi32>], vector<16xf32>,
    }
    %scan3A_77 = arith.constant 8 : i32
    %scan3A_78 = arith.constant 0 : i32
    %scan3A_79 = arith.constant 0 : i32
    %scan3A_80 = arith.constant 8 : i32
    %scan3A_81 = arith.addi %scan3A_79, %scan3A_80 : i32
    %scan3A_82 = arith.constant 1 : i32
    scf.for %scan3A_120 = %scan3A_79 to %scan3A_81 step %scan3A_82  : i32 {
      %mul3A_121 = arith.constant 16 : i32
      %mul3A_122 = arith.muli %scan3A_120, %mul3A_121 : i32
      %add3A_123 = arith.constant 384 : i32
      %add3A_124 = arith.addi %add3A_123, %mul3A_122 : i32
      %get3A = arith.index_cast %add3A_124 : i32 to index
      %get3A_125 = tpu.vector_load %arg9[%get3A] {strides = array<i32>} : memref<512xi32, #tpu.memory_space<vmem>>, vector<16xi32>,
      %mul3A_126 = arith.constant 16 : i32
      %mul3A_127 = arith.muli %scan3A_120, %mul3A_126 : i32
      %add3A_128 = arith.constant 384 : i32
      %add3A_129 = arith.addi %add3A_128, %mul3A_127 : i32
      %get3A_130 = arith.index_cast %add3A_129 : i32 to index
      %get3A_131 = tpu.vector_load %arg10[%get3A_130] {strides = array<i32>} : memref<512xi32, #tpu.memory_space<vmem>>, vector<16xi32>,
      %slice3A = vector.extract_strided_slice %get3A_125 {offsets = [0], sizes = [1], strides = [1]} : vector<16xi32> to vector<1xi32>
      %squeeze3A = vector.extract %slice3A[0] : i32 from vector<1xi32>
      %slice3A_132 = vector.extract_strided_slice %get3A_131 {offsets = [0], sizes = [1], strides = [1]} : vector<16xi32> to vector<1xi32>
      %squeeze3A_133 = vector.extract %slice3A_132[0] : i32 from vector<1xi32>
      %mul3A_134 = arith.constant 16 : i32
      %mul3A_135 = arith.muli %scan3A_120, %mul3A_134 : i32
      %add3A_136 = arith.constant 0 : i32
      %add3A_137 = arith.addi %mul3A_135, %add3A_136 : i32
      %dma_start3A_138 = arith.constant 0 : i32
      %dma_start3A_139 = tpu.memref_slice %arg14[%add3A_137, %dma_start3A_138] : memref<128x64xf32, #tpu.memory_space<vmem>> -> memref<1x64xf32, #tpu.memory_space<vmem>>
      %dma_start3A_140 = arith.constant 0 : i32
      %dma_start3A_141 = tpu.memref_slice %arg4[%squeeze3A, %dma_start3A_140] : memref<1000000x64xf32, #tpu.memory_space<hbm>> -> memref<1x64xf32, #tpu.memory_space<hbm>>
      %dma_start3A_142 = arith.constant 0 : i32
      %dma_start3A_143 = tpu.memref_slice %arg14[%add3A_137, %dma_start3A_142] : memref<128x64xf32, #tpu.memory_space<vmem>> -> memref<1x64xf32, #tpu.memory_space<vmem>>
      %dma_start3A_144 = arith.constant 0 : i32
      %dma_start3A_145 = tpu.memref_slice %arg4[%squeeze3A, %dma_start3A_144] : memref<1000000x64xf32, #tpu.memory_space<hbm>> -> memref<1x64xf32, #tpu.memory_space<hbm>>
      tpu.enqueue_dma source(%dma_start3A_145 : memref<1x64xf32, #tpu.memory_space<hbm>>) target(%dma_start3A_143 : memref<1x64xf32, #tpu.memory_space<vmem>>) target_semaphore(%arg19 : memref<!tpu.dma_semaphore, #tpu.memory_space<semaphore_mem>>)
      %dma_start3A_146 = arith.constant 0 : i32
      %dma_start3A_147 = tpu.memref_slice %arg16[%add3A_137, %dma_start3A_146] : memref<128x64xf32, #tpu.memory_space<vmem>> -> memref<1x64xf32, #tpu.memory_space<vmem>>
      %dma_start3A_148 = arith.constant 0 : i32
      %dma_start3A_149 = tpu.memref_slice %arg5[%squeeze3A_133, %dma_start3A_148] : memref<100000x64xf32, #tpu.memory_space<hbm>> -> memref<1x64xf32, #tpu.memory_space<hbm>>
      %dma_start3A_150 = arith.constant 0 : i32
      %dma_start3A_151 = tpu.memref_slice %arg16[%add3A_137, %dma_start3A_150] : memref<128x64xf32, #tpu.memory_space<vmem>> -> memref<1x64xf32, #tpu.memory_space<vmem>>
      %dma_start3A_152 = arith.constant 0 : i32
      %dma_start3A_153 = tpu.memref_slice %arg5[%squeeze3A_133, %dma_start3A_152] : memref<100000x64xf32, #tpu.memory_space<hbm>> -> memref<1x64xf32, #tpu.memory_space<hbm>>
      tpu.enqueue_dma source(%dma_start3A_153 : memref<1x64xf32, #tpu.memory_space<hbm>>) target(%dma_start3A_151 : memref<1x64xf32, #tpu.memory_space<vmem>>) target_semaphore(%arg19 : memref<!tpu.dma_semaphore, #tpu.memory_space<semaphore_mem>>)
      %slice3A_154 = vector.extract_strided_slice %get3A_125 {offsets = [1], sizes = [1], strides = [1]} : vector<16xi32> to vector<1xi32>
      %squeeze3A_155 = vector.extract %slice3A_154[0] : i32 from vector<1xi32>
      %slice3A_156 = vector.extract_strided_slice %get3A_131 {offsets = [1], sizes = [1], strides = [1]} : vector<16xi32> to vector<1xi32>
      %squeeze3A_157 = vector.extract %slice3A_156[0] : i32 from vector<1xi32>
      %mul3A_158 = arith.constant 16 : i32
      %mul3A_159 = arith.muli %scan3A_120, %mul3A_158 : i32
      %add3A_160 = arith.constant 1 : i32
      %add3A_161 = arith.addi %mul3A_159, %add3A_160 : i32
      %dma_start3A_162 = arith.constant 0 : i32
      %dma_start3A_163 = tpu.memref_slice %arg14[%add3A_161, %dma_start3A_162] : memref<128x64xf32, #tpu.memory_space<vmem>> -> memref<1x64xf32, #tpu.memory_space<vmem>>
      %dma_start3A_164 = arith.constant 0 : i32
      %dma_start3A_165 = tpu.memref_slice %arg4[%squeeze3A_155, %dma_start3A_164] : memref<1000000x64xf32, #tpu.memory_space<hbm>> -> memref<1x64xf32, #tpu.memory_space<hbm>>
      %dma_start3A_166 = arith.constant 0 : i32
      %dma_start3A_167 = tpu.memref_slice %arg14[%add3A_161, %dma_start3A_166] : memref<128x64xf32, #tpu.memory_space<vmem>> -> memref<1x64xf32, #tpu.memory_space<vmem>>
      %dma_start3A_168 = arith.constant 0 : i32
      %dma_start3A_169 = tpu.memref_slice %arg4[%squeeze3A_155, %dma_start3A_168] : memref<1000000x64xf32, #tpu.memory_space<hbm>> -> memref<1x64xf32, #tpu.memory_space<hbm>>
      tpu.enqueue_dma source(%dma_start3A_169 : memref<1x64xf32, #tpu.memory_space<hbm>>) target(%dma_start3A_167 : memref<1x64xf32, #tpu.memory_space<vmem>>) target_semaphore(%arg19 : memref<!tpu.dma_semaphore, #tpu.memory_space<semaphore_mem>>)
      %dma_start3A_170 = arith.constant 0 : i32
      %dma_start3A_171 = tpu.memref_slice %arg16[%add3A_161, %dma_start3A_170] : memref<128x64xf32, #tpu.memory_space<vmem>> -> memref<1x64xf32, #tpu.memory_space<vmem>>
      %dma_start3A_172 = arith.constant 0 : i32
      %dma_start3A_173 = tpu.memref_slice %arg5[%squeeze3A_157, %dma_start3A_172] : memref<100000x64xf32, #tpu.memory_space<hbm>> -> memref<1x64xf32, #tpu.memory_space<hbm>>
      %dma_start3A_174 = arith.constant 0 : i32
      %dma_start3A_175 = tpu.memref_slice %arg16[%add3A_161, %dma_start3A_174] : memref<128x64xf32, #tpu.memory_space<vmem>> -> memref<1x64xf32, #tpu.memory_space<vmem>>
      %dma_start3A_176 = arith.constant 0 : i32
      %dma_start3A_177 = tpu.memref_slice %arg5[%squeeze3A_157, %dma_start3A_176] : memref<100000x64xf32, #tpu.memory_space<hbm>> -> memref<1x64xf32, #tpu.memory_space<hbm>>
      tpu.enqueue_dma source(%dma_start3A_177 : memref<1x64xf32, #tpu.memory_space<hbm>>) target(%dma_start3A_175 : memref<1x64xf32, #tpu.memory_space<vmem>>) target_semaphore(%arg19 : memref<!tpu.dma_semaphore, #tpu.memory_space<semaphore_mem>>)
      %slice3A_178 = vector.extract_strided_slice %get3A_125 {offsets = [2], sizes = [1], strides = [1]} : vector<16xi32> to vector<1xi32>
      %squeeze3A_179 = vector.extract %slice3A_178[0] : i32 from vector<1xi32>
      %slice3A_180 = vector.extract_strided_slice %get3A_131 {offsets = [2], sizes = [1], strides = [1]} : vector<16xi32> to vector<1xi32>
      %squeeze3A_181 = vector.extract %slice3A_180[0] : i32 from vector<1xi32>
      %mul3A_182 = arith.constant 16 : i32
      %mul3A_183 = arith.muli %scan3A_120, %mul3A_182 : i32
      %add3A_184 = arith.constant 2 : i32
      %add3A_185 = arith.addi %mul3A_183, %add3A_184 : i32
      %dma_start3A_186 = arith.constant 0 : i32
      %dma_start3A_187 = tpu.memref_slice %arg14[%add3A_185, %dma_start3A_186] : memref<128x64xf32, #tpu.memory_space<vmem>> -> memref<1x64xf32, #tpu.memory_space<vmem>>
      %dma_start3A_188 = arith.constant 0 : i32
      %dma_start3A_189 = tpu.memref_slice %arg4[%squeeze3A_179, %dma_start3A_188] : memref<1000000x64xf32, #tpu.memory_space<hbm>> -> memref<1x64xf32, #tpu.memory_space<hbm>>
      %dma_start3A_190 = arith.constant 0 : i32
      %dma_start3A_191 = tpu.memref_slice %arg14[%add3A_185, %dma_start3A_190] : memref<128x64xf32, #tpu.memory_space<vmem>> -> memref<1x64xf32, #tpu.memory_space<vmem>>
      %dma_start3A_192 = arith.constant 0 : i32
      %dma_start3A_193 = tpu.memref_slice %arg4[%squeeze3A_179, %dma_start3A_192] : memref<1000000x64xf32, #tpu.memory_space<hbm>> -> memref<1x64xf32, #tpu.memory_space<hbm>>
      tpu.enqueue_dma source(%dma_start3A_193 : memref<1x64xf32, #tpu.memory_space<hbm>>) target(%dma_start3A_191 : memref<1x64xf32, #tpu.memory_space<vmem>>) target_semaphore(%arg19 : memref<!tpu.dma_semaphore, #tpu.memory_space<semaphore_mem>>)
      %dma_start3A_194 = arith.constant 0 : i32
      %dma_start3A_195 = tpu.memref_slice %arg16[%add3A_185, %dma_start3A_194] : memref<128x64xf32, #tpu.memory_space<vmem>> -> memref<1x64xf32, #tpu.memory_space<vmem>>
      %dma_start3A_196 = arith.constant 0 : i32
      %dma_start3A_197 = tpu.memref_slice %arg5[%squeeze3A_181, %dma_start3A_196] : memref<100000x64xf32, #tpu.memory_space<hbm>> -> memref<1x64xf32, #tpu.memory_space<hbm>>
      %dma_start3A_198 = arith.constant 0 : i32
      %dma_start3A_199 = tpu.memref_slice %arg16[%add3A_185, %dma_start3A_198] : memref<128x64xf32, #tpu.memory_space<vmem>> -> memref<1x64xf32, #tpu.memory_space<vmem>>
      %dma_start3A_200 = arith.constant 0 : i32
      %dma_start3A_201 = tpu.memref_slice %arg5[%squeeze3A_181, %dma_start3A_200] : memref<100000x64xf32, #tpu.memory_space<hbm>> -> memref<1x64xf32, #tpu.memory_space<hbm>>
      tpu.enqueue_dma source(%dma_start3A_201 : memref<1x64xf32, #tpu.memory_space<hbm>>) target(%dma_start3A_199 : memref<1x64xf32, #tpu.memory_space<vmem>>) target_semaphore(%arg19 : memref<!tpu.dma_semaphore, #tpu.memory_space<semaphore_mem>>)
      %slice3A_202 = vector.extract_strided_slice %get3A_125 {offsets = [3], sizes = [1], strides = [1]} : vector<16xi32> to vector<1xi32>
      %squeeze3A_203 = vector.extract %slice3A_202[0] : i32 from vector<1xi32>
      %slice3A_204 = vector.extract_strided_slice %get3A_131 {offsets = [3], sizes = [1], strides = [1]} : vector<16xi32> to vector<1xi32>
      %squeeze3A_205 = vector.extract %slice3A_204[0] : i32 from vector<1xi32>
      %mul3A_206 = arith.constant 16 : i32
      %mul3A_207 = arith.muli %scan3A_120, %mul3A_206 : i32
      %add3A_208 = arith.constant 3 : i32
      %add3A_209 = arith.addi %mul3A_207, %add3A_208 : i32
      %dma_start3A_210 = arith.constant 0 : i32
      %dma_start3A_211 = tpu.memref_slice %arg14[%add3A_209, %dma_start3A_210] : memref<128x64xf32, #tpu.memory_space<vmem>> -> memref<1x64xf32, #tpu.memory_space<vmem>>
      %dma_start3A_212 = arith.constant 0 : i32
      %dma_start3A_213 = tpu.memref_slice %arg4[%squeeze3A_203, %dma_start3A_212] : memref<1000000x64xf32, #tpu.memory_space<hbm>> -> memref<1x64xf32, #tpu.memory_space<hbm>>
      %dma_start3A_214 = arith.constant 0 : i32
      %dma_start3A_215 = tpu.memref_slice %arg14[%add3A_209, %dma_start3A_214] : memref<128x64xf32, #tpu.memory_space<vmem>> -> memref<1x64xf32, #tpu.memory_space<vmem>>
      %dma_start3A_216 = arith.constant 0 : i32
      %dma_start3A_217 = tpu.memref_slice %arg4[%squeeze3A_203, %dma_start3A_216] : memref<1000000x64xf32, #tpu.memory_space<hbm>> -> memref<1x64xf32, #tpu.memory_space<hbm>>
      tpu.enqueue_dma source(%dma_start3A_217 : memref<1x64xf32, #tpu.memory_space<hbm>>) target(%dma_start3A_215 : memref<1x64xf32, #tpu.memory_space<vmem>>) target_semaphore(%arg19 : memref<!tpu.dma_semaphore, #tpu.memory_space<semaphore_mem>>)
      %dma_start3A_218 = arith.constant 0 : i32
      %dma_start3A_219 = tpu.memref_slice %arg16[%add3A_209, %dma_start3A_218] : memref<128x64xf32, #tpu.memory_space<vmem>> -> memref<1x64xf32, #tpu.memory_space<vmem>>
      %dma_start3A_220 = arith.constant 0 : i32
      %dma_start3A_221 = tpu.memref_slice %arg5[%squeeze3A_205, %dma_start3A_220] : memref<100000x64xf32, #tpu.memory_space<hbm>> -> memref<1x64xf32, #tpu.memory_space<hbm>>
      %dma_start3A_222 = arith.constant 0 : i32
      %dma_start3A_223 = tpu.memref_slice %arg16[%add3A_209, %dma_start3A_222] : memref<128x64xf32, #tpu.memory_space<vmem>> -> memref<1x64xf32, #tpu.memory_space<vmem>>
      %dma_start3A_224 = arith.constant 0 : i32
      %dma_start3A_225 = tpu.memref_slice %arg5[%squeeze3A_205, %dma_start3A_224] : memref<100000x64xf32, #tpu.memory_space<hbm>> -> memref<1x64xf32, #tpu.memory_space<hbm>>
      tpu.enqueue_dma source(%dma_start3A_225 : memref<1x64xf32, #tpu.memory_space<hbm>>) target(%dma_start3A_223 : memref<1x64xf32, #tpu.memory_space<vmem>>) target_semaphore(%arg19 : memref<!tpu.dma_semaphore, #tpu.memory_space<semaphore_mem>>)
      %slice3A_226 = vector.extract_strided_slice %get3A_125 {offsets = [4], sizes = [1], strides = [1]} : vector<16xi32> to vector<1xi32>
      %squeeze3A_227 = vector.extract %slice3A_226[0] : i32 from vector<1xi32>
      %slice3A_228 = vector.extract_strided_slice %get3A_131 {offsets = [4], sizes = [1], strides = [1]} : vector<16xi32> to vector<1xi32>
      %squeeze3A_229 = vector.extract %slice3A_228[0] : i32 from vector<1xi32>
      %mul3A_230 = arith.constant 16 : i32
      %mul3A_231 = arith.muli %scan3A_120, %mul3A_230 : i32
      %add3A_232 = arith.constant 4 : i32
      %add3A_233 = arith.addi %mul3A_231, %add3A_232 : i32
      %dma_start3A_234 = arith.constant 0 : i32
      %dma_start3A_235 = tpu.memref_slice %arg14[%add3A_233, %dma_start3A_234] : memref<128x64xf32, #tpu.memory_space<vmem>> -> memref<1x64xf32, #tpu.memory_space<vmem>>
      %dma_start3A_236 = arith.constant 0 : i32
      %dma_start3A_237 = tpu.memref_slice %arg4[%squeeze3A_227, %dma_start3A_236] : memref<1000000x64xf32, #tpu.memory_space<hbm>> -> memref<1x64xf32, #tpu.memory_space<hbm>>
      %dma_start3A_238 = arith.constant 0 : i32
      %dma_start3A_239 = tpu.memref_slice %arg14[%add3A_233, %dma_start3A_238] : memref<128x64xf32, #tpu.memory_space<vmem>> -> memref<1x64xf32, #tpu.memory_space<vmem>>
      %dma_start3A_240 = arith.constant 0 : i32
      %dma_start3A_241 = tpu.memref_slice %arg4[%squeeze3A_227, %dma_start3A_240] : memref<1000000x64xf32, #tpu.memory_space<hbm>> -> memref<1x64xf32, #tpu.memory_space<hbm>>
      tpu.enqueue_dma source(%dma_start3A_241 : memref<1x64xf32, #tpu.memory_space<hbm>>) target(%dma_start3A_239 : memref<1x64xf32, #tpu.memory_space<vmem>>) target_semaphore(%arg19 : memref<!tpu.dma_semaphore, #tpu.memory_space<semaphore_mem>>)
      %dma_start3A_242 = arith.constant 0 : i32
      %dma_start3A_243 = tpu.memref_slice %arg16[%add3A_233, %dma_start3A_242] : memref<128x64xf32, #tpu.memory_space<vmem>> -> memref<1x64xf32, #tpu.memory_space<vmem>>
      %dma_start3A_244 = arith.constant 0 : i32
      %dma_start3A_245 = tpu.memref_slice %arg5[%squeeze3A_229, %dma_start3A_244] : memref<100000x64xf32, #tpu.memory_space<hbm>> -> memref<1x64xf32, #tpu.memory_space<hbm>>
      %dma_start3A_246 = arith.constant 0 : i32
      %dma_start3A_247 = tpu.memref_slice %arg16[%add3A_233, %dma_start3A_246] : memref<128x64xf32, #tpu.memory_space<vmem>> -> memref<1x64xf32, #tpu.memory_space<vmem>>
      %dma_start3A_248 = arith.constant 0 : i32
      %dma_start3A_249 = tpu.memref_slice %arg5[%squeeze3A_229, %dma_start3A_248] : memref<100000x64xf32, #tpu.memory_space<hbm>> -> memref<1x64xf32, #tpu.memory_space<hbm>>
      tpu.enqueue_dma source(%dma_start3A_249 : memref<1x64xf32, #tpu.memory_space<hbm>>) target(%dma_start3A_247 : memref<1x64xf32, #tpu.memory_space<vmem>>) target_semaphore(%arg19 : memref<!tpu.dma_semaphore, #tpu.memory_space<semaphore_mem>>)
      %slice3A_250 = vector.extract_strided_slice %get3A_125 {offsets = [5], sizes = [1], strides = [1]} : vector<16xi32> to vector<1xi32>
      %squeeze3A_251 = vector.extract %slice3A_250[0] : i32 from vector<1xi32>
      %slice3A_252 = vector.extract_strided_slice %get3A_131 {offsets = [5], sizes = [1], strides = [1]} : vector<16xi32> to vector<1xi32>
      %squeeze3A_253 = vector.extract %slice3A_252[0] : i32 from vector<1xi32>
      %mul3A_254 = arith.constant 16 : i32
      %mul3A_255 = arith.muli %scan3A_120, %mul3A_254 : i32
      %add3A_256 = arith.constant 5 : i32
      %add3A_257 = arith.addi %mul3A_255, %add3A_256 : i32
      %dma_start3A_258 = arith.constant 0 : i32
      %dma_start3A_259 = tpu.memref_slice %arg14[%add3A_257, %dma_start3A_258] : memref<128x64xf32, #tpu.memory_space<vmem>> -> memref<1x64xf32, #tpu.memory_space<vmem>>
      %dma_start3A_260 = arith.constant 0 : i32
      %dma_start3A_261 = tpu.memref_slice %arg4[%squeeze3A_251, %dma_start3A_260] : memref<1000000x64xf32, #tpu.memory_space<hbm>> -> memref<1x64xf32, #tpu.memory_space<hbm>>
      %dma_start3A_262 = arith.constant 0 : i32
      %dma_start3A_263 = tpu.memref_slice %arg14[%add3A_257, %dma_start3A_262] : memref<128x64xf32, #tpu.memory_space<vmem>> -> memref<1x64xf32, #tpu.memory_space<vmem>>
      %dma_start3A_264 = arith.constant 0 : i32
      %dma_start3A_265 = tpu.memref_slice %arg4[%squeeze3A_251, %dma_start3A_264] : memref<1000000x64xf32, #tpu.memory_space<hbm>> -> memref<1x64xf32, #tpu.memory_space<hbm>>
      tpu.enqueue_dma source(%dma_start3A_265 : memref<1x64xf32, #tpu.memory_space<hbm>>) target(%dma_start3A_263 : memref<1x64xf32, #tpu.memory_space<vmem>>) target_semaphore(%arg19 : memref<!tpu.dma_semaphore, #tpu.memory_space<semaphore_mem>>)
      %dma_start3A_266 = arith.constant 0 : i32
      %dma_start3A_267 = tpu.memref_slice %arg16[%add3A_257, %dma_start3A_266] : memref<128x64xf32, #tpu.memory_space<vmem>> -> memref<1x64xf32, #tpu.memory_space<vmem>>
      %dma_start3A_268 = arith.constant 0 : i32
      %dma_start3A_269 = tpu.memref_slice %arg5[%squeeze3A_253, %dma_start3A_268] : memref<100000x64xf32, #tpu.memory_space<hbm>> -> memref<1x64xf32, #tpu.memory_space<hbm>>
      %dma_start3A_270 = arith.constant 0 : i32
      %dma_start3A_271 = tpu.memref_slice %arg16[%add3A_257, %dma_start3A_270] : memref<128x64xf32, #tpu.memory_space<vmem>> -> memref<1x64xf32, #tpu.memory_space<vmem>>
      %dma_start3A_272 = arith.constant 0 : i32
      %dma_start3A_273 = tpu.memref_slice %arg5[%squeeze3A_253, %dma_start3A_272] : memref<100000x64xf32, #tpu.memory_space<hbm>> -> memref<1x64xf32, #tpu.memory_space<hbm>>
      tpu.enqueue_dma source(%dma_start3A_273 : memref<1x64xf32, #tpu.memory_space<hbm>>) target(%dma_start3A_271 : memref<1x64xf32, #tpu.memory_space<vmem>>) target_semaphore(%arg19 : memref<!tpu.dma_semaphore, #tpu.memory_space<semaphore_mem>>)
      %slice3A_274 = vector.extract_strided_slice %get3A_125 {offsets = [6], sizes = [1], strides = [1]} : vector<16xi32> to vector<1xi32>
      %squeeze3A_275 = vector.extract %slice3A_274[0] : i32 from vector<1xi32>
      %slice3A_276 = vector.extract_strided_slice %get3A_131 {offsets = [6], sizes = [1], strides = [1]} : vector<16xi32> to vector<1xi32>
      %squeeze3A_277 = vector.extract %slice3A_276[0] : i32 from vector<1xi32>
      %mul3A_278 = arith.constant 16 : i32
      %mul3A_279 = arith.muli %scan3A_120, %mul3A_278 : i32
      %add3A_280 = arith.constant 6 : i32
      %add3A_281 = arith.addi %mul3A_279, %add3A_280 : i32
      %dma_start3A_282 = arith.constant 0 : i32
      %dma_start3A_283 = tpu.memref_slice %arg14[%add3A_281, %dma_start3A_282] : memref<128x64xf32, #tpu.memory_space<vmem>> -> memref<1x64xf32, #tpu.memory_space<vmem>>
      %dma_start3A_284 = arith.constant 0 : i32
      %dma_start3A_285 = tpu.memref_slice %arg4[%squeeze3A_275, %dma_start3A_284] : memref<1000000x64xf32, #tpu.memory_space<hbm>> -> memref<1x64xf32, #tpu.memory_space<hbm>>
      %dma_start3A_286 = arith.constant 0 : i32
      %dma_start3A_287 = tpu.memref_slice %arg14[%add3A_281, %dma_start3A_286] : memref<128x64xf32, #tpu.memory_space<vmem>> -> memref<1x64xf32, #tpu.memory_space<vmem>>
      %dma_start3A_288 = arith.constant 0 : i32
      %dma_start3A_289 = tpu.memref_slice %arg4[%squeeze3A_275, %dma_start3A_288] : memref<1000000x64xf32, #tpu.memory_space<hbm>> -> memref<1x64xf32, #tpu.memory_space<hbm>>
      tpu.enqueue_dma source(%dma_start3A_289 : memref<1x64xf32, #tpu.memory_space<hbm>>) target(%dma_start3A_287 : memref<1x64xf32, #tpu.memory_space<vmem>>) target_semaphore(%arg19 : memref<!tpu.dma_semaphore, #tpu.memory_space<semaphore_mem>>)
      %dma_start3A_290 = arith.constant 0 : i32
      %dma_start3A_291 = tpu.memref_slice %arg16[%add3A_281, %dma_start3A_290] : memref<128x64xf32, #tpu.memory_space<vmem>> -> memref<1x64xf32, #tpu.memory_space<vmem>>
      %dma_start3A_292 = arith.constant 0 : i32
      %dma_start3A_293 = tpu.memref_slice %arg5[%squeeze3A_277, %dma_start3A_292] : memref<100000x64xf32, #tpu.memory_space<hbm>> -> memref<1x64xf32, #tpu.memory_space<hbm>>
      %dma_start3A_294 = arith.constant 0 : i32
      %dma_start3A_295 = tpu.memref_slice %arg16[%add3A_281, %dma_start3A_294] : memref<128x64xf32, #tpu.memory_space<vmem>> -> memref<1x64xf32, #tpu.memory_space<vmem>>
      %dma_start3A_296 = arith.constant 0 : i32
      %dma_start3A_297 = tpu.memref_slice %arg5[%squeeze3A_277, %dma_start3A_296] : memref<100000x64xf32, #tpu.memory_space<hbm>> -> memref<1x64xf32, #tpu.memory_space<hbm>>
      tpu.enqueue_dma source(%dma_start3A_297 : memref<1x64xf32, #tpu.memory_space<hbm>>) target(%dma_start3A_295 : memref<1x64xf32, #tpu.memory_space<vmem>>) target_semaphore(%arg19 : memref<!tpu.dma_semaphore, #tpu.memory_space<semaphore_mem>>)
      %slice3A_298 = vector.extract_strided_slice %get3A_125 {offsets = [7], sizes = [1], strides = [1]} : vector<16xi32> to vector<1xi32>
      %squeeze3A_299 = vector.extract %slice3A_298[0] : i32 from vector<1xi32>
      %slice3A_300 = vector.extract_strided_slice %get3A_131 {offsets = [7], sizes = [1], strides = [1]} : vector<16xi32> to vector<1xi32>
      %squeeze3A_301 = vector.extract %slice3A_300[0] : i32 from vector<1xi32>
      %mul3A_302 = arith.constant 16 : i32
      %mul3A_303 = arith.muli %scan3A_120, %mul3A_302 : i32
      %add3A_304 = arith.constant 7 : i32
      %add3A_305 = arith.addi %mul3A_303, %add3A_304 : i32
      %dma_start3A_306 = arith.constant 0 : i32
      %dma_start3A_307 = tpu.memref_slice %arg14[%add3A_305, %dma_start3A_306] : memref<128x64xf32, #tpu.memory_space<vmem>> -> memref<1x64xf32, #tpu.memory_space<vmem>>
      %dma_start3A_308 = arith.constant 0 : i32
      %dma_start3A_309 = tpu.memref_slice %arg4[%squeeze3A_299, %dma_start3A_308] : memref<1000000x64xf32, #tpu.memory_space<hbm>> -> memref<1x64xf32, #tpu.memory_space<hbm>>
      %dma_start3A_310 = arith.constant 0 : i32
      %dma_start3A_311 = tpu.memref_slice %arg14[%add3A_305, %dma_start3A_310] : memref<128x64xf32, #tpu.memory_space<vmem>> -> memref<1x64xf32, #tpu.memory_space<vmem>>
      %dma_start3A_312 = arith.constant 0 : i32
      %dma_start3A_313 = tpu.memref_slice %arg4[%squeeze3A_299, %dma_start3A_312] : memref<1000000x64xf32, #tpu.memory_space<hbm>> -> memref<1x64xf32, #tpu.memory_space<hbm>>
      tpu.enqueue_dma source(%dma_start3A_313 : memref<1x64xf32, #tpu.memory_space<hbm>>) target(%dma_start3A_311 : memref<1x64xf32, #tpu.memory_space<vmem>>) target_semaphore(%arg19 : memref<!tpu.dma_semaphore, #tpu.memory_space<semaphore_mem>>)
      %dma_start3A_314 = arith.constant 0 : i32
      %dma_start3A_315 = tpu.memref_slice %arg16[%add3A_305, %dma_start3A_314] : memref<128x64xf32, #tpu.memory_space<vmem>> -> memref<1x64xf32, #tpu.memory_space<vmem>>
      %dma_start3A_316 = arith.constant 0 : i32
      %dma_start3A_317 = tpu.memref_slice %arg5[%squeeze3A_301, %dma_start3A_316] : memref<100000x64xf32, #tpu.memory_space<hbm>> -> memref<1x64xf32, #tpu.memory_space<hbm>>
      %dma_start3A_318 = arith.constant 0 : i32
      %dma_start3A_319 = tpu.memref_slice %arg16[%add3A_305, %dma_start3A_318] : memref<128x64xf32, #tpu.memory_space<vmem>> -> memref<1x64xf32, #tpu.memory_space<vmem>>
      %dma_start3A_320 = arith.constant 0 : i32
      %dma_start3A_321 = tpu.memref_slice %arg5[%squeeze3A_301, %dma_start3A_320] : memref<100000x64xf32, #tpu.memory_space<hbm>> -> memref<1x64xf32, #tpu.memory_space<hbm>>
      tpu.enqueue_dma source(%dma_start3A_321 : memref<1x64xf32, #tpu.memory_space<hbm>>) target(%dma_start3A_319 : memref<1x64xf32, #tpu.memory_space<vmem>>) target_semaphore(%arg19 : memref<!tpu.dma_semaphore, #tpu.memory_space<semaphore_mem>>)
      %slice3A_322 = vector.extract_strided_slice %get3A_125 {offsets = [8], sizes = [1], strides = [1]} : vector<16xi32> to vector<1xi32>
      %squeeze3A_323 = vector.extract %slice3A_322[0] : i32 from vector<1xi32>
      %slice3A_324 = vector.extract_strided_slice %get3A_131 {offsets = [8], sizes = [1], strides = [1]} : vector<16xi32> to vector<1xi32>
      %squeeze3A_325 = vector.extract %slice3A_324[0] : i32 from vector<1xi32>
      %mul3A_326 = arith.constant 16 : i32
      %mul3A_327 = arith.muli %scan3A_120, %mul3A_326 : i32
      %add3A_328 = arith.constant 8 : i32
      %add3A_329 = arith.addi %mul3A_327, %add3A_328 : i32
      %dma_start3A_330 = arith.constant 0 : i32
      %dma_start3A_331 = tpu.memref_slice %arg14[%add3A_329, %dma_start3A_330] : memref<128x64xf32, #tpu.memory_space<vmem>> -> memref<1x64xf32, #tpu.memory_space<vmem>>
      %dma_start3A_332 = arith.constant 0 : i32
      %dma_start3A_333 = tpu.memref_slice %arg4[%squeeze3A_323, %dma_start3A_332] : memref<1000000x64xf32, #tpu.memory_space<hbm>> -> memref<1x64xf32, #tpu.memory_space<hbm>>
      %dma_start3A_334 = arith.constant 0 : i32
      %dma_start3A_335 = tpu.memref_slice %arg14[%add3A_329, %dma_start3A_334] : memref<128x64xf32, #tpu.memory_space<vmem>> -> memref<1x64xf32, #tpu.memory_space<vmem>>
      %dma_start3A_336 = arith.constant 0 : i32
      %dma_start3A_337 = tpu.memref_slice %arg4[%squeeze3A_323, %dma_start3A_336] : memref<1000000x64xf32, #tpu.memory_space<hbm>> -> memref<1x64xf32, #tpu.memory_space<hbm>>
      tpu.enqueue_dma source(%dma_start3A_337 : memref<1x64xf32, #tpu.memory_space<hbm>>) target(%dma_start3A_335 : memref<1x64xf32, #tpu.memory_space<vmem>>) target_semaphore(%arg19 : memref<!tpu.dma_semaphore, #tpu.memory_space<semaphore_mem>>)
      %dma_start3A_338 = arith.constant 0 : i32
      %dma_start3A_339 = tpu.memref_slice %arg16[%add3A_329, %dma_start3A_338] : memref<128x64xf32, #tpu.memory_space<vmem>> -> memref<1x64xf32, #tpu.memory_space<vmem>>
      %dma_start3A_340 = arith.constant 0 : i32
      %dma_start3A_341 = tpu.memref_slice %arg5[%squeeze3A_325, %dma_start3A_340] : memref<100000x64xf32, #tpu.memory_space<hbm>> -> memref<1x64xf32, #tpu.memory_space<hbm>>
      %dma_start3A_342 = arith.constant 0 : i32
      %dma_start3A_343 = tpu.memref_slice %arg16[%add3A_329, %dma_start3A_342] : memref<128x64xf32, #tpu.memory_space<vmem>> -> memref<1x64xf32, #tpu.memory_space<vmem>>
      %dma_start3A_344 = arith.constant 0 : i32
      %dma_start3A_345 = tpu.memref_slice %arg5[%squeeze3A_325, %dma_start3A_344] : memref<100000x64xf32, #tpu.memory_space<hbm>> -> memref<1x64xf32, #tpu.memory_space<hbm>>
      tpu.enqueue_dma source(%dma_start3A_345 : memref<1x64xf32, #tpu.memory_space<hbm>>) target(%dma_start3A_343 : memref<1x64xf32, #tpu.memory_space<vmem>>) target_semaphore(%arg19 : memref<!tpu.dma_semaphore, #tpu.memory_space<semaphore_mem>>)
      %slice3A_346 = vector.extract_strided_slice %get3A_125 {offsets = [9], sizes = [1], strides = [1]} : vector<16xi32> to vector<1xi32>
      %squeeze3A_347 = vector.extract %slice3A_346[0] : i32 from vector<1xi32>
      %slice3A_348 = vector.extract_strided_slice %get3A_131 {offsets = [9], sizes = [1], strides = [1]} : vector<16xi32> to vector<1xi32>
      %squeeze3A_349 = vector.extract %slice3A_348[0] : i32 from vector<1xi32>
      %mul3A_350 = arith.constant 16 : i32
      %mul3A_351 = arith.muli %scan3A_120, %mul3A_350 : i32
      %add3A_352 = arith.constant 9 : i32
      %add3A_353 = arith.addi %mul3A_351, %add3A_352 : i32
      %dma_start3A_354 = arith.constant 0 : i32
      %dma_start3A_355 = tpu.memref_slice %arg14[%add3A_353, %dma_start3A_354] : memref<128x64xf32, #tpu.memory_space<vmem>> -> memref<1x64xf32, #tpu.memory_space<vmem>>
      %dma_start3A_356 = arith.constant 0 : i32
      %dma_start3A_357 = tpu.memref_slice %arg4[%squeeze3A_347, %dma_start3A_356] : memref<1000000x64xf32, #tpu.memory_space<hbm>> -> memref<1x64xf32, #tpu.memory_space<hbm>>
      %dma_start3A_358 = arith.constant 0 : i32
      %dma_start3A_359 = tpu.memref_slice %arg14[%add3A_353, %dma_start3A_358] : memref<128x64xf32, #tpu.memory_space<vmem>> -> memref<1x64xf32, #tpu.memory_space<vmem>>
      %dma_start3A_360 = arith.constant 0 : i32
      %dma_start3A_361 = tpu.memref_slice %arg4[%squeeze3A_347, %dma_start3A_360] : memref<1000000x64xf32, #tpu.memory_space<hbm>> -> memref<1x64xf32, #tpu.memory_space<hbm>>
      tpu.enqueue_dma source(%dma_start3A_361 : memref<1x64xf32, #tpu.memory_space<hbm>>) target(%dma_start3A_359 : memref<1x64xf32, #tpu.memory_space<vmem>>) target_semaphore(%arg19 : memref<!tpu.dma_semaphore, #tpu.memory_space<semaphore_mem>>)
      %dma_start3A_362 = arith.constant 0 : i32
      %dma_start3A_363 = tpu.memref_slice %arg16[%add3A_353, %dma_start3A_362] : memref<128x64xf32, #tpu.memory_space<vmem>> -> memref<1x64xf32, #tpu.memory_space<vmem>>
      %dma_start3A_364 = arith.constant 0 : i32
      %dma_start3A_365 = tpu.memref_slice %arg5[%squeeze3A_349, %dma_start3A_364] : memref<100000x64xf32, #tpu.memory_space<hbm>> -> memref<1x64xf32, #tpu.memory_space<hbm>>
      %dma_start3A_366 = arith.constant 0 : i32
      %dma_start3A_367 = tpu.memref_slice %arg16[%add3A_353, %dma_start3A_366] : memref<128x64xf32, #tpu.memory_space<vmem>> -> memref<1x64xf32, #tpu.memory_space<vmem>>
      %dma_start3A_368 = arith.constant 0 : i32
      %dma_start3A_369 = tpu.memref_slice %arg5[%squeeze3A_349, %dma_start3A_368] : memref<100000x64xf32, #tpu.memory_space<hbm>> -> memref<1x64xf32, #tpu.memory_space<hbm>>
      tpu.enqueue_dma source(%dma_start3A_369 : memref<1x64xf32, #tpu.memory_space<hbm>>) target(%dma_start3A_367 : memref<1x64xf32, #tpu.memory_space<vmem>>) target_semaphore(%arg19 : memref<!tpu.dma_semaphore, #tpu.memory_space<semaphore_mem>>)
      %slice3A_370 = vector.extract_strided_slice %get3A_125 {offsets = [10], sizes = [1], strides = [1]} : vector<16xi32> to vector<1xi32>
      %squeeze3A_371 = vector.extract %slice3A_370[0] : i32 from vector<1xi32>
      %slice3A_372 = vector.extract_strided_slice %get3A_131 {offsets = [10], sizes = [1], strides = [1]} : vector<16xi32> to vector<1xi32>
      %squeeze3A_373 = vector.extract %slice3A_372[0] : i32 from vector<1xi32>
      %mul3A_374 = arith.constant 16 : i32
      %mul3A_375 = arith.muli %scan3A_120, %mul3A_374 : i32
      %add3A_376 = arith.constant 10 : i32
      %add3A_377 = arith.addi %mul3A_375, %add3A_376 : i32
      %dma_start3A_378 = arith.constant 0 : i32
      %dma_start3A_379 = tpu.memref_slice %arg14[%add3A_377, %dma_start3A_378] : memref<128x64xf32, #tpu.memory_space<vmem>> -> memref<1x64xf32, #tpu.memory_space<vmem>>
      %dma_start3A_380 = arith.constant 0 : i32
      %dma_start3A_381 = tpu.memref_slice %arg4[%squeeze3A_371, %dma_start3A_380] : memref<1000000x64xf32, #tpu.memory_space<hbm>> -> memref<1x64xf32, #tpu.memory_space<hbm>>
      %dma_start3A_382 = arith.constant 0 : i32
      %dma_start3A_383 = tpu.memref_slice %arg14[%add3A_377, %dma_start3A_382] : memref<128x64xf32, #tpu.memory_space<vmem>> -> memref<1x64xf32, #tpu.memory_space<vmem>>
      %dma_start3A_384 = arith.constant 0 : i32
      %dma_start3A_385 = tpu.memref_slice %arg4[%squeeze3A_371, %dma_start3A_384] : memref<1000000x64xf32, #tpu.memory_space<hbm>> -> memref<1x64xf32, #tpu.memory_space<hbm>>
      tpu.enqueue_dma source(%dma_start3A_385 : memref<1x64xf32, #tpu.memory_space<hbm>>) target(%dma_start3A_383 : memref<1x64xf32, #tpu.memory_space<vmem>>) target_semaphore(%arg19 : memref<!tpu.dma_semaphore, #tpu.memory_space<semaphore_mem>>)
      %dma_start3A_386 = arith.constant 0 : i32
      %dma_start3A_387 = tpu.memref_slice %arg16[%add3A_377, %dma_start3A_386] : memref<128x64xf32, #tpu.memory_space<vmem>> -> memref<1x64xf32, #tpu.memory_space<vmem>>
      %dma_start3A_388 = arith.constant 0 : i32
      %dma_start3A_389 = tpu.memref_slice %arg5[%squeeze3A_373, %dma_start3A_388] : memref<100000x64xf32, #tpu.memory_space<hbm>> -> memref<1x64xf32, #tpu.memory_space<hbm>>
      %dma_start3A_390 = arith.constant 0 : i32
      %dma_start3A_391 = tpu.memref_slice %arg16[%add3A_377, %dma_start3A_390] : memref<128x64xf32, #tpu.memory_space<vmem>> -> memref<1x64xf32, #tpu.memory_space<vmem>>
      %dma_start3A_392 = arith.constant 0 : i32
      %dma_start3A_393 = tpu.memref_slice %arg5[%squeeze3A_373, %dma_start3A_392] : memref<100000x64xf32, #tpu.memory_space<hbm>> -> memref<1x64xf32, #tpu.memory_space<hbm>>
      tpu.enqueue_dma source(%dma_start3A_393 : memref<1x64xf32, #tpu.memory_space<hbm>>) target(%dma_start3A_391 : memref<1x64xf32, #tpu.memory_space<vmem>>) target_semaphore(%arg19 : memref<!tpu.dma_semaphore, #tpu.memory_space<semaphore_mem>>)
      %slice3A_394 = vector.extract_strided_slice %get3A_125 {offsets = [11], sizes = [1], strides = [1]} : vector<16xi32> to vector<1xi32>
      %squeeze3A_395 = vector.extract %slice3A_394[0] : i32 from vector<1xi32>
      %slice3A_396 = vector.extract_strided_slice %get3A_131 {offsets = [11], sizes = [1], strides = [1]} : vector<16xi32> to vector<1xi32>
      %squeeze3A_397 = vector.extract %slice3A_396[0] : i32 from vector<1xi32>
      %mul3A_398 = arith.constant 16 : i32
      %mul3A_399 = arith.muli %scan3A_120, %mul3A_398 : i32
      %add3A_400 = arith.constant 11 : i32
      %add3A_401 = arith.addi %mul3A_399, %add3A_400 : i32
      %dma_start3A_402 = arith.constant 0 : i32
      %dma_start3A_403 = tpu.memref_slice %arg14[%add3A_401, %dma_start3A_402] : memref<128x64xf32, #tpu.memory_space<vmem>> -> memref<1x64xf32, #tpu.memory_space<vmem>>
      %dma_start3A_404 = arith.constant 0 : i32
      %dma_start3A_405 = tpu.memref_slice %arg4[%squeeze3A_395, %dma_start3A_404] : memref<1000000x64xf32, #tpu.memory_space<hbm>> -> memref<1x64xf32, #tpu.memory_space<hbm>>
      %dma_start3A_406 = arith.constant 0 : i32
      %dma_start3A_407 = tpu.memref_slice %arg14[%add3A_401, %dma_start3A_406] : memref<128x64xf32, #tpu.memory_space<vmem>> -> memref<1x64xf32, #tpu.memory_space<vmem>>
      %dma_start3A_408 = arith.constant 0 : i32
      %dma_start3A_409 = tpu.memref_slice %arg4[%squeeze3A_395, %dma_start3A_408] : memref<1000000x64xf32, #tpu.memory_space<hbm>> -> memref<1x64xf32, #tpu.memory_space<hbm>>
      tpu.enqueue_dma source(%dma_start3A_409 : memref<1x64xf32, #tpu.memory_space<hbm>>) target(%dma_start3A_407 : memref<1x64xf32, #tpu.memory_space<vmem>>) target_semaphore(%arg19 : memref<!tpu.dma_semaphore, #tpu.memory_space<semaphore_mem>>)
      %dma_start3A_410 = arith.constant 0 : i32
      %dma_start3A_411 = tpu.memref_slice %arg16[%add3A_401, %dma_start3A_410] : memref<128x64xf32, #tpu.memory_space<vmem>> -> memref<1x64xf32, #tpu.memory_space<vmem>>
      %dma_start3A_412 = arith.constant 0 : i32
      %dma_start3A_413 = tpu.memref_slice %arg5[%squeeze3A_397, %dma_start3A_412] : memref<100000x64xf32, #tpu.memory_space<hbm>> -> memref<1x64xf32, #tpu.memory_space<hbm>>
      %dma_start3A_414 = arith.constant 0 : i32
      %dma_start3A_415 = tpu.memref_slice %arg16[%add3A_401, %dma_start3A_414] : memref<128x64xf32, #tpu.memory_space<vmem>> -> memref<1x64xf32, #tpu.memory_space<vmem>>
      %dma_start3A_416 = arith.constant 0 : i32
      %dma_start3A_417 = tpu.memref_slice %arg5[%squeeze3A_397, %dma_start3A_416] : memref<100000x64xf32, #tpu.memory_space<hbm>> -> memref<1x64xf32, #tpu.memory_space<hbm>>
      tpu.enqueue_dma source(%dma_start3A_417 : memref<1x64xf32, #tpu.memory_space<hbm>>) target(%dma_start3A_415 : memref<1x64xf32, #tpu.memory_space<vmem>>) target_semaphore(%arg19 : memref<!tpu.dma_semaphore, #tpu.memory_space<semaphore_mem>>)
      %slice3A_418 = vector.extract_strided_slice %get3A_125 {offsets = [12], sizes = [1], strides = [1]} : vector<16xi32> to vector<1xi32>
      %squeeze3A_419 = vector.extract %slice3A_418[0] : i32 from vector<1xi32>
      %slice3A_420 = vector.extract_strided_slice %get3A_131 {offsets = [12], sizes = [1], strides = [1]} : vector<16xi32> to vector<1xi32>
      %squeeze3A_421 = vector.extract %slice3A_420[0] : i32 from vector<1xi32>
      %mul3A_422 = arith.constant 16 : i32
      %mul3A_423 = arith.muli %scan3A_120, %mul3A_422 : i32
      %add3A_424 = arith.constant 12 : i32
      %add3A_425 = arith.addi %mul3A_423, %add3A_424 : i32
      %dma_start3A_426 = arith.constant 0 : i32
      %dma_start3A_427 = tpu.memref_slice %arg14[%add3A_425, %dma_start3A_426] : memref<128x64xf32, #tpu.memory_space<vmem>> -> memref<1x64xf32, #tpu.memory_space<vmem>>
      %dma_start3A_428 = arith.constant 0 : i32
      %dma_start3A_429 = tpu.memref_slice %arg4[%squeeze3A_419, %dma_start3A_428] : memref<1000000x64xf32, #tpu.memory_space<hbm>> -> memref<1x64xf32, #tpu.memory_space<hbm>>
      %dma_start3A_430 = arith.constant 0 : i32
      %dma_start3A_431 = tpu.memref_slice %arg14[%add3A_425, %dma_start3A_430] : memref<128x64xf32, #tpu.memory_space<vmem>> -> memref<1x64xf32, #tpu.memory_space<vmem>>
      %dma_start3A_432 = arith.constant 0 : i32
      %dma_start3A_433 = tpu.memref_slice %arg4[%squeeze3A_419, %dma_start3A_432] : memref<1000000x64xf32, #tpu.memory_space<hbm>> -> memref<1x64xf32, #tpu.memory_space<hbm>>
      tpu.enqueue_dma source(%dma_start3A_433 : memref<1x64xf32, #tpu.memory_space<hbm>>) target(%dma_start3A_431 : memref<1x64xf32, #tpu.memory_space<vmem>>) target_semaphore(%arg19 : memref<!tpu.dma_semaphore, #tpu.memory_space<semaphore_mem>>)
      %dma_start3A_434 = arith.constant 0 : i32
      %dma_start3A_435 = tpu.memref_slice %arg16[%add3A_425, %dma_start3A_434] : memref<128x64xf32, #tpu.memory_space<vmem>> -> memref<1x64xf32, #tpu.memory_space<vmem>>
      %dma_start3A_436 = arith.constant 0 : i32
      %dma_start3A_437 = tpu.memref_slice %arg5[%squeeze3A_421, %dma_start3A_436] : memref<100000x64xf32, #tpu.memory_space<hbm>> -> memref<1x64xf32, #tpu.memory_space<hbm>>
      %dma_start3A_438 = arith.constant 0 : i32
      %dma_start3A_439 = tpu.memref_slice %arg16[%add3A_425, %dma_start3A_438] : memref<128x64xf32, #tpu.memory_space<vmem>> -> memref<1x64xf32, #tpu.memory_space<vmem>>
      %dma_start3A_440 = arith.constant 0 : i32
      %dma_start3A_441 = tpu.memref_slice %arg5[%squeeze3A_421, %dma_start3A_440] : memref<100000x64xf32, #tpu.memory_space<hbm>> -> memref<1x64xf32, #tpu.memory_space<hbm>>
      tpu.enqueue_dma source(%dma_start3A_441 : memref<1x64xf32, #tpu.memory_space<hbm>>) target(%dma_start3A_439 : memref<1x64xf32, #tpu.memory_space<vmem>>) target_semaphore(%arg19 : memref<!tpu.dma_semaphore, #tpu.memory_space<semaphore_mem>>)
      %slice3A_442 = vector.extract_strided_slice %get3A_125 {offsets = [13], sizes = [1], strides = [1]} : vector<16xi32> to vector<1xi32>
      %squeeze3A_443 = vector.extract %slice3A_442[0] : i32 from vector<1xi32>
      %slice3A_444 = vector.extract_strided_slice %get3A_131 {offsets = [13], sizes = [1], strides = [1]} : vector<16xi32> to vector<1xi32>
      %squeeze3A_445 = vector.extract %slice3A_444[0] : i32 from vector<1xi32>
      %mul3A_446 = arith.constant 16 : i32
      %mul3A_447 = arith.muli %scan3A_120, %mul3A_446 : i32
      %add3A_448 = arith.constant 13 : i32
      %add3A_449 = arith.addi %mul3A_447, %add3A_448 : i32
      %dma_start3A_450 = arith.constant 0 : i32
      %dma_start3A_451 = tpu.memref_slice %arg14[%add3A_449, %dma_start3A_450] : memref<128x64xf32, #tpu.memory_space<vmem>> -> memref<1x64xf32, #tpu.memory_space<vmem>>
      %dma_start3A_452 = arith.constant 0 : i32
      %dma_start3A_453 = tpu.memref_slice %arg4[%squeeze3A_443, %dma_start3A_452] : memref<1000000x64xf32, #tpu.memory_space<hbm>> -> memref<1x64xf32, #tpu.memory_space<hbm>>
      %dma_start3A_454 = arith.constant 0 : i32
      %dma_start3A_455 = tpu.memref_slice %arg14[%add3A_449, %dma_start3A_454] : memref<128x64xf32, #tpu.memory_space<vmem>> -> memref<1x64xf32, #tpu.memory_space<vmem>>
      %dma_start3A_456 = arith.constant 0 : i32
      %dma_start3A_457 = tpu.memref_slice %arg4[%squeeze3A_443, %dma_start3A_456] : memref<1000000x64xf32, #tpu.memory_space<hbm>> -> memref<1x64xf32, #tpu.memory_space<hbm>>
      tpu.enqueue_dma source(%dma_start3A_457 : memref<1x64xf32, #tpu.memory_space<hbm>>) target(%dma_start3A_455 : memref<1x64xf32, #tpu.memory_space<vmem>>) target_semaphore(%arg19 : memref<!tpu.dma_semaphore, #tpu.memory_space<semaphore_mem>>)
      %dma_start3A_458 = arith.constant 0 : i32
      %dma_start3A_459 = tpu.memref_slice %arg16[%add3A_449, %dma_start3A_458] : memref<128x64xf32, #tpu.memory_space<vmem>> -> memref<1x64xf32, #tpu.memory_space<vmem>>
      %dma_start3A_460 = arith.constant 0 : i32
      %dma_start3A_461 = tpu.memref_slice %arg5[%squeeze3A_445, %dma_start3A_460] : memref<100000x64xf32, #tpu.memory_space<hbm>> -> memref<1x64xf32, #tpu.memory_space<hbm>>
      %dma_start3A_462 = arith.constant 0 : i32
      %dma_start3A_463 = tpu.memref_slice %arg16[%add3A_449, %dma_start3A_462] : memref<128x64xf32, #tpu.memory_space<vmem>> -> memref<1x64xf32, #tpu.memory_space<vmem>>
      %dma_start3A_464 = arith.constant 0 : i32
      %dma_start3A_465 = tpu.memref_slice %arg5[%squeeze3A_445, %dma_start3A_464] : memref<100000x64xf32, #tpu.memory_space<hbm>> -> memref<1x64xf32, #tpu.memory_space<hbm>>
      tpu.enqueue_dma source(%dma_start3A_465 : memref<1x64xf32, #tpu.memory_space<hbm>>) target(%dma_start3A_463 : memref<1x64xf32, #tpu.memory_space<vmem>>) target_semaphore(%arg19 : memref<!tpu.dma_semaphore, #tpu.memory_space<semaphore_mem>>)
      %slice3A_466 = vector.extract_strided_slice %get3A_125 {offsets = [14], sizes = [1], strides = [1]} : vector<16xi32> to vector<1xi32>
      %squeeze3A_467 = vector.extract %slice3A_466[0] : i32 from vector<1xi32>
      %slice3A_468 = vector.extract_strided_slice %get3A_131 {offsets = [14], sizes = [1], strides = [1]} : vector<16xi32> to vector<1xi32>
      %squeeze3A_469 = vector.extract %slice3A_468[0] : i32 from vector<1xi32>
      %mul3A_470 = arith.constant 16 : i32
      %mul3A_471 = arith.muli %scan3A_120, %mul3A_470 : i32
      %add3A_472 = arith.constant 14 : i32
      %add3A_473 = arith.addi %mul3A_471, %add3A_472 : i32
      %dma_start3A_474 = arith.constant 0 : i32
      %dma_start3A_475 = tpu.memref_slice %arg14[%add3A_473, %dma_start3A_474] : memref<128x64xf32, #tpu.memory_space<vmem>> -> memref<1x64xf32, #tpu.memory_space<vmem>>
      %dma_start3A_476 = arith.constant 0 : i32
      %dma_start3A_477 = tpu.memref_slice %arg4[%squeeze3A_467, %dma_start3A_476] : memref<1000000x64xf32, #tpu.memory_space<hbm>> -> memref<1x64xf32, #tpu.memory_space<hbm>>
      %dma_start3A_478 = arith.constant 0 : i32
      %dma_start3A_479 = tpu.memref_slice %arg14[%add3A_473, %dma_start3A_478] : memref<128x64xf32, #tpu.memory_space<vmem>> -> memref<1x64xf32, #tpu.memory_space<vmem>>
      %dma_start3A_480 = arith.constant 0 : i32
      %dma_start3A_481 = tpu.memref_slice %arg4[%squeeze3A_467, %dma_start3A_480] : memref<1000000x64xf32, #tpu.memory_space<hbm>> -> memref<1x64xf32, #tpu.memory_space<hbm>>
      tpu.enqueue_dma source(%dma_start3A_481 : memref<1x64xf32, #tpu.memory_space<hbm>>) target(%dma_start3A_479 : memref<1x64xf32, #tpu.memory_space<vmem>>) target_semaphore(%arg19 : memref<!tpu.dma_semaphore, #tpu.memory_space<semaphore_mem>>)
      %dma_start3A_482 = arith.constant 0 : i32
      %dma_start3A_483 = tpu.memref_slice %arg16[%add3A_473, %dma_start3A_482] : memref<128x64xf32, #tpu.memory_space<vmem>> -> memref<1x64xf32, #tpu.memory_space<vmem>>
      %dma_start3A_484 = arith.constant 0 : i32
      %dma_start3A_485 = tpu.memref_slice %arg5[%squeeze3A_469, %dma_start3A_484] : memref<100000x64xf32, #tpu.memory_space<hbm>> -> memref<1x64xf32, #tpu.memory_space<hbm>>
      %dma_start3A_486 = arith.constant 0 : i32
      %dma_start3A_487 = tpu.memref_slice %arg16[%add3A_473, %dma_start3A_486] : memref<128x64xf32, #tpu.memory_space<vmem>> -> memref<1x64xf32, #tpu.memory_space<vmem>>
      %dma_start3A_488 = arith.constant 0 : i32
      %dma_start3A_489 = tpu.memref_slice %arg5[%squeeze3A_469, %dma_start3A_488] : memref<100000x64xf32, #tpu.memory_space<hbm>> -> memref<1x64xf32, #tpu.memory_space<hbm>>
      tpu.enqueue_dma source(%dma_start3A_489 : memref<1x64xf32, #tpu.memory_space<hbm>>) target(%dma_start3A_487 : memref<1x64xf32, #tpu.memory_space<vmem>>) target_semaphore(%arg19 : memref<!tpu.dma_semaphore, #tpu.memory_space<semaphore_mem>>)
      %slice3A_490 = vector.extract_strided_slice %get3A_125 {offsets = [15], sizes = [1], strides = [1]} : vector<16xi32> to vector<1xi32>
      %squeeze3A_491 = vector.extract %slice3A_490[0] : i32 from vector<1xi32>
      %slice3A_492 = vector.extract_strided_slice %get3A_131 {offsets = [15], sizes = [1], strides = [1]} : vector<16xi32> to vector<1xi32>
      %squeeze3A_493 = vector.extract %slice3A_492[0] : i32 from vector<1xi32>
      %mul3A_494 = arith.constant 16 : i32
      %mul3A_495 = arith.muli %scan3A_120, %mul3A_494 : i32
      %add3A_496 = arith.constant 15 : i32
      %add3A_497 = arith.addi %mul3A_495, %add3A_496 : i32
      %dma_start3A_498 = arith.constant 0 : i32
      %dma_start3A_499 = tpu.memref_slice %arg14[%add3A_497, %dma_start3A_498] : memref<128x64xf32, #tpu.memory_space<vmem>> -> memref<1x64xf32, #tpu.memory_space<vmem>>
      %dma_start3A_500 = arith.constant 0 : i32
      %dma_start3A_501 = tpu.memref_slice %arg4[%squeeze3A_491, %dma_start3A_500] : memref<1000000x64xf32, #tpu.memory_space<hbm>> -> memref<1x64xf32, #tpu.memory_space<hbm>>
      %dma_start3A_502 = arith.constant 0 : i32
      %dma_start3A_503 = tpu.memref_slice %arg14[%add3A_497, %dma_start3A_502] : memref<128x64xf32, #tpu.memory_space<vmem>> -> memref<1x64xf32, #tpu.memory_space<vmem>>
      %dma_start3A_504 = arith.constant 0 : i32
      %dma_start3A_505 = tpu.memref_slice %arg4[%squeeze3A_491, %dma_start3A_504] : memref<1000000x64xf32, #tpu.memory_space<hbm>> -> memref<1x64xf32, #tpu.memory_space<hbm>>
      tpu.enqueue_dma source(%dma_start3A_505 : memref<1x64xf32, #tpu.memory_space<hbm>>) target(%dma_start3A_503 : memref<1x64xf32, #tpu.memory_space<vmem>>) target_semaphore(%arg19 : memref<!tpu.dma_semaphore, #tpu.memory_space<semaphore_mem>>)
      %dma_start3A_506 = arith.constant 0 : i32
      %dma_start3A_507 = tpu.memref_slice %arg16[%add3A_497, %dma_start3A_506] : memref<128x64xf32, #tpu.memory_space<vmem>> -> memref<1x64xf32, #tpu.memory_space<vmem>>
      %dma_start3A_508 = arith.constant 0 : i32
      %dma_start3A_509 = tpu.memref_slice %arg5[%squeeze3A_493, %dma_start3A_508] : memref<100000x64xf32, #tpu.memory_space<hbm>> -> memref<1x64xf32, #tpu.memory_space<hbm>>
      %dma_start3A_510 = arith.constant 0 : i32
      %dma_start3A_511 = tpu.memref_slice %arg16[%add3A_497, %dma_start3A_510] : memref<128x64xf32, #tpu.memory_space<vmem>> -> memref<1x64xf32, #tpu.memory_space<vmem>>
      %dma_start3A_512 = arith.constant 0 : i32
      %dma_start3A_513 = tpu.memref_slice %arg5[%squeeze3A_493, %dma_start3A_512] : memref<100000x64xf32, #tpu.memory_space<hbm>> -> memref<1x64xf32, #tpu.memory_space<hbm>>
      tpu.enqueue_dma source(%dma_start3A_513 : memref<1x64xf32, #tpu.memory_space<hbm>>) target(%dma_start3A_511 : memref<1x64xf32, #tpu.memory_space<vmem>>) target_semaphore(%arg19 : memref<!tpu.dma_semaphore, #tpu.memory_space<semaphore_mem>>)
    }
    %scan3A_83 = arith.constant 8 : i32
    %dma_wait3A_84 = arith.constant 0 : i32
    %dma_wait3A_85 = arith.constant 0 : i32
    %dma_wait3A_86 = tpu.memref_slice %arg4[%dma_wait3A_84, %dma_wait3A_85] : memref<1000000x64xf32, #tpu.memory_space<hbm>> -> memref<128x64xf32, #tpu.memory_space<hbm>>
    %dma_wait3A_87 = arith.constant 0 : i32
    %dma_wait3A_88 = arith.constant 0 : i32
    %dma_wait3A_89 = tpu.memref_slice %arg4[%dma_wait3A_87, %dma_wait3A_88] : memref<1000000x64xf32, #tpu.memory_space<hbm>> -> memref<128x64xf32, #tpu.memory_space<hbm>>
    tpu.wait_dma2 semaphore(%arg18 : memref<!tpu.dma_semaphore, #tpu.memory_space<semaphore_mem>>) src(%dma_wait3A_89 : memref<128x64xf32, #tpu.memory_space<hbm>>) dst(%arg13 : memref<128x64xf32, #tpu.memory_space<vmem>>)
    %dma_wait3A_90 = arith.constant 0 : i32
    %dma_wait3A_91 = arith.constant 0 : i32
    %dma_wait3A_92 = tpu.memref_slice %arg4[%dma_wait3A_90, %dma_wait3A_91] : memref<1000000x64xf32, #tpu.memory_space<hbm>> -> memref<128x64xf32, #tpu.memory_space<hbm>>
    %dma_wait3A_93 = arith.constant 0 : i32
    %dma_wait3A_94 = arith.constant 0 : i32
    %dma_wait3A_95 = tpu.memref_slice %arg4[%dma_wait3A_93, %dma_wait3A_94] : memref<1000000x64xf32, #tpu.memory_space<hbm>> -> memref<128x64xf32, #tpu.memory_space<hbm>>
    tpu.wait_dma2 semaphore(%arg18 : memref<!tpu.dma_semaphore, #tpu.memory_space<semaphore_mem>>) src(%dma_wait3A_95 : memref<128x64xf32, #tpu.memory_space<hbm>>) dst(%arg15 : memref<128x64xf32, #tpu.memory_space<vmem>>)
    %scan3A_96 = arith.constant 0 : i32
    %scan3A_97 = arith.constant 0 : i32
    %scan3A_98 = arith.constant 8 : i32
    %scan3A_99 = arith.addi %scan3A_97, %scan3A_98 : i32
    %scan3A_100 = arith.constant 1 : i32
    scf.for %scan3A_120 = %scan3A_97 to %scan3A_99 step %scan3A_100  : i32 {
      %mul3A_121 = arith.constant 16 : i32
      %mul3A_122 = arith.muli %scan3A_120, %mul3A_121 : i32
      %add3A_123 = vector.broadcast %mul3A_122 : i32 to vector<16xi32>
      %add3A_124 = arith.addi %iota3A, %add3A_123 : vector<16xi32>
      %add3A_125 = arith.constant 256 : i32
      %add3A_126 = vector.broadcast %add3A_125 : i32 to vector<16xi32>
      %add3A_127 = arith.addi %add3A_124, %add3A_126 : vector<16xi32>
      %broadcast_in_dim3A = arith.constant 0.000000e+00 : f32
      %broadcast_in_dim3A_128 = vector.broadcast %broadcast_in_dim3A : f32 to vector<16xf32>
      %scan3A_129 = arith.constant 0 : i32
      %scan3A_130 = arith.constant 64 : i32
      %scan3A_131 = arith.addi %scan3A_129, %scan3A_130 : i32
      %scan3A_132 = arith.constant 1 : i32
      %scan3A_133 = scf.for %scan3A_150 = %scan3A_129 to %scan3A_131 step %scan3A_132 iter_args(%scan3A_151 = %broadcast_in_dim3A_128) -> (vector<16xf32>)  : i32 {
        %add3A_152 = vector.broadcast %scan3A_150 : i32 to vector<16xi32>
        %add3A_153 = arith.addi %iota3A, %add3A_152 : vector<16xi32>
        %and3A = arith.constant 63 : i32
        %and3A_154 = vector.broadcast %and3A : i32 to vector<16xi32>
        %and3A_155 = arith.andi %add3A_153, %and3A_154 : vector<16xi32>
        %gather3A_156 = tpu.vector_load_idx %arg13[%add3A_124, %and3A_155] : memref<128x64xf32, #tpu.memory_space<vmem>>[vector<16xi32>, vector<16xi32>], vector<16xf32>,
        %gather3A_157 = tpu.vector_load_idx %arg15[%add3A_124, %and3A_155] : memref<128x64xf32, #tpu.memory_space<vmem>>[vector<16xi32>, vector<16xi32>], vector<16xf32>,
        %mul3A_158 = arith.mulf %gather3A_156, %gather3A_157 : vector<16xf32>
        %add3A_159 = arith.addf %scan3A_151, %mul3A_158 : vector<16xf32>
        scf.yield %add3A_159 : vector<16xf32>
      }
      %scan3A_134 = arith.constant 64 : i32
      %gather3A = tpu.vector_load_idx %arg11[%add3A_127] : memref<512xf32, #tpu.memory_space<vmem>>[vector<16xi32>], vector<16xf32>,
      %add3A_135 = arith.addf %scan3A_133, %gather3A : vector<16xf32>
      %gather3A_136 = tpu.vector_load_idx %arg12[%add3A_127] : memref<512xf32, #tpu.memory_space<vmem>>[vector<16xi32>], vector<16xf32>,
      %add3A_137 = arith.addf %add3A_135, %gather3A_136 : vector<16xf32>
      %neg3A = arith.constant 0.000000e+00 : f32
      %neg3A_138 = vector.broadcast %neg3A : f32 to vector<16xf32>
      %neg3A_139 = arith.subf %neg3A_138, %add3A_137 : vector<16xf32>
      %exp3A = math.exp %neg3A_139 : vector<16xf32>
      %add3A_140 = arith.constant 1.000000e+00 : f32
      %add3A_141 = vector.broadcast %add3A_140 : f32 to vector<16xf32>
      %add3A_142 = arith.addf %add3A_141, %exp3A : vector<16xf32>
      %div3A = arith.constant 1.000000e+00 : f32
      %div3A_143 = vector.broadcast %div3A : f32 to vector<16xf32>
      %div3A_144 = arith.divf %div3A_143, %add3A_142 : vector<16xf32>
      %mul3A_145 = arith.constant 6.000000e+00 : f32
      %mul3A_146 = vector.broadcast %mul3A_145 : f32 to vector<16xf32>
      %mul3A_147 = arith.mulf %div3A_144, %mul3A_146 : vector<16xf32>
      %sub3A = arith.constant 5.000000e-01 : f32
      %sub3A_148 = vector.broadcast %sub3A : f32 to vector<16xf32>
      %sub3A_149 = arith.subf %mul3A_147, %sub3A_148 : vector<16xf32>
      tpu.vector_store_idx %arg17[%add3A_127], %sub3A_149 : memref<512xf32, #tpu.memory_space<vmem>>[vector<16xi32>], vector<16xf32>,
    }
    %scan3A_101 = arith.constant 8 : i32
    %dma_wait3A_102 = arith.constant 0 : i32
    %dma_wait3A_103 = arith.constant 0 : i32
    %dma_wait3A_104 = tpu.memref_slice %arg4[%dma_wait3A_102, %dma_wait3A_103] : memref<1000000x64xf32, #tpu.memory_space<hbm>> -> memref<128x64xf32, #tpu.memory_space<hbm>>
    %dma_wait3A_105 = arith.constant 0 : i32
    %dma_wait3A_106 = arith.constant 0 : i32
    %dma_wait3A_107 = tpu.memref_slice %arg4[%dma_wait3A_105, %dma_wait3A_106] : memref<1000000x64xf32, #tpu.memory_space<hbm>> -> memref<128x64xf32, #tpu.memory_space<hbm>>
    tpu.wait_dma2 semaphore(%arg19 : memref<!tpu.dma_semaphore, #tpu.memory_space<semaphore_mem>>) src(%dma_wait3A_107 : memref<128x64xf32, #tpu.memory_space<hbm>>) dst(%arg14 : memref<128x64xf32, #tpu.memory_space<vmem>>)
    %dma_wait3A_108 = arith.constant 0 : i32
    %dma_wait3A_109 = arith.constant 0 : i32
    %dma_wait3A_110 = tpu.memref_slice %arg4[%dma_wait3A_108, %dma_wait3A_109] : memref<1000000x64xf32, #tpu.memory_space<hbm>> -> memref<128x64xf32, #tpu.memory_space<hbm>>
    %dma_wait3A_111 = arith.constant 0 : i32
    %dma_wait3A_112 = arith.constant 0 : i32
    %dma_wait3A_113 = tpu.memref_slice %arg4[%dma_wait3A_111, %dma_wait3A_112] : memref<1000000x64xf32, #tpu.memory_space<hbm>> -> memref<128x64xf32, #tpu.memory_space<hbm>>
    tpu.wait_dma2 semaphore(%arg19 : memref<!tpu.dma_semaphore, #tpu.memory_space<semaphore_mem>>) src(%dma_wait3A_113 : memref<128x64xf32, #tpu.memory_space<hbm>>) dst(%arg16 : memref<128x64xf32, #tpu.memory_space<vmem>>)
    %scan3A_114 = arith.constant 0 : i32
    %scan3A_115 = arith.constant 0 : i32
    %scan3A_116 = arith.constant 8 : i32
    %scan3A_117 = arith.addi %scan3A_115, %scan3A_116 : i32
    %scan3A_118 = arith.constant 1 : i32
    scf.for %scan3A_120 = %scan3A_115 to %scan3A_117 step %scan3A_118  : i32 {
      %mul3A_121 = arith.constant 16 : i32
      %mul3A_122 = arith.muli %scan3A_120, %mul3A_121 : i32
      %add3A_123 = vector.broadcast %mul3A_122 : i32 to vector<16xi32>
      %add3A_124 = arith.addi %iota3A, %add3A_123 : vector<16xi32>
      %add3A_125 = arith.constant 384 : i32
      %add3A_126 = vector.broadcast %add3A_125 : i32 to vector<16xi32>
      %add3A_127 = arith.addi %add3A_124, %add3A_126 : vector<16xi32>
      %broadcast_in_dim3A = arith.constant 0.000000e+00 : f32
      %broadcast_in_dim3A_128 = vector.broadcast %broadcast_in_dim3A : f32 to vector<16xf32>
      %scan3A_129 = arith.constant 0 : i32
      %scan3A_130 = arith.constant 64 : i32
      %scan3A_131 = arith.addi %scan3A_129, %scan3A_130 : i32
      %scan3A_132 = arith.constant 1 : i32
      %scan3A_133 = scf.for %scan3A_150 = %scan3A_129 to %scan3A_131 step %scan3A_132 iter_args(%scan3A_151 = %broadcast_in_dim3A_128) -> (vector<16xf32>)  : i32 {
        %add3A_152 = vector.broadcast %scan3A_150 : i32 to vector<16xi32>
        %add3A_153 = arith.addi %iota3A, %add3A_152 : vector<16xi32>
        %and3A = arith.constant 63 : i32
        %and3A_154 = vector.broadcast %and3A : i32 to vector<16xi32>
        %and3A_155 = arith.andi %add3A_153, %and3A_154 : vector<16xi32>
        %gather3A_156 = tpu.vector_load_idx %arg14[%add3A_124, %and3A_155] : memref<128x64xf32, #tpu.memory_space<vmem>>[vector<16xi32>, vector<16xi32>], vector<16xf32>,
        %gather3A_157 = tpu.vector_load_idx %arg16[%add3A_124, %and3A_155] : memref<128x64xf32, #tpu.memory_space<vmem>>[vector<16xi32>, vector<16xi32>], vector<16xf32>,
        %mul3A_158 = arith.mulf %gather3A_156, %gather3A_157 : vector<16xf32>
        %add3A_159 = arith.addf %scan3A_151, %mul3A_158 : vector<16xf32>
        scf.yield %add3A_159 : vector<16xf32>
      }
      %scan3A_134 = arith.constant 64 : i32
      %gather3A = tpu.vector_load_idx %arg11[%add3A_127] : memref<512xf32, #tpu.memory_space<vmem>>[vector<16xi32>], vector<16xf32>,
      %add3A_135 = arith.addf %scan3A_133, %gather3A : vector<16xf32>
      %gather3A_136 = tpu.vector_load_idx %arg12[%add3A_127] : memref<512xf32, #tpu.memory_space<vmem>>[vector<16xi32>], vector<16xf32>,
      %add3A_137 = arith.addf %add3A_135, %gather3A_136 : vector<16xf32>
      %neg3A = arith.constant 0.000000e+00 : f32
      %neg3A_138 = vector.broadcast %neg3A : f32 to vector<16xf32>
      %neg3A_139 = arith.subf %neg3A_138, %add3A_137 : vector<16xf32>
      %exp3A = math.exp %neg3A_139 : vector<16xf32>
      %add3A_140 = arith.constant 1.000000e+00 : f32
      %add3A_141 = vector.broadcast %add3A_140 : f32 to vector<16xf32>
      %add3A_142 = arith.addf %add3A_141, %exp3A : vector<16xf32>
      %div3A = arith.constant 1.000000e+00 : f32
      %div3A_143 = vector.broadcast %div3A : f32 to vector<16xf32>
      %div3A_144 = arith.divf %div3A_143, %add3A_142 : vector<16xf32>
      %mul3A_145 = arith.constant 6.000000e+00 : f32
      %mul3A_146 = vector.broadcast %mul3A_145 : f32 to vector<16xf32>
      %mul3A_147 = arith.mulf %div3A_144, %mul3A_146 : vector<16xf32>
      %sub3A = arith.constant 5.000000e-01 : f32
      %sub3A_148 = vector.broadcast %sub3A : f32 to vector<16xf32>
      %sub3A_149 = arith.subf %mul3A_147, %sub3A_148 : vector<16xf32>
      tpu.vector_store_idx %arg17[%add3A_127], %sub3A_149 : memref<512xf32, #tpu.memory_space<vmem>>[vector<16xi32>], vector<16xf32>,
    }
    %scan3A_119 = arith.constant 8 : i32
    "tpu.region"() ({
      %run_scoped3A = tpu.sem_alloc : memref<!tpu.dma_semaphore, #tpu.memory_space<semaphore_mem>>
      %dma_start3A_120 = tpu.memref_slice %arg8[%mul3A_2] : memref<16384xf32, #tpu.memory_space<hbm>> -> memref<512xf32, #tpu.memory_space<hbm>>
      %dma_start3A_121 = tpu.memref_slice %arg8[%mul3A_2] : memref<16384xf32, #tpu.memory_space<hbm>> -> memref<512xf32, #tpu.memory_space<hbm>>
      tpu.enqueue_dma source(%arg17 : memref<512xf32, #tpu.memory_space<vmem>>) target(%dma_start3A_121 : memref<512xf32, #tpu.memory_space<hbm>>) target_semaphore(%run_scoped3A : memref<!tpu.dma_semaphore, #tpu.memory_space<semaphore_mem>>)
      %dma_wait3A_122 = tpu.memref_slice %arg8[%mul3A_2] : memref<16384xf32, #tpu.memory_space<hbm>> -> memref<512xf32, #tpu.memory_space<hbm>>
      %dma_wait3A_123 = tpu.memref_slice %arg8[%mul3A_2] : memref<16384xf32, #tpu.memory_space<hbm>> -> memref<512xf32, #tpu.memory_space<hbm>>
      tpu.wait_dma2 semaphore(%run_scoped3A : memref<!tpu.dma_semaphore, #tpu.memory_space<semaphore_mem>>) src(%arg17 : memref<512xf32, #tpu.memory_space<vmem>>) dst(%dma_wait3A_123 : memref<512xf32, #tpu.memory_space<hbm>>)
      tpu.yield
    }) : () -> ()
    return
  }
}

</mosaic_0001>

<sc_bundles>
// kernel: kernel.3.cloned.1.call-start
scs
__scs_entry_jumppad:
0x0: {  	(pc) =	sbr.rel $0x88, $3  }
0x1: {  	(tag) =	ssettag $0x0;
	lr =	simm.s32 $0x1  }
0x2: {  	[smem:$0x3F9B] =	sst lr;
	_ =	strace $0xD0000000  }
0x3: {  	_ = 	snop  }
0x4: {  	_ = 	snop  }
0x5: {  	_ = 	snop  }
0x6: {  	_ = 	snop  }
0x7: {  	_ = 	snop  }
__scs_overlays_trampoline_lowered:
0x8: {  	[smem:$0x3FAA] =	sst s0  }
0x9: {  	[smem:$0x3FAB] =	sst s1  }
0xa: {  	[smem:$0x3FAC] =	sst s2  }
0xb: {  	[smem:$0x3FAD] =	sst s3  }
0xc: {  	[smem:$0x3FAE] =	sst s4  }
0xd: {  	[smem:$0x3FAF] =	sst s5  }
0xe: {  	[smem:$0x3FB0] =	sst s6  }
0xf: {  	[smem:$0x3FB1] =	sst s7  }
0x10: {  	[smem:$0x3FB2] =	sst s8  }
0x11: {  	[smem:$0x3FB3] =	sst s9;
	s0 =	simm.s32 @!p0 $0x0  }
0x12: {  	s1 =	sld [smem:$0x3F99];
	s0 =	simm.s32 @p0 $0x1  }
0x13: {  	[smem:$0x3FB4] =	sst s0;
	s0 =	simm.s32 @!p1 $0x0  }
0x14: {  	s2 =	sld [smem:$0x3F98];
	s0 =	simm.s32 @p1 $0x1  }
0x15: {  	[smem:$0x3FB5] =	sst s0;
	s0 =	simm.s32 @!p2 $0x0  }
0x16: {  	s3 =	sld [smem:$0x3FDB];
	s0 =	simm.s32 @p2 $0x1  }
0x17: {  	s4 =	simm.s32 $0x1BF5;
	[smem:$0x3FB7] =	sst s0  }
0x18: {  	s0 =	sld [smem:$0x3F9A];
	_ =	swait.ge [sflag:s4], $0x0  }
0x19: {  	s7 =	sld [smem:$0x3F9B]  }
0x1a: {  	s8 =	sadd.s32 $0xFFFFE003, lr  }
0x1b: {  	s9 =	sadd.s32 $0xFFFFFEF7, lr;
	s5 =	simm.s32 $0xFFFFFFFF;
	p2 =	slt.u32 s8, $0xFFFFF086  }
0x1c: {  	p1 =	slt.u32 s9, $0xF7A;
	s5 =	simm.s32 @!p2 $0x0  }
0x1d: {  	s5 =	simm.s32 @p1 $0x1;
	p0 =	seq.s32 s7, s2  }
0x1e: {  	s7 =	smul.u32 @!p0 $0xF7A, s2;
	p2 =	seq.s32 @!p0 s5, $0x0  }
0x1f: {  	s9 =	smul.u32 $0xF7A, s1;
	s8 =	simm.s32 @!p0 $0x1BF5;
	p2 =	por !p2, p0  }
0x20: {  	[sflag:s8] =	ssyncset.s32 @!p0 $0xFFFFF086;
	s6 =	sadd.s32 @!p0 s3, s7;
	s7 =	simm.s32 @!p0 $0x108  }
0x21: {  	s3 =	sadd.s32 s3, s9;
	s6 =	sadd.s32 @!p0 $0x88, s6;
	s7 =	simm.s32 @p2 $0x1082  }
0x22: {  	[simem:s7], [sflag:s8] =	dma.local @!p0 [hbm:s6], $0xF7A  }
0x23: {  	s9 =	sor.u32 $0xD0000000, s2;
	s6 =	simm.s32 $0x108;
	_ =	swait.ge @!p0 [sflag:s8], $0x0  }
0x24: {  	s3 =	sadd.s32 $0x88, s3;
	s6 =	simm.s32 @!p1 $0x1082;
	[sflag:s4] =	ssyncset.s32 $0xFFFFF086  }
0x25: {  	[simem:s6], [sflag:s4] =	dma.local [hbm:s3], $0xF7A  }
0x26: {  	[smem:$0x3F9B] =	sst s1;
	(tag) =	ssettag s2;
	_ =	strace s9  }
0x27: {  	s1 =	sld [smem:$0x3FAB]  }
0x28: {  	s2 =	sld [smem:$0x3FAC]  }
0x29: {  	s4 =	sld [smem:$0x3FAE]  }
0x2a: {  	p0 =	seq.s32 s5, $0x0;
	s5 =	sld [smem:$0x3FAF]  }
0x2b: {  	s6 =	sld [smem:$0x3FB0]  }
0x2c: {  	s7 =	sld [smem:$0x3FB1]  }
0x2d: {  	s3 =	simm.s32 $0x108;
	s8 =	sld [smem:$0x3FB2]  }
0x2e: {  	s3 =	simm.s32 @!p0 $0x1082;
	s9 =	sld [smem:$0x3FB3]  }
0x2f: {  	lr =	sadd.s32 s0, s3;
	s0 =	sld [smem:$0x3FAA]  }
0x30: {  	s3 =	sld [smem:$0x3FAD]  }
0x31: {  	[smem:$0x3FB6] =	sst s10  }
0x32: {  	s10 =	sld [smem:$0x3FB4];
	_ =	sdelay $0x3  }
0x33: {  	p0 =	seq.s32 s10, $0x1;
	s10 =	sld [smem:$0x3FB6];
	_ =	sdelay $0x3  }
0x34: {  	[smem:$0x3FB6] =	sst s10  }
0x35: {  	s10 =	sld [smem:$0x3FB5];
	_ =	sdelay $0x3  }
0x36: {  	p1 =	seq.s32 s10, $0x1;
	s10 =	sld [smem:$0x3FB6];
	_ =	sdelay $0x3  }
0x37: {  	[smem:$0x3FB6] =	sst s10  }
0x38: {  	s10 =	sld [smem:$0x3FB7]  }
0x39: {  	_ = 	snop;
	(pc) =	sbr.ind lr, $3  }
0x3a: {  	_ = 	snop  }
0x3b: {  	_ = 	snop  }
0x3c: {  	p2 =	seq.s32 s10, $0x1;
	s10 =	sld [smem:$0x3FB6]  }
0x3d: {  	_ =	shalt  }
0x3e: {  	_ =	shalt  }
0x3f: {  	_ =	shalt  }
0x40: {  	_ =	shalt  }
0x41: {  	_ =	shalt  }
0x42: {  	_ =	shalt  }
0x43: {  	_ =	shalt  }
0x44: {  	_ =	shalt  }
0x45: {  	_ =	shalt  }
0x46: {  	_ =	shalt  }
0x47: {  	_ =	shalt  }
0x48: {  	_ =	shalt  }
0x49: {  	_ =	shalt  }
0x4a: {  	_ =	shalt  }
0x4b: {  	_ =	shalt  }
0x4c: {  	_ =	shalt  }
0x4d: {  	_ =	shalt  }
0x4e: {  	_ =	shalt  }
0x4f: {  	_ =	shalt  }
0x50: {  	_ =	shalt  }
0x51: {  	_ =	shalt  }
0x52: {  	_ =	shalt  }
0x53: {  	_ =	shalt  }
0x54: {  	_ =	shalt  }
0x55: {  	_ =	shalt  }
0x56: {  	_ =	shalt  }
0x57: {  	_ =	shalt  }
0x58: {  	_ =	shalt  }
0x59: {  	_ =	shalt  }
0x5a: {  	_ =	shalt  }
0x5b: {  	_ =	shalt  }
0x5c: {  	_ =	shalt  }
0x5d: {  	_ =	shalt  }
0x5e: {  	_ =	shalt  }
0x5f: {  	_ =	shalt  }
0x60: {  	_ =	shalt  }
0x61: {  	_ =	shalt  }
0x62: {  	_ =	shalt  }
0x63: {  	_ =	shalt  }
0x64: {  	_ =	shalt  }
0x65: {  	_ =	shalt  }
0x66: {  	_ =	shalt  }
0x67: {  	_ =	shalt  }
0x68: {  	_ =	shalt  }
0x69: {  	_ =	shalt  }
0x6a: {  	_ =	shalt  }
0x6b: {  	_ =	shalt  }
0x6c: {  	_ =	shalt  }
0x6d: {  	_ =	shalt  }
0x6e: {  	_ =	shalt  }
0x6f: {  	_ =	shalt  }
0x70: {  	_ =	shalt  }
0x71: {  	_ =	shalt  }
0x72: {  	_ =	shalt  }
0x73: {  	_ =	shalt  }
0x74: {  	_ =	shalt  }
0x75: {  	_ =	shalt  }
0x76: {  	_ =	shalt  }
0x77: {  	_ =	shalt  }
0x78: {  	_ =	shalt  }
0x79: {  	_ =	shalt  }
0x7a: {  	_ =	shalt  }
0x7b: {  	_ =	shalt  }
0x7c: {  	_ =	shalt  }
0x7d: {  	_ =	shalt  }
0x7e: {  	_ =	shalt  }
0x7f: {  	_ =	shalt  }
0x80: {  	_ =	shalt  }
0x81: {  	_ =	shalt  }
0x82: {  	_ =	shalt  }
0x83: {  	_ =	shalt  }
0x84: {  	_ =	shalt  }
0x85: {  	_ =	shalt  }
0x86: {  	_ =	shalt  }
0x87: {  	_ =	shalt  }
.Lfunc_end0:
.L_simem_size_0:
called_computation_lowered:
.L_overlay_start_0:
0x88: {  	s2 =	sld [smem:$0x3FD9]  }
0x89: {  	s3 =	sld [smem:$0x3FFE];
	_ =	sdelay $0x1  }
0x8a: {  	s1 =	srdreg.scid  }
0x8b: {  	s0 =	sand.u32 $0x1, s1  }
0x8c: {  	s17 =	sshll.u32 s0, $0xA;
	s2 =	sadd.s32 s3, s2  }
0x8d: {  	s2 =	sadd.s32 s2, s17  }
0x8e: {  	[smem:$0x3FC2] =	sst s2  }
0x8f: {  	_ = 	snop  }
0x90: {  	s2 =	sld [smem:$0x3FC9]  }
0x91: {  	s18 =	sld [smem:$0x3FC8]  }
0x92: {  	s4 =	sld [smem:$0x3FC5]  }
0x93: {  	s5 =	sld [smem:$0x3FC4]  }
0x94: {  	s6 =	sld [smem:$0x3FD0];
	(tm) =	ssettm $0x1  }
0x95: {  	s7 =	sld [smem:$0x3FFB];
	_ =	sdelay $0x3  }
0x96: {  	_ =	strace s7  }
0x97: {  	s7 =	sld [smem:$0x3FFC];
	_ =	sdelay $0x3  }
0x98: {  	_ =	strace s7  }
0x99: {  	s7 =	sld [smem:$0x3FFD];
	_ =	sdelay $0x3  }
0x9a: {  	_ =	strace s7  }
0x9b: {  	_ =	strace $0x8FFFFFFF  }
0x9c: {  	s19 =	sld [smem:$0x3FDB];
	_ =	sdelay $0x1  }
0x9d: {  	s8 =	simm.s32 $_scs_section_size  }
0x9e: {  	s9 =	simm.s32 $_size__tile_overlayer_lowered;
	s10 =	simm.s32 $_tile_overlayer_lowered  }
0x9f: {  	s22 =	simm.s32 $0x1BFF;
	s21 =	sshll.u32 s10, $0x1;
	s7 =	sadd.s32 s8, s19  }
0xa0: {  	s11 =	simm.s32 $0x0;
	s20 =	sshll.u32 s9, $0x1;
	s9 =	sadd.s32 s21, s7  }
0xa1: {  	[timem:s11], [sflag:s22] =	dma.local [hbm:s9], s20  }
0xa2: {  	_ =	swait.ge [sflag:s22], s20  }
0xa3: {  	s8 =	ssub.s32 $0x0, s20;
	[sflag:s22] =	ssyncset.done $0x0  }
0xa4: {  	[sflag:s22] =	ssyncadd.s32 s8;
	_ =	sdelay $0x1  }
0xa5: {  	s23 =	simm.s32 $0x1B8B  }
0xa6: {  	_ =	swait.ge [sflag:s23], $0x1  }
0xa7: {  	[sflag:s23] =	ssyncset.done $0x0  }
0xa8: {  	s25 =	simm.s32 $0x1B8E;
	s24 =	sld [smem:$0x3FFE];
	[sflag:s23] =	ssyncadd.s32 $0xFFFFFFFF  }
0xa9: {  	s26 =	simm.s32 $execute0_lowered;
	[smem:$0x3FD2] =	sst s25  }
0xaa: {  	s9 =	sshll.u32 s26, $0x1;
	_ =	strace $0x80000046;
	[dreg:$0x1] =	wrdreg $0xFFFFFFFF  }
0xab: {  	s28 =	simm.s32 $_size_execute0_lowered;
	s7 =	sadd.s32 s7, s9;
	[dreg:$0x0] =	wrdreg $0x0  }
0xac: {  	s9 =	sshll.u32 s28, $0x1;
	[dreg:$0x2] =	wrdreg s7  }
0xad: {  	[dreg:$0x3] =	wrdreg s9  }
0xae: {  	[dreg:$0x4] =	wrdreg $0xC0  }
0xaf: {  	_ =	task [dreg:s11], $0x5FFFF  }
0xb0: {  	[dreg:$0x1] =	wrdreg $0xFFFFFFFF  }
0xb1: {  	[dreg:$0x0] =	wrdreg $0x60  }
0xb2: {  	[dreg:$0x2] =	wrdreg s2  }
0xb3: {  	[dreg:$0x3] =	wrdreg s18  }
0xb4: {  	[dreg:$0x4] =	wrdreg s24  }
0xb5: {  	[dreg:$0x5] =	wrdreg s4  }
0xb6: {  	[dreg:$0x6] =	wrdreg s5  }
0xb7: {  	[dreg:$0x7] =	wrdreg s6  }
0xb8: {  	[dreg:$0x8] =	wrdreg $0x9  }
0xb9: {  	_ =	task.clear_ibuf [dreg:s11], $0x9FFFF;
	_ =	strace $0x90000046  }
0xba: {  	s29 =	simm.s32 $0x9;
	_ =	strace $0x80000048  }
0xbb: {  	_ =	swait.ge [sflag:s29], $0x1  }
0xbc: {  	[sflag:s29] =	ssyncadd.s32 $0xFFFFFFFF  }
0xbd: {  	_ =	strace $0x90000048  }
0xbe: {  	_ =	sfence  }
0xbf: {  	s30 =	sld [smem:$0x0];
	_ =	sdelay $0x2  }
0xc0: {  	s31 =	sshll.u32 s1, $0xD;
	s1 =	sshrl.u32 s1, $0x2  }
0xc1: {  	s3 =	sand.u32 $0x4000, s31;
	s1 =	sadd.s32 s1, s30  }
0xc2: {  	s0 =	sor.u32 s3, s0;
	s1 =	sshll.u32 s1, $0x11  }
0xc3: {  	s0 =	sor.u32 s1, s0  }
0xc4: {  	s0 =	sadd.s32 $0x8F2B, s0  }
0xc5: {  	[sflag:s0] =	ssyncadd.remote.s32 $0x1  }
0xc6: {  	_ =	sfence.sel $0xFFFF  }
0xc7: {  	[dreg:$0x0] =	wrdreg $0xFFFFFFFF;
	(pc) =	sbr.abs _section_cstart, $3  }
0xc8: {  	[dreg:$0x1] =	wrdreg $0xFFFFFFFF  }
0xc9: {  	_ =	task.clear_ibuf [dreg:s11], $0x2FFFF;
	_ =	strace $0x9FFFFFFF  }
0xca: {  	(tm) =	ssettm $0x7FFFFFFF  }
0xcb: {  	_ =	shalt  }
tec
execute0_lowered:
.L_overlay_start_1:
0x0: {  	(tag) =	ssettag $0x1  }
0x1: {  	s0 =	rddreg [dreg:$0x0]  }
0x2: {  	s1 =	rddreg [dreg:$0x1]  }
0x3: {  	s2 =	rddreg [dreg:$0x2]  }
0x4: {  	s3 =	rddreg [dreg:$0x5];
	s4 =	simm.s32 $0x0;
	s5 =	srdreg.scid  }
0x5: {  	s6 =	stileid.u32;
	s10 =	simm.s32 $0x400;
	s5 =	sand.u32 $0x1, s5  }
0x6: {  	[smem:$0x7FF] =	sst s4;
	s6 =	sshll.u32 s6, $0x7;
	s8 =	sshll.u32 s5, $0x6  }
0x7: {  	s11 =	simm.s32 $0x600;
	_ =	strace $0x80000047;
	s8 =	sor.u32 s8, s6  }
0x8: {  	s7 =	ssub.s32 $0x2, s5;
	s5 =	sadd.s32 $0x186E00, s2;
	s0 =	sadd.s32 s0, s8  }
0x9: {  	s9 =	sshrl.u32 s7, $0x1;
	s29 =	sadd.s32 s1, s8;
	[smem:$0x7FA] =	sst s0  }
0xa: {  	v0 =	vlaneseq.u32;
	s28 =	ssub.s32 s7, s9;
	s30 =	sadd.s32 s3, s8;
	[smem:$0x7FB] =	sst s29  }
0xb: {  	v1 =	vmul.u32 $0x80, v0;
	s6 =	sadd.s32 $0x400, s2;
	[smem:$0x7FC] =	sst s30;
	s31 =	smax.u32 s28, $0x1  }
0xc: {  	v2 =	vor.u32 $0x80, v0;
	v3 =	vor.u32 $0x100, v0;
	v4 =	vor.u32 $0x180, v0;
	s2 =	simm.s32 $0x4;
	s1 =	simm.s32 $0x0;
	[smem:$0x7FD] =	sst s31  }
.LBB2_1:
0xd: {  	s0 =	sld [smem:$0x7FA];
	_ =	sdelay $0x1  }
0xe: {  	[smem:$0x7F9] =	sst s1  }
0xf: {  	[tilespmem:s4], [sflag:$0x4] =	stream.linear.gather [hbm4b:s0+s4], $0x200, $0x38;
	[tilespmem:$0x10A00] =	vst v63  }
0x10: {  	_ =	swait.ge [sflag:s2], $0x200  }
0x11: {  	s19 =	sld [smem:$0x7FB]  }
0x12: {  	[sflag:s2] =	ssyncset.done $0x0  }
0x13: {  	s18 =	simm.s32 $0x200;
	[sflag:s2] =	ssyncadd.s32 $0xFFFFFE00  }
0x14: {  	[tilespmem:s18], [sflag:$0x4] =	stream.linear.gather [hbm4b:s19+s4], $0x200, $0x38;
	[tilespmem:$0x10A00] =	vst v63  }
0x15: {  	_ =	swait.ge [sflag:s2], $0x200  }
0x16: {  	[sflag:s2] =	ssyncset.done $0x0  }
0x17: {  	[sflag:s2] =	ssyncadd.s32 $0xFFFFFE00  }
0x18: {  	s20 =	rddreg [dreg:$0x3]  }
0x19: {  	[tilespmem:s10], [sflag:$0x3] =	stream.indirect.gather [hbm4b:s20+s18], $0x1, s4, s18, $0xb8;
	[tilespmem:$0x10A00] =	vst v63  }
0x1a: {  	s21 =	rddreg [dreg:$0x4]  }
0x1b: {  	[tilespmem:s11], [sflag:$0x3] =	stream.indirect.gather [hbm4b:s21+s18], $0x1, s18, s18, $0xb8;
	[tilespmem:$0x10A00] =	vst v63  }
0x1c: {  	v5 =	vld [tilespmem:s4+$0x0]  }
0x1d: {  	v6 =	vld [tilespmem:s18+$0x0];
	_ =	sdelay $0x3  }
0x1e: {  	v5 =	vshll.u32 v5, $0x4  }
0x1f: {  	v6 =	vshll.u32 v6, $0x4;
	(v2sf) =	vpush v5, $0x0  }
0x20: {  	(v2sf) =	vpush v6, $0x0  }
0x21: {  	(v2sf) =	vpush v5, $0x1;
	_ =	sdelay $0x1  }
0x22: {  	(v2sf) =	vpush v6, $0x1  }
0x23: {  	(v2sf) =	vpush v5, $0x2;
	_ =	sdelay $0x1  }
0x24: {  	(v2sf) =	vpush v6, $0x2;
	_ =	sdelay $0x2  }
0x25: {  	s24 =	simm.s32 $0x2000;
	s23 =	simm.s32 $0x0  }
0x26: {  	s22 =	simm.s32 $0x8800;
	s3 =	simm.s32 $0xA80;
	s1 =	simm.s32 $0xC80;
	(v2sf) =	vpush v5, $0x3  }
0x27: {  	s7 =	simm.s32 $0x800;
	s8 =	simm.s32 $0xA00;
	s13 =	simm.s32 $0x8880  }
0x28: {  	s15 =	simm.s32 $0x900;
	s30 =	simm.s32 $0x10;
	s31 =	simm.s32 $0x210  }
0x29: {  	s29 =	simm.s32 $0x0;
	s0 =	simm.s32 $0x8D00;
	s19 =	simm.s32 $0x8900  }
0x2a: {  	s2 =	simm.s32 $0x8D80;
	s10 =	simm.s32 $0x980;
	s9 =	spop (v2sf);
	(v2sf) =	vpush v6, $0x3  }
0x2b: {  	s11 =	simm.s32 $0x8980;
	s9 =	sand.u32 $0x1FFFFFF0, s9;
	s12 =	spop (v2sf)  }
0x2c: {  	s18 =	simm.s32 $0x8E00;
	(v2sf) =	vpush v5, $0x4;
	s9 =	sadd.s32 s5, s9;
	s26 =	spop (v2sf)  }
0x2d: {  	(v2sf) =	vpush v6, $0x4;
	[tilespmem:s7], [sflag:$0x1] =	stream.linear.gather [hbm4b:s9+s4], $0x80, $0x38;
	[tilespmem:$0x10A00] =	vst v63  }
0x2e: {  	s25 =	sand.u32 $0x1FFFFFF0, s12;
	s9 =	sand.u32 $0x1FFFFFF0, s26;
	s28 =	spop (v2sf)  }
0x2f: {  	s7 =	sadd.s32 s6, s25;
	(v2sf) =	vpush v5, $0x5;
	s9 =	sadd.s32 s5, s9;
	s14 =	spop (v2sf)  }
0x30: {  	(v2sf) =	vpush v6, $0x5;
	[tilespmem:s22], [sflag:$0x1] =	stream.linear.gather [hbm4b:s7+s4], $0x80, $0x38;
	[tilespmem:$0x10A00] =	vst v63  }
0x31: {  	s12 =	sand.u32 $0x1FFFFFF0, s28;
	s7 =	simm.s32 $0x880;
	s16 =	spop (v2sf)  }
0x32: {  	(v2sf) =	vpush v5, $0x6;
	[tilespmem:s7], [sflag:$0x1] =	stream.linear.gather [hbm4b:s9+s4], $0x80, $0x38;
	[tilespmem:$0x10A00] =	vst v63  }
0x33: {  	s22 =	simm.s32 $0x8A00;
	s9 =	sadd.s32 s6, s12;
	s7 =	sand.u32 $0x1FFFFFF0, s14  }
0x34: {  	[tilespmem:s13], [sflag:$0x1] =	stream.linear.gather [hbm4b:s9+s4], $0x80, $0x38;
	[tilespmem:$0x10A00] =	vst v63  }
0x35: {  	s17 =	spop (v2sf);
	(v2sf) =	vpush v6, $0x6;
	s7 =	sadd.s32 s5, s7;
	s9 =	sand.u32 $0x1FFFFFF0, s16  }
0x36: {  	[tilespmem:s15], [sflag:$0x1] =	stream.linear.gather [hbm4b:s7+s4], $0x80, $0x38;
	[tilespmem:$0x10A00] =	vst v63  }
0x37: {  	s21 =	sand.u32 $0x1FFFFFF0, s17;
	s17 =	simm.s32 $0xE80;
	s20 =	sadd.s32 s6, s9  }
0x38: {  	[tilespmem:s19], [sflag:$0x1] =	stream.linear.gather [hbm4b:s20+s4], $0x80, $0x38;
	[tilespmem:$0x10A00] =	vst v63  }
0x39: {  	s12 =	simm.s32 $0x8A80;
	s9 =	sadd.s32 s5, s21;
	s25 =	spop (v2sf)  }
0x3a: {  	[tilespmem:s10], [sflag:$0x1] =	stream.linear.gather [hbm4b:s9+s4], $0x80, $0x38;
	[tilespmem:$0x10A00] =	vst v63  }
0x3b: {  	s13 =	simm.s32 $0xB00;
	(v2sf) =	vpush v5, $0x7;
	s7 =	sand.u32 $0x1FFFFFF0, s25;
	s26 =	spop (v2sf)  }
0x3c: {  	s20 =	simm.s32 $0x8E80;
	s7 =	sadd.s32 s6, s7;
	s28 =	spop (v2sf)  }
0x3d: {  	(v2sf) =	vpush v6, $0x7;
	[tilespmem:s11], [sflag:$0x1] =	stream.linear.gather [hbm4b:s7+s4], $0x80, $0x38;
	[tilespmem:$0x10A00] =	vst v63  }
0x3e: {  	s9 =	sand.u32 $0x1FFFFFF0, s26;
	(v2sf) =	vpush v5, $0x8;
	s10 =	sand.u32 $0x1FFFFFF0, s28;
	s14 =	spop (v2sf)  }
0x3f: {  	s9 =	sadd.s32 s5, s9;
	s10 =	sadd.s32 s6, s10;
	s15 =	spop (v2sf)  }
0x40: {  	(v2sf) =	vpush v6, $0x8;
	[tilespmem:s8], [sflag:$0x1] =	stream.linear.gather [hbm4b:s9+s4], $0x80, $0x38;
	[tilespmem:$0x10A00] =	vst v63  }
0x41: {  	s9 =	sand.u32 $0x1FFFFFF0, s14;
	s16 =	spop (v2sf);
	s8 =	simm.s32 $0x8C80  }
0x42: {  	(v2sf) =	vpush v5, $0x9;
	s14 =	simm.s32 $0xC00;
	s9 =	sadd.s32 s5, s9;
	s21 =	sand.u32 $0x1FFFFFF0, s16  }
0x43: {  	[tilespmem:s22], [sflag:$0x1] =	stream.linear.gather [hbm4b:s10+s4], $0x80, $0x38;
	[tilespmem:$0x10A00] =	vst v63  }
0x44: {  	(v2sf) =	vpush v6, $0x9;
	s25 =	spop (v2sf);
	s10 =	sand.u32 $0x1FFFFFF0, s15;
	s22 =	simm.s32 $0x8B00  }
0x45: {  	[tilespmem:s3], [sflag:$0x1] =	stream.linear.gather [hbm4b:s9+s4], $0x80, $0x38;
	[tilespmem:$0x10A00] =	vst v63  }
0x46: {  	(v2sf) =	vpush v5, $0xA;
	s7 =	sand.u32 $0x1FFFFFF0, s25;
	s25 =	simm.s32 $0xD00;
	s19 =	sadd.s32 s6, s10  }
0x47: {  	[tilespmem:s12], [sflag:$0x1] =	stream.linear.gather [hbm4b:s19+s4], $0x80, $0x38;
	[tilespmem:$0x10A00] =	vst v63  }
0x48: {  	(v2sf) =	vpush v6, $0xA;
	s7 =	sadd.s32 s6, s7;
	s9 =	sadd.s32 s5, s21;
	s3 =	simm.s32 $0xE00  }
0x49: {  	[tilespmem:s13], [sflag:$0x1] =	stream.linear.gather [hbm4b:s9+s4], $0x80, $0x38;
	[tilespmem:$0x10A00] =	vst v63  }
0x4a: {  	s12 =	simm.s32 $0x8B80;
	s19 =	simm.s32 $0x8C00;
	s26 =	spop (v2sf);
	(v2sf) =	vpush v5, $0xB  }
0x4b: {  	[tilespmem:s22], [sflag:$0x1] =	stream.linear.gather [hbm4b:s7+s4], $0x80, $0x38;
	[tilespmem:$0x10A00] =	vst v63  }
0x4c: {  	s7 =	simm.s32 $0xB80;
	s9 =	sand.u32 $0x1FFFFFF0, s26;
	s28 =	spop (v2sf);
	(v2sf) =	vpush v6, $0xB  }
0x4d: {  	s9 =	sadd.s32 s5, s9;
	s11 =	sand.u32 $0x1FFFFFF0, s28;
	s13 =	spop (v2sf)  }
0x4e: {  	[tilespmem:s7], [sflag:$0x1] =	stream.linear.gather [hbm4b:s9+s4], $0x80, $0x38;
	[tilespmem:$0x10A00] =	vst v63  }
0x4f: {  	s9 =	sadd.s32 s6, s11;
	s7 =	sand.u32 $0x1FFFFFF0, s13;
	s15 =	spop (v2sf)  }
0x50: {  	(v2sf) =	vpush v5, $0xC;
	[tilespmem:s12], [sflag:$0x1] =	stream.linear.gather [hbm4b:s9+s4], $0x80, $0x38;
	[tilespmem:$0x10A00] =	vst v63  }
0x51: {  	s7 =	sadd.s32 s5, s7;
	s16 =	spop (v2sf);
	s9 =	sand.u32 $0x1FFFFFF0, s15  }
0x52: {  	(v2sf) =	vpush v6, $0xC;
	[tilespmem:s14], [sflag:$0x1] =	stream.linear.gather [hbm4b:s7+s4], $0x80, $0x38;
	[tilespmem:$0x10A00] =	vst v63  }
0x53: {  	s22 =	sand.u32 $0x1FFFFFF0, s16;
	s26 =	spop (v2sf);
	s21 =	sadd.s32 s6, s9  }
0x54: {  	[tilespmem:s19], [sflag:$0x1] =	stream.linear.gather [hbm4b:s21+s4], $0x80, $0x38;
	[tilespmem:$0x10A00] =	vst v63  }
0x55: {  	s28 =	sadd.s32 s5, s22;
	s9 =	sand.u32 $0x1FFFFFF0, s26;
	s10 =	spop (v2sf)  }
0x56: {  	[tilespmem:s1], [sflag:$0x1] =	stream.linear.gather [hbm4b:s28+s4], $0x80, $0x38;
	[tilespmem:$0x10A00] =	vst v63  }
0x57: {  	s11 =	spop (v2sf);
	s1 =	sadd.s32 s6, s9;
	s9 =	sand.u32 $0x1FFFFFF0, s10  }
0x58: {  	[tilespmem:s8], [sflag:$0x1] =	stream.linear.gather [hbm4b:s1+s4], $0x80, $0x38;
	[tilespmem:$0x10A00] =	vst v63  }
0x59: {  	s13 =	sand.u32 $0x1FFFFFF0, s11;
	s12 =	sadd.s32 s5, s9;
	s14 =	spop (v2sf)  }
0x5a: {  	[tilespmem:s25], [sflag:$0x1] =	stream.linear.gather [hbm4b:s12+s4], $0x80, $0x38;
	[tilespmem:$0x10A00] =	vst v63  }
0x5b: {  	s15 =	sadd.s32 s6, s13;
	s16 =	sand.u32 $0x1FFFFFF0, s14;
	s19 =	spop (v2sf)  }
0x5c: {  	(v2sf) =	vpush v5, $0xD;
	[tilespmem:s0], [sflag:$0x1] =	stream.linear.gather [hbm4b:s15+s4], $0x80, $0x38;
	[tilespmem:$0x10A00] =	vst v63  }
0x5d: {  	s21 =	simm.s32 $0xD80;
	(v2sf) =	vpush v6, $0xD;
	s22 =	sadd.s32 s5, s16;
	s25 =	sand.u32 $0x1FFFFFF0, s19  }
0x5e: {  	(v2sf) =	vpush v5, $0xE;
	[tilespmem:s21], [sflag:$0x1] =	stream.linear.gather [hbm4b:s22+s4], $0x80, $0x38;
	[tilespmem:$0x10A00] =	vst v63  }
0x5f: {  	s1 =	simm.s32 $0xF00;
	s26 =	sadd.s32 s6, s25;
	(v2sf) =	vpush v6, $0xE;
	s28 =	spop (v2sf)  }
0x60: {  	(v2sf) =	vpush v5, $0xF;
	[tilespmem:s2], [sflag:$0x1] =	stream.linear.gather [hbm4b:s26+s4], $0x80, $0x38;
	[tilespmem:$0x10A00] =	vst v63  }
0x61: {  	s0 =	simm.s32 $0x8F00;
	s7 =	spop (v2sf);
	(v2sf) =	vpush v6, $0xF;
	s2 =	sand.u32 $0x1FFFFFF0, s28  }
.LBB2_2:
0x62: {  	_ =	sdelay $0x4  }
0x63: {  	s2 =	sadd.s32 s5, s2;
	s7 =	sand.u32 $0x1FFFFFF0, s7  }
0x64: {  	[tilespmem:s3], [sflag:$0x1] =	stream.linear.gather [hbm4b:s2+s29], $0x80, $0x38;
	[tilespmem:$0x10A00] =	vst v63  }
0x65: {  	s12 =	sadd.s32 s6, s7  }
0x66: {  	[tilespmem:s18], [sflag:$0x1] =	stream.linear.gather [hbm4b:s12+s29], $0x80, $0x38;
	[tilespmem:$0x10A00] =	vst v63  }
0x67: {  	s8 =	spop (v2sf)  }
0x68: {  	s13 =	sand.u32 $0x1FFFFFF0, s8;
	s14 =	spop (v2sf)  }
0x69: {  	s15 =	sadd.s32 s5, s13;
	s16 =	sand.u32 $0x1FFFFFF0, s14;
	s18 =	spop (v2sf)  }
0x6a: {  	[tilespmem:s17], [sflag:$0x1] =	stream.linear.gather [hbm4b:s15+s29], $0x80, $0x38;
	[tilespmem:$0x10A00] =	vst v63  }
0x6b: {  	s19 =	sadd.s32 s6, s16;
	s21 =	sand.u32 $0x1FFFFFF0, s18;
	s22 =	spop (v2sf)  }
0x6c: {  	[tilespmem:s20], [sflag:$0x1] =	stream.linear.gather [hbm4b:s19+s29], $0x80, $0x38;
	[tilespmem:$0x10A00] =	vst v63  }
0x6d: {  	s25 =	sadd.s32 s5, s21;
	s26 =	sand.u32 $0x1FFFFFF0, s22;
	s28 =	spop (v2sf)  }
0x6e: {  	[tilespmem:s1], [sflag:$0x1] =	stream.linear.gather [hbm4b:s25+s29], $0x80, $0x38;
	[tilespmem:$0x10A00] =	vst v63  }
0x6f: {  	s2 =	sadd.s32 s6, s26;
	s3 =	sand.u32 $0x1FFFFFF0, s28;
	s7 =	spop (v2sf)  }
0x70: {  	[tilespmem:s0], [sflag:$0x1] =	stream.linear.gather [hbm4b:s2+s29], $0x80, $0x38;
	[tilespmem:$0x10A00] =	vst v63  }
0x71: {  	s8 =	sadd.s32 $0xF80, s23;
	s9 =	sadd.s32 s5, s3;
	s10 =	sand.u32 $0x1FFFFFF0, s7  }
0x72: {  	[tilespmem:s8], [sflag:$0x1] =	stream.linear.gather [hbm4b:s9+s29], $0x80, $0x38;
	[tilespmem:$0x10A00] =	vst v63  }
0x73: {  	s11 =	sadd.s32 $0x8F80, s23;
	s12 =	sadd.s32 s6, s10  }
0x74: {  	[tilespmem:s11], [sflag:$0x1] =	stream.linear.gather [hbm4b:s12+s29], $0x80, $0x38;
	[tilespmem:$0x10A00] =	vst v63  }
0x75: {  	v5 =	vld [tilespmem:s30+$0x0]  }
0x76: {  	v7 =	vld [tilespmem:s31+$0x0];
	_ =	sdelay $0x3  }
0x77: {  	v6 =	vshll.u32 v5, $0x4  }
0x78: {  	s13 =	smov.u32 s24;
	v5 =	vshll.u32 v7, $0x4;
	(v2sf) =	vpush v6, $0x0  }
0x79: {  	p0 =	sne.s32 s24, $0xE000;
	s24 =	sadd.s32 $0x2000, s24;
	s23 =	sshra.s32 s13, $0x2;
	(v2sf) =	vpush v5, $0x0  }
0x7a: {  	s15 =	sadd.s32 $0x8800, s23;
	s14 =	sadd.s32 $0xC80, s23;
	s21 =	sadd.s32 $0x8D00, s23;
	(v2sf) =	vpush v6, $0x1  }
0x7b: {  	s18 =	sadd.s32 $0x8E00, s23;
	s17 =	sadd.s32 $0xE80, s23;
	s13 =	sadd.s32 $0xB00, s23  }
0x7c: {  	s16 =	sadd.s32 $0x8D80, s23;
	s22 =	sadd.s32 $0xD00, s23;
	[dreg:$0xe] =	wrdreg s14;
	(v2sf) =	vpush v5, $0x1  }
0x7d: {  	s26 =	sadd.s32 $0x980, s23;
	s28 =	sadd.s32 $0x8880, s23;
	[dreg:$0xa] =	wrdreg s16  }
0x7e: {  	s20 =	sadd.s32 $0x8E80, s23;
	s19 =	sadd.s32 $0x8C80, s23;
	[dreg:$0x12] =	wrdreg s22;
	(v2sf) =	vpush v6, $0x2  }
0x7f: {  	s16 =	sadd.s32 $0x880, s23;
	s14 =	sadd.s32 $0x8B80, s23;
	[dreg:$0x16] =	wrdreg s19  }
0x80: {  	s7 =	sadd.s32 $0x8A00, s23;
	s3 =	sadd.s32 $0x8C00, s23;
	[smem:$0x7F7] =	sst s14;
	(v2sf) =	vpush v5, $0x2  }
0x81: {  	s19 =	sadd.s32 $0xC00, s23;
	s25 =	sadd.s32 $0xA00, s23;
	[dreg:$0x1e] =	wrdreg s3  }
0x82: {  	s10 =	sadd.s32 $0x900, s23;
	s1 =	sadd.s32 $0xB80, s23;
	[smem:$0x7F8] =	sst s19;
	(v2sf) =	vpush v6, $0x3  }
0x83: {  	s3 =	sadd.s32 $0xE00, s23;
	s19 =	sadd.s32 $0xD80, s23;
	[smem:$0x7F6] =	sst s1  }
0x84: {  	s1 =	sadd.s32 $0xF00, s23;
	[dreg:$0x1a] =	wrdreg s19;
	s0 =	sadd.s32 $0xA80, s23;
	(v2sf) =	vpush v5, $0x3  }
0x85: {  	s2 =	sadd.s32 $0x8A80, s23;
	[smem:$0x7F5] =	sst s0;
	s0 =	sadd.s32 $0x8F00, s23  }
0x86: {  	s8 =	sadd.s32 $0x8980, s23;
	s9 =	sadd.s32 $0x8900, s23;
	s29 =	simm.s32 $0x0;
	(v2sf) =	vpush v6, $0x4  }
0x87: {  	s11 =	sadd.s32 $0x800, s23;
	s12 =	sadd.s32 $0x8B00, s23;
	s14 =	spop (v2sf)  }
0x88: {  	s30 =	sadd.s32 $0x10, s30;
	s14 =	sand.u32 $0x1FFFFFF0, s14;
	s22 =	spop (v2sf);
	(v2sf) =	vpush v5, $0x4  }
0x89: {  	s14 =	sadd.s32 s5, s14;
	s19 =	sand.u32 $0x1FFFFFF0, s22;
	s22 =	spop (v2sf)  }
0x8a: {  	(v2sf) =	vpush v6, $0x5;
	[tilespmem:s11], [sflag:$0x1] =	stream.linear.gather [hbm4b:s14+s29], $0x80, $0x38;
	[tilespmem:$0x10A00] =	vst v63  }
0x8b: {  	s14 =	sadd.s32 s6, s19;
	s19 =	sand.u32 $0x1FFFFFF0, s22;
	s22 =	spop (v2sf);
	(v2sf) =	vpush v5, $0x5  }
0x8c: {  	[tilespmem:s15], [sflag:$0x1] =	stream.linear.gather [hbm4b:s14+s29], $0x80, $0x38;
	[tilespmem:$0x10A00] =	vst v63  }
0x8d: {  	s15 =	sadd.s32 s5, s19;
	s19 =	sand.u32 $0x1FFFFFF0, s22;
	s22 =	spop (v2sf);
	(v2sf) =	vpush v6, $0x6  }
0x8e: {  	[tilespmem:s16], [sflag:$0x1] =	stream.linear.gather [hbm4b:s15+s29], $0x80, $0x38;
	[tilespmem:$0x10A00] =	vst v63  }
0x8f: {  	s14 =	sadd.s32 s6, s19;
	s15 =	sand.u32 $0x1FFFFFF0, s22;
	s16 =	spop (v2sf)  }
0x90: {  	[tilespmem:s28], [sflag:$0x1] =	stream.linear.gather [hbm4b:s14+s29], $0x80, $0x38;
	[tilespmem:$0x10A00] =	vst v63  }
0x91: {  	(v2sf) =	vpush v5, $0x6;
	s19 =	sadd.s32 s5, s15;
	s22 =	sand.u32 $0x1FFFFFF0, s16;
	s28 =	spop (v2sf)  }
0x92: {  	[tilespmem:s10], [sflag:$0x1] =	stream.linear.gather [hbm4b:s19+s29], $0x80, $0x38;
	[tilespmem:$0x10A00] =	vst v63  }
0x93: {  	(v2sf) =	vpush v6, $0x7;
	s14 =	sadd.s32 s6, s22;
	s15 =	sand.u32 $0x1FFFFFF0, s28;
	s16 =	spop (v2sf)  }
0x94: {  	[tilespmem:s9], [sflag:$0x1] =	stream.linear.gather [hbm4b:s14+s29], $0x80, $0x38;
	[tilespmem:$0x10A00] =	vst v63  }
0x95: {  	(v2sf) =	vpush v5, $0x7;
	s19 =	sadd.s32 s5, s15;
	s22 =	sand.u32 $0x1FFFFFF0, s16;
	s28 =	spop (v2sf)  }
0x96: {  	[tilespmem:s26], [sflag:$0x1] =	stream.linear.gather [hbm4b:s19+s29], $0x80, $0x38;
	[tilespmem:$0x10A00] =	vst v63  }
0x97: {  	(v2sf) =	vpush v6, $0x8;
	s10 =	sadd.s32 s6, s22;
	s14 =	sand.u32 $0x1FFFFFF0, s28;
	s15 =	spop (v2sf)  }
0x98: {  	[tilespmem:s8], [sflag:$0x1] =	stream.linear.gather [hbm4b:s10+s29], $0x80, $0x38;
	[tilespmem:$0x10A00] =	vst v63  }
0x99: {  	s31 =	sadd.s32 $0x10, s31;
	s16 =	sadd.s32 s5, s14;
	s22 =	spop (v2sf)  }
0x9a: {  	(v2sf) =	vpush v5, $0x8;
	s19 =	sand.u32 $0x1FFFFFF0, s15;
	s15 =	sld [smem:$0x7F5];
	s28 =	spop (v2sf)  }
0x9b: {  	(v2sf) =	vpush v6, $0x9;
	[tilespmem:s25], [sflag:$0x1] =	stream.linear.gather [hbm4b:s16+s29], $0x80, $0x38;
	[tilespmem:$0x10A00] =	vst v63  }
0x9c: {  	s26 =	sand.u32 $0x1FFFFFF0, s22;
	s25 =	sadd.s32 s6, s19;
	s14 =	spop (v2sf)  }
0x9d: {  	(v2sf) =	vpush v5, $0x9;
	[tilespmem:s7], [sflag:$0x1] =	stream.linear.gather [hbm4b:s25+s29], $0x80, $0x38;
	[tilespmem:$0x10A00] =	vst v63  }
0x9e: {  	s9 =	sadd.s32 s5, s26;
	s11 =	sand.u32 $0x1FFFFFF0, s28;
	s19 =	sand.u32 $0x1FFFFFF0, s14  }
0x9f: {  	(v2sf) =	vpush v6, $0xA;
	[tilespmem:s15], [sflag:$0x1] =	stream.linear.gather [hbm4b:s9+s29], $0x80, $0x38;
	[tilespmem:$0x10A00] =	vst v63  }
0xa0: {  	s16 =	sadd.s32 s6, s11;
	s22 =	spop (v2sf);
	s25 =	sadd.s32 s5, s19  }
0xa1: {  	[tilespmem:s2], [sflag:$0x1] =	stream.linear.gather [hbm4b:s16+s29], $0x80, $0x38;
	[tilespmem:$0x10A00] =	vst v63  }
0xa2: {  	s19 =	sld [smem:$0x7F7];
	s26 =	sand.u32 $0x1FFFFFF0, s22;
	s28 =	spop (v2sf)  }
0xa3: {  	(v2sf) =	vpush v5, $0xA;
	[tilespmem:s13], [sflag:$0x1] =	stream.linear.gather [hbm4b:s25+s29], $0x80, $0x38;
	[tilespmem:$0x10A00] =	vst v63  }
0xa4: {  	s7 =	sadd.s32 s6, s26;
	s9 =	spop (v2sf);
	s13 =	sld [smem:$0x7F6]  }
0xa5: {  	(v2sf) =	vpush v6, $0xB;
	[tilespmem:s12], [sflag:$0x1] =	stream.linear.gather [hbm4b:s7+s29], $0x80, $0x38;
	[tilespmem:$0x10A00] =	vst v63  }
0xa6: {  	s8 =	sand.u32 $0x1FFFFFF0, s28;
	s28 =	sld [smem:$0x7F8];
	s12 =	spop (v2sf)  }
0xa7: {  	s10 =	sadd.s32 s5, s8;
	s11 =	sand.u32 $0x1FFFFFF0, s9;
	s15 =	sand.u32 $0x1FFFFFF0, s12  }
0xa8: {  	[tilespmem:s13], [sflag:$0x1] =	stream.linear.gather [hbm4b:s10+s29], $0x80, $0x38;
	[tilespmem:$0x10A00] =	vst v63  }
0xa9: {  	(v2sf) =	vpush v5, $0xB;
	s14 =	sadd.s32 s6, s11;
	s16 =	spop (v2sf);
	s22 =	sadd.s32 s5, s15  }
0xaa: {  	(v2sf) =	vpush v6, $0xC;
	s13 =	rddreg [dreg:$0x1e];
	s25 =	sand.u32 $0x1FFFFFF0, s16;
	s26 =	spop (v2sf)  }
0xab: {  	[tilespmem:s19], [sflag:$0x1] =	stream.linear.gather [hbm4b:s14+s29], $0x80, $0x38;
	[tilespmem:$0x10A00] =	vst v63  }
0xac: {  	(v2sf) =	vpush v5, $0xC;
	s10 =	sadd.s32 s6, s25;
	s11 =	sand.u32 $0x1FFFFFF0, s26;
	s12 =	spop (v2sf)  }
0xad: {  	[tilespmem:s28], [sflag:$0x1] =	stream.linear.gather [hbm4b:s22+s29], $0x80, $0x38;
	[tilespmem:$0x10A00] =	vst v63  }
0xae: {  	s19 =	rddreg [dreg:$0xe];
	s15 =	sand.u32 $0x1FFFFFF0, s12;
	s16 =	spop (v2sf)  }
0xaf: {  	[tilespmem:s13], [sflag:$0x1] =	stream.linear.gather [hbm4b:s10+s29], $0x80, $0x38;
	[tilespmem:$0x10A00] =	vst v63  }
0xb0: {  	s14 =	sadd.s32 s5, s11;
	s22 =	sadd.s32 s6, s15;
	s25 =	sand.u32 $0x1FFFFFF0, s16  }
0xb1: {  	[tilespmem:s19], [sflag:$0x1] =	stream.linear.gather [hbm4b:s14+s29], $0x80, $0x38;
	[tilespmem:$0x10A00] =	vst v63  }
0xb2: {  	s28 =	rddreg [dreg:$0x16];
	s26 =	spop (v2sf);
	s10 =	sadd.s32 s5, s25  }
0xb3: {  	[tilespmem:s28], [sflag:$0x1] =	stream.linear.gather [hbm4b:s22+s29], $0x80, $0x38;
	[tilespmem:$0x10A00] =	vst v63  }
0xb4: {  	s13 =	rddreg [dreg:$0x12];
	s11 =	sand.u32 $0x1FFFFFF0, s26;
	s12 =	spop (v2sf)  }
0xb5: {  	[tilespmem:s13], [sflag:$0x1] =	stream.linear.gather [hbm4b:s10+s29], $0x80, $0x38;
	[tilespmem:$0x10A00] =	vst v63  }
0xb6: {  	s25 =	rddreg [dreg:$0x1a];
	s14 =	sadd.s32 s6, s11;
	s15 =	sand.u32 $0x1FFFFFF0, s12  }
0xb7: {  	(v2sf) =	vpush v6, $0xD;
	[tilespmem:s21], [sflag:$0x1] =	stream.linear.gather [hbm4b:s14+s29], $0x80, $0x38;
	[tilespmem:$0x10A00] =	vst v63  }
.Ltmp0:
0xb8: {  	(v2sf) =	vpush v5, $0xD;
	s16 =	spop (v2sf);
	s19 =	sadd.s32 s5, s15;
	(pc) =	sbr.rel @p0 .LBB2_2-.Ltmp0, $4  }
0xb9: {  	(v2sf) =	vpush v6, $0xE;
	s28 =	rddreg [dreg:$0xa];
	s22 =	spop (v2sf);
	s21 =	sand.u32 $0x1FFFFFF0, s16  }
0xba: {  	(v2sf) =	vpush v5, $0xE;
	[tilespmem:s25], [sflag:$0x1] =	stream.linear.gather [hbm4b:s19+s29], $0x80, $0x38;
	[tilespmem:$0x10A00] =	vst v63  }
0xbb: {  	(v2sf) =	vpush v6, $0xF;
	s2 =	sand.u32 $0x1FFFFFF0, s22;
	s26 =	sadd.s32 s6, s21;
	s7 =	spop (v2sf)  }
0xbc: {  	(v2sf) =	vpush v5, $0xF;
	[tilespmem:s28], [sflag:$0x1] =	stream.linear.gather [hbm4b:s26+s29], $0x80, $0x38;
	[tilespmem:$0x10A00] =	vst v63  }
0xbd: {  	_ =	sdelay $0x4  }
0xbe: {  	s2 =	sadd.s32 s5, s2;
	s7 =	sand.u32 $0x1FFFFFF0, s7  }
0xbf: {  	[tilespmem:s3], [sflag:$0x1] =	stream.linear.gather [hbm4b:s2+s29], $0x80, $0x38;
	[tilespmem:$0x10A00] =	vst v63  }
0xc0: {  	s26 =	sadd.s32 s6, s7  }
0xc1: {  	[tilespmem:s18], [sflag:$0x1] =	stream.linear.gather [hbm4b:s26+s29], $0x80, $0x38;
	[tilespmem:$0x10A00] =	vst v63  }
0xc2: {  	s8 =	spop (v2sf)  }
0xc3: {  	s28 =	sand.u32 $0x1FFFFFF0, s8;
	s31 =	spop (v2sf)  }
0xc4: {  	s8 =	sadd.s32 s5, s28;
	s9 =	sand.u32 $0x1FFFFFF0, s31;
	s10 =	spop (v2sf)  }
0xc5: {  	[tilespmem:s17], [sflag:$0x1] =	stream.linear.gather [hbm4b:s8+s29], $0x80, $0x38;
	[tilespmem:$0x10A00] =	vst v63  }
0xc6: {  	s11 =	sadd.s32 s6, s9;
	s12 =	sand.u32 $0x1FFFFFF0, s10;
	s13 =	spop (v2sf)  }
0xc7: {  	[tilespmem:s20], [sflag:$0x1] =	stream.linear.gather [hbm4b:s11+s29], $0x80, $0x38;
	[tilespmem:$0x10A00] =	vst v63  }
0xc8: {  	s14 =	sadd.s32 s5, s12;
	s15 =	sand.u32 $0x1FFFFFF0, s13;
	s16 =	spop (v2sf)  }
0xc9: {  	[tilespmem:s1], [sflag:$0x1] =	stream.linear.gather [hbm4b:s14+s29], $0x80, $0x38;
	[tilespmem:$0x10A00] =	vst v63  }
0xca: {  	s17 =	sadd.s32 s6, s15;
	s18 =	sand.u32 $0x1FFFFFF0, s16;
	s19 =	spop (v2sf)  }
0xcb: {  	[tilespmem:s0], [sflag:$0x1] =	stream.linear.gather [hbm4b:s17+s29], $0x80, $0x38;
	[tilespmem:$0x10A00] =	vst v63  }
0xcc: {  	s20 =	sadd.s32 $0xF80, s23;
	s21 =	sadd.s32 s5, s18;
	s22 =	sand.u32 $0x1FFFFFF0, s19  }
0xcd: {  	[tilespmem:s20], [sflag:$0x1] =	stream.linear.gather [hbm4b:s21+s29], $0x80, $0x38;
	[tilespmem:$0x10A00] =	vst v63  }
0xce: {  	s25 =	simm.s32 $0x80;
	s23 =	sadd.s32 $0x8F80, s23;
	s24 =	sadd.s32 s6, s22  }
0xcf: {  	[tilespmem:s23], [sflag:$0x1] =	stream.linear.gather [hbm4b:s24+s29], $0x80, $0x38;
	[tilespmem:$0x10A00] =	vst v63  }
0xd0: {  	s26 =	simm.s32 $0x280;
	v5 =	vld [tilespmem:s25+$0x0]  }
0xd1: {  	v7 =	vld [tilespmem:s26+$0x0];
	_ =	sdelay $0x3  }
0xd2: {  	v6 =	vshll.u32 v5, $0x4  }
0xd3: {  	v5 =	vshll.u32 v7, $0x4;
	(v2sf) =	vpush v6, $0x0  }
0xd4: {  	(v2sf) =	vpush v5, $0x0  }
0xd5: {  	(v2sf) =	vpush v6, $0x1;
	_ =	sdelay $0x1  }
0xd6: {  	(v2sf) =	vpush v5, $0x1;
	_ =	sdelay $0x1  }
0xd7: {  	(v2sf) =	vpush v6, $0x2;
	_ =	sdelay $0x1  }
0xd8: {  	(v2sf) =	vpush v5, $0x2;
	_ =	sdelay $0x1  }
0xd9: {  	s30 =	simm.s32 $0x90;
	(v2sf) =	vpush v6, $0x3  }
0xda: {  	s2 =	simm.s32 $0x4A80;
	s7 =	simm.s32 $0xC980;
	s28 =	simm.s32 $0xC800  }
0xdb: {  	s31 =	simm.s32 $0x4800;
	s9 =	simm.s32 $0x4A00;
	s13 =	simm.s32 $0x4880;
	(v2sf) =	vpush v5, $0x3  }
0xdc: {  	s16 =	simm.s32 $0xC880;
	s18 =	simm.s32 $0x4900;
	s1 =	simm.s32 $0x4C80  }
0xdd: {  	s0 =	simm.s32 $0xCD00;
	s21 =	simm.s32 $0xC900;
	s24 =	simm.s32 $0x2000  }
0xde: {  	s23 =	simm.s32 $0x0;
	s29 =	simm.s32 $0x290;
	s10 =	spop (v2sf)  }
0xdf: {  	(v2sf) =	vpush v6, $0x4;
	s8 =	sand.u32 $0x1FFFFFF0, s10;
	s10 =	simm.s32 $0x4980;
	s11 =	spop (v2sf)  }
0xe0: {  	s8 =	sadd.s32 s5, s8;
	s11 =	sand.u32 $0x1FFFFFF0, s11;
	s12 =	spop (v2sf)  }
0xe1: {  	[tilespmem:s31], [sflag:$0x2] =	stream.linear.gather [hbm4b:s8+s4], $0x80, $0x38;
	[tilespmem:$0x10A00] =	vst v63  }
0xe2: {  	(v2sf) =	vpush v5, $0x4;
	s8 =	sadd.s32 s6, s11;
	s11 =	sand.u32 $0x1FFFFFF0, s12;
	s12 =	spop (v2sf)  }
0xe3: {  	(v2sf) =	vpush v6, $0x5;
	[tilespmem:s28], [sflag:$0x2] =	stream.linear.gather [hbm4b:s8+s4], $0x80, $0x38;
	[tilespmem:$0x10A00] =	vst v63  }
0xe4: {  	s14 =	sadd.s32 s5, s11;
	s15 =	sand.u32 $0x1FFFFFF0, s12;
	s17 =	spop (v2sf)  }
0xe5: {  	(v2sf) =	vpush v5, $0x5;
	[tilespmem:s13], [sflag:$0x2] =	stream.linear.gather [hbm4b:s14+s4], $0x80, $0x38;
	[tilespmem:$0x10A00] =	vst v63  }
0xe6: {  	s11 =	sadd.s32 s6, s15;
	(v2sf) =	vpush v6, $0x6;
	s8 =	sand.u32 $0x1FFFFFF0, s17;
	s19 =	spop (v2sf)  }
0xe7: {  	[tilespmem:s16], [sflag:$0x2] =	stream.linear.gather [hbm4b:s11+s4], $0x80, $0x38;
	[tilespmem:$0x10A00] =	vst v63  }
0xe8: {  	s8 =	sadd.s32 s5, s8;
	s20 =	spop (v2sf);
	s11 =	sand.u32 $0x1FFFFFF0, s19  }
0xe9: {  	(v2sf) =	vpush v5, $0x6;
	[tilespmem:s18], [sflag:$0x2] =	stream.linear.gather [hbm4b:s8+s4], $0x80, $0x38;
	[tilespmem:$0x10A00] =	vst v63  }
0xea: {  	s25 =	sand.u32 $0x1FFFFFF0, s20;
	s26 =	spop (v2sf);
	s22 =	sadd.s32 s6, s11  }
0xeb: {  	(v2sf) =	vpush v6, $0x7;
	[tilespmem:s21], [sflag:$0x2] =	stream.linear.gather [hbm4b:s22+s4], $0x80, $0x38;
	[tilespmem:$0x10A00] =	vst v63  }
0xec: {  	s31 =	simm.s32 $0xCA00;
	s17 =	simm.s32 $0xCE00;
	s28 =	sadd.s32 s5, s25;
	(v2sf) =	vpush v5, $0x7  }
0xed: {  	[tilespmem:s10], [sflag:$0x2] =	stream.linear.gather [hbm4b:s28+s4], $0x80, $0x38;
	[tilespmem:$0x10A00] =	vst v63  }
0xee: {  	s20 =	simm.s32 $0x4E80;
	s3 =	sand.u32 $0x1FFFFFF0, s26;
	s12 =	spop (v2sf)  }
0xef: {  	s3 =	sadd.s32 s6, s3;
	s16 =	simm.s32 $0xCA80;
	s10 =	sand.u32 $0x1FFFFFF0, s12  }
0xf0: {  	[tilespmem:s7], [sflag:$0x2] =	stream.linear.gather [hbm4b:s3+s4], $0x80, $0x38;
	[tilespmem:$0x10A00] =	vst v63  }
0xf1: {  	s19 =	simm.s32 $0x4B00;
	s13 =	spop (v2sf);
	s14 =	sadd.s32 s5, s10  }
0xf2: {  	(v2sf) =	vpush v6, $0x8;
	s15 =	sand.u32 $0x1FFFFFF0, s13;
	s10 =	simm.s32 $0xCB00;
	s18 =	spop (v2sf)  }
0xf3: {  	[tilespmem:s9], [sflag:$0x2] =	stream.linear.gather [hbm4b:s14+s4], $0x80, $0x38;
	[tilespmem:$0x10A00] =	vst v63  }
0xf4: {  	(v2sf) =	vpush v5, $0x8;
	s13 =	simm.s32 $0x4B80;
	s21 =	sand.u32 $0x1FFFFFF0, s18;
	s22 =	spop (v2sf)  }
0xf5: {  	s7 =	sadd.s32 s6, s15;
	s8 =	sadd.s32 s5, s21;
	s25 =	spop (v2sf)  }
0xf6: {  	(v2sf) =	vpush v6, $0x9;
	[tilespmem:s31], [sflag:$0x2] =	stream.linear.gather [hbm4b:s7+s4], $0x80, $0x38;
	[tilespmem:$0x10A00] =	vst v63  }
0xf7: {  	s9 =	sand.u32 $0x1FFFFFF0, s22;
	s21 =	simm.s32 $0xCE80;
	s28 =	sand.u32 $0x1FFFFFF0, s25  }
0xf8: {  	(v2sf) =	vpush v5, $0x9;
	s26 =	sadd.s32 s6, s9;
	s31 =	spop (v2sf);
	s9 =	sadd.s32 s5, s28  }
0xf9: {  	[tilespmem:s2], [sflag:$0x2] =	stream.linear.gather [hbm4b:s8+s4], $0x80, $0x38;
	[tilespmem:$0x10A00] =	vst v63  }
0xfa: {  	(v2sf) =	vpush v6, $0xA;
	s3 =	sand.u32 $0x1FFFFFF0, s31;
	s11 =	spop (v2sf);
	s2 =	simm.s32 $0xCD80  }
0xfb: {  	s3 =	sadd.s32 s6, s3;
	s8 =	sand.u32 $0x1FFFFFF0, s11;
	s12 =	spop (v2sf)  }
0xfc: {  	(v2sf) =	vpush v5, $0xA;
	[tilespmem:s16], [sflag:$0x2] =	stream.linear.gather [hbm4b:s26+s4], $0x80, $0x38;
	[tilespmem:$0x10A00] =	vst v63  }
0xfd: {  	s11 =	simm.s32 $0x4D00;
	s14 =	sadd.s32 s5, s8;
	s15 =	sand.u32 $0x1FFFFFF0, s12  }
0xfe: {  	(v2sf) =	vpush v6, $0xB;
	[tilespmem:s19], [sflag:$0x2] =	stream.linear.gather [hbm4b:s9+s4], $0x80, $0x38;
	[tilespmem:$0x10A00] =	vst v63  }
0xff: {  	s16 =	simm.s32 $0xCB80;
	s8 =	sadd.s32 s6, s15;
	s26 =	simm.s32 $0xCC00  }
0x100: {  	(v2sf) =	vpush v5, $0xB;
	[tilespmem:s10], [sflag:$0x2] =	stream.linear.gather [hbm4b:s3+s4], $0x80, $0x38;
	[tilespmem:$0x10A00] =	vst v63  }
0x101: {  	s19 =	simm.s32 $0x4C00;
	s9 =	simm.s32 $0xCC80;
	s18 =	spop (v2sf)  }
0x102: {  	[tilespmem:s13], [sflag:$0x2] =	stream.linear.gather [hbm4b:s14+s4], $0x80, $0x38;
	[tilespmem:$0x10A00] =	vst v63  }
0x103: {  	s3 =	simm.s32 $0x4E00;
	s7 =	sand.u32 $0x1FFFFFF0, s18;
	s22 =	spop (v2sf)  }
0x104: {  	(v2sf) =	vpush v6, $0xC;
	[tilespmem:s16], [sflag:$0x2] =	stream.linear.gather [hbm4b:s8+s4], $0x80, $0x38;
	[tilespmem:$0x10A00] =	vst v63  }
0x105: {  	s7 =	sadd.s32 s5, s7;
	s8 =	sand.u32 $0x1FFFFFF0, s22;
	s25 =	spop (v2sf)  }
0x106: {  	(v2sf) =	vpush v5, $0xC;
	[tilespmem:s19], [sflag:$0x2] =	stream.linear.gather [hbm4b:s7+s4], $0x80, $0x38;
	[tilespmem:$0x10A00] =	vst v63  }
0x107: {  	s28 =	sadd.s32 s6, s8;
	s31 =	sand.u32 $0x1FFFFFF0, s25;
	s10 =	spop (v2sf)  }
0x108: {  	[tilespmem:s26], [sflag:$0x2] =	stream.linear.gather [hbm4b:s28+s4], $0x80, $0x38;
	[tilespmem:$0x10A00] =	vst v63  }
0x109: {  	s8 =	sadd.s32 s5, s31;
	s7 =	sand.u32 $0x1FFFFFF0, s10;
	s12 =	spop (v2sf)  }
0x10a: {  	[tilespmem:s1], [sflag:$0x2] =	stream.linear.gather [hbm4b:s8+s4], $0x80, $0x38;
	[tilespmem:$0x10A00] =	vst v63  }
0x10b: {  	s7 =	sadd.s32 s6, s7;
	s13 =	spop (v2sf);
	s8 =	sand.u32 $0x1FFFFFF0, s12  }
0x10c: {  	[tilespmem:s9], [sflag:$0x2] =	stream.linear.gather [hbm4b:s7+s4], $0x80, $0x38;
	[tilespmem:$0x10A00] =	vst v63  }
0x10d: {  	s15 =	sand.u32 $0x1FFFFFF0, s13;
	s16 =	spop (v2sf);
	s14 =	sadd.s32 s5, s8  }
0x10e: {  	[tilespmem:s11], [sflag:$0x2] =	stream.linear.gather [hbm4b:s14+s4], $0x80, $0x38;
	[tilespmem:$0x10A00] =	vst v63  }
0x10f: {  	s18 =	sadd.s32 s6, s15;
	s19 =	sand.u32 $0x1FFFFFF0, s16;
	s22 =	spop (v2sf)  }
0x110: {  	(v2sf) =	vpush v6, $0xD;
	[tilespmem:s0], [sflag:$0x2] =	stream.linear.gather [hbm4b:s18+s4], $0x80, $0x38;
	[tilespmem:$0x10A00] =	vst v63  }
0x111: {  	s25 =	simm.s32 $0x4D80;
	(v2sf) =	vpush v5, $0xD;
	s26 =	sadd.s32 s5, s19;
	s7 =	sand.u32 $0x1FFFFFF0, s22  }
0x112: {  	(v2sf) =	vpush v6, $0xE;
	[tilespmem:s25], [sflag:$0x2] =	stream.linear.gather [hbm4b:s26+s4], $0x80, $0x38;
	[tilespmem:$0x10A00] =	vst v63  }
0x113: {  	s1 =	simm.s32 $0x4F00;
	(v2sf) =	vpush v5, $0xE;
	s28 =	sadd.s32 s6, s7;
	s31 =	spop (v2sf)  }
0x114: {  	(v2sf) =	vpush v6, $0xF;
	[tilespmem:s2], [sflag:$0x2] =	stream.linear.gather [hbm4b:s28+s4], $0x80, $0x38;
	[tilespmem:$0x10A00] =	vst v63  }
0x115: {  	(v2sf) =	vpush v5, $0xF;
	s0 =	simm.s32 $0xCF00;
	s7 =	spop (v2sf);
	s2 =	sand.u32 $0x1FFFFFF0, s31  }
.LBB2_4:
0x116: {  	_ =	sdelay $0x4  }
0x117: {  	s2 =	sadd.s32 s5, s2;
	s7 =	sand.u32 $0x1FFFFFF0, s7  }
0x118: {  	[tilespmem:s3], [sflag:$0x2] =	stream.linear.gather [hbm4b:s2+s4], $0x80, $0x38;
	[tilespmem:$0x10A00] =	vst v63  }
0x119: {  	s26 =	sadd.s32 s6, s7  }
0x11a: {  	[tilespmem:s17], [sflag:$0x2] =	stream.linear.gather [hbm4b:s26+s4], $0x80, $0x38;
	[tilespmem:$0x10A00] =	vst v63  }
0x11b: {  	s8 =	spop (v2sf)  }
0x11c: {  	s28 =	sand.u32 $0x1FFFFFF0, s8;
	s31 =	spop (v2sf)  }
0x11d: {  	s8 =	sadd.s32 s5, s28;
	s9 =	sand.u32 $0x1FFFFFF0, s31;
	s10 =	spop (v2sf)  }
0x11e: {  	[tilespmem:s20], [sflag:$0x2] =	stream.linear.gather [hbm4b:s8+s4], $0x80, $0x38;
	[tilespmem:$0x10A00] =	vst v63  }
0x11f: {  	s11 =	sadd.s32 s6, s9;
	s12 =	sand.u32 $0x1FFFFFF0, s10;
	s13 =	spop (v2sf)  }
0x120: {  	[tilespmem:s21], [sflag:$0x2] =	stream.linear.gather [hbm4b:s11+s4], $0x80, $0x38;
	[tilespmem:$0x10A00] =	vst v63  }
0x121: {  	s14 =	sadd.s32 s5, s12;
	s15 =	sand.u32 $0x1FFFFFF0, s13;
	s16 =	spop (v2sf)  }
0x122: {  	[tilespmem:s1], [sflag:$0x2] =	stream.linear.gather [hbm4b:s14+s4], $0x80, $0x38;
	[tilespmem:$0x10A00] =	vst v63  }
0x123: {  	s17 =	sadd.s32 s6, s15;
	s18 =	sand.u32 $0x1FFFFFF0, s16;
	s19 =	spop (v2sf)  }
0x124: {  	[tilespmem:s0], [sflag:$0x2] =	stream.linear.gather [hbm4b:s17+s4], $0x80, $0x38;
	[tilespmem:$0x10A00] =	vst v63  }
0x125: {  	s20 =	sadd.s32 $0x4F80, s23;
	s21 =	sadd.s32 s5, s18;
	s22 =	sand.u32 $0x1FFFFFF0, s19  }
0x126: {  	[tilespmem:s20], [sflag:$0x2] =	stream.linear.gather [hbm4b:s21+s4], $0x80, $0x38;
	[tilespmem:$0x10A00] =	vst v63  }
0x127: {  	s23 =	sadd.s32 $0xCF80, s23;
	s25 =	sadd.s32 s6, s22  }
0x128: {  	[tilespmem:s23], [sflag:$0x2] =	stream.linear.gather [hbm4b:s25+s4], $0x80, $0x38;
	[tilespmem:$0x10A00] =	vst v63  }
0x129: {  	v5 =	vld [tilespmem:s30+$0x0]  }
0x12a: {  	v7 =	vld [tilespmem:s29+$0x0];
	_ =	sdelay $0x3  }
0x12b: {  	v6 =	vshll.u32 v5, $0x4  }
0x12c: {  	v5 =	vshll.u32 v7, $0x4;
	(v2sf) =	vpush v6, $0x0  }
0x12d: {  	s26 =	smov.u32 s24;
	(v2sf) =	vpush v5, $0x0  }
0x12e: {  	p0 =	sne.s32 s24, $0xE000;
	s24 =	sadd.s32 $0x2000, s24;
	s23 =	sshra.s32 s26, $0x2;
	(v2sf) =	vpush v6, $0x1  }
0x12f: {  	s15 =	sadd.s32 $0xC800, s23;
	s0 =	sadd.s32 $0x4A80, s23;
	s28 =	sadd.s32 $0x4C80, s23  }
0x130: {  	s2 =	sadd.s32 $0x4A00, s23;
	s31 =	sadd.s32 $0xCD00, s23;
	s8 =	sadd.s32 $0x4980, s23;
	(v2sf) =	vpush v5, $0x1  }
0x131: {  	s7 =	sadd.s32 $0xC980, s23;
	s17 =	sadd.s32 $0xCE00, s23;
	s10 =	sadd.s32 $0x4900, s23  }
0x132: {  	s25 =	sadd.s32 $0xCA00, s23;
	s20 =	sadd.s32 $0x4E80, s23;
	s26 =	sadd.s32 $0xC880, s23;
	(v2sf) =	vpush v6, $0x2  }
0x133: {  	s9 =	sadd.s32 $0xC900, s23;
	s14 =	sadd.s32 $0x4B00, s23;
	s1 =	sadd.s32 $0xCD80, s23;
	(v2sf) =	vpush v5, $0x2  }
0x134: {  	s21 =	sadd.s32 $0xCE80, s23;
	s16 =	sadd.s32 $0xCB00, s23;
	[smem:$0x7F3] =	sst s0  }
0x135: {  	s3 =	sadd.s32 $0xCC80, s23;
	s11 =	sadd.s32 $0x4D00, s23;
	[dreg:$0xf] =	wrdreg s28;
	(v2sf) =	vpush v6, $0x3  }
0x136: {  	s22 =	sadd.s32 $0x4B80, s23;
	s12 =	sadd.s32 $0xCC00, s23;
	[dreg:$0x7] =	wrdreg s31  }
0x137: {  	s19 =	sadd.s32 $0xCB80, s23;
	s13 =	sadd.s32 $0x4C00, s23;
	[dreg:$0xb] =	wrdreg s1;
	(v2sf) =	vpush v5, $0x3  }
0x138: {  	s29 =	sadd.s32 $0x10, s29;
	s30 =	sadd.s32 $0x10, s30;
	[dreg:$0x17] =	wrdreg s3  }
0x139: {  	s28 =	sadd.s32 $0x4800, s23;
	s31 =	sadd.s32 $0xCA80, s23;
	[dreg:$0x13] =	wrdreg s11;
	(v2sf) =	vpush v6, $0x4  }
0x13a: {  	[dreg:$0x1f] =	wrdreg s12;
	s3 =	sadd.s32 $0x4E00, s23;
	s11 =	sadd.s32 $0x4880, s23  }
0x13b: {  	[smem:$0x7F4] =	sst s13;
	s13 =	sadd.s32 $0x4D80, s23;
	s12 =	spop (v2sf)  }
0x13c: {  	[dreg:$0x1b] =	wrdreg s13;
	s12 =	sand.u32 $0x1FFFFFF0, s12;
	s18 =	spop (v2sf)  }
0x13d: {  	(v2sf) =	vpush v5, $0x4;
	s12 =	sadd.s32 s5, s12;
	s13 =	sand.u32 $0x1FFFFFF0, s18;
	s18 =	spop (v2sf)  }
0x13e: {  	[tilespmem:s28], [sflag:$0x2] =	stream.linear.gather [hbm4b:s12+s4], $0x80, $0x38;
	[tilespmem:$0x10A00] =	vst v63  }
0x13f: {  	(v2sf) =	vpush v6, $0x5;
	s13 =	sadd.s32 s6, s13;
	s18 =	sand.u32 $0x1FFFFFF0, s18;
	s28 =	spop (v2sf)  }
0x140: {  	[tilespmem:s15], [sflag:$0x2] =	stream.linear.gather [hbm4b:s13+s4], $0x80, $0x38;
	[tilespmem:$0x10A00] =	vst v63  }
0x141: {  	(v2sf) =	vpush v5, $0x5;
	s15 =	sadd.s32 s5, s18;
	s18 =	sand.u32 $0x1FFFFFF0, s28;
	s28 =	spop (v2sf)  }
0x142: {  	s13 =	sadd.s32 s6, s18;
	s18 =	sand.u32 $0x1FFFFFF0, s28;
	s28 =	spop (v2sf)  }
0x143: {  	(v2sf) =	vpush v6, $0x6;
	[tilespmem:s11], [sflag:$0x2] =	stream.linear.gather [hbm4b:s15+s4], $0x80, $0x38;
	[tilespmem:$0x10A00] =	vst v63  }
0x144: {  	s1 =	sadd.s32 $0x4F00, s23;
	s0 =	sadd.s32 $0xCF00, s23;
	(v2sf) =	vpush v5, $0x6;
	s15 =	spop (v2sf)  }
0x145: {  	[tilespmem:s26], [sflag:$0x2] =	stream.linear.gather [hbm4b:s13+s4], $0x80, $0x38;
	[tilespmem:$0x10A00] =	vst v63  }
0x146: {  	s12 =	sadd.s32 s5, s18;
	(v2sf) =	vpush v6, $0x7;
	s13 =	sand.u32 $0x1FFFFFF0, s28;
	s28 =	spop (v2sf)  }
0x147: {  	[tilespmem:s10], [sflag:$0x2] =	stream.linear.gather [hbm4b:s12+s4], $0x80, $0x38;
	[tilespmem:$0x10A00] =	vst v63  }
0x148: {  	s26 =	sand.u32 $0x1FFFFFF0, s15;
	(v2sf) =	vpush v5, $0x7;
	s18 =	sadd.s32 s6, s13;
	s15 =	spop (v2sf)  }
0x149: {  	[tilespmem:s9], [sflag:$0x2] =	stream.linear.gather [hbm4b:s18+s4], $0x80, $0x38;
	[tilespmem:$0x10A00] =	vst v63  }
0x14a: {  	s11 =	sadd.s32 s5, s26;
	s13 =	sand.u32 $0x1FFFFFF0, s28;
	(v2sf) =	vpush v6, $0x8;
	s26 =	sand.u32 $0x1FFFFFF0, s15  }
0x14b: {  	[tilespmem:s8], [sflag:$0x2] =	stream.linear.gather [hbm4b:s11+s4], $0x80, $0x38;
	[tilespmem:$0x10A00] =	vst v63  }
0x14c: {  	s18 =	sadd.s32 s6, s13;
	s9 =	sadd.s32 s5, s26;
	s28 =	spop (v2sf)  }
0x14d: {  	[tilespmem:s7], [sflag:$0x2] =	stream.linear.gather [hbm4b:s18+s4], $0x80, $0x38;
	[tilespmem:$0x10A00] =	vst v63  }
0x14e: {  	(v2sf) =	vpush v5, $0x8;
	s10 =	sand.u32 $0x1FFFFFF0, s28;
	s11 =	spop (v2sf);
	s28 =	sld [smem:$0x7F3]  }
0x14f: {  	(v2sf) =	vpush v6, $0x9;
	[tilespmem:s2], [sflag:$0x2] =	stream.linear.gather [hbm4b:s9+s4], $0x80, $0x38;
	[tilespmem:$0x10A00] =	vst v63  }
0x150: {  	s12 =	sadd.s32 s6, s10;
	s13 =	sand.u32 $0x1FFFFFF0, s11;
	s15 =	spop (v2sf)  }
0x151: {  	(v2sf) =	vpush v5, $0x9;
	[tilespmem:s25], [sflag:$0x2] =	stream.linear.gather [hbm4b:s12+s4], $0x80, $0x38;
	[tilespmem:$0x10A00] =	vst v63  }
0x152: {  	s18 =	sadd.s32 s5, s13;
	s26 =	spop (v2sf);
	s25 =	sand.u32 $0x1FFFFFF0, s15  }
0x153: {  	s8 =	sand.u32 $0x1FFFFFF0, s26;
	s9 =	spop (v2sf);
	s7 =	sadd.s32 s6, s25  }
0x154: {  	[tilespmem:s28], [sflag:$0x2] =	stream.linear.gather [hbm4b:s18+s4], $0x80, $0x38;
	[tilespmem:$0x10A00] =	vst v63  }
0x155: {  	(v2sf) =	vpush v6, $0xA;
	s10 =	sadd.s32 s5, s8;
	s11 =	sand.u32 $0x1FFFFFF0, s9;
	s12 =	spop (v2sf)  }
0x156: {  	[tilespmem:s31], [sflag:$0x2] =	stream.linear.gather [hbm4b:s7+s4], $0x80, $0x38;
	[tilespmem:$0x10A00] =	vst v63  }
0x157: {  	(v2sf) =	vpush v5, $0xA;
	s13 =	sadd.s32 s6, s11;
	s11 =	sld [smem:$0x7F4];
	s15 =	spop (v2sf)  }
0x158: {  	[tilespmem:s14], [sflag:$0x2] =	stream.linear.gather [hbm4b:s10+s4], $0x80, $0x38;
	[tilespmem:$0x10A00] =	vst v63  }
0x159: {  	(v2sf) =	vpush v6, $0xB;
	s18 =	sand.u32 $0x1FFFFFF0, s15;
	s25 =	spop (v2sf);
	s14 =	sand.u32 $0x1FFFFFF0, s12  }
0x15a: {  	[tilespmem:s16], [sflag:$0x2] =	stream.linear.gather [hbm4b:s13+s4], $0x80, $0x38;
	[tilespmem:$0x10A00] =	vst v63  }
0x15b: {  	(v2sf) =	vpush v5, $0xB;
	s15 =	rddreg [dreg:$0x1f];
	s28 =	sand.u32 $0x1FFFFFF0, s25;
	s16 =	sadd.s32 s5, s14  }
0x15c: {  	[tilespmem:s22], [sflag:$0x2] =	stream.linear.gather [hbm4b:s16+s4], $0x80, $0x38;
	[tilespmem:$0x10A00] =	vst v63  }
0x15d: {  	s26 =	sadd.s32 s6, s18;
	s7 =	sadd.s32 s5, s28;
	s31 =	spop (v2sf)  }
0x15e: {  	(v2sf) =	vpush v6, $0xC;
	s22 =	rddreg [dreg:$0xf];
	s8 =	sand.u32 $0x1FFFFFF0, s31;
	s10 =	spop (v2sf)  }
0x15f: {  	[tilespmem:s19], [sflag:$0x2] =	stream.linear.gather [hbm4b:s26+s4], $0x80, $0x38;
	[tilespmem:$0x10A00] =	vst v63  }
0x160: {  	(v2sf) =	vpush v5, $0xC;
	s31 =	rddreg [dreg:$0x17];
	s13 =	sand.u32 $0x1FFFFFF0, s10;
	s14 =	spop (v2sf)  }
0x161: {  	[tilespmem:s11], [sflag:$0x2] =	stream.linear.gather [hbm4b:s7+s4], $0x80, $0x38;
	[tilespmem:$0x10A00] =	vst v63  }
0x162: {  	s12 =	sadd.s32 s6, s8;
	s16 =	sadd.s32 s5, s13;
	s18 =	sand.u32 $0x1FFFFFF0, s14  }
0x163: {  	[tilespmem:s15], [sflag:$0x2] =	stream.linear.gather [hbm4b:s12+s4], $0x80, $0x38;
	[tilespmem:$0x10A00] =	vst v63  }
0x164: {  	s13 =	rddreg [dreg:$0x13];
	s19 =	spop (v2sf);
	s25 =	sadd.s32 s6, s18  }
0x165: {  	[tilespmem:s22], [sflag:$0x2] =	stream.linear.gather [hbm4b:s16+s4], $0x80, $0x38;
	[tilespmem:$0x10A00] =	vst v63  }
0x166: {  	s18 =	rddreg [dreg:$0x7];
	s26 =	sand.u32 $0x1FFFFFF0, s19;
	s28 =	spop (v2sf)  }
0x167: {  	[tilespmem:s31], [sflag:$0x2] =	stream.linear.gather [hbm4b:s25+s4], $0x80, $0x38;
	[tilespmem:$0x10A00] =	vst v63  }
0x168: {  	s10 =	sadd.s32 s5, s26;
	s11 =	sand.u32 $0x1FFFFFF0, s28;
	s12 =	spop (v2sf)  }
0x169: {  	[tilespmem:s13], [sflag:$0x2] =	stream.linear.gather [hbm4b:s10+s4], $0x80, $0x38;
	[tilespmem:$0x10A00] =	vst v63  }
0x16a: {  	s26 =	rddreg [dreg:$0x1b];
	s14 =	sadd.s32 s6, s11;
	s16 =	spop (v2sf)  }
0x16b: {  	(v2sf) =	vpush v6, $0xD;
	[tilespmem:s18], [sflag:$0x2] =	stream.linear.gather [hbm4b:s14+s4], $0x80, $0x38;
	[tilespmem:$0x10A00] =	vst v63  }
.Ltmp1:
0x16c: {  	(v2sf) =	vpush v5, $0xD;
	s15 =	sand.u32 $0x1FFFFFF0, s12;
	s22 =	sand.u32 $0x1FFFFFF0, s16;
	(pc) =	sbr.rel @p0 .LBB2_4-.Ltmp1, $4  }
0x16d: {  	(v2sf) =	vpush v6, $0xE;
	s19 =	sadd.s32 s5, s15;
	s25 =	spop (v2sf);
	s28 =	sadd.s32 s6, s22  }
0x16e: {  	(v2sf) =	vpush v5, $0xE;
	[tilespmem:s26], [sflag:$0x2] =	stream.linear.gather [hbm4b:s19+s4], $0x80, $0x38;
	[tilespmem:$0x10A00] =	vst v63  }
0x16f: {  	(v2sf) =	vpush v6, $0xF;
	s31 =	rddreg [dreg:$0xb];
	s2 =	sand.u32 $0x1FFFFFF0, s25;
	s7 =	spop (v2sf)  }
0x170: {  	(v2sf) =	vpush v5, $0xF;
	[tilespmem:s31], [sflag:$0x2] =	stream.linear.gather [hbm4b:s28+s4], $0x80, $0x38;
	[tilespmem:$0x10A00] =	vst v63  }
0x171: {  	_ =	sdelay $0x4  }
0x172: {  	s2 =	sadd.s32 s5, s2;
	s7 =	sand.u32 $0x1FFFFFF0, s7  }
0x173: {  	[tilespmem:s3], [sflag:$0x2] =	stream.linear.gather [hbm4b:s2+s4], $0x80, $0x38;
	[tilespmem:$0x10A00] =	vst v63  }
0x174: {  	s7 =	sadd.s32 s6, s7  }
0x175: {  	[tilespmem:s17], [sflag:$0x2] =	stream.linear.gather [hbm4b:s7+s4], $0x80, $0x38;
	[tilespmem:$0x10A00] =	vst v63  }
0x176: {  	s8 =	spop (v2sf)  }
0x177: {  	s9 =	sand.u32 $0x1FFFFFF0, s8;
	s10 =	spop (v2sf)  }
0x178: {  	s11 =	sadd.s32 s5, s9;
	s12 =	sand.u32 $0x1FFFFFF0, s10;
	s13 =	spop (v2sf)  }
0x179: {  	[tilespmem:s20], [sflag:$0x2] =	stream.linear.gather [hbm4b:s11+s4], $0x80, $0x38;
	[tilespmem:$0x10A00] =	vst v63  }
0x17a: {  	s14 =	sadd.s32 s6, s12;
	s15 =	sand.u32 $0x1FFFFFF0, s13;
	s16 =	spop (v2sf)  }
0x17b: {  	[tilespmem:s21], [sflag:$0x2] =	stream.linear.gather [hbm4b:s14+s4], $0x80, $0x38;
	[tilespmem:$0x10A00] =	vst v63  }
0x17c: {  	s17 =	sadd.s32 s5, s15;
	s18 =	sand.u32 $0x1FFFFFF0, s16;
	s19 =	spop (v2sf)  }
0x17d: {  	[tilespmem:s1], [sflag:$0x2] =	stream.linear.gather [hbm4b:s17+s4], $0x80, $0x38;
	[tilespmem:$0x10A00] =	vst v63  }
0x17e: {  	s20 =	sadd.s32 s6, s18;
	s21 =	sand.u32 $0x1FFFFFF0, s19;
	s22 =	spop (v2sf)  }
0x17f: {  	[tilespmem:s0], [sflag:$0x2] =	stream.linear.gather [hbm4b:s20+s4], $0x80, $0x38;
	[tilespmem:$0x10A00] =	vst v63  }
0x180: {  	s24 =	sadd.s32 $0x4F80, s23;
	s25 =	sadd.s32 s5, s21;
	s26 =	sand.u32 $0x1FFFFFF0, s22  }
0x181: {  	[tilespmem:s24], [sflag:$0x2] =	stream.linear.gather [hbm4b:s25+s4], $0x80, $0x38;
	[tilespmem:$0x10A00] =	vst v63  }
0x182: {  	s28 =	sadd.s32 $0xCF80, s23;
	s30 =	simm.s32 $0x1;
	s29 =	sadd.s32 s6, s26  }
0x183: {  	[tilespmem:s28], [sflag:$0x2] =	stream.linear.gather [hbm4b:s29+s4], $0x80, $0x38;
	[tilespmem:$0x10A00] =	vst v63  }
0x184: {  	_ =	swait.ge [sflag:s30], $0x4000  }
0x185: {  	[sflag:s30] =	ssyncset.done $0x0  }
0x186: {  	[sflag:s30] =	ssyncadd.s32 $0xFFFFC000  }
0x187: {  	_ =	swait.ge [sflag:s30], $0x4000  }
0x188: {  	[sflag:s30] =	ssyncset.done $0x0  }
0x189: {  	s31 =	simm.s32 $0x3;
	[sflag:s30] =	ssyncadd.s32 $0xFFFFC000  }
0x18a: {  	_ =	swait.ge [sflag:s31], $0x200  }
0x18b: {  	[sflag:s31] =	ssyncset.done $0x0  }
0x18c: {  	s3 =	simm.s32 $0x800;
	s7 =	simm.s32 $0x8800;
	[sflag:s31] =	ssyncadd.s32 $0xFFFFFE00  }
0x18d: {  	s8 =	simm.s32 $0x10800;
	s9 =	simm.s32 $0x400;
	_ =	swait.ge [sflag:s31], $0x200  }
0x18e: {  	s10 =	simm.s32 $0x600;
	s21 =	simm.s32 $0xC800;
	[sflag:s31] =	ssyncset.done $0x0  }
0x18f: {  	s1 =	simm.s32 $0x0;
	s0 =	simm.s32 $0x0;
	[sflag:s31] =	ssyncadd.s32 $0xFFFFFE00  }
.LBB2_6:
0x190: {  	s2 =	sshll.u32 s1, $0x4  }
0x191: {  	v7 =	vadd.s32 s0, v0;
	v5 =	vor.u32 s2, v0  }
0x192: {  	v7 =	vand.u32 $0x3F, v7;
	v6 =	vshll.u32 v5, $0x7  }
0x193: {  	v10 =	vor.u32 v6, v7;
	_ =	sdelay $0x1  }
0x194: {  	s31 =	simm.s32 $0x1  }
0x195: {  	v7 =	vadd.s32 s31, v0  }
0x196: {  	v9 =	vand.u32 $0x3F, v7  }
0x197: {  	v9 =	vor.u32 v6, v9;
	v8 =	vld.idx.msk [tilespmem:v10+s3+$0x0], $0xffff  }
0x198: {  	v10 =	vld.idx.msk [tilespmem:v10+s7+$0x0], $0xffff  }
0x199: {  	s2 =	simm.s32 $0x2;
	v7 =	vimm.f32 $0.0e+00  }
.LBB2_7:
0x19a: {  	p0 =	sne.s32 s2, $0x3F  }
.Ltmp2:
0x19b: {  	v11 =	vadd.s32 s2, v0;
	(pc) =	sbr.rel @p0 .LBB2_7-.Ltmp2, $3  }
0x19c: {  	s2 =	sadd.s32 $0x1, s2;
	v11 =	vand.u32 $0x3F, v11;
	v12 =	vmov v8;
	v8 =	vld.idx.msk [tilespmem:v9+s3+$0x0], $0xffff  }
0x19d: {  	v12 =	vmul.f32 v10, v12;
	v10 =	vld.idx.msk [tilespmem:v9+s7+$0x0], $0xffff;
	v9 =	vor.u32 v6, v11;
	_ =	sdelay $0x1  }
0x19e: {  	v7 =	vadd.f32 v12, v7  }
0x19f: {  	_ =	sdelay $0x3  }
0x1a0: {  	v6 =	vld.idx.msk [tilespmem:v9+s3+$0x0], $0xffff  }
0x1a1: {  	v61 =	vld.idx.msk [tilespmem:v9+s7+$0x0], $0xffff;
	_ =	sdelay $0x2  }
0x1a2: {  	v8 =	vmul.f32 v10, v8  }
0x1a3: {  	v62 =	vld.idx.msk [tilespmem:v5+s9+$0x0], $0xffff  }
0x1a4: {  	v7 =	vadd.f32 v8, v7;
	v6 =	vmul.f32 v61, v6  }
0x1a5: {  	v63 =	vld.idx.msk [tilespmem:v5+s10+$0x0], $0xffff  }
0x1a6: {  	v6 =	vadd.f32 v6, v7;
	_ =	sdelay $0x1  }
0x1a7: {  	v6 =	vadd.f32 v62, v6;
	_ =	sdelay $0x1  }
0x1a8: {  	v6 =	vadd.f32 v63, v6;
	_ =	sdelay $0x1  }
0x1a9: {  	v6 =	vsub.f32 $0.0e+00, v6;
	_ =	sdelay $0x1  }
0x1aa: {  	v6 =	vmul.f32 $1.442695020e+00, v6;
	_ =	sdelay $0x1  }
0x1ab: {  	(erf) = vpow2.f32 v6;
	_ =	sdelay $0x8  }
0x1ac: {  	v6 =	vpop (erf)  }
0x1ad: {  	v6 =	vadd.f32 $1.000000000e+00, v6;
	_ =	sdelay $0x1  }
0x1ae: {  	(erf) = vrcp.f32 v6;
	_ =	sdelay $0x7  }
0x1af: {  	s1 =	sadd.s32 $0x1, s1  }
0x1b0: {  	p0 =	sne.s32 s1, $0x8;
	v6 =	vpop (erf)  }
.Ltmp3:
0x1b1: {  	v6 =	vmul.f32 $6.000000000e+00, v6;
	(pc) =	sbr.rel @p0 .LBB2_6-.Ltmp3, $3  }
0x1b2: {  	_ = 	snop  }
0x1b3: {  	v6 =	vadd.f32 $-5.000000000e-01, v6;
	_ =	sdelay $0x1  }
0x1b4: {  	[tilespmem:v5+s8+$0x0] =	vst.idx.msk $0xffff, v6  }
0x1b5: {  	s0 =	simm.s32 $0x100  }
0x1b6: {  	s26 =	simm.s32 $0x300;
	v5 =	vld [tilespmem:s0+$0x0]  }
0x1b7: {  	v7 =	vld [tilespmem:s26+$0x0];
	_ =	sdelay $0x3  }
0x1b8: {  	v6 =	vshll.u32 v5, $0x4  }
0x1b9: {  	v5 =	vshll.u32 v7, $0x4;
	(v2sf) =	vpush v6, $0x0  }
0x1ba: {  	(v2sf) =	vpush v5, $0x0  }
0x1bb: {  	(v2sf) =	vpush v6, $0x1;
	_ =	sdelay $0x2  }
0x1bc: {  	(v2sf) =	vpush v5, $0x1;
	_ =	sdelay $0x1  }
0x1bd: {  	(v2sf) =	vpush v6, $0x2;
	_ =	sdelay $0x1  }
0x1be: {  	(v2sf) =	vpush v5, $0x2;
	_ =	sdelay $0x1  }
0x1bf: {  	s24 =	simm.s32 $0x2000;
	(v2sf) =	vpush v6, $0x3  }
0x1c0: {  	s23 =	simm.s32 $0x0;
	s3 =	simm.s32 $0x8800;
	s2 =	simm.s32 $0xA80  }
0x1c1: {  	s1 =	simm.s32 $0xC80;
	s7 =	simm.s32 $0x800;
	s9 =	simm.s32 $0xA00  }
0x1c2: {  	s10 =	simm.s32 $0x980;
	s13 =	simm.s32 $0x8880;
	s15 =	simm.s32 $0x900  }
0x1c3: {  	s18 =	simm.s32 $0x8900;
	s29 =	simm.s32 $0x310;
	s8 =	spop (v2sf);
	(v2sf) =	vpush v5, $0x3  }
0x1c4: {  	s30 =	simm.s32 $0x110;
	s8 =	sand.u32 $0x1FFFFFF0, s8;
	s11 =	spop (v2sf)  }
0x1c5: {  	s0 =	simm.s32 $0x8D00;
	(v2sf) =	vpush v6, $0x4;
	s8 =	sadd.s32 s5, s8;
	s31 =	spop (v2sf)  }
0x1c6: {  	[tilespmem:s7], [sflag:$0x1] =	stream.linear.gather [hbm4b:s8+s4], $0x80, $0x38;
	[tilespmem:$0x10A00] =	vst v63  }
0x1c7: {  	s26 =	simm.s32 $0x8A00;
	s28 =	sand.u32 $0x1FFFFFF0, s11;
	s11 =	sand.u32 $0x1FFFFFF0, s31  }
0x1c8: {  	(v2sf) =	vpush v5, $0x4;
	s8 =	sadd.s32 s6, s28;
	s12 =	spop (v2sf);
	s11 =	sadd.s32 s5, s11  }
0x1c9: {  	(v2sf) =	vpush v6, $0x5;
	[tilespmem:s3], [sflag:$0x1] =	stream.linear.gather [hbm4b:s8+s4], $0x80, $0x38;
	[tilespmem:$0x10A00] =	vst v63  }
0x1ca: {  	s12 =	sand.u32 $0x1FFFFFF0, s12;
	s14 =	spop (v2sf);
	(v2sf) =	vpush v5, $0x5;
	s8 =	simm.s32 $0x880  }
0x1cb: {  	[tilespmem:s8], [sflag:$0x1] =	stream.linear.gather [hbm4b:s11+s4], $0x80, $0x38;
	[tilespmem:$0x10A00] =	vst v63  }
0x1cc: {  	s16 =	spop (v2sf);
	s11 =	sadd.s32 s6, s12;
	s8 =	sand.u32 $0x1FFFFFF0, s14  }
0x1cd: {  	[tilespmem:s13], [sflag:$0x1] =	stream.linear.gather [hbm4b:s11+s4], $0x80, $0x38;
	[tilespmem:$0x10A00] =	vst v63  }
0x1ce: {  	(v2sf) =	vpush v6, $0x6;
	s17 =	spop (v2sf);
	s8 =	sadd.s32 s5, s8;
	s11 =	sand.u32 $0x1FFFFFF0, s16  }
0x1cf: {  	[tilespmem:s15], [sflag:$0x1] =	stream.linear.gather [hbm4b:s8+s4], $0x80, $0x38;
	[tilespmem:$0x10A00] =	vst v63  }
0x1d0: {  	s7 =	simm.s32 $0x8980;
	(v2sf) =	vpush v5, $0x6;
	s20 =	sand.u32 $0x1FFFFFF0, s17;
	s19 =	sadd.s32 s6, s11  }
0x1d1: {  	[tilespmem:s18], [sflag:$0x1] =	stream.linear.gather [hbm4b:s19+s4], $0x80, $0x38;
	[tilespmem:$0x10A00] =	vst v63  }
0x1d2: {  	s12 =	simm.s32 $0x8E00;
	s25 =	sadd.s32 s5, s20;
	s22 =	spop (v2sf)  }
0x1d3: {  	[tilespmem:s10], [sflag:$0x1] =	stream.linear.gather [hbm4b:s25+s4], $0x80, $0x38;
	[tilespmem:$0x10A00] =	vst v63  }
0x1d4: {  	s14 =	simm.s32 $0xE80;
	(v2sf) =	vpush v6, $0x7;
	s3 =	sand.u32 $0x1FFFFFF0, s22;
	s28 =	spop (v2sf)  }
0x1d5: {  	s17 =	simm.s32 $0xB00;
	s3 =	sadd.s32 s6, s3;
	s10 =	sand.u32 $0x1FFFFFF0, s28  }
0x1d6: {  	[tilespmem:s7], [sflag:$0x1] =	stream.linear.gather [hbm4b:s3+s4], $0x80, $0x38;
	[tilespmem:$0x10A00] =	vst v63  }
0x1d7: {  	s15 =	simm.s32 $0x8A80;
	(v2sf) =	vpush v5, $0x7;
	s31 =	spop (v2sf);
	s10 =	sadd.s32 s5, s10  }
0x1d8: {  	(v2sf) =	vpush v6, $0x8;
	s13 =	sand.u32 $0x1FFFFFF0, s31;
	s16 =	spop (v2sf);
	s31 =	simm.s32 $0x8B00  }
0x1d9: {  	s7 =	sadd.s32 s6, s13;
	s18 =	sand.u32 $0x1FFFFFF0, s16;
	s19 =	spop (v2sf)  }
0x1da: {  	(v2sf) =	vpush v5, $0x8;
	[tilespmem:s9], [sflag:$0x1] =	stream.linear.gather [hbm4b:s10+s4], $0x80, $0x38;
	[tilespmem:$0x10A00] =	vst v63  }
0x1db: {  	s13 =	simm.s32 $0xB80;
	s8 =	sadd.s32 s5, s18;
	s9 =	sand.u32 $0x1FFFFFF0, s19  }
0x1dc: {  	(v2sf) =	vpush v6, $0x9;
	[tilespmem:s26], [sflag:$0x1] =	stream.linear.gather [hbm4b:s7+s4], $0x80, $0x38;
	[tilespmem:$0x10A00] =	vst v63  }
0x1dd: {  	s20 =	spop (v2sf);
	s10 =	simm.s32 $0x8E80;
	s19 =	simm.s32 $0xC00  }
0x1de: {  	(v2sf) =	vpush v5, $0x9;
	[tilespmem:s2], [sflag:$0x1] =	stream.linear.gather [hbm4b:s8+s4], $0x80, $0x38;
	[tilespmem:$0x10A00] =	vst v63  }
0x1df: {  	s22 =	sadd.s32 s6, s9;
	s25 =	sand.u32 $0x1FFFFFF0, s20;
	s26 =	spop (v2sf)  }
0x1e0: {  	(v2sf) =	vpush v6, $0xA;
	[tilespmem:s15], [sflag:$0x1] =	stream.linear.gather [hbm4b:s22+s4], $0x80, $0x38;
	[tilespmem:$0x10A00] =	vst v63  }
0x1e1: {  	s28 =	sadd.s32 s5, s25;
	s25 =	simm.s32 $0x8C00;
	s3 =	sand.u32 $0x1FFFFFF0, s26  }
0x1e2: {  	(v2sf) =	vpush v5, $0xA;
	[tilespmem:s17], [sflag:$0x1] =	stream.linear.gather [hbm4b:s28+s4], $0x80, $0x38;
	[tilespmem:$0x10A00] =	vst v63  }
0x1e3: {  	s2 =	simm.s32 $0x8D80;
	s3 =	sadd.s32 s6, s3;
	s9 =	spop (v2sf)  }
0x1e4: {  	(v2sf) =	vpush v6, $0xB;
	[tilespmem:s31], [sflag:$0x1] =	stream.linear.gather [hbm4b:s3+s4], $0x80, $0x38;
	[tilespmem:$0x10A00] =	vst v63  }
0x1e5: {  	s17 =	simm.s32 $0x8B80;
	s31 =	simm.s32 $0x8C80;
	s8 =	sand.u32 $0x1FFFFFF0, s9  }
0x1e6: {  	s3 =	simm.s32 $0xE00;
	s11 =	spop (v2sf);
	(v2sf) =	vpush v5, $0xB;
	s15 =	sadd.s32 s5, s8  }
0x1e7: {  	s16 =	sand.u32 $0x1FFFFFF0, s11;
	s18 =	spop (v2sf);
	s11 =	simm.s32 $0xD00  }
0x1e8: {  	[tilespmem:s13], [sflag:$0x1] =	stream.linear.gather [hbm4b:s15+s4], $0x80, $0x38;
	[tilespmem:$0x10A00] =	vst v63  }
0x1e9: {  	s8 =	sadd.s32 s6, s16;
	s7 =	sand.u32 $0x1FFFFFF0, s18;
	s20 =	spop (v2sf)  }
0x1ea: {  	(v2sf) =	vpush v6, $0xC;
	[tilespmem:s17], [sflag:$0x1] =	stream.linear.gather [hbm4b:s8+s4], $0x80, $0x38;
	[tilespmem:$0x10A00] =	vst v63  }
0x1eb: {  	s7 =	sadd.s32 s5, s7;
	s22 =	spop (v2sf);
	s8 =	sand.u32 $0x1FFFFFF0, s20  }
0x1ec: {  	(v2sf) =	vpush v5, $0xC;
	[tilespmem:s19], [sflag:$0x1] =	stream.linear.gather [hbm4b:s7+s4], $0x80, $0x38;
	[tilespmem:$0x10A00] =	vst v63  }
0x1ed: {  	s28 =	sand.u32 $0x1FFFFFF0, s22;
	s9 =	spop (v2sf);
	s26 =	sadd.s32 s6, s8  }
0x1ee: {  	[tilespmem:s25], [sflag:$0x1] =	stream.linear.gather [hbm4b:s26+s4], $0x80, $0x38;
	[tilespmem:$0x10A00] =	vst v63  }
0x1ef: {  	s8 =	sadd.s32 s5, s28;
	s13 =	spop (v2sf);
	s7 =	sand.u32 $0x1FFFFFF0, s9  }
0x1f0: {  	[tilespmem:s1], [sflag:$0x1] =	stream.linear.gather [hbm4b:s8+s4], $0x80, $0x38;
	[tilespmem:$0x10A00] =	vst v63  }
0x1f1: {  	s15 =	spop (v2sf);
	s7 =	sadd.s32 s6, s7;
	s8 =	sand.u32 $0x1FFFFFF0, s13  }
0x1f2: {  	[tilespmem:s31], [sflag:$0x1] =	stream.linear.gather [hbm4b:s7+s4], $0x80, $0x38;
	[tilespmem:$0x10A00] =	vst v63  }
0x1f3: {  	s17 =	sand.u32 $0x1FFFFFF0, s15;
	s16 =	sadd.s32 s5, s8;
	s18 =	spop (v2sf)  }
0x1f4: {  	[tilespmem:s11], [sflag:$0x1] =	stream.linear.gather [hbm4b:s16+s4], $0x80, $0x38;
	[tilespmem:$0x10A00] =	vst v63  }
0x1f5: {  	s19 =	sadd.s32 s6, s17;
	s20 =	sand.u32 $0x1FFFFFF0, s18;
	s22 =	spop (v2sf)  }
0x1f6: {  	(v2sf) =	vpush v6, $0xD;
	[tilespmem:s0], [sflag:$0x1] =	stream.linear.gather [hbm4b:s19+s4], $0x80, $0x38;
	[tilespmem:$0x10A00] =	vst v63  }
0x1f7: {  	s25 =	simm.s32 $0xD80;
	(v2sf) =	vpush v5, $0xD;
	s26 =	sadd.s32 s5, s20;
	s7 =	sand.u32 $0x1FFFFFF0, s22  }
0x1f8: {  	(v2sf) =	vpush v6, $0xE;
	[tilespmem:s25], [sflag:$0x1] =	stream.linear.gather [hbm4b:s26+s4], $0x80, $0x38;
	[tilespmem:$0x10A00] =	vst v63  }
0x1f9: {  	s1 =	simm.s32 $0xF00;
	s28 =	sadd.s32 s6, s7;
	(v2sf) =	vpush v5, $0xE;
	s31 =	spop (v2sf)  }
0x1fa: {  	(v2sf) =	vpush v6, $0xF;
	[tilespmem:s2], [sflag:$0x1] =	stream.linear.gather [hbm4b:s28+s4], $0x80, $0x38;
	[tilespmem:$0x10A00] =	vst v63  }
0x1fb: {  	s16 =	simm.s32 $0x8F00;
	s7 =	spop (v2sf);
	(v2sf) =	vpush v5, $0xF;
	s2 =	sand.u32 $0x1FFFFFF0, s31  }
.LBB2_10:
0x1fc: {  	_ =	sdelay $0x4  }
0x1fd: {  	s2 =	sadd.s32 s5, s2;
	s7 =	sand.u32 $0x1FFFFFF0, s7  }
0x1fe: {  	[tilespmem:s3], [sflag:$0x1] =	stream.linear.gather [hbm4b:s2+s4], $0x80, $0x38;
	[tilespmem:$0x10A00] =	vst v63  }
0x1ff: {  	s22 =	sadd.s32 s6, s7  }
0x200: {  	[tilespmem:s12], [sflag:$0x1] =	stream.linear.gather [hbm4b:s22+s4], $0x80, $0x38;
	[tilespmem:$0x10A00] =	vst v63  }
0x201: {  	s8 =	spop (v2sf)  }
0x202: {  	s25 =	sand.u32 $0x1FFFFFF0, s8;
	s26 =	spop (v2sf)  }
0x203: {  	s28 =	sadd.s32 s5, s25;
	s31 =	sand.u32 $0x1FFFFFF0, s26;
	s0 =	spop (v2sf)  }
0x204: {  	[tilespmem:s14], [sflag:$0x1] =	stream.linear.gather [hbm4b:s28+s4], $0x80, $0x38;
	[tilespmem:$0x10A00] =	vst v63  }
0x205: {  	s8 =	sadd.s32 s6, s31;
	s9 =	sand.u32 $0x1FFFFFF0, s0;
	s11 =	spop (v2sf)  }
0x206: {  	[tilespmem:s10], [sflag:$0x1] =	stream.linear.gather [hbm4b:s8+s4], $0x80, $0x38;
	[tilespmem:$0x10A00] =	vst v63  }
0x207: {  	s12 =	sadd.s32 s5, s9;
	s13 =	sand.u32 $0x1FFFFFF0, s11;
	s14 =	spop (v2sf)  }
0x208: {  	[tilespmem:s1], [sflag:$0x1] =	stream.linear.gather [hbm4b:s12+s4], $0x80, $0x38;
	[tilespmem:$0x10A00] =	vst v63  }
0x209: {  	s15 =	sadd.s32 s6, s13;
	s17 =	sand.u32 $0x1FFFFFF0, s14;
	s18 =	spop (v2sf)  }
0x20a: {  	[tilespmem:s16], [sflag:$0x1] =	stream.linear.gather [hbm4b:s15+s4], $0x80, $0x38;
	[tilespmem:$0x10A00] =	vst v63  }
0x20b: {  	s0 =	sadd.s32 $0xF80, s23;
	s19 =	sadd.s32 s5, s17;
	s20 =	sand.u32 $0x1FFFFFF0, s18  }
0x20c: {  	[tilespmem:s0], [sflag:$0x1] =	stream.linear.gather [hbm4b:s19+s4], $0x80, $0x38;
	[tilespmem:$0x10A00] =	vst v63  }
0x20d: {  	s22 =	sadd.s32 $0x8F80, s23;
	s23 =	sadd.s32 s6, s20  }
0x20e: {  	[tilespmem:s22], [sflag:$0x1] =	stream.linear.gather [hbm4b:s23+s4], $0x80, $0x38;
	[tilespmem:$0x10A00] =	vst v63  }
0x20f: {  	v5 =	vld [tilespmem:s30+$0x0]  }
0x210: {  	v7 =	vld [tilespmem:s29+$0x0];
	_ =	sdelay $0x3  }
0x211: {  	v6 =	vshll.u32 v5, $0x4  }
0x212: {  	s25 =	smov.u32 s24;
	v5 =	vshll.u32 v7, $0x4;
	(v2sf) =	vpush v6, $0x0  }
0x213: {  	p0 =	sne.s32 s24, $0xE000;
	s24 =	sadd.s32 $0x2000, s24;
	s23 =	sshra.s32 s25, $0x2;
	(v2sf) =	vpush v5, $0x0  }
0x214: {  	s15 =	sadd.s32 $0x8800, s23;
	s0 =	sadd.s32 $0xA80, s23;
	s26 =	sadd.s32 $0xC80, s23;
	(v2sf) =	vpush v6, $0x1  }
0x215: {  	s18 =	sadd.s32 $0x800, s23;
	s2 =	sadd.s32 $0xA00, s23;
	s28 =	sadd.s32 $0x8D00, s23  }
0x216: {  	s8 =	sadd.s32 $0x980, s23;
	s7 =	sadd.s32 $0x8980, s23;
	s31 =	sadd.s32 $0x8E00, s23;
	(v2sf) =	vpush v5, $0x1  }
0x217: {  	s10 =	sadd.s32 $0x900, s23;
	s25 =	sadd.s32 $0x8A00, s23;
	s14 =	sadd.s32 $0xE80, s23  }
0x218: {  	s9 =	sadd.s32 $0x8900, s23;
	s13 =	sadd.s32 $0xB00, s23;
	[smem:$0x7EF] =	sst s0;
	(v2sf) =	vpush v6, $0x2  }
0x219: {  	s1 =	sadd.s32 $0x8D80, s23;
	s12 =	sadd.s32 $0x8B00, s23;
	[dreg:$0x10] =	wrdreg s26  }
0x21a: {  	s3 =	sadd.s32 $0x8C80, s23;
	s11 =	sadd.s32 $0xD00, s23;
	[dreg:$0x8] =	wrdreg s28;
	(v2sf) =	vpush v5, $0x2  }
0x21b: {  	s22 =	sadd.s32 $0xB80, s23;
	s16 =	sadd.s32 $0x8C00, s23;
	[smem:$0x7F0] =	sst s31  }
0x21c: {  	s19 =	sadd.s32 $0x8B80, s23;
	s17 =	sadd.s32 $0xC00, s23;
	[dreg:$0xc] =	wrdreg s1;
	(v2sf) =	vpush v6, $0x3  }
0x21d: {  	s29 =	sadd.s32 $0x10, s29;
	s30 =	sadd.s32 $0x10, s30;
	[dreg:$0x18] =	wrdreg s3  }
0x21e: {  	s26 =	sadd.s32 $0x8880, s23;
	s31 =	sadd.s32 $0x8A80, s23;
	[dreg:$0x14] =	wrdreg s11;
	(v2sf) =	vpush v5, $0x3  }
0x21f: {  	s0 =	sadd.s32 $0x8E80, s23;
	[smem:$0x7F2] =	sst s16;
	s3 =	sadd.s32 $0xE00, s23  }
0x220: {  	s28 =	sadd.s32 $0x880, s23;
	[smem:$0x7F1] =	sst s17;
	s1 =	sadd.s32 $0xF00, s23;
	(v2sf) =	vpush v6, $0x4  }
0x221: {  	s16 =	sadd.s32 $0x8F00, s23;
	s17 =	sadd.s32 $0xD80, s23;
	s11 =	spop (v2sf)  }
0x222: {  	[dreg:$0x1c] =	wrdreg s17;
	s11 =	sand.u32 $0x1FFFFFF0, s11;
	s20 =	spop (v2sf);
	(v2sf) =	vpush v5, $0x4  }
0x223: {  	s11 =	sadd.s32 s5, s11;
	s17 =	sand.u32 $0x1FFFFFF0, s20;
	s20 =	spop (v2sf)  }
0x224: {  	(v2sf) =	vpush v6, $0x5;
	[tilespmem:s18], [sflag:$0x1] =	stream.linear.gather [hbm4b:s11+s4], $0x80, $0x38;
	[tilespmem:$0x10A00] =	vst v63  }
0x225: {  	s17 =	sadd.s32 s6, s17;
	s18 =	sand.u32 $0x1FFFFFF0, s20;
	s20 =	spop (v2sf);
	(v2sf) =	vpush v5, $0x5  }
0x226: {  	[tilespmem:s15], [sflag:$0x1] =	stream.linear.gather [hbm4b:s17+s4], $0x80, $0x38;
	[tilespmem:$0x10A00] =	vst v63  }
0x227: {  	s17 =	sadd.s32 s5, s18;
	s18 =	sand.u32 $0x1FFFFFF0, s20;
	s20 =	spop (v2sf);
	(v2sf) =	vpush v6, $0x6  }
0x228: {  	[tilespmem:s28], [sflag:$0x1] =	stream.linear.gather [hbm4b:s17+s4], $0x80, $0x38;
	[tilespmem:$0x10A00] =	vst v63  }
0x229: {  	s18 =	sadd.s32 s6, s18;
	s20 =	sand.u32 $0x1FFFFFF0, s20;
	s28 =	spop (v2sf);
	(v2sf) =	vpush v5, $0x6  }
0x22a: {  	[tilespmem:s26], [sflag:$0x1] =	stream.linear.gather [hbm4b:s18+s4], $0x80, $0x38;
	[tilespmem:$0x10A00] =	vst v63  }
0x22b: {  	s15 =	sadd.s32 s5, s20;
	s17 =	sand.u32 $0x1FFFFFF0, s28;
	s18 =	spop (v2sf);
	(v2sf) =	vpush v6, $0x7  }
0x22c: {  	[tilespmem:s10], [sflag:$0x1] =	stream.linear.gather [hbm4b:s15+s4], $0x80, $0x38;
	[tilespmem:$0x10A00] =	vst v63  }
0x22d: {  	s20 =	sadd.s32 s6, s17;
	s26 =	sand.u32 $0x1FFFFFF0, s18;
	s28 =	spop (v2sf)  }
0x22e: {  	[tilespmem:s9], [sflag:$0x1] =	stream.linear.gather [hbm4b:s20+s4], $0x80, $0x38;
	[tilespmem:$0x10A00] =	vst v63  }
0x22f: {  	(v2sf) =	vpush v5, $0x7;
	s10 =	sadd.s32 s5, s26;
	s11 =	sand.u32 $0x1FFFFFF0, s28;
	s15 =	spop (v2sf)  }
0x230: {  	[tilespmem:s8], [sflag:$0x1] =	stream.linear.gather [hbm4b:s10+s4], $0x80, $0x38;
	[tilespmem:$0x10A00] =	vst v63  }
0x231: {  	(v2sf) =	vpush v6, $0x8;
	s17 =	sadd.s32 s6, s11;
	s18 =	sand.u32 $0x1FFFFFF0, s15;
	s20 =	spop (v2sf)  }
0x232: {  	[tilespmem:s7], [sflag:$0x1] =	stream.linear.gather [hbm4b:s17+s4], $0x80, $0x38;
	[tilespmem:$0x10A00] =	vst v63  }
0x233: {  	s26 =	sadd.s32 s5, s18;
	s10 =	smov.u32 s0;
	s0 =	spop (v2sf)  }
0x234: {  	s18 =	sld [smem:$0x7EF];
	(v2sf) =	vpush v5, $0x8;
	s28 =	sand.u32 $0x1FFFFFF0, s20;
	s9 =	spop (v2sf)  }
0x235: {  	(v2sf) =	vpush v6, $0x9;
	[tilespmem:s2], [sflag:$0x1] =	stream.linear.gather [hbm4b:s26+s4], $0x80, $0x38;
	[tilespmem:$0x10A00] =	vst v63  }
0x236: {  	s7 =	sadd.s32 s6, s28;
	s8 =	sand.u32 $0x1FFFFFF0, s0;
	s17 =	spop (v2sf)  }
0x237: {  	(v2sf) =	vpush v5, $0x9;
	[tilespmem:s25], [sflag:$0x1] =	stream.linear.gather [hbm4b:s7+s4], $0x80, $0x38;
	[tilespmem:$0x10A00] =	vst v63  }
0x238: {  	s11 =	sadd.s32 s5, s8;
	s15 =	sand.u32 $0x1FFFFFF0, s9;
	s26 =	spop (v2sf)  }
0x239: {  	[tilespmem:s18], [sflag:$0x1] =	stream.linear.gather [hbm4b:s11+s4], $0x80, $0x38;
	[tilespmem:$0x10A00] =	vst v63  }
0x23a: {  	s20 =	sadd.s32 s6, s15;
	s25 =	sand.u32 $0x1FFFFFF0, s17;
	s0 =	spop (v2sf)  }
0x23b: {  	(v2sf) =	vpush v6, $0xA;
	[tilespmem:s31], [sflag:$0x1] =	stream.linear.gather [hbm4b:s20+s4], $0x80, $0x38;
	[tilespmem:$0x10A00] =	vst v63  }
0x23c: {  	s28 =	sadd.s32 s5, s25;
	s31 =	sand.u32 $0x1FFFFFF0, s26;
	s11 =	sand.u32 $0x1FFFFFF0, s0  }
0x23d: {  	(v2sf) =	vpush v5, $0xA;
	[tilespmem:s13], [sflag:$0x1] =	stream.linear.gather [hbm4b:s28+s4], $0x80, $0x38;
	[tilespmem:$0x10A00] =	vst v63  }
0x23e: {  	s9 =	sadd.s32 s6, s31;
	s15 =	sadd.s32 s5, s11;
	s13 =	spop (v2sf)  }
0x23f: {  	(v2sf) =	vpush v6, $0xB;
	[tilespmem:s12], [sflag:$0x1] =	stream.linear.gather [hbm4b:s9+s4], $0x80, $0x38;
	[tilespmem:$0x10A00] =	vst v63  }
0x240: {  	s17 =	sand.u32 $0x1FFFFFF0, s13;
	s18 =	spop (v2sf);
	s12 =	sld [smem:$0x7F0]  }
0x241: {  	[tilespmem:s22], [sflag:$0x1] =	stream.linear.gather [hbm4b:s15+s4], $0x80, $0x38;
	[tilespmem:$0x10A00] =	vst v63  }
0x242: {  	s20 =	sadd.s32 s6, s17;
	s9 =	sld [smem:$0x7F1];
	s22 =	sand.u32 $0x1FFFFFF0, s18  }
0x243: {  	(v2sf) =	vpush v5, $0xB;
	s17 =	sld [smem:$0x7F2];
	s25 =	spop (v2sf);
	s26 =	sadd.s32 s5, s22  }
0x244: {  	(v2sf) =	vpush v6, $0xC;
	s28 =	sand.u32 $0x1FFFFFF0, s25;
	s31 =	spop (v2sf);
	s22 =	rddreg [dreg:$0x10]  }
0x245: {  	[tilespmem:s19], [sflag:$0x1] =	stream.linear.gather [hbm4b:s20+s4], $0x80, $0x38;
	[tilespmem:$0x10A00] =	vst v63  }
0x246: {  	(v2sf) =	vpush v5, $0xC;
	s11 =	sadd.s32 s6, s28;
	s13 =	sand.u32 $0x1FFFFFF0, s31;
	s15 =	spop (v2sf)  }
0x247: {  	[tilespmem:s9], [sflag:$0x1] =	stream.linear.gather [hbm4b:s26+s4], $0x80, $0x38;
	[tilespmem:$0x10A00] =	vst v63  }
0x248: {  	s31 =	rddreg [dreg:$0x18];
	s18 =	sadd.s32 s5, s13;
	s19 =	sand.u32 $0x1FFFFFF0, s15  }
0x249: {  	[tilespmem:s17], [sflag:$0x1] =	stream.linear.gather [hbm4b:s11+s4], $0x80, $0x38;
	[tilespmem:$0x10A00] =	vst v63  }
0x24a: {  	s13 =	rddreg [dreg:$0x14];
	s20 =	spop (v2sf);
	s25 =	sadd.s32 s6, s19  }
0x24b: {  	[tilespmem:s22], [sflag:$0x1] =	stream.linear.gather [hbm4b:s18+s4], $0x80, $0x38;
	[tilespmem:$0x10A00] =	vst v63  }
0x24c: {  	s19 =	rddreg [dreg:$0x8];
	s26 =	sand.u32 $0x1FFFFFF0, s20;
	s28 =	spop (v2sf)  }
0x24d: {  	[tilespmem:s31], [sflag:$0x1] =	stream.linear.gather [hbm4b:s25+s4], $0x80, $0x38;
	[tilespmem:$0x10A00] =	vst v63  }
0x24e: {  	s7 =	sadd.s32 s5, s26;
	s9 =	sand.u32 $0x1FFFFFF0, s28;
	s11 =	spop (v2sf)  }
0x24f: {  	[tilespmem:s13], [sflag:$0x1] =	stream.linear.gather [hbm4b:s7+s4], $0x80, $0x38;
	[tilespmem:$0x10A00] =	vst v63  }
0x250: {  	s26 =	rddreg [dreg:$0x1c];
	s15 =	sadd.s32 s6, s9;
	s17 =	sand.u32 $0x1FFFFFF0, s11  }
0x251: {  	(v2sf) =	vpush v6, $0xD;
	[tilespmem:s19], [sflag:$0x1] =	stream.linear.gather [hbm4b:s15+s4], $0x80, $0x38;
	[tilespmem:$0x10A00] =	vst v63  }
.Ltmp4:
0x252: {  	(v2sf) =	vpush v5, $0xD;
	s20 =	sadd.s32 s5, s17;
	s18 =	spop (v2sf);
	(pc) =	sbr.rel @p0 .LBB2_10-.Ltmp4, $4  }
0x253: {  	(v2sf) =	vpush v6, $0xE;
	s31 =	rddreg [dreg:$0xc];
	s22 =	sand.u32 $0x1FFFFFF0, s18;
	s25 =	spop (v2sf)  }
0x254: {  	(v2sf) =	vpush v5, $0xE;
	[tilespmem:s26], [sflag:$0x1] =	stream.linear.gather [hbm4b:s20+s4], $0x80, $0x38;
	[tilespmem:$0x10A00] =	vst v63  }
0x255: {  	(v2sf) =	vpush v6, $0xF;
	s28 =	sadd.s32 s6, s22;
	s2 =	sand.u32 $0x1FFFFFF0, s25;
	s7 =	spop (v2sf)  }
0x256: {  	(v2sf) =	vpush v5, $0xF;
	[tilespmem:s31], [sflag:$0x1] =	stream.linear.gather [hbm4b:s28+s4], $0x80, $0x38;
	[tilespmem:$0x10A00] =	vst v63  }
0x257: {  	_ =	sdelay $0x4  }
0x258: {  	s2 =	sadd.s32 s5, s2;
	s7 =	sand.u32 $0x1FFFFFF0, s7  }
0x259: {  	[tilespmem:s3], [sflag:$0x1] =	stream.linear.gather [hbm4b:s2+s4], $0x80, $0x38;
	[tilespmem:$0x10A00] =	vst v63  }
0x25a: {  	s7 =	sadd.s32 s6, s7  }
0x25b: {  	[tilespmem:s12], [sflag:$0x1] =	stream.linear.gather [hbm4b:s7+s4], $0x80, $0x38;
	[tilespmem:$0x10A00] =	vst v63  }
0x25c: {  	s8 =	spop (v2sf)  }
0x25d: {  	s8 =	sand.u32 $0x1FFFFFF0, s8;
	s9 =	spop (v2sf)  }
0x25e: {  	s11 =	sadd.s32 s5, s8;
	s12 =	sand.u32 $0x1FFFFFF0, s9;
	s13 =	spop (v2sf)  }
0x25f: {  	[tilespmem:s14], [sflag:$0x1] =	stream.linear.gather [hbm4b:s11+s4], $0x80, $0x38;
	[tilespmem:$0x10A00] =	vst v63  }
0x260: {  	s14 =	sadd.s32 s6, s12;
	s15 =	sand.u32 $0x1FFFFFF0, s13;
	s17 =	spop (v2sf)  }
0x261: {  	[tilespmem:s10], [sflag:$0x1] =	stream.linear.gather [hbm4b:s14+s4], $0x80, $0x38;
	[tilespmem:$0x10A00] =	vst v63  }
0x262: {  	s18 =	sadd.s32 s5, s15;
	s19 =	sand.u32 $0x1FFFFFF0, s17;
	s20 =	spop (v2sf)  }
0x263: {  	[tilespmem:s1], [sflag:$0x1] =	stream.linear.gather [hbm4b:s18+s4], $0x80, $0x38;
	[tilespmem:$0x10A00] =	vst v63  }
0x264: {  	s22 =	sadd.s32 s6, s19;
	s24 =	sand.u32 $0x1FFFFFF0, s20;
	s25 =	spop (v2sf)  }
0x265: {  	[tilespmem:s16], [sflag:$0x1] =	stream.linear.gather [hbm4b:s22+s4], $0x80, $0x38;
	[tilespmem:$0x10A00] =	vst v63  }
0x266: {  	s0 =	sadd.s32 $0xF80, s23;
	s26 =	sadd.s32 s5, s24;
	s28 =	sand.u32 $0x1FFFFFF0, s25  }
0x267: {  	[tilespmem:s0], [sflag:$0x1] =	stream.linear.gather [hbm4b:s26+s4], $0x80, $0x38;
	[tilespmem:$0x10A00] =	vst v63  }
0x268: {  	s29 =	sadd.s32 $0x8F80, s23;
	s31 =	simm.s32 $0x2;
	s30 =	sadd.s32 s6, s28  }
0x269: {  	[tilespmem:s29], [sflag:$0x1] =	stream.linear.gather [hbm4b:s30+s4], $0x80, $0x38;
	[tilespmem:$0x10A00] =	vst v63  }
0x26a: {  	_ =	swait.ge [sflag:s31], $0x4000  }
0x26b: {  	[sflag:s31] =	ssyncset.done $0x0  }
0x26c: {  	[sflag:s31] =	ssyncadd.s32 $0xFFFFC000  }
0x26d: {  	s3 =	simm.s32 $0x400;
	s7 =	simm.s32 $0x600;
	_ =	swait.ge [sflag:s31], $0x4000  }
0x26e: {  	s8 =	simm.s32 $0x10800;
	s9 =	simm.s32 $0x4800;
	[sflag:s31] =	ssyncset.done $0x0  }
0x26f: {  	s1 =	simm.s32 $0x0;
	s0 =	simm.s32 $0x0;
	[sflag:s31] =	ssyncadd.s32 $0xFFFFC000  }
.LBB2_12:
0x270: {  	s2 =	sshll.u32 s1, $0x4  }
0x271: {  	v5 =	vmov s2  }
0x272: {  	v7 =	vadd.s32 s0, v0;
	v6 =	vshll.u32 v5, $0x7  }
0x273: {  	v7 =	vand.u32 $0x3F, v7;
	v6 =	vor.u32 v1, v6  }
0x274: {  	v10 =	vor.u32 v6, v7;
	_ =	sdelay $0x1  }
0x275: {  	s31 =	simm.s32 $0x1  }
0x276: {  	v7 =	vadd.s32 s31, v0  }
0x277: {  	v9 =	vand.u32 $0x3F, v7  }
0x278: {  	v9 =	vor.u32 v6, v9;
	v8 =	vld.idx.msk [tilespmem:v10+s9+$0x0], $0xffff  }
0x279: {  	v10 =	vld.idx.msk [tilespmem:v10+s21+$0x0], $0xffff  }
0x27a: {  	s2 =	simm.s32 $0x2;
	v7 =	vimm.f32 $0.0e+00  }
.LBB2_13:
0x27b: {  	p0 =	sne.s32 s2, $0x3F  }
.Ltmp5:
0x27c: {  	v11 =	vadd.s32 s2, v0;
	(pc) =	sbr.rel @p0 .LBB2_13-.Ltmp5, $3  }
0x27d: {  	s2 =	sadd.s32 $0x1, s2;
	v11 =	vand.u32 $0x3F, v11;
	v12 =	vmov v8;
	v8 =	vld.idx.msk [tilespmem:v9+s9+$0x0], $0xffff  }
0x27e: {  	v12 =	vmul.f32 v10, v12;
	v10 =	vld.idx.msk [tilespmem:v9+s21+$0x0], $0xffff;
	v9 =	vor.u32 v6, v11;
	_ =	sdelay $0x1  }
0x27f: {  	v7 =	vadd.f32 v12, v7  }
0x280: {  	_ =	sdelay $0x3  }
0x281: {  	v6 =	vld.idx.msk [tilespmem:v9+s9+$0x0], $0xffff;
	v5 =	vor.u32 v2, v5  }
0x282: {  	v61 =	vld.idx.msk [tilespmem:v9+s21+$0x0], $0xffff;
	_ =	sdelay $0x2  }
0x283: {  	v8 =	vmul.f32 v10, v8  }
0x284: {  	v62 =	vld.idx.msk [tilespmem:v5+s3+$0x0], $0xffff  }
0x285: {  	v7 =	vadd.f32 v8, v7;
	v6 =	vmul.f32 v61, v6  }
0x286: {  	v63 =	vld.idx.msk [tilespmem:v5+s7+$0x0], $0xffff  }
0x287: {  	v6 =	vadd.f32 v6, v7;
	_ =	sdelay $0x1  }
0x288: {  	v6 =	vadd.f32 v62, v6;
	_ =	sdelay $0x1  }
0x289: {  	v6 =	vadd.f32 v63, v6;
	_ =	sdelay $0x1  }
0x28a: {  	v6 =	vsub.f32 $0.0e+00, v6;
	_ =	sdelay $0x1  }
0x28b: {  	v6 =	vmul.f32 $1.442695020e+00, v6;
	_ =	sdelay $0x1  }
0x28c: {  	(erf) = vpow2.f32 v6;
	_ =	sdelay $0x8  }
0x28d: {  	v6 =	vpop (erf)  }
0x28e: {  	v6 =	vadd.f32 $1.000000000e+00, v6;
	_ =	sdelay $0x1  }
0x28f: {  	(erf) = vrcp.f32 v6;
	_ =	sdelay $0x7  }
0x290: {  	s1 =	sadd.s32 $0x1, s1  }
0x291: {  	p0 =	sne.s32 s1, $0x8;
	v6 =	vpop (erf)  }
.Ltmp6:
0x292: {  	v6 =	vmul.f32 $6.000000000e+00, v6;
	(pc) =	sbr.rel @p0 .LBB2_12-.Ltmp6, $3  }
0x293: {  	_ = 	snop  }
0x294: {  	v6 =	vadd.f32 $-5.000000000e-01, v6;
	_ =	sdelay $0x1  }
0x295: {  	[tilespmem:v5+s8+$0x0] =	vst.idx.msk $0xffff, v6  }
0x296: {  	s0 =	simm.s32 $0x180  }
0x297: {  	s26 =	simm.s32 $0x380;
	v5 =	vld [tilespmem:s0+$0x0]  }
0x298: {  	v7 =	vld [tilespmem:s26+$0x0];
	_ =	sdelay $0x3  }
0x299: {  	v6 =	vshll.u32 v5, $0x4  }
0x29a: {  	v5 =	vshll.u32 v7, $0x4;
	(v2sf) =	vpush v6, $0x0  }
0x29b: {  	(v2sf) =	vpush v5, $0x0  }
0x29c: {  	(v2sf) =	vpush v6, $0x1;
	_ =	sdelay $0x2  }
0x29d: {  	(v2sf) =	vpush v5, $0x1;
	_ =	sdelay $0x1  }
0x29e: {  	(v2sf) =	vpush v6, $0x2;
	_ =	sdelay $0x1  }
0x29f: {  	(v2sf) =	vpush v5, $0x2;
	_ =	sdelay $0x1  }
0x2a0: {  	s24 =	simm.s32 $0x2000;
	(v2sf) =	vpush v6, $0x3  }
0x2a1: {  	s23 =	simm.s32 $0x0;
	s3 =	simm.s32 $0xC800;
	s2 =	simm.s32 $0x4A80  }
0x2a2: {  	s1 =	simm.s32 $0x4C80;
	s7 =	simm.s32 $0x4800;
	s9 =	simm.s32 $0x4A00  }
0x2a3: {  	s10 =	simm.s32 $0x4980;
	s13 =	simm.s32 $0xC880;
	s15 =	simm.s32 $0x4900  }
0x2a4: {  	s18 =	simm.s32 $0xC900;
	s29 =	simm.s32 $0x390;
	s8 =	spop (v2sf);
	(v2sf) =	vpush v5, $0x3  }
0x2a5: {  	s30 =	simm.s32 $0x190;
	s8 =	sand.u32 $0x1FFFFFF0, s8;
	s11 =	spop (v2sf)  }
0x2a6: {  	s0 =	simm.s32 $0xCD00;
	(v2sf) =	vpush v6, $0x4;
	s8 =	sadd.s32 s5, s8;
	s31 =	spop (v2sf)  }
0x2a7: {  	[tilespmem:s7], [sflag:$0x2] =	stream.linear.gather [hbm4b:s8+s4], $0x80, $0x38;
	[tilespmem:$0x10A00] =	vst v63  }
0x2a8: {  	s26 =	simm.s32 $0xCA00;
	s28 =	sand.u32 $0x1FFFFFF0, s11;
	s11 =	sand.u32 $0x1FFFFFF0, s31  }
0x2a9: {  	(v2sf) =	vpush v5, $0x4;
	s8 =	sadd.s32 s6, s28;
	s12 =	spop (v2sf);
	s11 =	sadd.s32 s5, s11  }
0x2aa: {  	(v2sf) =	vpush v6, $0x5;
	[tilespmem:s3], [sflag:$0x2] =	stream.linear.gather [hbm4b:s8+s4], $0x80, $0x38;
	[tilespmem:$0x10A00] =	vst v63  }
0x2ab: {  	s12 =	sand.u32 $0x1FFFFFF0, s12;
	s14 =	spop (v2sf);
	(v2sf) =	vpush v5, $0x5;
	s8 =	simm.s32 $0x4880  }
0x2ac: {  	[tilespmem:s8], [sflag:$0x2] =	stream.linear.gather [hbm4b:s11+s4], $0x80, $0x38;
	[tilespmem:$0x10A00] =	vst v63  }
0x2ad: {  	s16 =	spop (v2sf);
	s11 =	sadd.s32 s6, s12;
	s8 =	sand.u32 $0x1FFFFFF0, s14  }
0x2ae: {  	[tilespmem:s13], [sflag:$0x2] =	stream.linear.gather [hbm4b:s11+s4], $0x80, $0x38;
	[tilespmem:$0x10A00] =	vst v63  }
0x2af: {  	(v2sf) =	vpush v6, $0x6;
	s17 =	spop (v2sf);
	s8 =	sadd.s32 s5, s8;
	s11 =	sand.u32 $0x1FFFFFF0, s16  }
0x2b0: {  	[tilespmem:s15], [sflag:$0x2] =	stream.linear.gather [hbm4b:s8+s4], $0x80, $0x38;
	[tilespmem:$0x10A00] =	vst v63  }
0x2b1: {  	s7 =	simm.s32 $0xC980;
	(v2sf) =	vpush v5, $0x6;
	s20 =	sand.u32 $0x1FFFFFF0, s17;
	s19 =	sadd.s32 s6, s11  }
0x2b2: {  	[tilespmem:s18], [sflag:$0x2] =	stream.linear.gather [hbm4b:s19+s4], $0x80, $0x38;
	[tilespmem:$0x10A00] =	vst v63  }
0x2b3: {  	s12 =	simm.s32 $0xCE00;
	s25 =	sadd.s32 s5, s20;
	s22 =	spop (v2sf)  }
0x2b4: {  	[tilespmem:s10], [sflag:$0x2] =	stream.linear.gather [hbm4b:s25+s4], $0x80, $0x38;
	[tilespmem:$0x10A00] =	vst v63  }
0x2b5: {  	s14 =	simm.s32 $0x4E80;
	(v2sf) =	vpush v6, $0x7;
	s3 =	sand.u32 $0x1FFFFFF0, s22;
	s28 =	spop (v2sf)  }
0x2b6: {  	s17 =	simm.s32 $0x4B00;
	s3 =	sadd.s32 s6, s3;
	s10 =	sand.u32 $0x1FFFFFF0, s28  }
0x2b7: {  	[tilespmem:s7], [sflag:$0x2] =	stream.linear.gather [hbm4b:s3+s4], $0x80, $0x38;
	[tilespmem:$0x10A00] =	vst v63  }
0x2b8: {  	s15 =	simm.s32 $0xCA80;
	(v2sf) =	vpush v5, $0x7;
	s31 =	spop (v2sf);
	s10 =	sadd.s32 s5, s10  }
0x2b9: {  	(v2sf) =	vpush v6, $0x8;
	s13 =	sand.u32 $0x1FFFFFF0, s31;
	s16 =	spop (v2sf);
	s31 =	simm.s32 $0xCB00  }
0x2ba: {  	s7 =	sadd.s32 s6, s13;
	s18 =	sand.u32 $0x1FFFFFF0, s16;
	s19 =	spop (v2sf)  }
0x2bb: {  	(v2sf) =	vpush v5, $0x8;
	[tilespmem:s9], [sflag:$0x2] =	stream.linear.gather [hbm4b:s10+s4], $0x80, $0x38;
	[tilespmem:$0x10A00] =	vst v63  }
0x2bc: {  	s13 =	simm.s32 $0x4B80;
	s8 =	sadd.s32 s5, s18;
	s9 =	sand.u32 $0x1FFFFFF0, s19  }
0x2bd: {  	(v2sf) =	vpush v6, $0x9;
	[tilespmem:s26], [sflag:$0x2] =	stream.linear.gather [hbm4b:s7+s4], $0x80, $0x38;
	[tilespmem:$0x10A00] =	vst v63  }
0x2be: {  	s20 =	spop (v2sf);
	s10 =	simm.s32 $0xCE80;
	s19 =	simm.s32 $0x4C00  }
0x2bf: {  	(v2sf) =	vpush v5, $0x9;
	[tilespmem:s2], [sflag:$0x2] =	stream.linear.gather [hbm4b:s8+s4], $0x80, $0x38;
	[tilespmem:$0x10A00] =	vst v63  }
0x2c0: {  	s22 =	sadd.s32 s6, s9;
	s25 =	sand.u32 $0x1FFFFFF0, s20;
	s26 =	spop (v2sf)  }
0x2c1: {  	(v2sf) =	vpush v6, $0xA;
	[tilespmem:s15], [sflag:$0x2] =	stream.linear.gather [hbm4b:s22+s4], $0x80, $0x38;
	[tilespmem:$0x10A00] =	vst v63  }
0x2c2: {  	s28 =	sadd.s32 s5, s25;
	s25 =	simm.s32 $0xCC00;
	s3 =	sand.u32 $0x1FFFFFF0, s26  }
0x2c3: {  	(v2sf) =	vpush v5, $0xA;
	[tilespmem:s17], [sflag:$0x2] =	stream.linear.gather [hbm4b:s28+s4], $0x80, $0x38;
	[tilespmem:$0x10A00] =	vst v63  }
0x2c4: {  	s2 =	simm.s32 $0xCD80;
	s3 =	sadd.s32 s6, s3;
	s9 =	spop (v2sf)  }
0x2c5: {  	(v2sf) =	vpush v6, $0xB;
	[tilespmem:s31], [sflag:$0x2] =	stream.linear.gather [hbm4b:s3+s4], $0x80, $0x38;
	[tilespmem:$0x10A00] =	vst v63  }
0x2c6: {  	s17 =	simm.s32 $0xCB80;
	s31 =	simm.s32 $0xCC80;
	s8 =	sand.u32 $0x1FFFFFF0, s9  }
0x2c7: {  	s3 =	simm.s32 $0x4E00;
	s11 =	spop (v2sf);
	(v2sf) =	vpush v5, $0xB;
	s15 =	sadd.s32 s5, s8  }
0x2c8: {  	s16 =	sand.u32 $0x1FFFFFF0, s11;
	s18 =	spop (v2sf);
	s11 =	simm.s32 $0x4D00  }
0x2c9: {  	[tilespmem:s13], [sflag:$0x2] =	stream.linear.gather [hbm4b:s15+s4], $0x80, $0x38;
	[tilespmem:$0x10A00] =	vst v63  }
0x2ca: {  	s8 =	sadd.s32 s6, s16;
	s7 =	sand.u32 $0x1FFFFFF0, s18;
	s20 =	spop (v2sf)  }
0x2cb: {  	(v2sf) =	vpush v6, $0xC;
	[tilespmem:s17], [sflag:$0x2] =	stream.linear.gather [hbm4b:s8+s4], $0x80, $0x38;
	[tilespmem:$0x10A00] =	vst v63  }
0x2cc: {  	s7 =	sadd.s32 s5, s7;
	s22 =	spop (v2sf);
	s8 =	sand.u32 $0x1FFFFFF0, s20  }
0x2cd: {  	(v2sf) =	vpush v5, $0xC;
	[tilespmem:s19], [sflag:$0x2] =	stream.linear.gather [hbm4b:s7+s4], $0x80, $0x38;
	[tilespmem:$0x10A00] =	vst v63  }
0x2ce: {  	s28 =	sand.u32 $0x1FFFFFF0, s22;
	s9 =	spop (v2sf);
	s26 =	sadd.s32 s6, s8  }
0x2cf: {  	[tilespmem:s25], [sflag:$0x2] =	stream.linear.gather [hbm4b:s26+s4], $0x80, $0x38;
	[tilespmem:$0x10A00] =	vst v63  }
0x2d0: {  	s8 =	sadd.s32 s5, s28;
	s13 =	spop (v2sf);
	s7 =	sand.u32 $0x1FFFFFF0, s9  }
0x2d1: {  	[tilespmem:s1], [sflag:$0x2] =	stream.linear.gather [hbm4b:s8+s4], $0x80, $0x38;
	[tilespmem:$0x10A00] =	vst v63  }
0x2d2: {  	s15 =	spop (v2sf);
	s7 =	sadd.s32 s6, s7;
	s8 =	sand.u32 $0x1FFFFFF0, s13  }
0x2d3: {  	[tilespmem:s31], [sflag:$0x2] =	stream.linear.gather [hbm4b:s7+s4], $0x80, $0x38;
	[tilespmem:$0x10A00] =	vst v63  }
0x2d4: {  	s17 =	sand.u32 $0x1FFFFFF0, s15;
	s16 =	sadd.s32 s5, s8;
	s18 =	spop (v2sf)  }
0x2d5: {  	[tilespmem:s11], [sflag:$0x2] =	stream.linear.gather [hbm4b:s16+s4], $0x80, $0x38;
	[tilespmem:$0x10A00] =	vst v63  }
0x2d6: {  	s19 =	sadd.s32 s6, s17;
	s20 =	sand.u32 $0x1FFFFFF0, s18;
	s22 =	spop (v2sf)  }
0x2d7: {  	(v2sf) =	vpush v6, $0xD;
	[tilespmem:s0], [sflag:$0x2] =	stream.linear.gather [hbm4b:s19+s4], $0x80, $0x38;
	[tilespmem:$0x10A00] =	vst v63  }
0x2d8: {  	s25 =	simm.s32 $0x4D80;
	(v2sf) =	vpush v5, $0xD;
	s26 =	sadd.s32 s5, s20;
	s7 =	sand.u32 $0x1FFFFFF0, s22  }
0x2d9: {  	(v2sf) =	vpush v6, $0xE;
	[tilespmem:s25], [sflag:$0x2] =	stream.linear.gather [hbm4b:s26+s4], $0x80, $0x38;
	[tilespmem:$0x10A00] =	vst v63  }
0x2da: {  	s1 =	simm.s32 $0x4F00;
	s28 =	sadd.s32 s6, s7;
	(v2sf) =	vpush v5, $0xE;
	s31 =	spop (v2sf)  }
0x2db: {  	(v2sf) =	vpush v6, $0xF;
	[tilespmem:s2], [sflag:$0x2] =	stream.linear.gather [hbm4b:s28+s4], $0x80, $0x38;
	[tilespmem:$0x10A00] =	vst v63  }
0x2dc: {  	s16 =	simm.s32 $0xCF00;
	s7 =	spop (v2sf);
	(v2sf) =	vpush v5, $0xF;
	s2 =	sand.u32 $0x1FFFFFF0, s31  }
.LBB2_16:
0x2dd: {  	_ =	sdelay $0x4  }
0x2de: {  	s2 =	sadd.s32 s5, s2;
	s7 =	sand.u32 $0x1FFFFFF0, s7  }
0x2df: {  	[tilespmem:s3], [sflag:$0x2] =	stream.linear.gather [hbm4b:s2+s4], $0x80, $0x38;
	[tilespmem:$0x10A00] =	vst v63  }
0x2e0: {  	s18 =	sadd.s32 s6, s7  }
0x2e1: {  	[tilespmem:s12], [sflag:$0x2] =	stream.linear.gather [hbm4b:s18+s4], $0x80, $0x38;
	[tilespmem:$0x10A00] =	vst v63  }
0x2e2: {  	s8 =	spop (v2sf)  }
0x2e3: {  	s19 =	sand.u32 $0x1FFFFFF0, s8;
	s20 =	spop (v2sf)  }
0x2e4: {  	s22 =	sadd.s32 s5, s19;
	s25 =	sand.u32 $0x1FFFFFF0, s20;
	s26 =	spop (v2sf)  }
0x2e5: {  	[tilespmem:s14], [sflag:$0x2] =	stream.linear.gather [hbm4b:s22+s4], $0x80, $0x38;
	[tilespmem:$0x10A00] =	vst v63  }
0x2e6: {  	s28 =	sadd.s32 s6, s25;
	s31 =	sand.u32 $0x1FFFFFF0, s26;
	s0 =	spop (v2sf)  }
0x2e7: {  	[tilespmem:s10], [sflag:$0x2] =	stream.linear.gather [hbm4b:s28+s4], $0x80, $0x38;
	[tilespmem:$0x10A00] =	vst v63  }
0x2e8: {  	s3 =	sadd.s32 s5, s31;
	s8 =	sand.u32 $0x1FFFFFF0, s0;
	s9 =	spop (v2sf)  }
0x2e9: {  	[tilespmem:s1], [sflag:$0x2] =	stream.linear.gather [hbm4b:s3+s4], $0x80, $0x38;
	[tilespmem:$0x10A00] =	vst v63  }
0x2ea: {  	s10 =	sadd.s32 s6, s8;
	s11 =	sand.u32 $0x1FFFFFF0, s9;
	s12 =	spop (v2sf)  }
0x2eb: {  	[tilespmem:s16], [sflag:$0x2] =	stream.linear.gather [hbm4b:s10+s4], $0x80, $0x38;
	[tilespmem:$0x10A00] =	vst v63  }
0x2ec: {  	s0 =	sadd.s32 $0x4F80, s23;
	s13 =	sadd.s32 s5, s11;
	s14 =	sand.u32 $0x1FFFFFF0, s12  }
0x2ed: {  	[tilespmem:s0], [sflag:$0x2] =	stream.linear.gather [hbm4b:s13+s4], $0x80, $0x38;
	[tilespmem:$0x10A00] =	vst v63  }
0x2ee: {  	s15 =	sadd.s32 $0xCF80, s23;
	s16 =	sadd.s32 s6, s14  }
0x2ef: {  	[tilespmem:s15], [sflag:$0x2] =	stream.linear.gather [hbm4b:s16+s4], $0x80, $0x38;
	[tilespmem:$0x10A00] =	vst v63  }
0x2f0: {  	v5 =	vld [tilespmem:s30+$0x0]  }
0x2f1: {  	v7 =	vld [tilespmem:s29+$0x0];
	_ =	sdelay $0x3  }
0x2f2: {  	v6 =	vshll.u32 v5, $0x4  }
0x2f3: {  	s17 =	smov.u32 s24;
	v5 =	vshll.u32 v7, $0x4;
	(v2sf) =	vpush v6, $0x0  }
0x2f4: {  	p0 =	sne.s32 s24, $0xE000;
	s24 =	sadd.s32 $0x2000, s24;
	s23 =	sshra.s32 s17, $0x2;
	(v2sf) =	vpush v5, $0x0  }
0x2f5: {  	s18 =	sadd.s32 $0x4C80, s23;
	s17 =	sadd.s32 $0x4800, s23;
	s2 =	sadd.s32 $0x4A00, s23;
	(v2sf) =	vpush v6, $0x1  }
0x2f6: {  	s19 =	sadd.s32 $0xCD00, s23;
	s8 =	sadd.s32 $0x4980, s23;
	s7 =	sadd.s32 $0xC980, s23  }
0x2f7: {  	s20 =	sadd.s32 $0xCE00, s23;
	s25 =	sadd.s32 $0xCA00, s23;
	[dreg:$0x11] =	wrdreg s18;
	(v2sf) =	vpush v5, $0x1  }
0x2f8: {  	s26 =	sadd.s32 $0xC880, s23;
	s9 =	sadd.s32 $0xC900, s23;
	[dreg:$0x9] =	wrdreg s19  }
0x2f9: {  	s31 =	sadd.s32 $0xCA80, s23;
	s22 =	sadd.s32 $0xCD80, s23;
	[smem:$0x7EC] =	sst s20;
	(v2sf) =	vpush v6, $0x2  }
0x2fa: {  	s28 =	sadd.s32 $0xCC80, s23;
	[dreg:$0xd] =	wrdreg s22;
	s12 =	sadd.s32 $0xCB00, s23  }
0x2fb: {  	[dreg:$0x19] =	wrdreg s28;
	s22 =	sadd.s32 $0x4B80, s23;
	s11 =	sadd.s32 $0xCC00, s23;
	(v2sf) =	vpush v5, $0x2  }
0x2fc: {  	s18 =	sadd.s32 $0x4880, s23;
	s3 =	sadd.s32 $0x4D00, s23;
	[smem:$0x7EE] =	sst s11  }
0x2fd: {  	s19 =	sadd.s32 $0xCB80, s23;
	s11 =	sadd.s32 $0x4D80, s23;
	[dreg:$0x15] =	wrdreg s3;
	(v2sf) =	vpush v6, $0x3  }
0x2fe: {  	s1 =	sadd.s32 $0x4F00, s23;
	s3 =	sadd.s32 $0x4E00, s23;
	[dreg:$0x1d] =	wrdreg s11  }
0x2ff: {  	s10 =	sadd.s32 $0x4900, s23;
	s14 =	sadd.s32 $0x4E80, s23;
	s0 =	sadd.s32 $0x4A80, s23;
	(v2sf) =	vpush v5, $0x3  }
0x300: {  	s13 =	sadd.s32 $0x4B00, s23;
	[smem:$0x7EB] =	sst s0;
	s16 =	sadd.s32 $0x4C00, s23  }
0x301: {  	s0 =	sadd.s32 $0xCE80, s23;
	s15 =	sadd.s32 $0xC800, s23;
	[smem:$0x7ED] =	sst s16;
	(v2sf) =	vpush v6, $0x4  }
0x302: {  	s29 =	sadd.s32 $0x10, s29;
	s30 =	sadd.s32 $0x10, s30;
	s20 =	spop (v2sf)  }
0x303: {  	s16 =	sadd.s32 $0xCF00, s23;
	s20 =	sand.u32 $0x1FFFFFF0, s20;
	s28 =	spop (v2sf);
	(v2sf) =	vpush v5, $0x4  }
0x304: {  	s20 =	sadd.s32 s5, s20;
	s28 =	sand.u32 $0x1FFFFFF0, s28;
	s11 =	spop (v2sf)  }
0x305: {  	(v2sf) =	vpush v6, $0x5;
	[tilespmem:s17], [sflag:$0x2] =	stream.linear.gather [hbm4b:s20+s4], $0x80, $0x38;
	[tilespmem:$0x10A00] =	vst v63  }
0x306: {  	s20 =	sadd.s32 s6, s28;
	s11 =	sand.u32 $0x1FFFFFF0, s11;
	s28 =	spop (v2sf);
	(v2sf) =	vpush v5, $0x5  }
0x307: {  	[tilespmem:s15], [sflag:$0x2] =	stream.linear.gather [hbm4b:s20+s4], $0x80, $0x38;
	[tilespmem:$0x10A00] =	vst v63  }
0x308: {  	s11 =	sadd.s32 s5, s11;
	s20 =	sand.u32 $0x1FFFFFF0, s28;
	s28 =	spop (v2sf);
	(v2sf) =	vpush v6, $0x6  }
0x309: {  	[tilespmem:s18], [sflag:$0x2] =	stream.linear.gather [hbm4b:s11+s4], $0x80, $0x38;
	[tilespmem:$0x10A00] =	vst v63  }
0x30a: {  	s18 =	sadd.s32 s6, s20;
	s20 =	sand.u32 $0x1FFFFFF0, s28;
	s28 =	spop (v2sf);
	(v2sf) =	vpush v5, $0x6  }
0x30b: {  	[tilespmem:s26], [sflag:$0x2] =	stream.linear.gather [hbm4b:s18+s4], $0x80, $0x38;
	[tilespmem:$0x10A00] =	vst v63  }
0x30c: {  	s15 =	sadd.s32 s5, s20;
	s17 =	sand.u32 $0x1FFFFFF0, s28;
	s18 =	spop (v2sf);
	(v2sf) =	vpush v6, $0x7  }
0x30d: {  	[tilespmem:s10], [sflag:$0x2] =	stream.linear.gather [hbm4b:s15+s4], $0x80, $0x38;
	[tilespmem:$0x10A00] =	vst v63  }
0x30e: {  	s20 =	sadd.s32 s6, s17;
	s26 =	sand.u32 $0x1FFFFFF0, s18;
	s28 =	spop (v2sf)  }
0x30f: {  	[tilespmem:s9], [sflag:$0x2] =	stream.linear.gather [hbm4b:s20+s4], $0x80, $0x38;
	[tilespmem:$0x10A00] =	vst v63  }
0x310: {  	(v2sf) =	vpush v5, $0x7;
	s10 =	sadd.s32 s5, s26;
	s11 =	sand.u32 $0x1FFFFFF0, s28;
	s15 =	spop (v2sf)  }
0x311: {  	[tilespmem:s8], [sflag:$0x2] =	stream.linear.gather [hbm4b:s10+s4], $0x80, $0x38;
	[tilespmem:$0x10A00] =	vst v63  }
0x312: {  	(v2sf) =	vpush v6, $0x8;
	s17 =	sadd.s32 s6, s11;
	s18 =	sand.u32 $0x1FFFFFF0, s15;
	s20 =	spop (v2sf)  }
0x313: {  	[tilespmem:s7], [sflag:$0x2] =	stream.linear.gather [hbm4b:s17+s4], $0x80, $0x38;
	[tilespmem:$0x10A00] =	vst v63  }
0x314: {  	s26 =	sadd.s32 s5, s18;
	s10 =	smov.u32 s0;
	s0 =	spop (v2sf)  }
0x315: {  	s18 =	sld [smem:$0x7EB];
	(v2sf) =	vpush v5, $0x8;
	s28 =	sand.u32 $0x1FFFFFF0, s20;
	s9 =	spop (v2sf)  }
0x316: {  	(v2sf) =	vpush v6, $0x9;
	[tilespmem:s2], [sflag:$0x2] =	stream.linear.gather [hbm4b:s26+s4], $0x80, $0x38;
	[tilespmem:$0x10A00] =	vst v63  }
0x317: {  	s7 =	sadd.s32 s6, s28;
	s8 =	sand.u32 $0x1FFFFFF0, s0;
	s17 =	spop (v2sf)  }
0x318: {  	(v2sf) =	vpush v5, $0x9;
	[tilespmem:s25], [sflag:$0x2] =	stream.linear.gather [hbm4b:s7+s4], $0x80, $0x38;
	[tilespmem:$0x10A00] =	vst v63  }
0x319: {  	s11 =	sadd.s32 s5, s8;
	s15 =	sand.u32 $0x1FFFFFF0, s9;
	s26 =	spop (v2sf)  }
0x31a: {  	[tilespmem:s18], [sflag:$0x2] =	stream.linear.gather [hbm4b:s11+s4], $0x80, $0x38;
	[tilespmem:$0x10A00] =	vst v63  }
0x31b: {  	s20 =	sadd.s32 s6, s15;
	s25 =	sand.u32 $0x1FFFFFF0, s17;
	s0 =	spop (v2sf)  }
0x31c: {  	(v2sf) =	vpush v6, $0xA;
	[tilespmem:s31], [sflag:$0x2] =	stream.linear.gather [hbm4b:s20+s4], $0x80, $0x38;
	[tilespmem:$0x10A00] =	vst v63  }
0x31d: {  	s28 =	sadd.s32 s5, s25;
	s31 =	sand.u32 $0x1FFFFFF0, s26;
	s11 =	sand.u32 $0x1FFFFFF0, s0  }
0x31e: {  	(v2sf) =	vpush v5, $0xA;
	[tilespmem:s13], [sflag:$0x2] =	stream.linear.gather [hbm4b:s28+s4], $0x80, $0x38;
	[tilespmem:$0x10A00] =	vst v63  }
0x31f: {  	s9 =	sadd.s32 s6, s31;
	s15 =	sadd.s32 s5, s11;
	s13 =	spop (v2sf)  }
0x320: {  	(v2sf) =	vpush v6, $0xB;
	[tilespmem:s12], [sflag:$0x2] =	stream.linear.gather [hbm4b:s9+s4], $0x80, $0x38;
	[tilespmem:$0x10A00] =	vst v63  }
0x321: {  	s17 =	sand.u32 $0x1FFFFFF0, s13;
	s18 =	spop (v2sf);
	s12 =	sld [smem:$0x7EC]  }
0x322: {  	[tilespmem:s22], [sflag:$0x2] =	stream.linear.gather [hbm4b:s15+s4], $0x80, $0x38;
	[tilespmem:$0x10A00] =	vst v63  }
0x323: {  	s20 =	sadd.s32 s6, s17;
	s9 =	sld [smem:$0x7ED];
	s22 =	sand.u32 $0x1FFFFFF0, s18  }
0x324: {  	(v2sf) =	vpush v5, $0xB;
	s17 =	sld [smem:$0x7EE];
	s25 =	spop (v2sf);
	s26 =	sadd.s32 s5, s22  }
0x325: {  	(v2sf) =	vpush v6, $0xC;
	s28 =	sand.u32 $0x1FFFFFF0, s25;
	s31 =	spop (v2sf);
	s22 =	rddreg [dreg:$0x11]  }
0x326: {  	[tilespmem:s19], [sflag:$0x2] =	stream.linear.gather [hbm4b:s20+s4], $0x80, $0x38;
	[tilespmem:$0x10A00] =	vst v63  }
0x327: {  	(v2sf) =	vpush v5, $0xC;
	s11 =	sadd.s32 s6, s28;
	s13 =	sand.u32 $0x1FFFFFF0, s31;
	s15 =	spop (v2sf)  }
0x328: {  	[tilespmem:s9], [sflag:$0x2] =	stream.linear.gather [hbm4b:s26+s4], $0x80, $0x38;
	[tilespmem:$0x10A00] =	vst v63  }
0x329: {  	s31 =	rddreg [dreg:$0x19];
	s18 =	sadd.s32 s5, s13;
	s19 =	sand.u32 $0x1FFFFFF0, s15  }
0x32a: {  	[tilespmem:s17], [sflag:$0x2] =	stream.linear.gather [hbm4b:s11+s4], $0x80, $0x38;
	[tilespmem:$0x10A00] =	vst v63  }
0x32b: {  	s13 =	rddreg [dreg:$0x15];
	s20 =	spop (v2sf);
	s25 =	sadd.s32 s6, s19  }
0x32c: {  	[tilespmem:s22], [sflag:$0x2] =	stream.linear.gather [hbm4b:s18+s4], $0x80, $0x38;
	[tilespmem:$0x10A00] =	vst v63  }
0x32d: {  	s19 =	rddreg [dreg:$0x9];
	s26 =	sand.u32 $0x1FFFFFF0, s20;
	s28 =	spop (v2sf)  }
0x32e: {  	[tilespmem:s31], [sflag:$0x2] =	stream.linear.gather [hbm4b:s25+s4], $0x80, $0x38;
	[tilespmem:$0x10A00] =	vst v63  }
0x32f: {  	s7 =	sadd.s32 s5, s26;
	s9 =	sand.u32 $0x1FFFFFF0, s28;
	s11 =	spop (v2sf)  }
0x330: {  	[tilespmem:s13], [sflag:$0x2] =	stream.linear.gather [hbm4b:s7+s4], $0x80, $0x38;
	[tilespmem:$0x10A00] =	vst v63  }
0x331: {  	s26 =	rddreg [dreg:$0x1d];
	s15 =	sadd.s32 s6, s9;
	s17 =	sand.u32 $0x1FFFFFF0, s11  }
0x332: {  	(v2sf) =	vpush v6, $0xD;
	[tilespmem:s19], [sflag:$0x2] =	stream.linear.gather [hbm4b:s15+s4], $0x80, $0x38;
	[tilespmem:$0x10A00] =	vst v63  }
.Ltmp7:
0x333: {  	(v2sf) =	vpush v5, $0xD;
	s20 =	sadd.s32 s5, s17;
	s18 =	spop (v2sf);
	(pc) =	sbr.rel @p0 .LBB2_16-.Ltmp7, $4  }
0x334: {  	(v2sf) =	vpush v6, $0xE;
	s31 =	rddreg [dreg:$0xd];
	s22 =	sand.u32 $0x1FFFFFF0, s18;
	s25 =	spop (v2sf)  }
0x335: {  	(v2sf) =	vpush v5, $0xE;
	[tilespmem:s26], [sflag:$0x2] =	stream.linear.gather [hbm4b:s20+s4], $0x80, $0x38;
	[tilespmem:$0x10A00] =	vst v63  }
0x336: {  	(v2sf) =	vpush v6, $0xF;
	s28 =	sadd.s32 s6, s22;
	s2 =	sand.u32 $0x1FFFFFF0, s25;
	s7 =	spop (v2sf)  }
0x337: {  	(v2sf) =	vpush v5, $0xF;
	[tilespmem:s31], [sflag:$0x2] =	stream.linear.gather [hbm4b:s28+s4], $0x80, $0x38;
	[tilespmem:$0x10A00] =	vst v63  }
0x338: {  	_ =	sdelay $0x4  }
0x339: {  	s2 =	sadd.s32 s5, s2;
	s7 =	sand.u32 $0x1FFFFFF0, s7  }
0x33a: {  	[tilespmem:s3], [sflag:$0x2] =	stream.linear.gather [hbm4b:s2+s4], $0x80, $0x38;
	[tilespmem:$0x10A00] =	vst v63  }
0x33b: {  	s7 =	sadd.s32 s6, s7  }
0x33c: {  	[tilespmem:s12], [sflag:$0x2] =	stream.linear.gather [hbm4b:s7+s4], $0x80, $0x38;
	[tilespmem:$0x10A00] =	vst v63  }
0x33d: {  	s8 =	spop (v2sf)  }
0x33e: {  	s8 =	sand.u32 $0x1FFFFFF0, s8;
	s9 =	spop (v2sf)  }
0x33f: {  	s11 =	sadd.s32 s5, s8;
	s12 =	sand.u32 $0x1FFFFFF0, s9;
	s13 =	spop (v2sf)  }
0x340: {  	[tilespmem:s14], [sflag:$0x2] =	stream.linear.gather [hbm4b:s11+s4], $0x80, $0x38;
	[tilespmem:$0x10A00] =	vst v63  }
0x341: {  	s14 =	sadd.s32 s6, s12;
	s15 =	sand.u32 $0x1FFFFFF0, s13;
	s17 =	spop (v2sf)  }
0x342: {  	[tilespmem:s10], [sflag:$0x2] =	stream.linear.gather [hbm4b:s14+s4], $0x80, $0x38;
	[tilespmem:$0x10A00] =	vst v63  }
0x343: {  	s18 =	sadd.s32 s5, s15;
	s19 =	sand.u32 $0x1FFFFFF0, s17;
	s20 =	spop (v2sf)  }
0x344: {  	[tilespmem:s1], [sflag:$0x2] =	stream.linear.gather [hbm4b:s18+s4], $0x80, $0x38;
	[tilespmem:$0x10A00] =	vst v63  }
0x345: {  	s22 =	sadd.s32 s6, s19;
	s24 =	sand.u32 $0x1FFFFFF0, s20;
	s25 =	spop (v2sf)  }
0x346: {  	[tilespmem:s16], [sflag:$0x2] =	stream.linear.gather [hbm4b:s22+s4], $0x80, $0x38;
	[tilespmem:$0x10A00] =	vst v63  }
0x347: {  	s0 =	sadd.s32 $0x4F80, s23;
	s26 =	sadd.s32 s5, s24;
	s28 =	sand.u32 $0x1FFFFFF0, s25  }
0x348: {  	[tilespmem:s0], [sflag:$0x2] =	stream.linear.gather [hbm4b:s26+s4], $0x80, $0x38;
	[tilespmem:$0x10A00] =	vst v63  }
0x349: {  	s29 =	sadd.s32 $0xCF80, s23;
	s31 =	simm.s32 $0x1;
	s30 =	sadd.s32 s6, s28  }
0x34a: {  	[tilespmem:s29], [sflag:$0x2] =	stream.linear.gather [hbm4b:s30+s4], $0x80, $0x38;
	[tilespmem:$0x10A00] =	vst v63  }
0x34b: {  	_ =	swait.ge [sflag:s31], $0x4000  }
0x34c: {  	[sflag:s31] =	ssyncset.done $0x0  }
0x34d: {  	s3 =	simm.s32 $0x800;
	s7 =	simm.s32 $0x8800;
	[sflag:s31] =	ssyncadd.s32 $0xFFFFC000  }
0x34e: {  	s8 =	simm.s32 $0x10800;
	s9 =	simm.s32 $0x4800;
	_ =	swait.ge [sflag:s31], $0x4000  }
0x34f: {  	s11 =	simm.s32 $0x600;
	s10 =	simm.s32 $0x400;
	[sflag:s31] =	ssyncset.done $0x0  }
0x350: {  	s1 =	simm.s32 $0x0;
	s0 =	simm.s32 $0x0;
	[sflag:s31] =	ssyncadd.s32 $0xFFFFC000  }
.LBB2_18:
0x351: {  	s2 =	sshll.u32 s1, $0x4  }
0x352: {  	v5 =	vmov s2  }
0x353: {  	v7 =	vadd.s32 s0, v0;
	v6 =	vshll.u32 v5, $0x7  }
0x354: {  	v7 =	vand.u32 $0x3F, v7;
	v6 =	vor.u32 v1, v6  }
0x355: {  	v10 =	vor.u32 v6, v7;
	_ =	sdelay $0x1  }
0x356: {  	s31 =	simm.s32 $0x1  }
0x357: {  	v7 =	vadd.s32 s31, v0  }
0x358: {  	v9 =	vand.u32 $0x3F, v7  }
0x359: {  	v9 =	vor.u32 v6, v9;
	v8 =	vld.idx.msk [tilespmem:v10+s3+$0x0], $0xffff  }
0x35a: {  	v10 =	vld.idx.msk [tilespmem:v10+s7+$0x0], $0xffff  }
0x35b: {  	s2 =	simm.s32 $0x2;
	v7 =	vimm.f32 $0.0e+00  }
.LBB2_19:
0x35c: {  	p0 =	sne.s32 s2, $0x3F  }
.Ltmp8:
0x35d: {  	v11 =	vadd.s32 s2, v0;
	(pc) =	sbr.rel @p0 .LBB2_19-.Ltmp8, $3  }
0x35e: {  	s2 =	sadd.s32 $0x1, s2;
	v11 =	vand.u32 $0x3F, v11;
	v12 =	vmov v8;
	v8 =	vld.idx.msk [tilespmem:v9+s3+$0x0], $0xffff  }
0x35f: {  	v12 =	vmul.f32 v10, v12;
	v10 =	vld.idx.msk [tilespmem:v9+s7+$0x0], $0xffff;
	v9 =	vor.u32 v6, v11;
	_ =	sdelay $0x1  }
0x360: {  	v7 =	vadd.f32 v12, v7  }
0x361: {  	_ =	sdelay $0x3  }
0x362: {  	v6 =	vld.idx.msk [tilespmem:v9+s3+$0x0], $0xffff;
	v5 =	vor.u32 v3, v5  }
0x363: {  	v61 =	vld.idx.msk [tilespmem:v9+s7+$0x0], $0xffff;
	_ =	sdelay $0x2  }
0x364: {  	v8 =	vmul.f32 v10, v8  }
0x365: {  	v62 =	vld.idx.msk [tilespmem:v5+s10+$0x0], $0xffff  }
0x366: {  	v7 =	vadd.f32 v8, v7;
	v6 =	vmul.f32 v61, v6  }
0x367: {  	v63 =	vld.idx.msk [tilespmem:v5+s11+$0x0], $0xffff  }
0x368: {  	v6 =	vadd.f32 v6, v7;
	_ =	sdelay $0x1  }
0x369: {  	v6 =	vadd.f32 v62, v6;
	_ =	sdelay $0x1  }
0x36a: {  	v6 =	vadd.f32 v63, v6;
	_ =	sdelay $0x1  }
0x36b: {  	v6 =	vsub.f32 $0.0e+00, v6;
	_ =	sdelay $0x1  }
0x36c: {  	v6 =	vmul.f32 $1.442695020e+00, v6;
	_ =	sdelay $0x1  }
0x36d: {  	(erf) = vpow2.f32 v6;
	_ =	sdelay $0x8  }
0x36e: {  	v6 =	vpop (erf)  }
0x36f: {  	v6 =	vadd.f32 $1.000000000e+00, v6;
	_ =	sdelay $0x1  }
0x370: {  	(erf) = vrcp.f32 v6;
	_ =	sdelay $0x7  }
0x371: {  	s1 =	sadd.s32 $0x1, s1  }
0x372: {  	p0 =	sne.s32 s1, $0x8;
	v6 =	vpop (erf)  }
.Ltmp9:
0x373: {  	v6 =	vmul.f32 $6.000000000e+00, v6;
	(pc) =	sbr.rel @p0 .LBB2_18-.Ltmp9, $3  }
0x374: {  	_ = 	snop  }
0x375: {  	v6 =	vadd.f32 $-5.000000000e-01, v6;
	_ =	sdelay $0x1  }
0x376: {  	[tilespmem:v5+s8+$0x0] =	vst.idx.msk $0xffff, v6  }
0x377: {  	s0 =	simm.s32 $0x2  }
0x378: {  	_ =	swait.ge [sflag:s0], $0x4000  }
0x379: {  	[sflag:s0] =	ssyncset.done $0x0  }
0x37a: {  	[sflag:s0] =	ssyncadd.s32 $0xFFFFC000  }
0x37b: {  	_ =	swait.ge [sflag:s0], $0x4000  }
0x37c: {  	[sflag:s0] =	ssyncset.done $0x0  }
0x37d: {  	s1 =	simm.s32 $0x0;
	[sflag:s0] =	ssyncadd.s32 $0xFFFFC000;
	s0 =	simm.s32 $0x0  }
.LBB2_22:
0x37e: {  	s2 =	sshll.u32 s1, $0x4  }
0x37f: {  	v5 =	vmov s2  }
0x380: {  	v7 =	vadd.s32 s0, v0;
	v6 =	vshll.u32 v5, $0x7  }
0x381: {  	v7 =	vand.u32 $0x3F, v7;
	v6 =	vor.u32 v1, v6  }
0x382: {  	v10 =	vor.u32 v6, v7;
	_ =	sdelay $0x1  }
0x383: {  	s31 =	simm.s32 $0x1  }
0x384: {  	v7 =	vadd.s32 s31, v0  }
0x385: {  	v9 =	vand.u32 $0x3F, v7  }
0x386: {  	v9 =	vor.u32 v6, v9;
	v8 =	vld.idx.msk [tilespmem:v10+s9+$0x0], $0xffff  }
0x387: {  	v10 =	vld.idx.msk [tilespmem:v10+s21+$0x0], $0xffff  }
0x388: {  	s2 =	simm.s32 $0x2;
	v7 =	vimm.f32 $0.0e+00  }
.LBB2_23:
0x389: {  	p0 =	sne.s32 s2, $0x3F  }
.Ltmp10:
0x38a: {  	v11 =	vadd.s32 s2, v0;
	(pc) =	sbr.rel @p0 .LBB2_23-.Ltmp10, $3  }
0x38b: {  	s2 =	sadd.s32 $0x1, s2;
	v11 =	vand.u32 $0x3F, v11;
	v12 =	vmov v8;
	v8 =	vld.idx.msk [tilespmem:v9+s9+$0x0], $0xffff  }
0x38c: {  	v12 =	vmul.f32 v10, v12;
	v10 =	vld.idx.msk [tilespmem:v9+s21+$0x0], $0xffff;
	v9 =	vor.u32 v6, v11;
	_ =	sdelay $0x1  }
0x38d: {  	v7 =	vadd.f32 v12, v7  }
0x38e: {  	_ =	sdelay $0x3  }
0x38f: {  	v6 =	vld.idx.msk [tilespmem:v9+s9+$0x0], $0xffff;
	v5 =	vor.u32 v4, v5  }
0x390: {  	v61 =	vld.idx.msk [tilespmem:v9+s21+$0x0], $0xffff;
	_ =	sdelay $0x2  }
0x391: {  	v8 =	vmul.f32 v10, v8  }
0x392: {  	v62 =	vld.idx.msk [tilespmem:v5+s10+$0x0], $0xffff  }
0x393: {  	v7 =	vadd.f32 v8, v7;
	v6 =	vmul.f32 v61, v6  }
0x394: {  	v63 =	vld.idx.msk [tilespmem:v5+s11+$0x0], $0xffff  }
0x395: {  	v6 =	vadd.f32 v6, v7;
	_ =	sdelay $0x1  }
0x396: {  	v6 =	vadd.f32 v62, v6;
	_ =	sdelay $0x1  }
0x397: {  	v6 =	vadd.f32 v63, v6;
	_ =	sdelay $0x1  }
0x398: {  	v6 =	vsub.f32 $0.0e+00, v6;
	_ =	sdelay $0x1  }
0x399: {  	v6 =	vmul.f32 $1.442695020e+00, v6;
	_ =	sdelay $0x1  }
0x39a: {  	(erf) = vpow2.f32 v6;
	_ =	sdelay $0x8  }
0x39b: {  	v6 =	vpop (erf)  }
0x39c: {  	v6 =	vadd.f32 $1.000000000e+00, v6;
	_ =	sdelay $0x1  }
0x39d: {  	(erf) = vrcp.f32 v6;
	_ =	sdelay $0x7  }
0x39e: {  	s1 =	sadd.s32 $0x1, s1  }
0x39f: {  	p0 =	sne.s32 s1, $0x8;
	v6 =	vpop (erf)  }
.Ltmp11:
0x3a0: {  	v6 =	vmul.f32 $6.000000000e+00, v6;
	(pc) =	sbr.rel @p0 .LBB2_22-.Ltmp11, $3  }
0x3a1: {  	_ = 	snop  }
0x3a2: {  	v6 =	vadd.f32 $-5.000000000e-01, v6;
	_ =	sdelay $0x1  }
0x3a3: {  	[tilespmem:v5+s8+$0x0] =	vst.idx.msk $0xffff, v6  }
0x3a4: {  	s0 =	sld [smem:$0x7FC];
	_ =	sdelay $0x1  }
0x3a5: {  	s2 =	simm.s32 $0x4  }
0x3a6: {  	[hbm4b:s0+s4] =	stream.linear.scatter [tilespmem:s8], [sflag:$0x4], $0x200, $0x38;
	[tilespmem:$0x10A00] =	vst v63  }
0x3a7: {  	_ =	swait.ge [sflag:s2], $0x200  }
0x3a8: {  	s1 =	sld [smem:$0x7F9]  }
0x3a9: {  	s31 =	sld [smem:$0x7FD];
	_ =	sdelay $0x1  }
0x3aa: {  	s1 =	sadd.s32 $0x1, s1  }
0x3ab: {  	p0 =	sne.s32 s1, s31  }
.Ltmp12:
0x3ac: {  	_ = 	snop;
	(pc) =	sbr.rel @p0 .LBB2_1-.Ltmp12, $3  }
0x3ad: {  	_ =	sdelay $0x1  }
0x3ae: {  	[sflag:s2] =	ssyncset.done $0x0  }
0x3af: {  	[sflag:s2] =	ssyncadd.s32 $0xFFFFFE00  }
0x3b0: {  	_ =	sfence.sel $0x180000  }
0x3b1: {  	[bflag:$0x0] =	sbarrier.arrive $0xFFFF  }
0x3b2: {  	_ =	strace $0x90000047  }
0x3b3: {  	s0 =	stileid.u32;
	[bflag:$0x2] =	sbarrier.arrive $0xFFFF  }
0x3b4: {  	p0 =	sne.s32 s0, $0x0;
	s0 =	rddreg [dreg:$0x6]  }
0x3b5: {  	s0 =	sadd.s32 @!p0 $0x100000, s0  }
0x3b6: {  	[sflag:s0] =	ssyncadd.tile.s32 @!p0 $0x1;
	_ =	shalt  }
.Lfunc_end2:
_tile_overlayer_lowered:
.L_overlay_start_2:
0x3b7: {  	(tag) =	ssettag $0x2  }
0x3b8: {  	s0 =	rddreg [dreg:$0x0];
	s2 =	stileid.u32  }
0x3b9: {  	s1 =	rddreg [dreg:$0x1];
	p0 =	sne.s32 s2, $0x0  }
0x3ba: {  	s3 =	rddreg [dreg:$0x2];
	[bflag:$0x3] =	sbarrier.arrive $0xFFFF;
	s2 =	simm.s32 @!p0 $0x1C04  }
0x3bb: {  	[timem:s3], [sflag:s2] =	dma.local @!p0 [hbm:s0], s1  }
0x3bc: {  	s0 =	simm.s32 @!p0 $0x4  }
0x3bd: {  	_ =	swait.ge @!p0 [sflag:s0], s1  }
0x3be: {  	s1 =	ssub.s32 @!p0 $0x0, s1;
	[sflag:s0] =	ssyncset.done @!p0 $0x0  }
0x3bf: {  	[sflag:s0] =	ssyncadd.s32 @!p0 s1  }
0x3c0: {  	[bflag:$0x3] =	sbarrier.arrive $0xFFFF  }
0x3c1: {  	_ =	shalt  }

</sc_bundles>
